<compile_context>
chip_gen: v7x
topology: tpu7x:2x2x1
jax: 0.10.2.dev20260603
libtpu: 0.0.44.dev20260713+nightly
codegen_flags: <defaults>
</compile_context>

<pallas_src>
import functools
import math

import jax
import jax.numpy as jnp
from jax import lax
from jax.experimental import pallas as pl
from jax.experimental.pallas import tpu as pltpu
from jax.experimental.pallas import tpu_sc as plsc

NC = 2
NS = 16
NW = NC * NS
CH = 128
NB = 1280



def _prop_body_sized(nch, gather, y_hbm, srcs_hbm, dsts_hbm, fill_hbm, z2_hbm,
                     idx0, idx1, dst_v, rows0, rows1, si0, si1, sg0, sg1,
                     z_sh):
  c = lax.axis_index("c")
  s = lax.axis_index("s")
  wid = c * NS + s
  npad = z_sh.shape[0]
  npt = npad // NS
  nzch = npt // CH
  pltpu.sync_copy(dsts_hbm.at[wid], dst_v)
  if gather:
    pltpu.sync_copy(fill_hbm.at[0], rows0)
    zsrc = rows0
  else:
    pltpu.sync_copy(fill_hbm.at[1], rows0)
    pltpu.sync_copy(fill_hbm.at[0], rows1)
    zsrc = rows1
  for j in range(nzch):
    pltpu.sync_copy(zsrc, z_sh.at[pl.ds((s * nzch + j) * CH, CH)])
  plsc.subcore_barrier()

  def icpy(j, buf, sem):
    if gather:
      pltpu.async_copy(srcs_hbm.at[wid, j], buf, sem)

  def iwait(buf, sem):
    if gather:
      pltpu.make_async_copy(srcs_hbm.at[wid, 0], buf, sem).wait()

  def gath(buf, rbuf, sem):
    if gather:
      pltpu.async_copy(y_hbm.at[buf], rbuf, sem)

  def gwait(buf, rbuf, sem):
    if gather:
      pltpu.make_async_copy(y_hbm.at[buf], rbuf, sem).wait()

  def scat(j, rbuf):
    pltpu.sync_copy(rows0 if not gather else rbuf,
                    z_sh.at[dst_v.at[j]], add=True)

  icpy(0, idx0, si0)
  icpy(1, idx1, si1)
  iwait(idx0, si0)
  gath(idx0, rows0, sg0)

  def body(jh, _):
    j = jh * 2
    iwait(idx1, si1)
    gath(idx1, rows1, sg1)
    gwait(idx0, rows0, sg0)
    icpy(j + 2, idx0, si0)
    scat(j, rows0)
    iwait(idx0, si0)
    gath(idx0, rows0, sg0)
    gwait(idx1, rows1, sg1)
    icpy(j + 3, idx1, si1)
    scat(j + 1, rows1)
    return 0

  lax.fori_loop(0, nch // 2, body, 0)
  gwait(idx0, rows0, sg0)
  iwait(idx1, si1)
  plsc.subcore_barrier()
  pltpu.sync_copy(z_sh.at[pl.ds(s * npt, npt)],
                  z2_hbm.at[c, pl.ds(s * npt, npt), :])


@functools.lru_cache(maxsize=None)
def _make_prop(npad, nch, nst, d, gather):
  mesh = plsc.VectorSubcoreMesh(core_axis_name="c", subcore_axis_name="s")
  return pl.kernel(
      functools.partial(_prop_body_sized, nch, gather),
      out_type=jax.ShapeDtypeStruct((NC, npad, d), jnp.float32),
      mesh=mesh,
      scratch_types=[
          pltpu.VMEM((CH,), jnp.int32),
          pltpu.VMEM((CH,), jnp.int32),
          pltpu.VMEM((nst, CH), jnp.int32),
          pltpu.VMEM((CH, d), jnp.float32),
          pltpu.VMEM((CH, d), jnp.float32),
          pltpu.SemaphoreType.DMA,
          pltpu.SemaphoreType.DMA,
          pltpu.SemaphoreType.DMA,
          pltpu.SemaphoreType.DMA,
          pltpu.VMEM_SHARED((npad, d), jnp.float32),
      ],
  )



def _t0_body(nreal, x_ref, deg2_ref, w_ref, y_ref, dis_ref):
  i = pl.program_id(0)
  deg = deg2_ref[0, :, :1] + deg2_ref[1, :, :1] + 1.0
  rows = lax.broadcasted_iota(jnp.int32, (NB, 1), 0) + i * NB
  dis = jnp.where(rows < nreal, lax.rsqrt(deg), 0.0)
  dis_ref[...] = dis
  xw = jnp.dot(x_ref[...], w_ref[...], preferred_element_type=jnp.float32)
  y_ref[...] = xw * dis


def _tmid_body(has_res, z2_ref, y_ref, dis_ref, b_ref, w_ref, res_ref,
               out_ref, ynext_ref):
  z = z2_ref[0] + z2_ref[1] + y_ref[...]
  dis = dis_ref[...]
  o = jnp.maximum(z * dis + b_ref[...][None, :], 0.0)
  if has_res:
    o = o + res_ref[...]
  out_ref[...] = o
  xw = jnp.dot(o, w_ref[...], preferred_element_type=jnp.float32)
  ynext_ref[...] = xw * dis


def _tfin_body(nblocks, z2_ref, y_ref, dis_ref, b_ref, o0_ref, o1_ref, o2_ref,
               ew0_ref, eb0_ref, ew1_ref, eb1_ref, batch_ref, dw0_ref, db0_ref,
               dw1_ref, db1_ref, out_ref, gsum_ref, cnt_ref):
  i = pl.program_id(0)
  z = z2_ref[0] + z2_ref[1] + y_ref[...]
  o3 = jnp.maximum(z * dis_ref[...] + b_ref[...][None, :], 0.0)
  ew0 = ew0_ref[...]
  d = o0_ref.shape[1]
  l1 = (jnp.dot(o0_ref[...], ew0[0 * d:1 * d], preferred_element_type=jnp.float32)
        + jnp.dot(o1_ref[...], ew0[1 * d:2 * d], preferred_element_type=jnp.float32)
        + jnp.dot(o2_ref[...], ew0[2 * d:3 * d], preferred_element_type=jnp.float32)
        + jnp.dot(o3, ew0[3 * d:4 * d], preferred_element_type=jnp.float32))
  e1 = jnp.maximum(l1 + eb0_ref[...][None, :], 0.0)
  e = jnp.maximum(
      jnp.dot(e1, ew1_ref[...], preferred_element_type=jnp.float32)
      + eb1_ref[...][None, :], 0.0)
  g = gsum_ref.shape[0]
  onehot = (batch_ref[...] == lax.broadcasted_iota(jnp.int32, (1, g), 1)
            ).astype(jnp.float32)
  dn = (((0,), (0,)), ((), ()))
  gs = lax.dot_general(onehot, e, dn, preferred_element_type=jnp.float32)
  cn = lax.dot_general(onehot, jnp.ones_like(e), dn,
                       preferred_element_type=jnp.float32)

  @pl.when(i == 0)
  def _():
    gsum_ref[...] = jnp.zeros_like(gsum_ref)
    cnt_ref[...] = jnp.zeros_like(cnt_ref)

  gsum_ref[...] += gs
  cnt_ref[...] += cn

  @pl.when(i == nblocks - 1)
  def _():
    gm = gsum_ref[...] / jnp.maximum(cnt_ref[...], 1.0)
    dd = jnp.maximum(
        jnp.dot(gm, dw0_ref[...], preferred_element_type=jnp.float32)
        + db0_ref[...][None, :], 0.0)
    out_ref[...] = (jnp.dot(dd, dw1_ref[...], preferred_element_type=jnp.float32)
                    + db1_ref[...][None, :])


def _row_spec(d):
  return pl.BlockSpec((NB, d), lambda i: (i, 0))


def _pair_spec(d):
  return pl.BlockSpec((NC, NB, d), lambda i: (0, i, 0))


def _full_spec(shape):
  n = len(shape)
  return pl.BlockSpec(shape, lambda i, _n=n: (0,) * _n)



def kernel(x, edge_index, batch, W0, b0, W1, b1, W2, b2, W3, b3, encW0, encb0,
           encW1, encb1, decW0, decb0, decW1, decb1):
  n, d = x.shape
  e = edge_index.shape[1]
  g = 16
  unit = math.lcm(NS * CH, NB)
  npad = ((n + 1 + unit - 1) // unit) * unit
  nblocks = npad // NB
  nch = -(-e // (NW * CH))
  nch += nch % 2
  nst = ((nch + 2 + 7) // 8) * 8
  epad = NW * nch * CH

  pad_e = jnp.full((epad - e,), n, dtype=edge_index.dtype)
  extra = jnp.full((NW, nst - nch, CH), n, dtype=edge_index.dtype)
  src = jnp.concatenate(
      [jnp.concatenate([edge_index[0], pad_e]).reshape(NW, nch, CH), extra],
      axis=1)
  dst = jnp.concatenate(
      [jnp.concatenate([edge_index[1], pad_e]).reshape(NW, nch, CH), extra],
      axis=1)
  x_pad = jnp.concatenate(
      [x, jnp.zeros((npad - n, d), dtype=x.dtype)], axis=0)
  batch_pad = jnp.concatenate(
      [batch, jnp.full((npad - n,), g, dtype=batch.dtype)]).reshape(npad, 1)
  fill = jnp.stack([jnp.zeros((CH, d), jnp.float32),
                    jnp.ones((CH, d), jnp.float32)])

  prop = _make_prop(npad, nch, nst, d, True)
  propc = _make_prop(npad, nch, nst, d, False)

  deg2 = propc(x_pad, src, dst, fill)

  t0 = pl.pallas_call(
      functools.partial(_t0_body, n),
      grid=(nblocks,),
      in_specs=[
          _row_spec(d),
          _pair_spec(d),
          _full_spec((d, d)),
      ],
      out_specs=[_row_spec(d), _row_spec(1)],
      out_shape=[
          jax.ShapeDtypeStruct((npad, d), jnp.float32),
          jax.ShapeDtypeStruct((npad, 1), jnp.float32),
      ],
  )
  y0, dis = t0(x_pad, deg2, W0)

  def tmid(has_res):
    return pl.pallas_call(
        functools.partial(_tmid_body, has_res),
        grid=(nblocks,),
        in_specs=[
            _pair_spec(d),
            _row_spec(d),
            _row_spec(1),
            _full_spec((d,)),
            _full_spec((d, d)),
            _row_spec(d),
        ],
        out_specs=[_row_spec(d), _row_spec(d)],
        out_shape=[
            jax.ShapeDtypeStruct((npad, d), jnp.float32),
            jax.ShapeDtypeStruct((npad, d), jnp.float32),
        ],
    )

  z0 = prop(y0, src, dst, fill)
  out0, y1 = tmid(False)(z0, y0, dis, b0, W1, x_pad)
  z1 = prop(y1, src, dst, fill)
  out1, y2 = tmid(False)(z1, y1, dis, b1, W2, x_pad)
  z2 = prop(y2, src, dst, fill)
  out2, y3 = tmid(True)(z2, y2, dis, b2, W3, out0)
  z3 = prop(y3, src, dst, fill)

  nenc0 = encW0.shape[1]
  nenc1 = encW1.shape[1]
  ndec0 = decW0.shape[1]
  ndec1 = decW1.shape[1]
  tfin = pl.pallas_call(
      functools.partial(_tfin_body, nblocks),
      grid=(nblocks,),
      in_specs=[
          _pair_spec(d),
          _row_spec(d),
          _row_spec(1),
          _full_spec((d,)),
          _row_spec(d),
          _row_spec(d),
          _row_spec(d),
          _full_spec((4 * d, nenc0)),
          _full_spec((nenc0,)),
          _full_spec((nenc0, nenc1)),
          _full_spec((nenc1,)),
          _row_spec(1),
          _full_spec((nenc1, ndec0)),
          _full_spec((ndec0,)),
          _full_spec((ndec0, ndec1)),
          _full_spec((ndec1,)),
      ],
      out_specs=pl.BlockSpec((g, ndec1), lambda i: (0, 0)),
      out_shape=jax.ShapeDtypeStruct((g, ndec1), jnp.float32),
      scratch_shapes=[
          pltpu.VMEM((g, nenc1), jnp.float32),
          pltpu.VMEM((g, nenc1), jnp.float32),
      ],
  )
  return tfin(z3, y3, dis, b3, out0, out1, out2, encW0, encb0, encW1, encb1,
              batch_pad, decW0, decb0, decW1, decb1)

# --- scband reference (transcript-rebuilt; emitter-appended) ---
"""Pipeline reference for scband-res-gnn-50629074485391 (READ-ONLY COPY).

The authoritative reference and input builder live on the scoring server;
editing this copy changes nothing except your own understanding.
"""

import jax, jax.numpy as jnp
import numpy as np

N = 10000
E = 320000
G = 16
D = 128

def _glorot(key, shape):
    fan_in, fan_out = shape
    lim = (6.0 / (fan_in + fan_out)) ** 0.5
    return jax.random.uniform(key, shape, dtype=jnp.float32, minval=-lim, maxval=lim)

def setup_inputs(seed: int = 0):
    key = jax.random.key(seed)
    ks = jax.random.split(key, 24)
    inp = {}
    inp['x'] = jax.random.normal(ks[0], (N, D), dtype=jnp.float32)
    inp['edge_index'] = jax.random.randint(ks[1], (2, E), 0, N, dtype=jnp.int32)
    inp['batch'] = jnp.sort(jax.random.randint(ks[2], (N,), 0, G, dtype=jnp.int32))
    for i in range(4):
        inp['W%d' % i] = _glorot(ks[3 + i], (D, D))
        inp['b%d' % i] = jnp.zeros((D,), dtype=jnp.float32)
    enc_dims = [(4 * D, 256), (256, 128)]
    for i, (a, b) in enumerate(enc_dims):
        inp['encW%d' % i] = _glorot(ks[8 + i], (a, b))
        inp['encb%d' % i] = jnp.zeros((b,), dtype=jnp.float32)
    dec_dims = [(128, 64), (64, 10)]
    for i, (a, b) in enumerate(dec_dims):
        inp['decW%d' % i] = _glorot(ks[12 + i], (a, b))
        inp['decb%d' % i] = jnp.zeros((b,), dtype=jnp.float32)
    return inp

def _gcn(x, edge_index, W, b):
    n = x.shape[0]
    loop = jnp.arange(n, dtype=edge_index.dtype)
    src = jnp.concatenate([edge_index[0], loop])
    dst = jnp.concatenate([edge_index[1], loop])
    deg = jnp.zeros((n,), dtype=x.dtype).at[dst].add(1.0)
    dis = jnp.where(deg > 0, deg ** -0.5, 0.0)
    norm = dis[src] * dis[dst]
    xw = x @ W
    msg = xw[src] * norm[:, None]
    out = jnp.zeros((n, W.shape[1]), dtype=x.dtype).at[dst].add(msg)
    return out + b

def _forward(x, edge_index, batch, Ws, bs, encs, decs):
    outs = []
    h = x
    for i in range(4):
        h = jax.nn.relu(_gcn(h, edge_index, Ws[i], bs[i]))
        if i % 2 == 0 and i != 0 and i != 3:
            h = h + outs[i - 2]
        outs.append(h)
    local = jnp.concatenate(outs, axis=1)
    e = local
    for (Wl, bl) in encs:
        e = jax.nn.relu(e @ Wl + bl)
    cnt = jax.ops.segment_sum(jnp.ones((e.shape[0],), dtype=e.dtype), batch, num_segments=G)
    g = jax.ops.segment_sum(e, batch, num_segments=G) / jnp.maximum(cnt, 1.0)[:, None]
    d = jax.nn.relu(g @ decs[0][0] + decs[0][1])
    return d @ decs[1][0] + decs[1][1]

def reference(x, edge_index, batch, W0, b0, W1, b1, W2, b2, W3, b3, encW0, encb0, encW1, encb1, decW0, decb0, decW1, decb1):
    return _forward(x, edge_index, batch, [W0, W1, W2, W3], [b0, b1, b2, b3], [(encW0, encb0), (encW1, encb1)], [(decW0, decb0), (decW1, decb1)])

if __name__ == "__main__":
    import jax
    _d = setup_inputs()
    print(jax.jit(kernel)(*tuple(_d.values())))

</pallas_src>

<mosaic_0001>
#map = affine_map<(d0, d1) -> (0, 0)>
#map1 = affine_map<(d0, d1) -> (0, 0, 0)>
module attributes {stable_mosaic.version = 14 : i64} {
  func.func @_prop_body_sized(%arg0: i32, %arg1: i32, %arg2: memref<10240x128xf32, #tpu.memory_space<hbm>>, %arg3: memref<32x88x128xi32, #tpu.memory_space<hbm>>, %arg4: memref<32x88x128xi32, #tpu.memory_space<hbm>>, %arg5: memref<2x128x128xf32, #tpu.memory_space<hbm>>, %arg6: memref<2x10240x128xf32, #tpu.memory_space<hbm>>, %arg7: memref<128xi32, #tpu.memory_space<vmem>>, %arg8: memref<128xi32, #tpu.memory_space<vmem>>, %arg9: memref<88x128xi32, #tpu.memory_space<vmem>>, %arg10: memref<128x128xf32, #tpu.memory_space<vmem>>, %arg11: memref<128x128xf32, #tpu.memory_space<vmem>>, %arg12: memref<!tpu.dma_semaphore, #tpu.memory_space<semaphore_mem>>, %arg13: memref<!tpu.dma_semaphore, #tpu.memory_space<semaphore_mem>>, %arg14: memref<!tpu.dma_semaphore, #tpu.memory_space<semaphore_mem>>, %arg15: memref<!tpu.dma_semaphore, #tpu.memory_space<semaphore_mem>>, %arg16: memref<10240x128xf32, #tpu.memory_space<vmem_shared>>) attributes {dimension_semantics = [#tpu.dimension_semantics<core_parallel>, #tpu.dimension_semantics<subcore_parallel>], iteration_bounds = array<i64: 2, 16>, scalar_prefetch = 0 : i64, scratch_operands = 10 : i64, tpu.core_type = #tpu.core_type<sc_vector_subcore>, window_params = [{transform_indices = #map}, {transform_indices = #map1}, {transform_indices = #map1}, {transform_indices = #map1}, {transform_indices = #map1}]} {
    %mul3A = arith.constant 16 : i32
    %mul3A_0 = arith.muli %arg0, %mul3A : i32
    %add3A = arith.addi %mul3A_0, %arg1 : i32
    "tpu.region"() ({
      %run_scoped3A_43 = tpu.sem_alloc : memref<!tpu.dma_semaphore, #tpu.memory_space<semaphore_mem>>
      %dma_start3A = arith.constant 0 : i32
      %dma_start3A_44 = arith.constant 0 : i32
      %dma_start3A_45 = tpu.memref_slice %arg4[%add3A, %dma_start3A, %dma_start3A_44] : memref<32x88x128xi32, #tpu.memory_space<hbm>> -> memref<1x88x128xi32, #tpu.memory_space<hbm>>
      %dma_start3A_46 = tpu.memref_squeeze %dma_start3A_45 : memref<1x88x128xi32, #tpu.memory_space<hbm>> -> memref<88x128xi32, #tpu.memory_space<hbm>>
      %dma_start3A_47 = arith.constant 0 : i32
      %dma_start3A_48 = arith.constant 0 : i32
      %dma_start3A_49 = tpu.memref_slice %arg4[%add3A, %dma_start3A_47, %dma_start3A_48] : memref<32x88x128xi32, #tpu.memory_space<hbm>> -> memref<1x88x128xi32, #tpu.memory_space<hbm>>
      %dma_start3A_50 = tpu.memref_squeeze %dma_start3A_49 : memref<1x88x128xi32, #tpu.memory_space<hbm>> -> memref<88x128xi32, #tpu.memory_space<hbm>>
      tpu.enqueue_dma source(%dma_start3A_50 : memref<88x128xi32, #tpu.memory_space<hbm>>) target(%arg9 : memref<88x128xi32, #tpu.memory_space<vmem>>) target_semaphore(%run_scoped3A_43 : memref<!tpu.dma_semaphore, #tpu.memory_space<semaphore_mem>>)
      %dma_wait3A = arith.constant 0 : i32
      %dma_wait3A_51 = arith.constant 0 : i32
      %dma_wait3A_52 = tpu.memref_slice %arg4[%add3A, %dma_wait3A, %dma_wait3A_51] : memref<32x88x128xi32, #tpu.memory_space<hbm>> -> memref<1x88x128xi32, #tpu.memory_space<hbm>>
      %dma_wait3A_53 = tpu.memref_squeeze %dma_wait3A_52 : memref<1x88x128xi32, #tpu.memory_space<hbm>> -> memref<88x128xi32, #tpu.memory_space<hbm>>
      %dma_wait3A_54 = arith.constant 0 : i32
      %dma_wait3A_55 = arith.constant 0 : i32
      %dma_wait3A_56 = tpu.memref_slice %arg4[%add3A, %dma_wait3A_54, %dma_wait3A_55] : memref<32x88x128xi32, #tpu.memory_space<hbm>> -> memref<1x88x128xi32, #tpu.memory_space<hbm>>
      %dma_wait3A_57 = tpu.memref_squeeze %dma_wait3A_56 : memref<1x88x128xi32, #tpu.memory_space<hbm>> -> memref<88x128xi32, #tpu.memory_space<hbm>>
      tpu.wait_dma2 semaphore(%run_scoped3A_43 : memref<!tpu.dma_semaphore, #tpu.memory_space<semaphore_mem>>) src(%dma_wait3A_57 : memref<88x128xi32, #tpu.memory_space<hbm>>) dst(%arg9 : memref<88x128xi32, #tpu.memory_space<vmem>>)
      tpu.yield
    }) : () -> ()
    %run_scoped3A = arith.constant 1 : i32
    "tpu.region"() ({
      %run_scoped3A_43 = tpu.sem_alloc : memref<!tpu.dma_semaphore, #tpu.memory_space<semaphore_mem>>
      %dma_start3A = arith.constant 0 : i32
      %dma_start3A_44 = arith.constant 0 : i32
      %dma_start3A_45 = tpu.memref_slice %arg5[%run_scoped3A, %dma_start3A, %dma_start3A_44] : memref<2x128x128xf32, #tpu.memory_space<hbm>> -> memref<1x128x128xf32, #tpu.memory_space<hbm>>
      %dma_start3A_46 = tpu.memref_squeeze %dma_start3A_45 : memref<1x128x128xf32, #tpu.memory_space<hbm>> -> memref<128x128xf32, #tpu.memory_space<hbm>>
      %dma_start3A_47 = arith.constant 0 : i32
      %dma_start3A_48 = arith.constant 0 : i32
      %dma_start3A_49 = tpu.memref_slice %arg5[%run_scoped3A, %dma_start3A_47, %dma_start3A_48] : memref<2x128x128xf32, #tpu.memory_space<hbm>> -> memref<1x128x128xf32, #tpu.memory_space<hbm>>
      %dma_start3A_50 = tpu.memref_squeeze %dma_start3A_49 : memref<1x128x128xf32, #tpu.memory_space<hbm>> -> memref<128x128xf32, #tpu.memory_space<hbm>>
      tpu.enqueue_dma source(%dma_start3A_50 : memref<128x128xf32, #tpu.memory_space<hbm>>) target(%arg10 : memref<128x128xf32, #tpu.memory_space<vmem>>) target_semaphore(%run_scoped3A_43 : memref<!tpu.dma_semaphore, #tpu.memory_space<semaphore_mem>>)
      %dma_wait3A = arith.constant 0 : i32
      %dma_wait3A_51 = arith.constant 0 : i32
      %dma_wait3A_52 = tpu.memref_slice %arg5[%run_scoped3A, %dma_wait3A, %dma_wait3A_51] : memref<2x128x128xf32, #tpu.memory_space<hbm>> -> memref<1x128x128xf32, #tpu.memory_space<hbm>>
      %dma_wait3A_53 = tpu.memref_squeeze %dma_wait3A_52 : memref<1x128x128xf32, #tpu.memory_space<hbm>> -> memref<128x128xf32, #tpu.memory_space<hbm>>
      %dma_wait3A_54 = arith.constant 0 : i32
      %dma_wait3A_55 = arith.constant 0 : i32
      %dma_wait3A_56 = tpu.memref_slice %arg5[%run_scoped3A, %dma_wait3A_54, %dma_wait3A_55] : memref<2x128x128xf32, #tpu.memory_space<hbm>> -> memref<1x128x128xf32, #tpu.memory_space<hbm>>
      %dma_wait3A_57 = tpu.memref_squeeze %dma_wait3A_56 : memref<1x128x128xf32, #tpu.memory_space<hbm>> -> memref<128x128xf32, #tpu.memory_space<hbm>>
      tpu.wait_dma2 semaphore(%run_scoped3A_43 : memref<!tpu.dma_semaphore, #tpu.memory_space<semaphore_mem>>) src(%dma_wait3A_57 : memref<128x128xf32, #tpu.memory_space<hbm>>) dst(%arg10 : memref<128x128xf32, #tpu.memory_space<vmem>>)
      tpu.yield
    }) : () -> ()
    %run_scoped3A_1 = arith.constant 0 : i32
    "tpu.region"() ({
      %run_scoped3A_43 = tpu.sem_alloc : memref<!tpu.dma_semaphore, #tpu.memory_space<semaphore_mem>>
      %dma_start3A = arith.constant 0 : i32
      %dma_start3A_44 = arith.constant 0 : i32
      %dma_start3A_45 = tpu.memref_slice %arg5[%run_scoped3A_1, %dma_start3A, %dma_start3A_44] : memref<2x128x128xf32, #tpu.memory_space<hbm>> -> memref<1x128x128xf32, #tpu.memory_space<hbm>>
      %dma_start3A_46 = tpu.memref_squeeze %dma_start3A_45 : memref<1x128x128xf32, #tpu.memory_space<hbm>> -> memref<128x128xf32, #tpu.memory_space<hbm>>
      %dma_start3A_47 = arith.constant 0 : i32
      %dma_start3A_48 = arith.constant 0 : i32
      %dma_start3A_49 = tpu.memref_slice %arg5[%run_scoped3A_1, %dma_start3A_47, %dma_start3A_48] : memref<2x128x128xf32, #tpu.memory_space<hbm>> -> memref<1x128x128xf32, #tpu.memory_space<hbm>>
      %dma_start3A_50 = tpu.memref_squeeze %dma_start3A_49 : memref<1x128x128xf32, #tpu.memory_space<hbm>> -> memref<128x128xf32, #tpu.memory_space<hbm>>
      tpu.enqueue_dma source(%dma_start3A_50 : memref<128x128xf32, #tpu.memory_space<hbm>>) target(%arg11 : memref<128x128xf32, #tpu.memory_space<vmem>>) target_semaphore(%run_scoped3A_43 : memref<!tpu.dma_semaphore, #tpu.memory_space<semaphore_mem>>)
      %dma_wait3A = arith.constant 0 : i32
      %dma_wait3A_51 = arith.constant 0 : i32
      %dma_wait3A_52 = tpu.memref_slice %arg5[%run_scoped3A_1, %dma_wait3A, %dma_wait3A_51] : memref<2x128x128xf32, #tpu.memory_space<hbm>> -> memref<1x128x128xf32, #tpu.memory_space<hbm>>
      %dma_wait3A_53 = tpu.memref_squeeze %dma_wait3A_52 : memref<1x128x128xf32, #tpu.memory_space<hbm>> -> memref<128x128xf32, #tpu.memory_space<hbm>>
      %dma_wait3A_54 = arith.constant 0 : i32
      %dma_wait3A_55 = arith.constant 0 : i32
      %dma_wait3A_56 = tpu.memref_slice %arg5[%run_scoped3A_1, %dma_wait3A_54, %dma_wait3A_55] : memref<2x128x128xf32, #tpu.memory_space<hbm>> -> memref<1x128x128xf32, #tpu.memory_space<hbm>>
      %dma_wait3A_57 = tpu.memref_squeeze %dma_wait3A_56 : memref<1x128x128xf32, #tpu.memory_space<hbm>> -> memref<128x128xf32, #tpu.memory_space<hbm>>
      tpu.wait_dma2 semaphore(%run_scoped3A_43 : memref<!tpu.dma_semaphore, #tpu.memory_space<semaphore_mem>>) src(%dma_wait3A_57 : memref<128x128xf32, #tpu.memory_space<hbm>>) dst(%arg11 : memref<128x128xf32, #tpu.memory_space<vmem>>)
      tpu.yield
    }) : () -> ()
    %mul3A_2 = arith.constant 5 : i32
    %mul3A_3 = arith.muli %arg1, %mul3A_2 : i32
    %add3A_4 = arith.constant 0 : i32
    %add3A_5 = arith.addi %mul3A_3, %add3A_4 : i32
    %mul3A_6 = arith.constant 128 : i32
    %mul3A_7 = arith.muli %add3A_5, %mul3A_6 : i32
    "tpu.region"() ({
      %run_scoped3A_43 = tpu.sem_alloc : memref<!tpu.dma_semaphore, #tpu.memory_space<semaphore_mem>>
      %dma_start3A = arith.constant 0 : i32
      %dma_start3A_44 = tpu.memref_slice %arg16[%mul3A_7, %dma_start3A] : memref<10240x128xf32, #tpu.memory_space<vmem_shared>> -> memref<128x128xf32, #tpu.memory_space<vmem_shared>>
      %dma_start3A_45 = arith.constant 0 : i32
      %dma_start3A_46 = tpu.memref_slice %arg16[%mul3A_7, %dma_start3A_45] : memref<10240x128xf32, #tpu.memory_space<vmem_shared>> -> memref<128x128xf32, #tpu.memory_space<vmem_shared>>
      tpu.enqueue_dma source(%arg11 : memref<128x128xf32, #tpu.memory_space<vmem>>) target(%dma_start3A_46 : memref<128x128xf32, #tpu.memory_space<vmem_shared>>) target_semaphore(%run_scoped3A_43 : memref<!tpu.dma_semaphore, #tpu.memory_space<semaphore_mem>>)
      %dma_wait3A = arith.constant 0 : i32
      %dma_wait3A_47 = tpu.memref_slice %arg16[%mul3A_7, %dma_wait3A] : memref<10240x128xf32, #tpu.memory_space<vmem_shared>> -> memref<128x128xf32, #tpu.memory_space<vmem_shared>>
      %dma_wait3A_48 = arith.constant 0 : i32
      %dma_wait3A_49 = tpu.memref_slice %arg16[%mul3A_7, %dma_wait3A_48] : memref<10240x128xf32, #tpu.memory_space<vmem_shared>> -> memref<128x128xf32, #tpu.memory_space<vmem_shared>>
      tpu.wait_dma2 semaphore(%run_scoped3A_43 : memref<!tpu.dma_semaphore, #tpu.memory_space<semaphore_mem>>) src(%arg11 : memref<128x128xf32, #tpu.memory_space<vmem>>) dst(%dma_wait3A_49 : memref<128x128xf32, #tpu.memory_space<vmem_shared>>)
      tpu.yield
    }) : () -> ()
    %mul3A_8 = arith.constant 5 : i32
    %mul3A_9 = arith.muli %arg1, %mul3A_8 : i32
    %add3A_10 = arith.constant 1 : i32
    %add3A_11 = arith.addi %mul3A_9, %add3A_10 : i32
    %mul3A_12 = arith.constant 128 : i32
    %mul3A_13 = arith.muli %add3A_11, %mul3A_12 : i32
    "tpu.region"() ({
      %run_scoped3A_43 = tpu.sem_alloc : memref<!tpu.dma_semaphore, #tpu.memory_space<semaphore_mem>>
      %dma_start3A = arith.constant 0 : i32
      %dma_start3A_44 = tpu.memref_slice %arg16[%mul3A_13, %dma_start3A] : memref<10240x128xf32, #tpu.memory_space<vmem_shared>> -> memref<128x128xf32, #tpu.memory_space<vmem_shared>>
      %dma_start3A_45 = arith.constant 0 : i32
      %dma_start3A_46 = tpu.memref_slice %arg16[%mul3A_13, %dma_start3A_45] : memref<10240x128xf32, #tpu.memory_space<vmem_shared>> -> memref<128x128xf32, #tpu.memory_space<vmem_shared>>
      tpu.enqueue_dma source(%arg11 : memref<128x128xf32, #tpu.memory_space<vmem>>) target(%dma_start3A_46 : memref<128x128xf32, #tpu.memory_space<vmem_shared>>) target_semaphore(%run_scoped3A_43 : memref<!tpu.dma_semaphore, #tpu.memory_space<semaphore_mem>>)
      %dma_wait3A = arith.constant 0 : i32
      %dma_wait3A_47 = tpu.memref_slice %arg16[%mul3A_13, %dma_wait3A] : memref<10240x128xf32, #tpu.memory_space<vmem_shared>> -> memref<128x128xf32, #tpu.memory_space<vmem_shared>>
      %dma_wait3A_48 = arith.constant 0 : i32
      %dma_wait3A_49 = tpu.memref_slice %arg16[%mul3A_13, %dma_wait3A_48] : memref<10240x128xf32, #tpu.memory_space<vmem_shared>> -> memref<128x128xf32, #tpu.memory_space<vmem_shared>>
      tpu.wait_dma2 semaphore(%run_scoped3A_43 : memref<!tpu.dma_semaphore, #tpu.memory_space<semaphore_mem>>) src(%arg11 : memref<128x128xf32, #tpu.memory_space<vmem>>) dst(%dma_wait3A_49 : memref<128x128xf32, #tpu.memory_space<vmem_shared>>)
      tpu.yield
    }) : () -> ()
    %mul3A_14 = arith.constant 5 : i32
    %mul3A_15 = arith.muli %arg1, %mul3A_14 : i32
    %add3A_16 = arith.constant 2 : i32
    %add3A_17 = arith.addi %mul3A_15, %add3A_16 : i32
    %mul3A_18 = arith.constant 128 : i32
    %mul3A_19 = arith.muli %add3A_17, %mul3A_18 : i32
    "tpu.region"() ({
      %run_scoped3A_43 = tpu.sem_alloc : memref<!tpu.dma_semaphore, #tpu.memory_space<semaphore_mem>>
      %dma_start3A = arith.constant 0 : i32
      %dma_start3A_44 = tpu.memref_slice %arg16[%mul3A_19, %dma_start3A] : memref<10240x128xf32, #tpu.memory_space<vmem_shared>> -> memref<128x128xf32, #tpu.memory_space<vmem_shared>>
      %dma_start3A_45 = arith.constant 0 : i32
      %dma_start3A_46 = tpu.memref_slice %arg16[%mul3A_19, %dma_start3A_45] : memref<10240x128xf32, #tpu.memory_space<vmem_shared>> -> memref<128x128xf32, #tpu.memory_space<vmem_shared>>
      tpu.enqueue_dma source(%arg11 : memref<128x128xf32, #tpu.memory_space<vmem>>) target(%dma_start3A_46 : memref<128x128xf32, #tpu.memory_space<vmem_shared>>) target_semaphore(%run_scoped3A_43 : memref<!tpu.dma_semaphore, #tpu.memory_space<semaphore_mem>>)
      %dma_wait3A = arith.constant 0 : i32
      %dma_wait3A_47 = tpu.memref_slice %arg16[%mul3A_19, %dma_wait3A] : memref<10240x128xf32, #tpu.memory_space<vmem_shared>> -> memref<128x128xf32, #tpu.memory_space<vmem_shared>>
      %dma_wait3A_48 = arith.constant 0 : i32
      %dma_wait3A_49 = tpu.memref_slice %arg16[%mul3A_19, %dma_wait3A_48] : memref<10240x128xf32, #tpu.memory_space<vmem_shared>> -> memref<128x128xf32, #tpu.memory_space<vmem_shared>>
      tpu.wait_dma2 semaphore(%run_scoped3A_43 : memref<!tpu.dma_semaphore, #tpu.memory_space<semaphore_mem>>) src(%arg11 : memref<128x128xf32, #tpu.memory_space<vmem>>) dst(%dma_wait3A_49 : memref<128x128xf32, #tpu.memory_space<vmem_shared>>)
      tpu.yield
    }) : () -> ()
    %mul3A_20 = arith.constant 5 : i32
    %mul3A_21 = arith.muli %arg1, %mul3A_20 : i32
    %add3A_22 = arith.constant 3 : i32
    %add3A_23 = arith.addi %mul3A_21, %add3A_22 : i32
    %mul3A_24 = arith.constant 128 : i32
    %mul3A_25 = arith.muli %add3A_23, %mul3A_24 : i32
    "tpu.region"() ({
      %run_scoped3A_43 = tpu.sem_alloc : memref<!tpu.dma_semaphore, #tpu.memory_space<semaphore_mem>>
      %dma_start3A = arith.constant 0 : i32
      %dma_start3A_44 = tpu.memref_slice %arg16[%mul3A_25, %dma_start3A] : memref<10240x128xf32, #tpu.memory_space<vmem_shared>> -> memref<128x128xf32, #tpu.memory_space<vmem_shared>>
      %dma_start3A_45 = arith.constant 0 : i32
      %dma_start3A_46 = tpu.memref_slice %arg16[%mul3A_25, %dma_start3A_45] : memref<10240x128xf32, #tpu.memory_space<vmem_shared>> -> memref<128x128xf32, #tpu.memory_space<vmem_shared>>
      tpu.enqueue_dma source(%arg11 : memref<128x128xf32, #tpu.memory_space<vmem>>) target(%dma_start3A_46 : memref<128x128xf32, #tpu.memory_space<vmem_shared>>) target_semaphore(%run_scoped3A_43 : memref<!tpu.dma_semaphore, #tpu.memory_space<semaphore_mem>>)
      %dma_wait3A = arith.constant 0 : i32
      %dma_wait3A_47 = tpu.memref_slice %arg16[%mul3A_25, %dma_wait3A] : memref<10240x128xf32, #tpu.memory_space<vmem_shared>> -> memref<128x128xf32, #tpu.memory_space<vmem_shared>>
      %dma_wait3A_48 = arith.constant 0 : i32
      %dma_wait3A_49 = tpu.memref_slice %arg16[%mul3A_25, %dma_wait3A_48] : memref<10240x128xf32, #tpu.memory_space<vmem_shared>> -> memref<128x128xf32, #tpu.memory_space<vmem_shared>>
      tpu.wait_dma2 semaphore(%run_scoped3A_43 : memref<!tpu.dma_semaphore, #tpu.memory_space<semaphore_mem>>) src(%arg11 : memref<128x128xf32, #tpu.memory_space<vmem>>) dst(%dma_wait3A_49 : memref<128x128xf32, #tpu.memory_space<vmem_shared>>)
      tpu.yield
    }) : () -> ()
    %mul3A_26 = arith.constant 5 : i32
    %mul3A_27 = arith.muli %arg1, %mul3A_26 : i32
    %add3A_28 = arith.constant 4 : i32
    %add3A_29 = arith.addi %mul3A_27, %add3A_28 : i32
    %mul3A_30 = arith.constant 128 : i32
    %mul3A_31 = arith.muli %add3A_29, %mul3A_30 : i32
    "tpu.region"() ({
      %run_scoped3A_43 = tpu.sem_alloc : memref<!tpu.dma_semaphore, #tpu.memory_space<semaphore_mem>>
      %dma_start3A = arith.constant 0 : i32
      %dma_start3A_44 = tpu.memref_slice %arg16[%mul3A_31, %dma_start3A] : memref<10240x128xf32, #tpu.memory_space<vmem_shared>> -> memref<128x128xf32, #tpu.memory_space<vmem_shared>>
      %dma_start3A_45 = arith.constant 0 : i32
      %dma_start3A_46 = tpu.memref_slice %arg16[%mul3A_31, %dma_start3A_45] : memref<10240x128xf32, #tpu.memory_space<vmem_shared>> -> memref<128x128xf32, #tpu.memory_space<vmem_shared>>
      tpu.enqueue_dma source(%arg11 : memref<128x128xf32, #tpu.memory_space<vmem>>) target(%dma_start3A_46 : memref<128x128xf32, #tpu.memory_space<vmem_shared>>) target_semaphore(%run_scoped3A_43 : memref<!tpu.dma_semaphore, #tpu.memory_space<semaphore_mem>>)
      %dma_wait3A = arith.constant 0 : i32
      %dma_wait3A_47 = tpu.memref_slice %arg16[%mul3A_31, %dma_wait3A] : memref<10240x128xf32, #tpu.memory_space<vmem_shared>> -> memref<128x128xf32, #tpu.memory_space<vmem_shared>>
      %dma_wait3A_48 = arith.constant 0 : i32
      %dma_wait3A_49 = tpu.memref_slice %arg16[%mul3A_31, %dma_wait3A_48] : memref<10240x128xf32, #tpu.memory_space<vmem_shared>> -> memref<128x128xf32, #tpu.memory_space<vmem_shared>>
      tpu.wait_dma2 semaphore(%run_scoped3A_43 : memref<!tpu.dma_semaphore, #tpu.memory_space<semaphore_mem>>) src(%arg11 : memref<128x128xf32, #tpu.memory_space<vmem>>) dst(%dma_wait3A_49 : memref<128x128xf32, #tpu.memory_space<vmem_shared>>)
      tpu.yield
    }) : () -> ()
    %barrier3A = arith.constant 0 : index
    tpu.barrier barrier_id(%barrier3A)
    %scan3A = arith.constant 0 : i32
    %scan3A_32 = arith.constant 0 : i32
    %scan3A_33 = arith.constant 40 : i32
    %scan3A_34 = arith.addi %scan3A_32, %scan3A_33 : i32
    %scan3A_35 = arith.constant 1 : i32
    %scan3A_36 = scf.for %scan3A_43 = %scan3A_32 to %scan3A_34 step %scan3A_35 iter_args(%scan3A_44 = %scan3A) -> (i32)  : i32 {
      %mul3A_45 = arith.constant 2 : i32
      %mul3A_46 = arith.muli %scan3A_43, %mul3A_45 : i32
      %add3A_47 = arith.constant 2 : i32
      %add3A_48 = arith.addi %mul3A_46, %add3A_47 : i32
      "tpu.region"() ({
        %run_scoped3A_54 = tpu.sem_alloc : memref<!tpu.dma_semaphore, #tpu.memory_space<semaphore_mem>>
        %dma_start3A = arith.constant 0 : i32
        %dma_start3A_55 = tpu.memref_slice %arg9[%mul3A_46, %dma_start3A] : memref<88x128xi32, #tpu.memory_space<vmem>> -> memref<1x128xi32, #tpu.memory_space<vmem>>
        %dma_start3A_56 = tpu.memref_squeeze %dma_start3A_55 : memref<1x128xi32, #tpu.memory_space<vmem>> -> memref<128xi32, #tpu.memory_space<vmem>>
        %dma_start3A_57 = arith.constant 0 : i32
        %dma_start3A_58 = arith.constant 0 : i32
        %dma_start3A_59 = tpu.memref_slice %arg16[%dma_start3A_57, %dma_start3A_58] : memref<10240x128xf32, #tpu.memory_space<vmem_shared>> -> memref<10240x128xf32, #tpu.memory_space<vmem_shared>>
        tpu.enqueue_indirect_dma source(%arg10 : memref<128x128xf32, #tpu.memory_space<vmem>>) target(%dma_start3A_59 : memref<10240x128xf32, #tpu.memory_space<vmem_shared>>) offsets(%dma_start3A_56 : memref<128xi32, #tpu.memory_space<vmem>>) semaphore(%run_scoped3A_54 : memref<!tpu.dma_semaphore, #tpu.memory_space<semaphore_mem>>) {add = true}
        %dma_wait3A = arith.constant 0 : i32
        %dma_wait3A_60 = tpu.memref_slice %arg9[%mul3A_46, %dma_wait3A] : memref<88x128xi32, #tpu.memory_space<vmem>> -> memref<1x128xi32, #tpu.memory_space<vmem>>
        %dma_wait3A_61 = tpu.memref_squeeze %dma_wait3A_60 : memref<1x128xi32, #tpu.memory_space<vmem>> -> memref<128xi32, #tpu.memory_space<vmem>>
        %dma_wait3A_62 = arith.constant 0 : i32
        %dma_wait3A_63 = arith.constant 0 : i32
        %dma_wait3A_64 = tpu.memref_slice %arg16[%dma_wait3A_62, %dma_wait3A_63] : memref<10240x128xf32, #tpu.memory_space<vmem_shared>> -> memref<10240x128xf32, #tpu.memory_space<vmem_shared>>
        tpu.wait_indirect_dma semaphore(%run_scoped3A_54 : memref<!tpu.dma_semaphore, #tpu.memory_space<semaphore_mem>>) src(%arg10 : memref<128x128xf32, #tpu.memory_space<vmem>>) dst(%dma_wait3A_64 : memref<10240x128xf32, #tpu.memory_space<vmem_shared>>)
        tpu.yield
      }) : () -> ()
      %add3A_49 = arith.constant 3 : i32
      %add3A_50 = arith.addi %mul3A_46, %add3A_49 : i32
      %add3A_51 = arith.constant 1 : i32
      %add3A_52 = arith.addi %mul3A_46, %add3A_51 : i32
      "tpu.region"() ({
        %run_scoped3A_54 = tpu.sem_alloc : memref<!tpu.dma_semaphore, #tpu.memory_space<semaphore_mem>>
        %dma_start3A = arith.constant 0 : i32
        %dma_start3A_55 = tpu.memref_slice %arg9[%add3A_52, %dma_start3A] : memref<88x128xi32, #tpu.memory_space<vmem>> -> memref<1x128xi32, #tpu.memory_space<vmem>>
        %dma_start3A_56 = tpu.memref_squeeze %dma_start3A_55 : memref<1x128xi32, #tpu.memory_space<vmem>> -> memref<128xi32, #tpu.memory_space<vmem>>
        %dma_start3A_57 = arith.constant 0 : i32
        %dma_start3A_58 = arith.constant 0 : i32
        %dma_start3A_59 = tpu.memref_slice %arg16[%dma_start3A_57, %dma_start3A_58] : memref<10240x128xf32, #tpu.memory_space<vmem_shared>> -> memref<10240x128xf32, #tpu.memory_space<vmem_shared>>
        tpu.enqueue_indirect_dma source(%arg10 : memref<128x128xf32, #tpu.memory_space<vmem>>) target(%dma_start3A_59 : memref<10240x128xf32, #tpu.memory_space<vmem_shared>>) offsets(%dma_start3A_56 : memref<128xi32, #tpu.memory_space<vmem>>) semaphore(%run_scoped3A_54 : memref<!tpu.dma_semaphore, #tpu.memory_space<semaphore_mem>>) {add = true}
        %dma_wait3A = arith.constant 0 : i32
        %dma_wait3A_60 = tpu.memref_slice %arg9[%add3A_52, %dma_wait3A] : memref<88x128xi32, #tpu.memory_space<vmem>> -> memref<1x128xi32, #tpu.memory_space<vmem>>
        %dma_wait3A_61 = tpu.memref_squeeze %dma_wait3A_60 : memref<1x128xi32, #tpu.memory_space<vmem>> -> memref<128xi32, #tpu.memory_space<vmem>>
        %dma_wait3A_62 = arith.constant 0 : i32
        %dma_wait3A_63 = arith.constant 0 : i32
        %dma_wait3A_64 = tpu.memref_slice %arg16[%dma_wait3A_62, %dma_wait3A_63] : memref<10240x128xf32, #tpu.memory_space<vmem_shared>> -> memref<10240x128xf32, #tpu.memory_space<vmem_shared>>
        tpu.wait_indirect_dma semaphore(%run_scoped3A_54 : memref<!tpu.dma_semaphore, #tpu.memory_space<semaphore_mem>>) src(%arg10 : memref<128x128xf32, #tpu.memory_space<vmem>>) dst(%dma_wait3A_64 : memref<10240x128xf32, #tpu.memory_space<vmem_shared>>)
        tpu.yield
      }) : () -> ()
      %scan3A_53 = arith.constant 0 : i32
      scf.yield %scan3A_53 : i32
    }
    %scan3A_37 = arith.constant 40 : i32
    %barrier3A_38 = arith.constant 0 : index
    tpu.barrier barrier_id(%barrier3A_38)
    %mul3A_39 = arith.constant 640 : i32
    %mul3A_40 = arith.muli %arg1, %mul3A_39 : i32
    %mul3A_41 = arith.constant 640 : i32
    %mul3A_42 = arith.muli %arg1, %mul3A_41 : i32
    "tpu.region"() ({
      %run_scoped3A_43 = tpu.sem_alloc : memref<!tpu.dma_semaphore, #tpu.memory_space<semaphore_mem>>
      %dma_start3A = arith.constant 0 : i32
      %dma_start3A_44 = tpu.memref_slice %arg6[%arg0, %mul3A_42, %dma_start3A] : memref<2x10240x128xf32, #tpu.memory_space<hbm>> -> memref<1x640x128xf32, #tpu.memory_space<hbm>>
      %dma_start3A_45 = tpu.memref_squeeze %dma_start3A_44 : memref<1x640x128xf32, #tpu.memory_space<hbm>> -> memref<640x128xf32, #tpu.memory_space<hbm>>
      %dma_start3A_46 = arith.constant 0 : i32
      %dma_start3A_47 = tpu.memref_slice %arg16[%mul3A_40, %dma_start3A_46] : memref<10240x128xf32, #tpu.memory_space<vmem_shared>> -> memref<640x128xf32, #tpu.memory_space<vmem_shared>>
      tpu.enqueue_dma source(%dma_start3A_47 : memref<640x128xf32, #tpu.memory_space<vmem_shared>>) target(%dma_start3A_45 : memref<640x128xf32, #tpu.memory_space<hbm>>) target_semaphore(%run_scoped3A_43 : memref<!tpu.dma_semaphore, #tpu.memory_space<semaphore_mem>>)
      %dma_wait3A = arith.constant 0 : i32
      %dma_wait3A_48 = tpu.memref_slice %arg6[%arg0, %mul3A_42, %dma_wait3A] : memref<2x10240x128xf32, #tpu.memory_space<hbm>> -> memref<1x640x128xf32, #tpu.memory_space<hbm>>
      %dma_wait3A_49 = tpu.memref_squeeze %dma_wait3A_48 : memref<1x640x128xf32, #tpu.memory_space<hbm>> -> memref<640x128xf32, #tpu.memory_space<hbm>>
      %dma_wait3A_50 = arith.constant 0 : i32
      %dma_wait3A_51 = tpu.memref_slice %arg16[%mul3A_40, %dma_wait3A_50] : memref<10240x128xf32, #tpu.memory_space<vmem_shared>> -> memref<640x128xf32, #tpu.memory_space<vmem_shared>>
      tpu.wait_dma2 semaphore(%run_scoped3A_43 : memref<!tpu.dma_semaphore, #tpu.memory_space<semaphore_mem>>) src(%dma_wait3A_51 : memref<640x128xf32, #tpu.memory_space<vmem_shared>>) dst(%dma_wait3A_49 : memref<640x128xf32, #tpu.memory_space<hbm>>)
      tpu.yield
    }) : () -> ()
    return
  }
}

#map = affine_map<(d0, d1) -> (0, 0)>
#map1 = affine_map<(d0, d1) -> (0, 0, 0)>
module attributes {stable_mosaic.version = 14 : i64} {
  func.func @_prop_body_sized(%arg0: i32, %arg1: i32, %arg2: memref<10240x128xf32, #tpu.memory_space<hbm>>, %arg3: memref<32x88x128xi32, #tpu.memory_space<hbm>>, %arg4: memref<32x88x128xi32, #tpu.memory_space<hbm>>, %arg5: memref<2x128x128xf32, #tpu.memory_space<hbm>>, %arg6: memref<2x10240x128xf32, #tpu.memory_space<hbm>>, %arg7: memref<128xi32, #tpu.memory_space<vmem>>, %arg8: memref<128xi32, #tpu.memory_space<vmem>>, %arg9: memref<88x128xi32, #tpu.memory_space<vmem>>, %arg10: memref<128x128xf32, #tpu.memory_space<vmem>>, %arg11: memref<128x128xf32, #tpu.memory_space<vmem>>, %arg12: memref<!tpu.dma_semaphore, #tpu.memory_space<semaphore_mem>>, %arg13: memref<!tpu.dma_semaphore, #tpu.memory_space<semaphore_mem>>, %arg14: memref<!tpu.dma_semaphore, #tpu.memory_space<semaphore_mem>>, %arg15: memref<!tpu.dma_semaphore, #tpu.memory_space<semaphore_mem>>, %arg16: memref<10240x128xf32, #tpu.memory_space<vmem_shared>>) attributes {dimension_semantics = [#tpu.dimension_semantics<core_parallel>, #tpu.dimension_semantics<subcore_parallel>], iteration_bounds = array<i64: 2, 16>, scalar_prefetch = 0 : i64, scratch_operands = 10 : i64, tpu.core_type = #tpu.core_type<sc_vector_subcore>, window_params = [{transform_indices = #map}, {transform_indices = #map1}, {transform_indices = #map1}, {transform_indices = #map1}, {transform_indices = #map1}]} {
    %mul3A = arith.constant 16 : i32
    %mul3A_0 = arith.muli %arg0, %mul3A : i32
    %add3A = arith.addi %mul3A_0, %arg1 : i32
    "tpu.region"() ({
      %run_scoped3A_74 = tpu.sem_alloc : memref<!tpu.dma_semaphore, #tpu.memory_space<semaphore_mem>>
      %dma_start3A_75 = arith.constant 0 : i32
      %dma_start3A_76 = arith.constant 0 : i32
      %dma_start3A_77 = tpu.memref_slice %arg4[%add3A, %dma_start3A_75, %dma_start3A_76] : memref<32x88x128xi32, #tpu.memory_space<hbm>> -> memref<1x88x128xi32, #tpu.memory_space<hbm>>
      %dma_start3A_78 = tpu.memref_squeeze %dma_start3A_77 : memref<1x88x128xi32, #tpu.memory_space<hbm>> -> memref<88x128xi32, #tpu.memory_space<hbm>>
      %dma_start3A_79 = arith.constant 0 : i32
      %dma_start3A_80 = arith.constant 0 : i32
      %dma_start3A_81 = tpu.memref_slice %arg4[%add3A, %dma_start3A_79, %dma_start3A_80] : memref<32x88x128xi32, #tpu.memory_space<hbm>> -> memref<1x88x128xi32, #tpu.memory_space<hbm>>
      %dma_start3A_82 = tpu.memref_squeeze %dma_start3A_81 : memref<1x88x128xi32, #tpu.memory_space<hbm>> -> memref<88x128xi32, #tpu.memory_space<hbm>>
      tpu.enqueue_dma source(%dma_start3A_82 : memref<88x128xi32, #tpu.memory_space<hbm>>) target(%arg9 : memref<88x128xi32, #tpu.memory_space<vmem>>) target_semaphore(%run_scoped3A_74 : memref<!tpu.dma_semaphore, #tpu.memory_space<semaphore_mem>>)
      %dma_wait3A_83 = arith.constant 0 : i32
      %dma_wait3A_84 = arith.constant 0 : i32
      %dma_wait3A_85 = tpu.memref_slice %arg4[%add3A, %dma_wait3A_83, %dma_wait3A_84] : memref<32x88x128xi32, #tpu.memory_space<hbm>> -> memref<1x88x128xi32, #tpu.memory_space<hbm>>
      %dma_wait3A_86 = tpu.memref_squeeze %dma_wait3A_85 : memref<1x88x128xi32, #tpu.memory_space<hbm>> -> memref<88x128xi32, #tpu.memory_space<hbm>>
      %dma_wait3A_87 = arith.constant 0 : i32
      %dma_wait3A_88 = arith.constant 0 : i32
      %dma_wait3A_89 = tpu.memref_slice %arg4[%add3A, %dma_wait3A_87, %dma_wait3A_88] : memref<32x88x128xi32, #tpu.memory_space<hbm>> -> memref<1x88x128xi32, #tpu.memory_space<hbm>>
      %dma_wait3A_90 = tpu.memref_squeeze %dma_wait3A_89 : memref<1x88x128xi32, #tpu.memory_space<hbm>> -> memref<88x128xi32, #tpu.memory_space<hbm>>
      tpu.wait_dma2 semaphore(%run_scoped3A_74 : memref<!tpu.dma_semaphore, #tpu.memory_space<semaphore_mem>>) src(%dma_wait3A_90 : memref<88x128xi32, #tpu.memory_space<hbm>>) dst(%arg9 : memref<88x128xi32, #tpu.memory_space<vmem>>)
      tpu.yield
    }) : () -> ()
    %run_scoped3A = arith.constant 0 : i32
    "tpu.region"() ({
      %run_scoped3A_74 = tpu.sem_alloc : memref<!tpu.dma_semaphore, #tpu.memory_space<semaphore_mem>>
      %dma_start3A_75 = arith.constant 0 : i32
      %dma_start3A_76 = arith.constant 0 : i32
      %dma_start3A_77 = tpu.memref_slice %arg5[%run_scoped3A, %dma_start3A_75, %dma_start3A_76] : memref<2x128x128xf32, #tpu.memory_space<hbm>> -> memref<1x128x128xf32, #tpu.memory_space<hbm>>
      %dma_start3A_78 = tpu.memref_squeeze %dma_start3A_77 : memref<1x128x128xf32, #tpu.memory_space<hbm>> -> memref<128x128xf32, #tpu.memory_space<hbm>>
      %dma_start3A_79 = arith.constant 0 : i32
      %dma_start3A_80 = arith.constant 0 : i32
      %dma_start3A_81 = tpu.memref_slice %arg5[%run_scoped3A, %dma_start3A_79, %dma_start3A_80] : memref<2x128x128xf32, #tpu.memory_space<hbm>> -> memref<1x128x128xf32, #tpu.memory_space<hbm>>
      %dma_start3A_82 = tpu.memref_squeeze %dma_start3A_81 : memref<1x128x128xf32, #tpu.memory_space<hbm>> -> memref<128x128xf32, #tpu.memory_space<hbm>>
      tpu.enqueue_dma source(%dma_start3A_82 : memref<128x128xf32, #tpu.memory_space<hbm>>) target(%arg10 : memref<128x128xf32, #tpu.memory_space<vmem>>) target_semaphore(%run_scoped3A_74 : memref<!tpu.dma_semaphore, #tpu.memory_space<semaphore_mem>>)
      %dma_wait3A_83 = arith.constant 0 : i32
      %dma_wait3A_84 = arith.constant 0 : i32
      %dma_wait3A_85 = tpu.memref_slice %arg5[%run_scoped3A, %dma_wait3A_83, %dma_wait3A_84] : memref<2x128x128xf32, #tpu.memory_space<hbm>> -> memref<1x128x128xf32, #tpu.memory_space<hbm>>
      %dma_wait3A_86 = tpu.memref_squeeze %dma_wait3A_85 : memref<1x128x128xf32, #tpu.memory_space<hbm>> -> memref<128x128xf32, #tpu.memory_space<hbm>>
      %dma_wait3A_87 = arith.constant 0 : i32
      %dma_wait3A_88 = arith.constant 0 : i32
      %dma_wait3A_89 = tpu.memref_slice %arg5[%run_scoped3A, %dma_wait3A_87, %dma_wait3A_88] : memref<2x128x128xf32, #tpu.memory_space<hbm>> -> memref<1x128x128xf32, #tpu.memory_space<hbm>>
      %dma_wait3A_90 = tpu.memref_squeeze %dma_wait3A_89 : memref<1x128x128xf32, #tpu.memory_space<hbm>> -> memref<128x128xf32, #tpu.memory_space<hbm>>
      tpu.wait_dma2 semaphore(%run_scoped3A_74 : memref<!tpu.dma_semaphore, #tpu.memory_space<semaphore_mem>>) src(%dma_wait3A_90 : memref<128x128xf32, #tpu.memory_space<hbm>>) dst(%arg10 : memref<128x128xf32, #tpu.memory_space<vmem>>)
      tpu.yield
    }) : () -> ()
    %mul3A_1 = arith.constant 5 : i32
    %mul3A_2 = arith.muli %arg1, %mul3A_1 : i32
    %add3A_3 = arith.constant 0 : i32
    %add3A_4 = arith.addi %mul3A_2, %add3A_3 : i32
    %mul3A_5 = arith.constant 128 : i32
    %mul3A_6 = arith.muli %add3A_4, %mul3A_5 : i32
    "tpu.region"() ({
      %run_scoped3A_74 = tpu.sem_alloc : memref<!tpu.dma_semaphore, #tpu.memory_space<semaphore_mem>>
      %dma_start3A_75 = arith.constant 0 : i32
      %dma_start3A_76 = tpu.memref_slice %arg16[%mul3A_6, %dma_start3A_75] : memref<10240x128xf32, #tpu.memory_space<vmem_shared>> -> memref<128x128xf32, #tpu.memory_space<vmem_shared>>
      %dma_start3A_77 = arith.constant 0 : i32
      %dma_start3A_78 = tpu.memref_slice %arg16[%mul3A_6, %dma_start3A_77] : memref<10240x128xf32, #tpu.memory_space<vmem_shared>> -> memref<128x128xf32, #tpu.memory_space<vmem_shared>>
      tpu.enqueue_dma source(%arg10 : memref<128x128xf32, #tpu.memory_space<vmem>>) target(%dma_start3A_78 : memref<128x128xf32, #tpu.memory_space<vmem_shared>>) target_semaphore(%run_scoped3A_74 : memref<!tpu.dma_semaphore, #tpu.memory_space<semaphore_mem>>)
      %dma_wait3A_79 = arith.constant 0 : i32
      %dma_wait3A_80 = tpu.memref_slice %arg16[%mul3A_6, %dma_wait3A_79] : memref<10240x128xf32, #tpu.memory_space<vmem_shared>> -> memref<128x128xf32, #tpu.memory_space<vmem_shared>>
      %dma_wait3A_81 = arith.constant 0 : i32
      %dma_wait3A_82 = tpu.memref_slice %arg16[%mul3A_6, %dma_wait3A_81] : memref<10240x128xf32, #tpu.memory_space<vmem_shared>> -> memref<128x128xf32, #tpu.memory_space<vmem_shared>>
      tpu.wait_dma2 semaphore(%run_scoped3A_74 : memref<!tpu.dma_semaphore, #tpu.memory_space<semaphore_mem>>) src(%arg10 : memref<128x128xf32, #tpu.memory_space<vmem>>) dst(%dma_wait3A_82 : memref<128x128xf32, #tpu.memory_space<vmem_shared>>)
      tpu.yield
    }) : () -> ()
    %mul3A_7 = arith.constant 5 : i32
    %mul3A_8 = arith.muli %arg1, %mul3A_7 : i32
    %add3A_9 = arith.constant 1 : i32
    %add3A_10 = arith.addi %mul3A_8, %add3A_9 : i32
    %mul3A_11 = arith.constant 128 : i32
    %mul3A_12 = arith.muli %add3A_10, %mul3A_11 : i32
    "tpu.region"() ({
      %run_scoped3A_74 = tpu.sem_alloc : memref<!tpu.dma_semaphore, #tpu.memory_space<semaphore_mem>>
      %dma_start3A_75 = arith.constant 0 : i32
      %dma_start3A_76 = tpu.memref_slice %arg16[%mul3A_12, %dma_start3A_75] : memref<10240x128xf32, #tpu.memory_space<vmem_shared>> -> memref<128x128xf32, #tpu.memory_space<vmem_shared>>
      %dma_start3A_77 = arith.constant 0 : i32
      %dma_start3A_78 = tpu.memref_slice %arg16[%mul3A_12, %dma_start3A_77] : memref<10240x128xf32, #tpu.memory_space<vmem_shared>> -> memref<128x128xf32, #tpu.memory_space<vmem_shared>>
      tpu.enqueue_dma source(%arg10 : memref<128x128xf32, #tpu.memory_space<vmem>>) target(%dma_start3A_78 : memref<128x128xf32, #tpu.memory_space<vmem_shared>>) target_semaphore(%run_scoped3A_74 : memref<!tpu.dma_semaphore, #tpu.memory_space<semaphore_mem>>)
      %dma_wait3A_79 = arith.constant 0 : i32
      %dma_wait3A_80 = tpu.memref_slice %arg16[%mul3A_12, %dma_wait3A_79] : memref<10240x128xf32, #tpu.memory_space<vmem_shared>> -> memref<128x128xf32, #tpu.memory_space<vmem_shared>>
      %dma_wait3A_81 = arith.constant 0 : i32
      %dma_wait3A_82 = tpu.memref_slice %arg16[%mul3A_12, %dma_wait3A_81] : memref<10240x128xf32, #tpu.memory_space<vmem_shared>> -> memref<128x128xf32, #tpu.memory_space<vmem_shared>>
      tpu.wait_dma2 semaphore(%run_scoped3A_74 : memref<!tpu.dma_semaphore, #tpu.memory_space<semaphore_mem>>) src(%arg10 : memref<128x128xf32, #tpu.memory_space<vmem>>) dst(%dma_wait3A_82 : memref<128x128xf32, #tpu.memory_space<vmem_shared>>)
      tpu.yield
    }) : () -> ()
    %mul3A_13 = arith.constant 5 : i32
    %mul3A_14 = arith.muli %arg1, %mul3A_13 : i32
    %add3A_15 = arith.constant 2 : i32
    %add3A_16 = arith.addi %mul3A_14, %add3A_15 : i32
    %mul3A_17 = arith.constant 128 : i32
    %mul3A_18 = arith.muli %add3A_16, %mul3A_17 : i32
    "tpu.region"() ({
      %run_scoped3A_74 = tpu.sem_alloc : memref<!tpu.dma_semaphore, #tpu.memory_space<semaphore_mem>>
      %dma_start3A_75 = arith.constant 0 : i32
      %dma_start3A_76 = tpu.memref_slice %arg16[%mul3A_18, %dma_start3A_75] : memref<10240x128xf32, #tpu.memory_space<vmem_shared>> -> memref<128x128xf32, #tpu.memory_space<vmem_shared>>
      %dma_start3A_77 = arith.constant 0 : i32
      %dma_start3A_78 = tpu.memref_slice %arg16[%mul3A_18, %dma_start3A_77] : memref<10240x128xf32, #tpu.memory_space<vmem_shared>> -> memref<128x128xf32, #tpu.memory_space<vmem_shared>>
      tpu.enqueue_dma source(%arg10 : memref<128x128xf32, #tpu.memory_space<vmem>>) target(%dma_start3A_78 : memref<128x128xf32, #tpu.memory_space<vmem_shared>>) target_semaphore(%run_scoped3A_74 : memref<!tpu.dma_semaphore, #tpu.memory_space<semaphore_mem>>)
      %dma_wait3A_79 = arith.constant 0 : i32
      %dma_wait3A_80 = tpu.memref_slice %arg16[%mul3A_18, %dma_wait3A_79] : memref<10240x128xf32, #tpu.memory_space<vmem_shared>> -> memref<128x128xf32, #tpu.memory_space<vmem_shared>>
      %dma_wait3A_81 = arith.constant 0 : i32
      %dma_wait3A_82 = tpu.memref_slice %arg16[%mul3A_18, %dma_wait3A_81] : memref<10240x128xf32, #tpu.memory_space<vmem_shared>> -> memref<128x128xf32, #tpu.memory_space<vmem_shared>>
      tpu.wait_dma2 semaphore(%run_scoped3A_74 : memref<!tpu.dma_semaphore, #tpu.memory_space<semaphore_mem>>) src(%arg10 : memref<128x128xf32, #tpu.memory_space<vmem>>) dst(%dma_wait3A_82 : memref<128x128xf32, #tpu.memory_space<vmem_shared>>)
      tpu.yield
    }) : () -> ()
    %mul3A_19 = arith.constant 5 : i32
    %mul3A_20 = arith.muli %arg1, %mul3A_19 : i32
    %add3A_21 = arith.constant 3 : i32
    %add3A_22 = arith.addi %mul3A_20, %add3A_21 : i32
    %mul3A_23 = arith.constant 128 : i32
    %mul3A_24 = arith.muli %add3A_22, %mul3A_23 : i32
    "tpu.region"() ({
      %run_scoped3A_74 = tpu.sem_alloc : memref<!tpu.dma_semaphore, #tpu.memory_space<semaphore_mem>>
      %dma_start3A_75 = arith.constant 0 : i32
      %dma_start3A_76 = tpu.memref_slice %arg16[%mul3A_24, %dma_start3A_75] : memref<10240x128xf32, #tpu.memory_space<vmem_shared>> -> memref<128x128xf32, #tpu.memory_space<vmem_shared>>
      %dma_start3A_77 = arith.constant 0 : i32
      %dma_start3A_78 = tpu.memref_slice %arg16[%mul3A_24, %dma_start3A_77] : memref<10240x128xf32, #tpu.memory_space<vmem_shared>> -> memref<128x128xf32, #tpu.memory_space<vmem_shared>>
      tpu.enqueue_dma source(%arg10 : memref<128x128xf32, #tpu.memory_space<vmem>>) target(%dma_start3A_78 : memref<128x128xf32, #tpu.memory_space<vmem_shared>>) target_semaphore(%run_scoped3A_74 : memref<!tpu.dma_semaphore, #tpu.memory_space<semaphore_mem>>)
      %dma_wait3A_79 = arith.constant 0 : i32
      %dma_wait3A_80 = tpu.memref_slice %arg16[%mul3A_24, %dma_wait3A_79] : memref<10240x128xf32, #tpu.memory_space<vmem_shared>> -> memref<128x128xf32, #tpu.memory_space<vmem_shared>>
      %dma_wait3A_81 = arith.constant 0 : i32
      %dma_wait3A_82 = tpu.memref_slice %arg16[%mul3A_24, %dma_wait3A_81] : memref<10240x128xf32, #tpu.memory_space<vmem_shared>> -> memref<128x128xf32, #tpu.memory_space<vmem_shared>>
      tpu.wait_dma2 semaphore(%run_scoped3A_74 : memref<!tpu.dma_semaphore, #tpu.memory_space<semaphore_mem>>) src(%arg10 : memref<128x128xf32, #tpu.memory_space<vmem>>) dst(%dma_wait3A_82 : memref<128x128xf32, #tpu.memory_space<vmem_shared>>)
      tpu.yield
    }) : () -> ()
    %mul3A_25 = arith.constant 5 : i32
    %mul3A_26 = arith.muli %arg1, %mul3A_25 : i32
    %add3A_27 = arith.constant 4 : i32
    %add3A_28 = arith.addi %mul3A_26, %add3A_27 : i32
    %mul3A_29 = arith.constant 128 : i32
    %mul3A_30 = arith.muli %add3A_28, %mul3A_29 : i32
    "tpu.region"() ({
      %run_scoped3A_74 = tpu.sem_alloc : memref<!tpu.dma_semaphore, #tpu.memory_space<semaphore_mem>>
      %dma_start3A_75 = arith.constant 0 : i32
      %dma_start3A_76 = tpu.memref_slice %arg16[%mul3A_30, %dma_start3A_75] : memref<10240x128xf32, #tpu.memory_space<vmem_shared>> -> memref<128x128xf32, #tpu.memory_space<vmem_shared>>
      %dma_start3A_77 = arith.constant 0 : i32
      %dma_start3A_78 = tpu.memref_slice %arg16[%mul3A_30, %dma_start3A_77] : memref<10240x128xf32, #tpu.memory_space<vmem_shared>> -> memref<128x128xf32, #tpu.memory_space<vmem_shared>>
      tpu.enqueue_dma source(%arg10 : memref<128x128xf32, #tpu.memory_space<vmem>>) target(%dma_start3A_78 : memref<128x128xf32, #tpu.memory_space<vmem_shared>>) target_semaphore(%run_scoped3A_74 : memref<!tpu.dma_semaphore, #tpu.memory_space<semaphore_mem>>)
      %dma_wait3A_79 = arith.constant 0 : i32
      %dma_wait3A_80 = tpu.memref_slice %arg16[%mul3A_30, %dma_wait3A_79] : memref<10240x128xf32, #tpu.memory_space<vmem_shared>> -> memref<128x128xf32, #tpu.memory_space<vmem_shared>>
      %dma_wait3A_81 = arith.constant 0 : i32
      %dma_wait3A_82 = tpu.memref_slice %arg16[%mul3A_30, %dma_wait3A_81] : memref<10240x128xf32, #tpu.memory_space<vmem_shared>> -> memref<128x128xf32, #tpu.memory_space<vmem_shared>>
      tpu.wait_dma2 semaphore(%run_scoped3A_74 : memref<!tpu.dma_semaphore, #tpu.memory_space<semaphore_mem>>) src(%arg10 : memref<128x128xf32, #tpu.memory_space<vmem>>) dst(%dma_wait3A_82 : memref<128x128xf32, #tpu.memory_space<vmem_shared>>)
      tpu.yield
    }) : () -> ()
    %barrier3A = arith.constant 0 : index
    tpu.barrier barrier_id(%barrier3A)
    %dma_start3A = arith.constant 0 : i32
    %dma_start3A_31 = arith.constant 0 : i32
    %dma_start3A_32 = tpu.memref_slice %arg3[%add3A, %dma_start3A, %dma_start3A_31] : memref<32x88x128xi32, #tpu.memory_space<hbm>> -> memref<1x1x128xi32, #tpu.memory_space<hbm>>
    %dma_start3A_33 = tpu.memref_squeeze %dma_start3A_32 : memref<1x1x128xi32, #tpu.memory_space<hbm>> -> memref<128xi32, #tpu.memory_space<hbm>>
    %dma_start3A_34 = arith.constant 0 : i32
    %dma_start3A_35 = tpu.memref_slice %arg3[%add3A, %dma_start3A, %dma_start3A_34] : memref<32x88x128xi32, #tpu.memory_space<hbm>> -> memref<1x1x128xi32, #tpu.memory_space<hbm>>
    %dma_start3A_36 = tpu.memref_squeeze %dma_start3A_35 : memref<1x1x128xi32, #tpu.memory_space<hbm>> -> memref<128xi32, #tpu.memory_space<hbm>>
    tpu.enqueue_dma source(%dma_start3A_36 : memref<128xi32, #tpu.memory_space<hbm>>) target(%arg7 : memref<128xi32, #tpu.memory_space<vmem>>) target_semaphore(%arg12 : memref<!tpu.dma_semaphore, #tpu.memory_space<semaphore_mem>>)
    %dma_start3A_37 = arith.constant 1 : i32
    %dma_start3A_38 = arith.constant 0 : i32
    %dma_start3A_39 = tpu.memref_slice %arg3[%add3A, %dma_start3A_37, %dma_start3A_38] : memref<32x88x128xi32, #tpu.memory_space<hbm>> -> memref<1x1x128xi32, #tpu.memory_space<hbm>>
    %dma_start3A_40 = tpu.memref_squeeze %dma_start3A_39 : memref<1x1x128xi32, #tpu.memory_space<hbm>> -> memref<128xi32, #tpu.memory_space<hbm>>
    %dma_start3A_41 = arith.constant 0 : i32
    %dma_start3A_42 = tpu.memref_slice %arg3[%add3A, %dma_start3A_37, %dma_start3A_41] : memref<32x88x128xi32, #tpu.memory_space<hbm>> -> memref<1x1x128xi32, #tpu.memory_space<hbm>>
    %dma_start3A_43 = tpu.memref_squeeze %dma_start3A_42 : memref<1x1x128xi32, #tpu.memory_space<hbm>> -> memref<128xi32, #tpu.memory_space<hbm>>
    tpu.enqueue_dma source(%dma_start3A_43 : memref<128xi32, #tpu.memory_space<hbm>>) target(%arg8 : memref<128xi32, #tpu.memory_space<vmem>>) target_semaphore(%arg13 : memref<!tpu.dma_semaphore, #tpu.memory_space<semaphore_mem>>)
    %dma_wait3A = arith.constant 0 : i32
    %dma_wait3A_44 = arith.constant 0 : i32
    %dma_wait3A_45 = tpu.memref_slice %arg3[%add3A, %dma_wait3A, %dma_wait3A_44] : memref<32x88x128xi32, #tpu.memory_space<hbm>> -> memref<1x1x128xi32, #tpu.memory_space<hbm>>
    %dma_wait3A_46 = tpu.memref_squeeze %dma_wait3A_45 : memref<1x1x128xi32, #tpu.memory_space<hbm>> -> memref<128xi32, #tpu.memory_space<hbm>>
    %dma_wait3A_47 = arith.constant 0 : i32
    %dma_wait3A_48 = tpu.memref_slice %arg3[%add3A, %dma_wait3A, %dma_wait3A_47] : memref<32x88x128xi32, #tpu.memory_space<hbm>> -> memref<1x1x128xi32, #tpu.memory_space<hbm>>
    %dma_wait3A_49 = tpu.memref_squeeze %dma_wait3A_48 : memref<1x1x128xi32, #tpu.memory_space<hbm>> -> memref<128xi32, #tpu.memory_space<hbm>>
    tpu.wait_dma2 semaphore(%arg12 : memref<!tpu.dma_semaphore, #tpu.memory_space<semaphore_mem>>) src(%dma_wait3A_49 : memref<128xi32, #tpu.memory_space<hbm>>) dst(%arg7 : memref<128xi32, #tpu.memory_space<vmem>>)
    %dma_start3A_50 = arith.constant 0 : i32
    %dma_start3A_51 = arith.constant 0 : i32
    %dma_start3A_52 = tpu.memref_slice %arg2[%dma_start3A_50, %dma_start3A_51] : memref<10240x128xf32, #tpu.memory_space<hbm>> -> memref<10240x128xf32, #tpu.memory_space<hbm>>
    tpu.enqueue_indirect_dma source(%dma_start3A_52 : memref<10240x128xf32, #tpu.memory_space<hbm>>) target(%arg10 : memref<128x128xf32, #tpu.memory_space<vmem>>) offsets(%arg7 : memref<128xi32, #tpu.memory_space<vmem>>) semaphore(%arg14 : memref<!tpu.dma_semaphore, #tpu.memory_space<semaphore_mem>>)
    %scan3A = arith.constant 0 : i32
    %scan3A_53 = arith.constant 0 : i32
    %scan3A_54 = arith.constant 40 : i32
    %scan3A_55 = arith.addi %scan3A_53, %scan3A_54 : i32
    %scan3A_56 = arith.constant 1 : i32
    %scan3A_57 = scf.for %scan3A_74 = %scan3A_53 to %scan3A_55 step %scan3A_56 iter_args(%scan3A_75 = %scan3A) -> (i32)  : i32 {
      %mul3A_76 = arith.constant 2 : i32
      %mul3A_77 = arith.muli %scan3A_74, %mul3A_76 : i32
      %dma_wait3A_78 = arith.constant 0 : i32
      %dma_wait3A_79 = arith.constant 0 : i32
      %dma_wait3A_80 = tpu.memref_slice %arg3[%add3A, %dma_wait3A_78, %dma_wait3A_79] : memref<32x88x128xi32, #tpu.memory_space<hbm>> -> memref<1x1x128xi32, #tpu.memory_space<hbm>>
      %dma_wait3A_81 = tpu.memref_squeeze %dma_wait3A_80 : memref<1x1x128xi32, #tpu.memory_space<hbm>> -> memref<128xi32, #tpu.memory_space<hbm>>
      %dma_wait3A_82 = arith.constant 0 : i32
      %dma_wait3A_83 = tpu.memref_slice %arg3[%add3A, %dma_wait3A_78, %dma_wait3A_82] : memref<32x88x128xi32, #tpu.memory_space<hbm>> -> memref<1x1x128xi32, #tpu.memory_space<hbm>>
      %dma_wait3A_84 = tpu.memref_squeeze %dma_wait3A_83 : memref<1x1x128xi32, #tpu.memory_space<hbm>> -> memref<128xi32, #tpu.memory_space<hbm>>
      tpu.wait_dma2 semaphore(%arg13 : memref<!tpu.dma_semaphore, #tpu.memory_space<semaphore_mem>>) src(%dma_wait3A_84 : memref<128xi32, #tpu.memory_space<hbm>>) dst(%arg8 : memref<128xi32, #tpu.memory_space<vmem>>)
      %dma_start3A_85 = arith.constant 0 : i32
      %dma_start3A_86 = arith.constant 0 : i32
      %dma_start3A_87 = tpu.memref_slice %arg2[%dma_start3A_85, %dma_start3A_86] : memref<10240x128xf32, #tpu.memory_space<hbm>> -> memref<10240x128xf32, #tpu.memory_space<hbm>>
      tpu.enqueue_indirect_dma source(%dma_start3A_87 : memref<10240x128xf32, #tpu.memory_space<hbm>>) target(%arg11 : memref<128x128xf32, #tpu.memory_space<vmem>>) offsets(%arg8 : memref<128xi32, #tpu.memory_space<vmem>>) semaphore(%arg15 : memref<!tpu.dma_semaphore, #tpu.memory_space<semaphore_mem>>)
      %dma_wait3A_88 = arith.constant 0 : i32
      %dma_wait3A_89 = arith.constant 0 : i32
      %dma_wait3A_90 = tpu.memref_slice %arg2[%dma_wait3A_88, %dma_wait3A_89] : memref<10240x128xf32, #tpu.memory_space<hbm>> -> memref<10240x128xf32, #tpu.memory_space<hbm>>
      tpu.wait_indirect_dma semaphore(%arg14 : memref<!tpu.dma_semaphore, #tpu.memory_space<semaphore_mem>>) src(%dma_wait3A_90 : memref<10240x128xf32, #tpu.memory_space<hbm>>) dst(%arg10 : memref<128x128xf32, #tpu.memory_space<vmem>>)
      %add3A_91 = arith.constant 2 : i32
      %add3A_92 = arith.addi %mul3A_77, %add3A_91 : i32
      %dma_start3A_93 = arith.constant 0 : i32
      %dma_start3A_94 = tpu.memref_slice %arg3[%add3A, %add3A_92, %dma_start3A_93] : memref<32x88x128xi32, #tpu.memory_space<hbm>> -> memref<1x1x128xi32, #tpu.memory_space<hbm>>
      %dma_start3A_95 = tpu.memref_squeeze %dma_start3A_94 : memref<1x1x128xi32, #tpu.memory_space<hbm>> -> memref<128xi32, #tpu.memory_space<hbm>>
      %dma_start3A_96 = arith.constant 0 : i32
      %dma_start3A_97 = tpu.memref_slice %arg3[%add3A, %add3A_92, %dma_start3A_96] : memref<32x88x128xi32, #tpu.memory_space<hbm>> -> memref<1x1x128xi32, #tpu.memory_space<hbm>>
      %dma_start3A_98 = tpu.memref_squeeze %dma_start3A_97 : memref<1x1x128xi32, #tpu.memory_space<hbm>> -> memref<128xi32, #tpu.memory_space<hbm>>
      tpu.enqueue_dma source(%dma_start3A_98 : memref<128xi32, #tpu.memory_space<hbm>>) target(%arg7 : memref<128xi32, #tpu.memory_space<vmem>>) target_semaphore(%arg12 : memref<!tpu.dma_semaphore, #tpu.memory_space<semaphore_mem>>)
      "tpu.region"() ({
        %run_scoped3A_123 = tpu.sem_alloc : memref<!tpu.dma_semaphore, #tpu.memory_space<semaphore_mem>>
        %dma_start3A_124 = arith.constant 0 : i32
        %dma_start3A_125 = tpu.memref_slice %arg9[%mul3A_77, %dma_start3A_124] : memref<88x128xi32, #tpu.memory_space<vmem>> -> memref<1x128xi32, #tpu.memory_space<vmem>>
        %dma_start3A_126 = tpu.memref_squeeze %dma_start3A_125 : memref<1x128xi32, #tpu.memory_space<vmem>> -> memref<128xi32, #tpu.memory_space<vmem>>
        %dma_start3A_127 = arith.constant 0 : i32
        %dma_start3A_128 = arith.constant 0 : i32
        %dma_start3A_129 = tpu.memref_slice %arg16[%dma_start3A_127, %dma_start3A_128] : memref<10240x128xf32, #tpu.memory_space<vmem_shared>> -> memref<10240x128xf32, #tpu.memory_space<vmem_shared>>
        tpu.enqueue_indirect_dma source(%arg10 : memref<128x128xf32, #tpu.memory_space<vmem>>) target(%dma_start3A_129 : memref<10240x128xf32, #tpu.memory_space<vmem_shared>>) offsets(%dma_start3A_126 : memref<128xi32, #tpu.memory_space<vmem>>) semaphore(%run_scoped3A_123 : memref<!tpu.dma_semaphore, #tpu.memory_space<semaphore_mem>>) {add = true}
        %dma_wait3A_130 = arith.constant 0 : i32
        %dma_wait3A_131 = tpu.memref_slice %arg9[%mul3A_77, %dma_wait3A_130] : memref<88x128xi32, #tpu.memory_space<vmem>> -> memref<1x128xi32, #tpu.memory_space<vmem>>
        %dma_wait3A_132 = tpu.memref_squeeze %dma_wait3A_131 : memref<1x128xi32, #tpu.memory_space<vmem>> -> memref<128xi32, #tpu.memory_space<vmem>>
        %dma_wait3A_133 = arith.constant 0 : i32
        %dma_wait3A_134 = arith.constant 0 : i32
        %dma_wait3A_135 = tpu.memref_slice %arg16[%dma_wait3A_133, %dma_wait3A_134] : memref<10240x128xf32, #tpu.memory_space<vmem_shared>> -> memref<10240x128xf32, #tpu.memory_space<vmem_shared>>
        tpu.wait_indirect_dma semaphore(%run_scoped3A_123 : memref<!tpu.dma_semaphore, #tpu.memory_space<semaphore_mem>>) src(%arg10 : memref<128x128xf32, #tpu.memory_space<vmem>>) dst(%dma_wait3A_135 : memref<10240x128xf32, #tpu.memory_space<vmem_shared>>)
        tpu.yield
      }) : () -> ()
      %dma_wait3A_99 = arith.constant 0 : i32
      %dma_wait3A_100 = arith.constant 0 : i32
      %dma_wait3A_101 = tpu.memref_slice %arg3[%add3A, %dma_wait3A_99, %dma_wait3A_100] : memref<32x88x128xi32, #tpu.memory_space<hbm>> -> memref<1x1x128xi32, #tpu.memory_space<hbm>>
      %dma_wait3A_102 = tpu.memref_squeeze %dma_wait3A_101 : memref<1x1x128xi32, #tpu.memory_space<hbm>> -> memref<128xi32, #tpu.memory_space<hbm>>
      %dma_wait3A_103 = arith.constant 0 : i32
      %dma_wait3A_104 = tpu.memref_slice %arg3[%add3A, %dma_wait3A_99, %dma_wait3A_103] : memref<32x88x128xi32, #tpu.memory_space<hbm>> -> memref<1x1x128xi32, #tpu.memory_space<hbm>>
      %dma_wait3A_105 = tpu.memref_squeeze %dma_wait3A_104 : memref<1x1x128xi32, #tpu.memory_space<hbm>> -> memref<128xi32, #tpu.memory_space<hbm>>
      tpu.wait_dma2 semaphore(%arg12 : memref<!tpu.dma_semaphore, #tpu.memory_space<semaphore_mem>>) src(%dma_wait3A_105 : memref<128xi32, #tpu.memory_space<hbm>>) dst(%arg7 : memref<128xi32, #tpu.memory_space<vmem>>)
      %dma_start3A_106 = arith.constant 0 : i32
      %dma_start3A_107 = arith.constant 0 : i32
      %dma_start3A_108 = tpu.memref_slice %arg2[%dma_start3A_106, %dma_start3A_107] : memref<10240x128xf32, #tpu.memory_space<hbm>> -> memref<10240x128xf32, #tpu.memory_space<hbm>>
      tpu.enqueue_indirect_dma source(%dma_start3A_108 : memref<10240x128xf32, #tpu.memory_space<hbm>>) target(%arg10 : memref<128x128xf32, #tpu.memory_space<vmem>>) offsets(%arg7 : memref<128xi32, #tpu.memory_space<vmem>>) semaphore(%arg14 : memref<!tpu.dma_semaphore, #tpu.memory_space<semaphore_mem>>)
      %dma_wait3A_109 = arith.constant 0 : i32
      %dma_wait3A_110 = arith.constant 0 : i32
      %dma_wait3A_111 = tpu.memref_slice %arg2[%dma_wait3A_109, %dma_wait3A_110] : memref<10240x128xf32, #tpu.memory_space<hbm>> -> memref<10240x128xf32, #tpu.memory_space<hbm>>
      tpu.wait_indirect_dma semaphore(%arg15 : memref<!tpu.dma_semaphore, #tpu.memory_space<semaphore_mem>>) src(%dma_wait3A_111 : memref<10240x128xf32, #tpu.memory_space<hbm>>) dst(%arg11 : memref<128x128xf32, #tpu.memory_space<vmem>>)
      %add3A_112 = arith.constant 3 : i32
      %add3A_113 = arith.addi %mul3A_77, %add3A_112 : i32
      %dma_start3A_114 = arith.constant 0 : i32
      %dma_start3A_115 = tpu.memref_slice %arg3[%add3A, %add3A_113, %dma_start3A_114] : memref<32x88x128xi32, #tpu.memory_space<hbm>> -> memref<1x1x128xi32, #tpu.memory_space<hbm>>
      %dma_start3A_116 = tpu.memref_squeeze %dma_start3A_115 : memref<1x1x128xi32, #tpu.memory_space<hbm>> -> memref<128xi32, #tpu.memory_space<hbm>>
      %dma_start3A_117 = arith.constant 0 : i32
      %dma_start3A_118 = tpu.memref_slice %arg3[%add3A, %add3A_113, %dma_start3A_117] : memref<32x88x128xi32, #tpu.memory_space<hbm>> -> memref<1x1x128xi32, #tpu.memory_space<hbm>>
      %dma_start3A_119 = tpu.memref_squeeze %dma_start3A_118 : memref<1x1x128xi32, #tpu.memory_space<hbm>> -> memref<128xi32, #tpu.memory_space<hbm>>
      tpu.enqueue_dma source(%dma_start3A_119 : memref<128xi32, #tpu.memory_space<hbm>>) target(%arg8 : memref<128xi32, #tpu.memory_space<vmem>>) target_semaphore(%arg13 : memref<!tpu.dma_semaphore, #tpu.memory_space<semaphore_mem>>)
      %add3A_120 = arith.constant 1 : i32
      %add3A_121 = arith.addi %mul3A_77, %add3A_120 : i32
      "tpu.region"() ({
        %run_scoped3A_123 = tpu.sem_alloc : memref<!tpu.dma_semaphore, #tpu.memory_space<semaphore_mem>>
        %dma_start3A_124 = arith.constant 0 : i32
        %dma_start3A_125 = tpu.memref_slice %arg9[%add3A_121, %dma_start3A_124] : memref<88x128xi32, #tpu.memory_space<vmem>> -> memref<1x128xi32, #tpu.memory_space<vmem>>
        %dma_start3A_126 = tpu.memref_squeeze %dma_start3A_125 : memref<1x128xi32, #tpu.memory_space<vmem>> -> memref<128xi32, #tpu.memory_space<vmem>>
        %dma_start3A_127 = arith.constant 0 : i32
        %dma_start3A_128 = arith.constant 0 : i32
        %dma_start3A_129 = tpu.memref_slice %arg16[%dma_start3A_127, %dma_start3A_128] : memref<10240x128xf32, #tpu.memory_space<vmem_shared>> -> memref<10240x128xf32, #tpu.memory_space<vmem_shared>>
        tpu.enqueue_indirect_dma source(%arg11 : memref<128x128xf32, #tpu.memory_space<vmem>>) target(%dma_start3A_129 : memref<10240x128xf32, #tpu.memory_space<vmem_shared>>) offsets(%dma_start3A_126 : memref<128xi32, #tpu.memory_space<vmem>>) semaphore(%run_scoped3A_123 : memref<!tpu.dma_semaphore, #tpu.memory_space<semaphore_mem>>) {add = true}
        %dma_wait3A_130 = arith.constant 0 : i32
        %dma_wait3A_131 = tpu.memref_slice %arg9[%add3A_121, %dma_wait3A_130] : memref<88x128xi32, #tpu.memory_space<vmem>> -> memref<1x128xi32, #tpu.memory_space<vmem>>
        %dma_wait3A_132 = tpu.memref_squeeze %dma_wait3A_131 : memref<1x128xi32, #tpu.memory_space<vmem>> -> memref<128xi32, #tpu.memory_space<vmem>>
        %dma_wait3A_133 = arith.constant 0 : i32
        %dma_wait3A_134 = arith.constant 0 : i32
        %dma_wait3A_135 = tpu.memref_slice %arg16[%dma_wait3A_133, %dma_wait3A_134] : memref<10240x128xf32, #tpu.memory_space<vmem_shared>> -> memref<10240x128xf32, #tpu.memory_space<vmem_shared>>
        tpu.wait_indirect_dma semaphore(%run_scoped3A_123 : memref<!tpu.dma_semaphore, #tpu.memory_space<semaphore_mem>>) src(%arg11 : memref<128x128xf32, #tpu.memory_space<vmem>>) dst(%dma_wait3A_135 : memref<10240x128xf32, #tpu.memory_space<vmem_shared>>)
        tpu.yield
      }) : () -> ()
      %scan3A_122 = arith.constant 0 : i32
      scf.yield %scan3A_122 : i32
    }
    %scan3A_58 = arith.constant 40 : i32
    %dma_wait3A_59 = arith.constant 0 : i32
    %dma_wait3A_60 = arith.constant 0 : i32
    %dma_wait3A_61 = tpu.memref_slice %arg2[%dma_wait3A_59, %dma_wait3A_60] : memref<10240x128xf32, #tpu.memory_space<hbm>> -> memref<10240x128xf32, #tpu.memory_space<hbm>>
    tpu.wait_indirect_dma semaphore(%arg14 : memref<!tpu.dma_semaphore, #tpu.memory_space<semaphore_mem>>) src(%dma_wait3A_61 : memref<10240x128xf32, #tpu.memory_space<hbm>>) dst(%arg10 : memref<128x128xf32, #tpu.memory_space<vmem>>)
    %dma_wait3A_62 = arith.constant 0 : i32
    %dma_wait3A_63 = arith.constant 0 : i32
    %dma_wait3A_64 = tpu.memref_slice %arg3[%add3A, %dma_wait3A_62, %dma_wait3A_63] : memref<32x88x128xi32, #tpu.memory_space<hbm>> -> memref<1x1x128xi32, #tpu.memory_space<hbm>>
    %dma_wait3A_65 = tpu.memref_squeeze %dma_wait3A_64 : memref<1x1x128xi32, #tpu.memory_space<hbm>> -> memref<128xi32, #tpu.memory_space<hbm>>
    %dma_wait3A_66 = arith.constant 0 : i32
    %dma_wait3A_67 = tpu.memref_slice %arg3[%add3A, %dma_wait3A_62, %dma_wait3A_66] : memref<32x88x128xi32, #tpu.memory_space<hbm>> -> memref<1x1x128xi32, #tpu.memory_space<hbm>>
    %dma_wait3A_68 = tpu.memref_squeeze %dma_wait3A_67 : memref<1x1x128xi32, #tpu.memory_space<hbm>> -> memref<128xi32, #tpu.memory_space<hbm>>
    tpu.wait_dma2 semaphore(%arg13 : memref<!tpu.dma_semaphore, #tpu.memory_space<semaphore_mem>>) src(%dma_wait3A_68 : memref<128xi32, #tpu.memory_space<hbm>>) dst(%arg8 : memref<128xi32, #tpu.memory_space<vmem>>)
    %barrier3A_69 = arith.constant 0 : index
    tpu.barrier barrier_id(%barrier3A_69)
    %mul3A_70 = arith.constant 640 : i32
    %mul3A_71 = arith.muli %arg1, %mul3A_70 : i32
    %mul3A_72 = arith.constant 640 : i32
    %mul3A_73 = arith.muli %arg1, %mul3A_72 : i32
    "tpu.region"() ({
      %run_scoped3A_74 = tpu.sem_alloc : memref<!tpu.dma_semaphore, #tpu.memory_space<semaphore_mem>>
      %dma_start3A_75 = arith.constant 0 : i32
      %dma_start3A_76 = tpu.memref_slice %arg6[%arg0, %mul3A_73, %dma_start3A_75] : memref<2x10240x128xf32, #tpu.memory_space<hbm>> -> memref<1x640x128xf32, #tpu.memory_space<hbm>>
      %dma_start3A_77 = tpu.memref_squeeze %dma_start3A_76 : memref<1x640x128xf32, #tpu.memory_space<hbm>> -> memref<640x128xf32, #tpu.memory_space<hbm>>
      %dma_start3A_78 = arith.constant 0 : i32
      %dma_start3A_79 = tpu.memref_slice %arg16[%mul3A_71, %dma_start3A_78] : memref<10240x128xf32, #tpu.memory_space<vmem_shared>> -> memref<640x128xf32, #tpu.memory_space<vmem_shared>>
      tpu.enqueue_dma source(%dma_start3A_79 : memref<640x128xf32, #tpu.memory_space<vmem_shared>>) target(%dma_start3A_77 : memref<640x128xf32, #tpu.memory_space<hbm>>) target_semaphore(%run_scoped3A_74 : memref<!tpu.dma_semaphore, #tpu.memory_space<semaphore_mem>>)
      %dma_wait3A_80 = arith.constant 0 : i32
      %dma_wait3A_81 = tpu.memref_slice %arg6[%arg0, %mul3A_73, %dma_wait3A_80] : memref<2x10240x128xf32, #tpu.memory_space<hbm>> -> memref<1x640x128xf32, #tpu.memory_space<hbm>>
      %dma_wait3A_82 = tpu.memref_squeeze %dma_wait3A_81 : memref<1x640x128xf32, #tpu.memory_space<hbm>> -> memref<640x128xf32, #tpu.memory_space<hbm>>
      %dma_wait3A_83 = arith.constant 0 : i32
      %dma_wait3A_84 = tpu.memref_slice %arg16[%mul3A_71, %dma_wait3A_83] : memref<10240x128xf32, #tpu.memory_space<vmem_shared>> -> memref<640x128xf32, #tpu.memory_space<vmem_shared>>
      tpu.wait_dma2 semaphore(%run_scoped3A_74 : memref<!tpu.dma_semaphore, #tpu.memory_space<semaphore_mem>>) src(%dma_wait3A_84 : memref<640x128xf32, #tpu.memory_space<vmem_shared>>) dst(%dma_wait3A_82 : memref<640x128xf32, #tpu.memory_space<hbm>>)
      tpu.yield
    }) : () -> ()
    return
  }
}

#map = affine_map<(d0, d1) -> (0, 0)>
#map1 = affine_map<(d0, d1) -> (0, 0, 0)>
module attributes {stable_mosaic.version = 14 : i64} {
  func.func @_prop_body_sized(%arg0: i32, %arg1: i32, %arg2: memref<10240x128xf32, #tpu.memory_space<hbm>>, %arg3: memref<32x88x128xi32, #tpu.memory_space<hbm>>, %arg4: memref<32x88x128xi32, #tpu.memory_space<hbm>>, %arg5: memref<2x128x128xf32, #tpu.memory_space<hbm>>, %arg6: memref<2x10240x128xf32, #tpu.memory_space<hbm>>, %arg7: memref<128xi32, #tpu.memory_space<vmem>>, %arg8: memref<128xi32, #tpu.memory_space<vmem>>, %arg9: memref<88x128xi32, #tpu.memory_space<vmem>>, %arg10: memref<128x128xf32, #tpu.memory_space<vmem>>, %arg11: memref<128x128xf32, #tpu.memory_space<vmem>>, %arg12: memref<!tpu.dma_semaphore, #tpu.memory_space<semaphore_mem>>, %arg13: memref<!tpu.dma_semaphore, #tpu.memory_space<semaphore_mem>>, %arg14: memref<!tpu.dma_semaphore, #tpu.memory_space<semaphore_mem>>, %arg15: memref<!tpu.dma_semaphore, #tpu.memory_space<semaphore_mem>>, %arg16: memref<10240x128xf32, #tpu.memory_space<vmem_shared>>) attributes {dimension_semantics = [#tpu.dimension_semantics<core_parallel>, #tpu.dimension_semantics<subcore_parallel>], iteration_bounds = array<i64: 2, 16>, scalar_prefetch = 0 : i64, scratch_operands = 10 : i64, tpu.core_type = #tpu.core_type<sc_vector_subcore>, window_params = [{transform_indices = #map}, {transform_indices = #map1}, {transform_indices = #map1}, {transform_indices = #map1}, {transform_indices = #map1}]} {
    %mul3A = arith.constant 16 : i32
    %mul3A_0 = arith.muli %arg0, %mul3A : i32
    %add3A = arith.addi %mul3A_0, %arg1 : i32
    "tpu.region"() ({
      %run_scoped3A_74 = tpu.sem_alloc : memref<!tpu.dma_semaphore, #tpu.memory_space<semaphore_mem>>
      %dma_start3A_75 = arith.constant 0 : i32
      %dma_start3A_76 = arith.constant 0 : i32
      %dma_start3A_77 = tpu.memref_slice %arg4[%add3A, %dma_start3A_75, %dma_start3A_76] : memref<32x88x128xi32, #tpu.memory_space<hbm>> -> memref<1x88x128xi32, #tpu.memory_space<hbm>>
      %dma_start3A_78 = tpu.memref_squeeze %dma_start3A_77 : memref<1x88x128xi32, #tpu.memory_space<hbm>> -> memref<88x128xi32, #tpu.memory_space<hbm>>
      %dma_start3A_79 = arith.constant 0 : i32
      %dma_start3A_80 = arith.constant 0 : i32
      %dma_start3A_81 = tpu.memref_slice %arg4[%add3A, %dma_start3A_79, %dma_start3A_80] : memref<32x88x128xi32, #tpu.memory_space<hbm>> -> memref<1x88x128xi32, #tpu.memory_space<hbm>>
      %dma_start3A_82 = tpu.memref_squeeze %dma_start3A_81 : memref<1x88x128xi32, #tpu.memory_space<hbm>> -> memref<88x128xi32, #tpu.memory_space<hbm>>
      tpu.enqueue_dma source(%dma_start3A_82 : memref<88x128xi32, #tpu.memory_space<hbm>>) target(%arg9 : memref<88x128xi32, #tpu.memory_space<vmem>>) target_semaphore(%run_scoped3A_74 : memref<!tpu.dma_semaphore, #tpu.memory_space<semaphore_mem>>)
      %dma_wait3A_83 = arith.constant 0 : i32
      %dma_wait3A_84 = arith.constant 0 : i32
      %dma_wait3A_85 = tpu.memref_slice %arg4[%add3A, %dma_wait3A_83, %dma_wait3A_84] : memref<32x88x128xi32, #tpu.memory_space<hbm>> -> memref<1x88x128xi32, #tpu.memory_space<hbm>>
      %dma_wait3A_86 = tpu.memref_squeeze %dma_wait3A_85 : memref<1x88x128xi32, #tpu.memory_space<hbm>> -> memref<88x128xi32, #tpu.memory_space<hbm>>
      %dma_wait3A_87 = arith.constant 0 : i32
      %dma_wait3A_88 = arith.constant 0 : i32
      %dma_wait3A_89 = tpu.memref_slice %arg4[%add3A, %dma_wait3A_87, %dma_wait3A_88] : memref<32x88x128xi32, #tpu.memory_space<hbm>> -> memref<1x88x128xi32, #tpu.memory_space<hbm>>
      %dma_wait3A_90 = tpu.memref_squeeze %dma_wait3A_89 : memref<1x88x128xi32, #tpu.memory_space<hbm>> -> memref<88x128xi32, #tpu.memory_space<hbm>>
      tpu.wait_dma2 semaphore(%run_scoped3A_74 : memref<!tpu.dma_semaphore, #tpu.memory_space<semaphore_mem>>) src(%dma_wait3A_90 : memref<88x128xi32, #tpu.memory_space<hbm>>) dst(%arg9 : memref<88x128xi32, #tpu.memory_space<vmem>>)
      tpu.yield
    }) : () -> ()
    %run_scoped3A = arith.constant 0 : i32
    "tpu.region"() ({
      %run_scoped3A_74 = tpu.sem_alloc : memref<!tpu.dma_semaphore, #tpu.memory_space<semaphore_mem>>
      %dma_start3A_75 = arith.constant 0 : i32
      %dma_start3A_76 = arith.constant 0 : i32
      %dma_start3A_77 = tpu.memref_slice %arg5[%run_scoped3A, %dma_start3A_75, %dma_start3A_76] : memref<2x128x128xf32, #tpu.memory_space<hbm>> -> memref<1x128x128xf32, #tpu.memory_space<hbm>>
      %dma_start3A_78 = tpu.memref_squeeze %dma_start3A_77 : memref<1x128x128xf32, #tpu.memory_space<hbm>> -> memref<128x128xf32, #tpu.memory_space<hbm>>
      %dma_start3A_79 = arith.constant 0 : i32
      %dma_start3A_80 = arith.constant 0 : i32
      %dma_start3A_81 = tpu.memref_slice %arg5[%run_scoped3A, %dma_start3A_79, %dma_start3A_80] : memref<2x128x128xf32, #tpu.memory_space<hbm>> -> memref<1x128x128xf32, #tpu.memory_space<hbm>>
      %dma_start3A_82 = tpu.memref_squeeze %dma_start3A_81 : memref<1x128x128xf32, #tpu.memory_space<hbm>> -> memref<128x128xf32, #tpu.memory_space<hbm>>
      tpu.enqueue_dma source(%dma_start3A_82 : memref<128x128xf32, #tpu.memory_space<hbm>>) target(%arg10 : memref<128x128xf32, #tpu.memory_space<vmem>>) target_semaphore(%run_scoped3A_74 : memref<!tpu.dma_semaphore, #tpu.memory_space<semaphore_mem>>)
      %dma_wait3A_83 = arith.constant 0 : i32
      %dma_wait3A_84 = arith.constant 0 : i32
      %dma_wait3A_85 = tpu.memref_slice %arg5[%run_scoped3A, %dma_wait3A_83, %dma_wait3A_84] : memref<2x128x128xf32, #tpu.memory_space<hbm>> -> memref<1x128x128xf32, #tpu.memory_space<hbm>>
      %dma_wait3A_86 = tpu.memref_squeeze %dma_wait3A_85 : memref<1x128x128xf32, #tpu.memory_space<hbm>> -> memref<128x128xf32, #tpu.memory_space<hbm>>
      %dma_wait3A_87 = arith.constant 0 : i32
      %dma_wait3A_88 = arith.constant 0 : i32
      %dma_wait3A_89 = tpu.memref_slice %arg5[%run_scoped3A, %dma_wait3A_87, %dma_wait3A_88] : memref<2x128x128xf32, #tpu.memory_space<hbm>> -> memref<1x128x128xf32, #tpu.memory_space<hbm>>
      %dma_wait3A_90 = tpu.memref_squeeze %dma_wait3A_89 : memref<1x128x128xf32, #tpu.memory_space<hbm>> -> memref<128x128xf32, #tpu.memory_space<hbm>>
      tpu.wait_dma2 semaphore(%run_scoped3A_74 : memref<!tpu.dma_semaphore, #tpu.memory_space<semaphore_mem>>) src(%dma_wait3A_90 : memref<128x128xf32, #tpu.memory_space<hbm>>) dst(%arg10 : memref<128x128xf32, #tpu.memory_space<vmem>>)
      tpu.yield
    }) : () -> ()
    %mul3A_1 = arith.constant 5 : i32
    %mul3A_2 = arith.muli %arg1, %mul3A_1 : i32
    %add3A_3 = arith.constant 0 : i32
    %add3A_4 = arith.addi %mul3A_2, %add3A_3 : i32
    %mul3A_5 = arith.constant 128 : i32
    %mul3A_6 = arith.muli %add3A_4, %mul3A_5 : i32
    "tpu.region"() ({
      %run_scoped3A_74 = tpu.sem_alloc : memref<!tpu.dma_semaphore, #tpu.memory_space<semaphore_mem>>
      %dma_start3A_75 = arith.constant 0 : i32
      %dma_start3A_76 = tpu.memref_slice %arg16[%mul3A_6, %dma_start3A_75] : memref<10240x128xf32, #tpu.memory_space<vmem_shared>> -> memref<128x128xf32, #tpu.memory_space<vmem_shared>>
      %dma_start3A_77 = arith.constant 0 : i32
      %dma_start3A_78 = tpu.memref_slice %arg16[%mul3A_6, %dma_start3A_77] : memref<10240x128xf32, #tpu.memory_space<vmem_shared>> -> memref<128x128xf32, #tpu.memory_space<vmem_shared>>
      tpu.enqueue_dma source(%arg10 : memref<128x128xf32, #tpu.memory_space<vmem>>) target(%dma_start3A_78 : memref<128x128xf32, #tpu.memory_space<vmem_shared>>) target_semaphore(%run_scoped3A_74 : memref<!tpu.dma_semaphore, #tpu.memory_space<semaphore_mem>>)
      %dma_wait3A_79 = arith.constant 0 : i32
      %dma_wait3A_80 = tpu.memref_slice %arg16[%mul3A_6, %dma_wait3A_79] : memref<10240x128xf32, #tpu.memory_space<vmem_shared>> -> memref<128x128xf32, #tpu.memory_space<vmem_shared>>
      %dma_wait3A_81 = arith.constant 0 : i32
      %dma_wait3A_82 = tpu.memref_slice %arg16[%mul3A_6, %dma_wait3A_81] : memref<10240x128xf32, #tpu.memory_space<vmem_shared>> -> memref<128x128xf32, #tpu.memory_space<vmem_shared>>
      tpu.wait_dma2 semaphore(%run_scoped3A_74 : memref<!tpu.dma_semaphore, #tpu.memory_space<semaphore_mem>>) src(%arg10 : memref<128x128xf32, #tpu.memory_space<vmem>>) dst(%dma_wait3A_82 : memref<128x128xf32, #tpu.memory_space<vmem_shared>>)
      tpu.yield
    }) : () -> ()
    %mul3A_7 = arith.constant 5 : i32
    %mul3A_8 = arith.muli %arg1, %mul3A_7 : i32
    %add3A_9 = arith.constant 1 : i32
    %add3A_10 = arith.addi %mul3A_8, %add3A_9 : i32
    %mul3A_11 = arith.constant 128 : i32
    %mul3A_12 = arith.muli %add3A_10, %mul3A_11 : i32
    "tpu.region"() ({
      %run_scoped3A_74 = tpu.sem_alloc : memref<!tpu.dma_semaphore, #tpu.memory_space<semaphore_mem>>
      %dma_start3A_75 = arith.constant 0 : i32
      %dma_start3A_76 = tpu.memref_slice %arg16[%mul3A_12, %dma_start3A_75] : memref<10240x128xf32, #tpu.memory_space<vmem_shared>> -> memref<128x128xf32, #tpu.memory_space<vmem_shared>>
      %dma_start3A_77 = arith.constant 0 : i32
      %dma_start3A_78 = tpu.memref_slice %arg16[%mul3A_12, %dma_start3A_77] : memref<10240x128xf32, #tpu.memory_space<vmem_shared>> -> memref<128x128xf32, #tpu.memory_space<vmem_shared>>
      tpu.enqueue_dma source(%arg10 : memref<128x128xf32, #tpu.memory_space<vmem>>) target(%dma_start3A_78 : memref<128x128xf32, #tpu.memory_space<vmem_shared>>) target_semaphore(%run_scoped3A_74 : memref<!tpu.dma_semaphore, #tpu.memory_space<semaphore_mem>>)
      %dma_wait3A_79 = arith.constant 0 : i32
      %dma_wait3A_80 = tpu.memref_slice %arg16[%mul3A_12, %dma_wait3A_79] : memref<10240x128xf32, #tpu.memory_space<vmem_shared>> -> memref<128x128xf32, #tpu.memory_space<vmem_shared>>
      %dma_wait3A_81 = arith.constant 0 : i32
      %dma_wait3A_82 = tpu.memref_slice %arg16[%mul3A_12, %dma_wait3A_81] : memref<10240x128xf32, #tpu.memory_space<vmem_shared>> -> memref<128x128xf32, #tpu.memory_space<vmem_shared>>
      tpu.wait_dma2 semaphore(%run_scoped3A_74 : memref<!tpu.dma_semaphore, #tpu.memory_space<semaphore_mem>>) src(%arg10 : memref<128x128xf32, #tpu.memory_space<vmem>>) dst(%dma_wait3A_82 : memref<128x128xf32, #tpu.memory_space<vmem_shared>>)
      tpu.yield
    }) : () -> ()
    %mul3A_13 = arith.constant 5 : i32
    %mul3A_14 = arith.muli %arg1, %mul3A_13 : i32
    %add3A_15 = arith.constant 2 : i32
    %add3A_16 = arith.addi %mul3A_14, %add3A_15 : i32
    %mul3A_17 = arith.constant 128 : i32
    %mul3A_18 = arith.muli %add3A_16, %mul3A_17 : i32
    "tpu.region"() ({
      %run_scoped3A_74 = tpu.sem_alloc : memref<!tpu.dma_semaphore, #tpu.memory_space<semaphore_mem>>
      %dma_start3A_75 = arith.constant 0 : i32
      %dma_start3A_76 = tpu.memref_slice %arg16[%mul3A_18, %dma_start3A_75] : memref<10240x128xf32, #tpu.memory_space<vmem_shared>> -> memref<128x128xf32, #tpu.memory_space<vmem_shared>>
      %dma_start3A_77 = arith.constant 0 : i32
      %dma_start3A_78 = tpu.memref_slice %arg16[%mul3A_18, %dma_start3A_77] : memref<10240x128xf32, #tpu.memory_space<vmem_shared>> -> memref<128x128xf32, #tpu.memory_space<vmem_shared>>
      tpu.enqueue_dma source(%arg10 : memref<128x128xf32, #tpu.memory_space<vmem>>) target(%dma_start3A_78 : memref<128x128xf32, #tpu.memory_space<vmem_shared>>) target_semaphore(%run_scoped3A_74 : memref<!tpu.dma_semaphore, #tpu.memory_space<semaphore_mem>>)
      %dma_wait3A_79 = arith.constant 0 : i32
      %dma_wait3A_80 = tpu.memref_slice %arg16[%mul3A_18, %dma_wait3A_79] : memref<10240x128xf32, #tpu.memory_space<vmem_shared>> -> memref<128x128xf32, #tpu.memory_space<vmem_shared>>
      %dma_wait3A_81 = arith.constant 0 : i32
      %dma_wait3A_82 = tpu.memref_slice %arg16[%mul3A_18, %dma_wait3A_81] : memref<10240x128xf32, #tpu.memory_space<vmem_shared>> -> memref<128x128xf32, #tpu.memory_space<vmem_shared>>
      tpu.wait_dma2 semaphore(%run_scoped3A_74 : memref<!tpu.dma_semaphore, #tpu.memory_space<semaphore_mem>>) src(%arg10 : memref<128x128xf32, #tpu.memory_space<vmem>>) dst(%dma_wait3A_82 : memref<128x128xf32, #tpu.memory_space<vmem_shared>>)
      tpu.yield
    }) : () -> ()
    %mul3A_19 = arith.constant 5 : i32
    %mul3A_20 = arith.muli %arg1, %mul3A_19 : i32
    %add3A_21 = arith.constant 3 : i32
    %add3A_22 = arith.addi %mul3A_20, %add3A_21 : i32
    %mul3A_23 = arith.constant 128 : i32
    %mul3A_24 = arith.muli %add3A_22, %mul3A_23 : i32
    "tpu.region"() ({
      %run_scoped3A_74 = tpu.sem_alloc : memref<!tpu.dma_semaphore, #tpu.memory_space<semaphore_mem>>
      %dma_start3A_75 = arith.constant 0 : i32
      %dma_start3A_76 = tpu.memref_slice %arg16[%mul3A_24, %dma_start3A_75] : memref<10240x128xf32, #tpu.memory_space<vmem_shared>> -> memref<128x128xf32, #tpu.memory_space<vmem_shared>>
      %dma_start3A_77 = arith.constant 0 : i32
      %dma_start3A_78 = tpu.memref_slice %arg16[%mul3A_24, %dma_start3A_77] : memref<10240x128xf32, #tpu.memory_space<vmem_shared>> -> memref<128x128xf32, #tpu.memory_space<vmem_shared>>
      tpu.enqueue_dma source(%arg10 : memref<128x128xf32, #tpu.memory_space<vmem>>) target(%dma_start3A_78 : memref<128x128xf32, #tpu.memory_space<vmem_shared>>) target_semaphore(%run_scoped3A_74 : memref<!tpu.dma_semaphore, #tpu.memory_space<semaphore_mem>>)
      %dma_wait3A_79 = arith.constant 0 : i32
      %dma_wait3A_80 = tpu.memref_slice %arg16[%mul3A_24, %dma_wait3A_79] : memref<10240x128xf32, #tpu.memory_space<vmem_shared>> -> memref<128x128xf32, #tpu.memory_space<vmem_shared>>
      %dma_wait3A_81 = arith.constant 0 : i32
      %dma_wait3A_82 = tpu.memref_slice %arg16[%mul3A_24, %dma_wait3A_81] : memref<10240x128xf32, #tpu.memory_space<vmem_shared>> -> memref<128x128xf32, #tpu.memory_space<vmem_shared>>
      tpu.wait_dma2 semaphore(%run_scoped3A_74 : memref<!tpu.dma_semaphore, #tpu.memory_space<semaphore_mem>>) src(%arg10 : memref<128x128xf32, #tpu.memory_space<vmem>>) dst(%dma_wait3A_82 : memref<128x128xf32, #tpu.memory_space<vmem_shared>>)
      tpu.yield
    }) : () -> ()
    %mul3A_25 = arith.constant 5 : i32
    %mul3A_26 = arith.muli %arg1, %mul3A_25 : i32
    %add3A_27 = arith.constant 4 : i32
    %add3A_28 = arith.addi %mul3A_26, %add3A_27 : i32
    %mul3A_29 = arith.constant 128 : i32
    %mul3A_30 = arith.muli %add3A_28, %mul3A_29 : i32
    "tpu.region"() ({
      %run_scoped3A_74 = tpu.sem_alloc : memref<!tpu.dma_semaphore, #tpu.memory_space<semaphore_mem>>
      %dma_start3A_75 = arith.constant 0 : i32
      %dma_start3A_76 = tpu.memref_slice %arg16[%mul3A_30, %dma_start3A_75] : memref<10240x128xf32, #tpu.memory_space<vmem_shared>> -> memref<128x128xf32, #tpu.memory_space<vmem_shared>>
      %dma_start3A_77 = arith.constant 0 : i32
      %dma_start3A_78 = tpu.memref_slice %arg16[%mul3A_30, %dma_start3A_77] : memref<10240x128xf32, #tpu.memory_space<vmem_shared>> -> memref<128x128xf32, #tpu.memory_space<vmem_shared>>
      tpu.enqueue_dma source(%arg10 : memref<128x128xf32, #tpu.memory_space<vmem>>) target(%dma_start3A_78 : memref<128x128xf32, #tpu.memory_space<vmem_shared>>) target_semaphore(%run_scoped3A_74 : memref<!tpu.dma_semaphore, #tpu.memory_space<semaphore_mem>>)
      %dma_wait3A_79 = arith.constant 0 : i32
      %dma_wait3A_80 = tpu.memref_slice %arg16[%mul3A_30, %dma_wait3A_79] : memref<10240x128xf32, #tpu.memory_space<vmem_shared>> -> memref<128x128xf32, #tpu.memory_space<vmem_shared>>
      %dma_wait3A_81 = arith.constant 0 : i32
      %dma_wait3A_82 = tpu.memref_slice %arg16[%mul3A_30, %dma_wait3A_81] : memref<10240x128xf32, #tpu.memory_space<vmem_shared>> -> memref<128x128xf32, #tpu.memory_space<vmem_shared>>
      tpu.wait_dma2 semaphore(%run_scoped3A_74 : memref<!tpu.dma_semaphore, #tpu.memory_space<semaphore_mem>>) src(%arg10 : memref<128x128xf32, #tpu.memory_space<vmem>>) dst(%dma_wait3A_82 : memref<128x128xf32, #tpu.memory_space<vmem_shared>>)
      tpu.yield
    }) : () -> ()
    %barrier3A = arith.constant 0 : index
    tpu.barrier barrier_id(%barrier3A)
    %dma_start3A = arith.constant 0 : i32
    %dma_start3A_31 = arith.constant 0 : i32
    %dma_start3A_32 = tpu.memref_slice %arg3[%add3A, %dma_start3A, %dma_start3A_31] : memref<32x88x128xi32, #tpu.memory_space<hbm>> -> memref<1x1x128xi32, #tpu.memory_space<hbm>>
    %dma_start3A_33 = tpu.memref_squeeze %dma_start3A_32 : memref<1x1x128xi32, #tpu.memory_space<hbm>> -> memref<128xi32, #tpu.memory_space<hbm>>
    %dma_start3A_34 = arith.constant 0 : i32
    %dma_start3A_35 = tpu.memref_slice %arg3[%add3A, %dma_start3A, %dma_start3A_34] : memref<32x88x128xi32, #tpu.memory_space<hbm>> -> memref<1x1x128xi32, #tpu.memory_space<hbm>>
    %dma_start3A_36 = tpu.memref_squeeze %dma_start3A_35 : memref<1x1x128xi32, #tpu.memory_space<hbm>> -> memref<128xi32, #tpu.memory_space<hbm>>
    tpu.enqueue_dma source(%dma_start3A_36 : memref<128xi32, #tpu.memory_space<hbm>>) target(%arg7 : memref<128xi32, #tpu.memory_space<vmem>>) target_semaphore(%arg12 : memref<!tpu.dma_semaphore, #tpu.memory_space<semaphore_mem>>)
    %dma_start3A_37 = arith.constant 1 : i32
    %dma_start3A_38 = arith.constant 0 : i32
    %dma_start3A_39 = tpu.memref_slice %arg3[%add3A, %dma_start3A_37, %dma_start3A_38] : memref<32x88x128xi32, #tpu.memory_space<hbm>> -> memref<1x1x128xi32, #tpu.memory_space<hbm>>
    %dma_start3A_40 = tpu.memref_squeeze %dma_start3A_39 : memref<1x1x128xi32, #tpu.memory_space<hbm>> -> memref<128xi32, #tpu.memory_space<hbm>>
    %dma_start3A_41 = arith.constant 0 : i32
    %dma_start3A_42 = tpu.memref_slice %arg3[%add3A, %dma_start3A_37, %dma_start3A_41] : memref<32x88x128xi32, #tpu.memory_space<hbm>> -> memref<1x1x128xi32, #tpu.memory_space<hbm>>
    %dma_start3A_43 = tpu.memref_squeeze %dma_start3A_42 : memref<1x1x128xi32, #tpu.memory_space<hbm>> -> memref<128xi32, #tpu.memory_space<hbm>>
    tpu.enqueue_dma source(%dma_start3A_43 : memref<128xi32, #tpu.memory_space<hbm>>) target(%arg8 : memref<128xi32, #tpu.memory_space<vmem>>) target_semaphore(%arg13 : memref<!tpu.dma_semaphore, #tpu.memory_space<semaphore_mem>>)
    %dma_wait3A = arith.constant 0 : i32
    %dma_wait3A_44 = arith.constant 0 : i32
    %dma_wait3A_45 = tpu.memref_slice %arg3[%add3A, %dma_wait3A, %dma_wait3A_44] : memref<32x88x128xi32, #tpu.memory_space<hbm>> -> memref<1x1x128xi32, #tpu.memory_space<hbm>>
    %dma_wait3A_46 = tpu.memref_squeeze %dma_wait3A_45 : memref<1x1x128xi32, #tpu.memory_space<hbm>> -> memref<128xi32, #tpu.memory_space<hbm>>
    %dma_wait3A_47 = arith.constant 0 : i32
    %dma_wait3A_48 = tpu.memref_slice %arg3[%add3A, %dma_wait3A, %dma_wait3A_47] : memref<32x88x128xi32, #tpu.memory_space<hbm>> -> memref<1x1x128xi32, #tpu.memory_space<hbm>>
    %dma_wait3A_49 = tpu.memref_squeeze %dma_wait3A_48 : memref<1x1x128xi32, #tpu.memory_space<hbm>> -> memref<128xi32, #tpu.memory_space<hbm>>
    tpu.wait_dma2 semaphore(%arg12 : memref<!tpu.dma_semaphore, #tpu.memory_space<semaphore_mem>>) src(%dma_wait3A_49 : memref<128xi32, #tpu.memory_space<hbm>>) dst(%arg7 : memref<128xi32, #tpu.memory_space<vmem>>)
    %dma_start3A_50 = arith.constant 0 : i32
    %dma_start3A_51 = arith.constant 0 : i32
    %dma_start3A_52 = tpu.memref_slice %arg2[%dma_start3A_50, %dma_start3A_51] : memref<10240x128xf32, #tpu.memory_space<hbm>> -> memref<10240x128xf32, #tpu.memory_space<hbm>>
    tpu.enqueue_indirect_dma source(%dma_start3A_52 : memref<10240x128xf32, #tpu.memory_space<hbm>>) target(%arg10 : memref<128x128xf32, #tpu.memory_space<vmem>>) offsets(%arg7 : memref<128xi32, #tpu.memory_space<vmem>>) semaphore(%arg14 : memref<!tpu.dma_semaphore, #tpu.memory_space<semaphore_mem>>)
    %scan3A = arith.constant 0 : i32
    %scan3A_53 = arith.constant 0 : i32
    %scan3A_54 = arith.constant 40 : i32
    %scan3A_55 = arith.addi %scan3A_53, %scan3A_54 : i32
    %scan3A_56 = arith.constant 1 : i32
    %scan3A_57 = scf.for %scan3A_74 = %scan3A_53 to %scan3A_55 step %scan3A_56 iter_args(%scan3A_75 = %scan3A) -> (i32)  : i32 {
      %mul3A_76 = arith.constant 2 : i32
      %mul3A_77 = arith.muli %scan3A_74, %mul3A_76 : i32
      %dma_wait3A_78 = arith.constant 0 : i32
      %dma_wait3A_79 = arith.constant 0 : i32
      %dma_wait3A_80 = tpu.memref_slice %arg3[%add3A, %dma_wait3A_78, %dma_wait3A_79] : memref<32x88x128xi32, #tpu.memory_space<hbm>> -> memref<1x1x128xi32, #tpu.memory_space<hbm>>
      %dma_wait3A_81 = tpu.memref_squeeze %dma_wait3A_80 : memref<1x1x128xi32, #tpu.memory_space<hbm>> -> memref<128xi32, #tpu.memory_space<hbm>>
      %dma_wait3A_82 = arith.constant 0 : i32
      %dma_wait3A_83 = tpu.memref_slice %arg3[%add3A, %dma_wait3A_78, %dma_wait3A_82] : memref<32x88x128xi32, #tpu.memory_space<hbm>> -> memref<1x1x128xi32, #tpu.memory_space<hbm>>
      %dma_wait3A_84 = tpu.memref_squeeze %dma_wait3A_83 : memref<1x1x128xi32, #tpu.memory_space<hbm>> -> memref<128xi32, #tpu.memory_space<hbm>>
      tpu.wait_dma2 semaphore(%arg13 : memref<!tpu.dma_semaphore, #tpu.memory_space<semaphore_mem>>) src(%dma_wait3A_84 : memref<128xi32, #tpu.memory_space<hbm>>) dst(%arg8 : memref<128xi32, #tpu.memory_space<vmem>>)
      %dma_start3A_85 = arith.constant 0 : i32
      %dma_start3A_86 = arith.constant 0 : i32
      %dma_start3A_87 = tpu.memref_slice %arg2[%dma_start3A_85, %dma_start3A_86] : memref<10240x128xf32, #tpu.memory_space<hbm>> -> memref<10240x128xf32, #tpu.memory_space<hbm>>
      tpu.enqueue_indirect_dma source(%dma_start3A_87 : memref<10240x128xf32, #tpu.memory_space<hbm>>) target(%arg11 : memref<128x128xf32, #tpu.memory_space<vmem>>) offsets(%arg8 : memref<128xi32, #tpu.memory_space<vmem>>) semaphore(%arg15 : memref<!tpu.dma_semaphore, #tpu.memory_space<semaphore_mem>>)
      %dma_wait3A_88 = arith.constant 0 : i32
      %dma_wait3A_89 = arith.constant 0 : i32
      %dma_wait3A_90 = tpu.memref_slice %arg2[%dma_wait3A_88, %dma_wait3A_89] : memref<10240x128xf32, #tpu.memory_space<hbm>> -> memref<10240x128xf32, #tpu.memory_space<hbm>>
      tpu.wait_indirect_dma semaphore(%arg14 : memref<!tpu.dma_semaphore, #tpu.memory_space<semaphore_mem>>) src(%dma_wait3A_90 : memref<10240x128xf32, #tpu.memory_space<hbm>>) dst(%arg10 : memref<128x128xf32, #tpu.memory_space<vmem>>)
      %add3A_91 = arith.constant 2 : i32
      %add3A_92 = arith.addi %mul3A_77, %add3A_91 : i32
      %dma_start3A_93 = arith.constant 0 : i32
      %dma_start3A_94 = tpu.memref_slice %arg3[%add3A, %add3A_92, %dma_start3A_93] : memref<32x88x128xi32, #tpu.memory_space<hbm>> -> memref<1x1x128xi32, #tpu.memory_space<hbm>>
      %dma_start3A_95 = tpu.memref_squeeze %dma_start3A_94 : memref<1x1x128xi32, #tpu.memory_space<hbm>> -> memref<128xi32, #tpu.memory_space<hbm>>
      %dma_start3A_96 = arith.constant 0 : i32
      %dma_start3A_97 = tpu.memref_slice %arg3[%add3A, %add3A_92, %dma_start3A_96] : memref<32x88x128xi32, #tpu.memory_space<hbm>> -> memref<1x1x128xi32, #tpu.memory_space<hbm>>
      %dma_start3A_98 = tpu.memref_squeeze %dma_start3A_97 : memref<1x1x128xi32, #tpu.memory_space<hbm>> -> memref<128xi32, #tpu.memory_space<hbm>>
      tpu.enqueue_dma source(%dma_start3A_98 : memref<128xi32, #tpu.memory_space<hbm>>) target(%arg7 : memref<128xi32, #tpu.memory_space<vmem>>) target_semaphore(%arg12 : memref<!tpu.dma_semaphore, #tpu.memory_space<semaphore_mem>>)
      "tpu.region"() ({
        %run_scoped3A_123 = tpu.sem_alloc : memref<!tpu.dma_semaphore, #tpu.memory_space<semaphore_mem>>
        %dma_start3A_124 = arith.constant 0 : i32
        %dma_start3A_125 = tpu.memref_slice %arg9[%mul3A_77, %dma_start3A_124] : memref<88x128xi32, #tpu.memory_space<vmem>> -> memref<1x128xi32, #tpu.memory_space<vmem>>
        %dma_start3A_126 = tpu.memref_squeeze %dma_start3A_125 : memref<1x128xi32, #tpu.memory_space<vmem>> -> memref<128xi32, #tpu.memory_space<vmem>>
        %dma_start3A_127 = arith.constant 0 : i32
        %dma_start3A_128 = arith.constant 0 : i32
        %dma_start3A_129 = tpu.memref_slice %arg16[%dma_start3A_127, %dma_start3A_128] : memref<10240x128xf32, #tpu.memory_space<vmem_shared>> -> memref<10240x128xf32, #tpu.memory_space<vmem_shared>>
        tpu.enqueue_indirect_dma source(%arg10 : memref<128x128xf32, #tpu.memory_space<vmem>>) target(%dma_start3A_129 : memref<10240x128xf32, #tpu.memory_space<vmem_shared>>) offsets(%dma_start3A_126 : memref<128xi32, #tpu.memory_space<vmem>>) semaphore(%run_scoped3A_123 : memref<!tpu.dma_semaphore, #tpu.memory_space<semaphore_mem>>) {add = true}
        %dma_wait3A_130 = arith.constant 0 : i32
        %dma_wait3A_131 = tpu.memref_slice %arg9[%mul3A_77, %dma_wait3A_130] : memref<88x128xi32, #tpu.memory_space<vmem>> -> memref<1x128xi32, #tpu.memory_space<vmem>>
        %dma_wait3A_132 = tpu.memref_squeeze %dma_wait3A_131 : memref<1x128xi32, #tpu.memory_space<vmem>> -> memref<128xi32, #tpu.memory_space<vmem>>
        %dma_wait3A_133 = arith.constant 0 : i32
        %dma_wait3A_134 = arith.constant 0 : i32
        %dma_wait3A_135 = tpu.memref_slice %arg16[%dma_wait3A_133, %dma_wait3A_134] : memref<10240x128xf32, #tpu.memory_space<vmem_shared>> -> memref<10240x128xf32, #tpu.memory_space<vmem_shared>>
        tpu.wait_indirect_dma semaphore(%run_scoped3A_123 : memref<!tpu.dma_semaphore, #tpu.memory_space<semaphore_mem>>) src(%arg10 : memref<128x128xf32, #tpu.memory_space<vmem>>) dst(%dma_wait3A_135 : memref<10240x128xf32, #tpu.memory_space<vmem_shared>>)
        tpu.yield
      }) : () -> ()
      %dma_wait3A_99 = arith.constant 0 : i32
      %dma_wait3A_100 = arith.constant 0 : i32
      %dma_wait3A_101 = tpu.memref_slice %arg3[%add3A, %dma_wait3A_99, %dma_wait3A_100] : memref<32x88x128xi32, #tpu.memory_space<hbm>> -> memref<1x1x128xi32, #tpu.memory_space<hbm>>
      %dma_wait3A_102 = tpu.memref_squeeze %dma_wait3A_101 : memref<1x1x128xi32, #tpu.memory_space<hbm>> -> memref<128xi32, #tpu.memory_space<hbm>>
      %dma_wait3A_103 = arith.constant 0 : i32
      %dma_wait3A_104 = tpu.memref_slice %arg3[%add3A, %dma_wait3A_99, %dma_wait3A_103] : memref<32x88x128xi32, #tpu.memory_space<hbm>> -> memref<1x1x128xi32, #tpu.memory_space<hbm>>
      %dma_wait3A_105 = tpu.memref_squeeze %dma_wait3A_104 : memref<1x1x128xi32, #tpu.memory_space<hbm>> -> memref<128xi32, #tpu.memory_space<hbm>>
      tpu.wait_dma2 semaphore(%arg12 : memref<!tpu.dma_semaphore, #tpu.memory_space<semaphore_mem>>) src(%dma_wait3A_105 : memref<128xi32, #tpu.memory_space<hbm>>) dst(%arg7 : memref<128xi32, #tpu.memory_space<vmem>>)
      %dma_start3A_106 = arith.constant 0 : i32
      %dma_start3A_107 = arith.constant 0 : i32
      %dma_start3A_108 = tpu.memref_slice %arg2[%dma_start3A_106, %dma_start3A_107] : memref<10240x128xf32, #tpu.memory_space<hbm>> -> memref<10240x128xf32, #tpu.memory_space<hbm>>
      tpu.enqueue_indirect_dma source(%dma_start3A_108 : memref<10240x128xf32, #tpu.memory_space<hbm>>) target(%arg10 : memref<128x128xf32, #tpu.memory_space<vmem>>) offsets(%arg7 : memref<128xi32, #tpu.memory_space<vmem>>) semaphore(%arg14 : memref<!tpu.dma_semaphore, #tpu.memory_space<semaphore_mem>>)
      %dma_wait3A_109 = arith.constant 0 : i32
      %dma_wait3A_110 = arith.constant 0 : i32
      %dma_wait3A_111 = tpu.memref_slice %arg2[%dma_wait3A_109, %dma_wait3A_110] : memref<10240x128xf32, #tpu.memory_space<hbm>> -> memref<10240x128xf32, #tpu.memory_space<hbm>>
      tpu.wait_indirect_dma semaphore(%arg15 : memref<!tpu.dma_semaphore, #tpu.memory_space<semaphore_mem>>) src(%dma_wait3A_111 : memref<10240x128xf32, #tpu.memory_space<hbm>>) dst(%arg11 : memref<128x128xf32, #tpu.memory_space<vmem>>)
      %add3A_112 = arith.constant 3 : i32
      %add3A_113 = arith.addi %mul3A_77, %add3A_112 : i32
      %dma_start3A_114 = arith.constant 0 : i32
      %dma_start3A_115 = tpu.memref_slice %arg3[%add3A, %add3A_113, %dma_start3A_114] : memref<32x88x128xi32, #tpu.memory_space<hbm>> -> memref<1x1x128xi32, #tpu.memory_space<hbm>>
      %dma_start3A_116 = tpu.memref_squeeze %dma_start3A_115 : memref<1x1x128xi32, #tpu.memory_space<hbm>> -> memref<128xi32, #tpu.memory_space<hbm>>
      %dma_start3A_117 = arith.constant 0 : i32
      %dma_start3A_118 = tpu.memref_slice %arg3[%add3A, %add3A_113, %dma_start3A_117] : memref<32x88x128xi32, #tpu.memory_space<hbm>> -> memref<1x1x128xi32, #tpu.memory_space<hbm>>
      %dma_start3A_119 = tpu.memref_squeeze %dma_start3A_118 : memref<1x1x128xi32, #tpu.memory_space<hbm>> -> memref<128xi32, #tpu.memory_space<hbm>>
      tpu.enqueue_dma source(%dma_start3A_119 : memref<128xi32, #tpu.memory_space<hbm>>) target(%arg8 : memref<128xi32, #tpu.memory_space<vmem>>) target_semaphore(%arg13 : memref<!tpu.dma_semaphore, #tpu.memory_space<semaphore_mem>>)
      %add3A_120 = arith.constant 1 : i32
      %add3A_121 = arith.addi %mul3A_77, %add3A_120 : i32
      "tpu.region"() ({
        %run_scoped3A_123 = tpu.sem_alloc : memref<!tpu.dma_semaphore, #tpu.memory_space<semaphore_mem>>
        %dma_start3A_124 = arith.constant 0 : i32
        %dma_start3A_125 = tpu.memref_slice %arg9[%add3A_121, %dma_start3A_124] : memref<88x128xi32, #tpu.memory_space<vmem>> -> memref<1x128xi32, #tpu.memory_space<vmem>>
        %dma_start3A_126 = tpu.memref_squeeze %dma_start3A_125 : memref<1x128xi32, #tpu.memory_space<vmem>> -> memref<128xi32, #tpu.memory_space<vmem>>
        %dma_start3A_127 = arith.constant 0 : i32
        %dma_start3A_128 = arith.constant 0 : i32
        %dma_start3A_129 = tpu.memref_slice %arg16[%dma_start3A_127, %dma_start3A_128] : memref<10240x128xf32, #tpu.memory_space<vmem_shared>> -> memref<10240x128xf32, #tpu.memory_space<vmem_shared>>
        tpu.enqueue_indirect_dma source(%arg11 : memref<128x128xf32, #tpu.memory_space<vmem>>) target(%dma_start3A_129 : memref<10240x128xf32, #tpu.memory_space<vmem_shared>>) offsets(%dma_start3A_126 : memref<128xi32, #tpu.memory_space<vmem>>) semaphore(%run_scoped3A_123 : memref<!tpu.dma_semaphore, #tpu.memory_space<semaphore_mem>>) {add = true}
        %dma_wait3A_130 = arith.constant 0 : i32
        %dma_wait3A_131 = tpu.memref_slice %arg9[%add3A_121, %dma_wait3A_130] : memref<88x128xi32, #tpu.memory_space<vmem>> -> memref<1x128xi32, #tpu.memory_space<vmem>>
        %dma_wait3A_132 = tpu.memref_squeeze %dma_wait3A_131 : memref<1x128xi32, #tpu.memory_space<vmem>> -> memref<128xi32, #tpu.memory_space<vmem>>
        %dma_wait3A_133 = arith.constant 0 : i32
        %dma_wait3A_134 = arith.constant 0 : i32
        %dma_wait3A_135 = tpu.memref_slice %arg16[%dma_wait3A_133, %dma_wait3A_134] : memref<10240x128xf32, #tpu.memory_space<vmem_shared>> -> memref<10240x128xf32, #tpu.memory_space<vmem_shared>>
        tpu.wait_indirect_dma semaphore(%run_scoped3A_123 : memref<!tpu.dma_semaphore, #tpu.memory_space<semaphore_mem>>) src(%arg11 : memref<128x128xf32, #tpu.memory_space<vmem>>) dst(%dma_wait3A_135 : memref<10240x128xf32, #tpu.memory_space<vmem_shared>>)
        tpu.yield
      }) : () -> ()
      %scan3A_122 = arith.constant 0 : i32
      scf.yield %scan3A_122 : i32
    }
    %scan3A_58 = arith.constant 40 : i32
    %dma_wait3A_59 = arith.constant 0 : i32
    %dma_wait3A_60 = arith.constant 0 : i32
    %dma_wait3A_61 = tpu.memref_slice %arg2[%dma_wait3A_59, %dma_wait3A_60] : memref<10240x128xf32, #tpu.memory_space<hbm>> -> memref<10240x128xf32, #tpu.memory_space<hbm>>
    tpu.wait_indirect_dma semaphore(%arg14 : memref<!tpu.dma_semaphore, #tpu.memory_space<semaphore_mem>>) src(%dma_wait3A_61 : memref<10240x128xf32, #tpu.memory_space<hbm>>) dst(%arg10 : memref<128x128xf32, #tpu.memory_space<vmem>>)
    %dma_wait3A_62 = arith.constant 0 : i32
    %dma_wait3A_63 = arith.constant 0 : i32
    %dma_wait3A_64 = tpu.memref_slice %arg3[%add3A, %dma_wait3A_62, %dma_wait3A_63] : memref<32x88x128xi32, #tpu.memory_space<hbm>> -> memref<1x1x128xi32, #tpu.memory_space<hbm>>
    %dma_wait3A_65 = tpu.memref_squeeze %dma_wait3A_64 : memref<1x1x128xi32, #tpu.memory_space<hbm>> -> memref<128xi32, #tpu.memory_space<hbm>>
    %dma_wait3A_66 = arith.constant 0 : i32
    %dma_wait3A_67 = tpu.memref_slice %arg3[%add3A, %dma_wait3A_62, %dma_wait3A_66] : memref<32x88x128xi32, #tpu.memory_space<hbm>> -> memref<1x1x128xi32, #tpu.memory_space<hbm>>
    %dma_wait3A_68 = tpu.memref_squeeze %dma_wait3A_67 : memref<1x1x128xi32, #tpu.memory_space<hbm>> -> memref<128xi32, #tpu.memory_space<hbm>>
    tpu.wait_dma2 semaphore(%arg13 : memref<!tpu.dma_semaphore, #tpu.memory_space<semaphore_mem>>) src(%dma_wait3A_68 : memref<128xi32, #tpu.memory_space<hbm>>) dst(%arg8 : memref<128xi32, #tpu.memory_space<vmem>>)
    %barrier3A_69 = arith.constant 0 : index
    tpu.barrier barrier_id(%barrier3A_69)
    %mul3A_70 = arith.constant 640 : i32
    %mul3A_71 = arith.muli %arg1, %mul3A_70 : i32
    %mul3A_72 = arith.constant 640 : i32
    %mul3A_73 = arith.muli %arg1, %mul3A_72 : i32
    "tpu.region"() ({
      %run_scoped3A_74 = tpu.sem_alloc : memref<!tpu.dma_semaphore, #tpu.memory_space<semaphore_mem>>
      %dma_start3A_75 = arith.constant 0 : i32
      %dma_start3A_76 = tpu.memref_slice %arg6[%arg0, %mul3A_73, %dma_start3A_75] : memref<2x10240x128xf32, #tpu.memory_space<hbm>> -> memref<1x640x128xf32, #tpu.memory_space<hbm>>
      %dma_start3A_77 = tpu.memref_squeeze %dma_start3A_76 : memref<1x640x128xf32, #tpu.memory_space<hbm>> -> memref<640x128xf32, #tpu.memory_space<hbm>>
      %dma_start3A_78 = arith.constant 0 : i32
      %dma_start3A_79 = tpu.memref_slice %arg16[%mul3A_71, %dma_start3A_78] : memref<10240x128xf32, #tpu.memory_space<vmem_shared>> -> memref<640x128xf32, #tpu.memory_space<vmem_shared>>
      tpu.enqueue_dma source(%dma_start3A_79 : memref<640x128xf32, #tpu.memory_space<vmem_shared>>) target(%dma_start3A_77 : memref<640x128xf32, #tpu.memory_space<hbm>>) target_semaphore(%run_scoped3A_74 : memref<!tpu.dma_semaphore, #tpu.memory_space<semaphore_mem>>)
      %dma_wait3A_80 = arith.constant 0 : i32
      %dma_wait3A_81 = tpu.memref_slice %arg6[%arg0, %mul3A_73, %dma_wait3A_80] : memref<2x10240x128xf32, #tpu.memory_space<hbm>> -> memref<1x640x128xf32, #tpu.memory_space<hbm>>
      %dma_wait3A_82 = tpu.memref_squeeze %dma_wait3A_81 : memref<1x640x128xf32, #tpu.memory_space<hbm>> -> memref<640x128xf32, #tpu.memory_space<hbm>>
      %dma_wait3A_83 = arith.constant 0 : i32
      %dma_wait3A_84 = tpu.memref_slice %arg16[%mul3A_71, %dma_wait3A_83] : memref<10240x128xf32, #tpu.memory_space<vmem_shared>> -> memref<640x128xf32, #tpu.memory_space<vmem_shared>>
      tpu.wait_dma2 semaphore(%run_scoped3A_74 : memref<!tpu.dma_semaphore, #tpu.memory_space<semaphore_mem>>) src(%dma_wait3A_84 : memref<640x128xf32, #tpu.memory_space<vmem_shared>>) dst(%dma_wait3A_82 : memref<640x128xf32, #tpu.memory_space<hbm>>)
      tpu.yield
    }) : () -> ()
    return
  }
}

#map = affine_map<(d0, d1) -> (0, 0)>
#map1 = affine_map<(d0, d1) -> (0, 0, 0)>
module attributes {stable_mosaic.version = 14 : i64} {
  func.func @_prop_body_sized(%arg0: i32, %arg1: i32, %arg2: memref<10240x128xf32, #tpu.memory_space<hbm>>, %arg3: memref<32x88x128xi32, #tpu.memory_space<hbm>>, %arg4: memref<32x88x128xi32, #tpu.memory_space<hbm>>, %arg5: memref<2x128x128xf32, #tpu.memory_space<hbm>>, %arg6: memref<2x10240x128xf32, #tpu.memory_space<hbm>>, %arg7: memref<128xi32, #tpu.memory_space<vmem>>, %arg8: memref<128xi32, #tpu.memory_space<vmem>>, %arg9: memref<88x128xi32, #tpu.memory_space<vmem>>, %arg10: memref<128x128xf32, #tpu.memory_space<vmem>>, %arg11: memref<128x128xf32, #tpu.memory_space<vmem>>, %arg12: memref<!tpu.dma_semaphore, #tpu.memory_space<semaphore_mem>>, %arg13: memref<!tpu.dma_semaphore, #tpu.memory_space<semaphore_mem>>, %arg14: memref<!tpu.dma_semaphore, #tpu.memory_space<semaphore_mem>>, %arg15: memref<!tpu.dma_semaphore, #tpu.memory_space<semaphore_mem>>, %arg16: memref<10240x128xf32, #tpu.memory_space<vmem_shared>>) attributes {dimension_semantics = [#tpu.dimension_semantics<core_parallel>, #tpu.dimension_semantics<subcore_parallel>], iteration_bounds = array<i64: 2, 16>, scalar_prefetch = 0 : i64, scratch_operands = 10 : i64, tpu.core_type = #tpu.core_type<sc_vector_subcore>, window_params = [{transform_indices = #map}, {transform_indices = #map1}, {transform_indices = #map1}, {transform_indices = #map1}, {transform_indices = #map1}]} {
    %mul3A = arith.constant 16 : i32
    %mul3A_0 = arith.muli %arg0, %mul3A : i32
    %add3A = arith.addi %mul3A_0, %arg1 : i32
    "tpu.region"() ({
      %run_scoped3A_74 = tpu.sem_alloc : memref<!tpu.dma_semaphore, #tpu.memory_space<semaphore_mem>>
      %dma_start3A_75 = arith.constant 0 : i32
      %dma_start3A_76 = arith.constant 0 : i32
      %dma_start3A_77 = tpu.memref_slice %arg4[%add3A, %dma_start3A_75, %dma_start3A_76] : memref<32x88x128xi32, #tpu.memory_space<hbm>> -> memref<1x88x128xi32, #tpu.memory_space<hbm>>
      %dma_start3A_78 = tpu.memref_squeeze %dma_start3A_77 : memref<1x88x128xi32, #tpu.memory_space<hbm>> -> memref<88x128xi32, #tpu.memory_space<hbm>>
      %dma_start3A_79 = arith.constant 0 : i32
      %dma_start3A_80 = arith.constant 0 : i32
      %dma_start3A_81 = tpu.memref_slice %arg4[%add3A, %dma_start3A_79, %dma_start3A_80] : memref<32x88x128xi32, #tpu.memory_space<hbm>> -> memref<1x88x128xi32, #tpu.memory_space<hbm>>
      %dma_start3A_82 = tpu.memref_squeeze %dma_start3A_81 : memref<1x88x128xi32, #tpu.memory_space<hbm>> -> memref<88x128xi32, #tpu.memory_space<hbm>>
      tpu.enqueue_dma source(%dma_start3A_82 : memref<88x128xi32, #tpu.memory_space<hbm>>) target(%arg9 : memref<88x128xi32, #tpu.memory_space<vmem>>) target_semaphore(%run_scoped3A_74 : memref<!tpu.dma_semaphore, #tpu.memory_space<semaphore_mem>>)
      %dma_wait3A_83 = arith.constant 0 : i32
      %dma_wait3A_84 = arith.constant 0 : i32
      %dma_wait3A_85 = tpu.memref_slice %arg4[%add3A, %dma_wait3A_83, %dma_wait3A_84] : memref<32x88x128xi32, #tpu.memory_space<hbm>> -> memref<1x88x128xi32, #tpu.memory_space<hbm>>
      %dma_wait3A_86 = tpu.memref_squeeze %dma_wait3A_85 : memref<1x88x128xi32, #tpu.memory_space<hbm>> -> memref<88x128xi32, #tpu.memory_space<hbm>>
      %dma_wait3A_87 = arith.constant 0 : i32
      %dma_wait3A_88 = arith.constant 0 : i32
      %dma_wait3A_89 = tpu.memref_slice %arg4[%add3A, %dma_wait3A_87, %dma_wait3A_88] : memref<32x88x128xi32, #tpu.memory_space<hbm>> -> memref<1x88x128xi32, #tpu.memory_space<hbm>>
      %dma_wait3A_90 = tpu.memref_squeeze %dma_wait3A_89 : memref<1x88x128xi32, #tpu.memory_space<hbm>> -> memref<88x128xi32, #tpu.memory_space<hbm>>
      tpu.wait_dma2 semaphore(%run_scoped3A_74 : memref<!tpu.dma_semaphore, #tpu.memory_space<semaphore_mem>>) src(%dma_wait3A_90 : memref<88x128xi32, #tpu.memory_space<hbm>>) dst(%arg9 : memref<88x128xi32, #tpu.memory_space<vmem>>)
      tpu.yield
    }) : () -> ()
    %run_scoped3A = arith.constant 0 : i32
    "tpu.region"() ({
      %run_scoped3A_74 = tpu.sem_alloc : memref<!tpu.dma_semaphore, #tpu.memory_space<semaphore_mem>>
      %dma_start3A_75 = arith.constant 0 : i32
      %dma_start3A_76 = arith.constant 0 : i32
      %dma_start3A_77 = tpu.memref_slice %arg5[%run_scoped3A, %dma_start3A_75, %dma_start3A_76] : memref<2x128x128xf32, #tpu.memory_space<hbm>> -> memref<1x128x128xf32, #tpu.memory_space<hbm>>
      %dma_start3A_78 = tpu.memref_squeeze %dma_start3A_77 : memref<1x128x128xf32, #tpu.memory_space<hbm>> -> memref<128x128xf32, #tpu.memory_space<hbm>>
      %dma_start3A_79 = arith.constant 0 : i32
      %dma_start3A_80 = arith.constant 0 : i32
      %dma_start3A_81 = tpu.memref_slice %arg5[%run_scoped3A, %dma_start3A_79, %dma_start3A_80] : memref<2x128x128xf32, #tpu.memory_space<hbm>> -> memref<1x128x128xf32, #tpu.memory_space<hbm>>
      %dma_start3A_82 = tpu.memref_squeeze %dma_start3A_81 : memref<1x128x128xf32, #tpu.memory_space<hbm>> -> memref<128x128xf32, #tpu.memory_space<hbm>>
      tpu.enqueue_dma source(%dma_start3A_82 : memref<128x128xf32, #tpu.memory_space<hbm>>) target(%arg10 : memref<128x128xf32, #tpu.memory_space<vmem>>) target_semaphore(%run_scoped3A_74 : memref<!tpu.dma_semaphore, #tpu.memory_space<semaphore_mem>>)
      %dma_wait3A_83 = arith.constant 0 : i32
      %dma_wait3A_84 = arith.constant 0 : i32
      %dma_wait3A_85 = tpu.memref_slice %arg5[%run_scoped3A, %dma_wait3A_83, %dma_wait3A_84] : memref<2x128x128xf32, #tpu.memory_space<hbm>> -> memref<1x128x128xf32, #tpu.memory_space<hbm>>
      %dma_wait3A_86 = tpu.memref_squeeze %dma_wait3A_85 : memref<1x128x128xf32, #tpu.memory_space<hbm>> -> memref<128x128xf32, #tpu.memory_space<hbm>>
      %dma_wait3A_87 = arith.constant 0 : i32
      %dma_wait3A_88 = arith.constant 0 : i32
      %dma_wait3A_89 = tpu.memref_slice %arg5[%run_scoped3A, %dma_wait3A_87, %dma_wait3A_88] : memref<2x128x128xf32, #tpu.memory_space<hbm>> -> memref<1x128x128xf32, #tpu.memory_space<hbm>>
      %dma_wait3A_90 = tpu.memref_squeeze %dma_wait3A_89 : memref<1x128x128xf32, #tpu.memory_space<hbm>> -> memref<128x128xf32, #tpu.memory_space<hbm>>
      tpu.wait_dma2 semaphore(%run_scoped3A_74 : memref<!tpu.dma_semaphore, #tpu.memory_space<semaphore_mem>>) src(%dma_wait3A_90 : memref<128x128xf32, #tpu.memory_space<hbm>>) dst(%arg10 : memref<128x128xf32, #tpu.memory_space<vmem>>)
      tpu.yield
    }) : () -> ()
    %mul3A_1 = arith.constant 5 : i32
    %mul3A_2 = arith.muli %arg1, %mul3A_1 : i32
    %add3A_3 = arith.constant 0 : i32
    %add3A_4 = arith.addi %mul3A_2, %add3A_3 : i32
    %mul3A_5 = arith.constant 128 : i32
    %mul3A_6 = arith.muli %add3A_4, %mul3A_5 : i32
    "tpu.region"() ({
      %run_scoped3A_74 = tpu.sem_alloc : memref<!tpu.dma_semaphore, #tpu.memory_space<semaphore_mem>>
      %dma_start3A_75 = arith.constant 0 : i32
      %dma_start3A_76 = tpu.memref_slice %arg16[%mul3A_6, %dma_start3A_75] : memref<10240x128xf32, #tpu.memory_space<vmem_shared>> -> memref<128x128xf32, #tpu.memory_space<vmem_shared>>
      %dma_start3A_77 = arith.constant 0 : i32
      %dma_start3A_78 = tpu.memref_slice %arg16[%mul3A_6, %dma_start3A_77] : memref<10240x128xf32, #tpu.memory_space<vmem_shared>> -> memref<128x128xf32, #tpu.memory_space<vmem_shared>>
      tpu.enqueue_dma source(%arg10 : memref<128x128xf32, #tpu.memory_space<vmem>>) target(%dma_start3A_78 : memref<128x128xf32, #tpu.memory_space<vmem_shared>>) target_semaphore(%run_scoped3A_74 : memref<!tpu.dma_semaphore, #tpu.memory_space<semaphore_mem>>)
      %dma_wait3A_79 = arith.constant 0 : i32
      %dma_wait3A_80 = tpu.memref_slice %arg16[%mul3A_6, %dma_wait3A_79] : memref<10240x128xf32, #tpu.memory_space<vmem_shared>> -> memref<128x128xf32, #tpu.memory_space<vmem_shared>>
      %dma_wait3A_81 = arith.constant 0 : i32
      %dma_wait3A_82 = tpu.memref_slice %arg16[%mul3A_6, %dma_wait3A_81] : memref<10240x128xf32, #tpu.memory_space<vmem_shared>> -> memref<128x128xf32, #tpu.memory_space<vmem_shared>>
      tpu.wait_dma2 semaphore(%run_scoped3A_74 : memref<!tpu.dma_semaphore, #tpu.memory_space<semaphore_mem>>) src(%arg10 : memref<128x128xf32, #tpu.memory_space<vmem>>) dst(%dma_wait3A_82 : memref<128x128xf32, #tpu.memory_space<vmem_shared>>)
      tpu.yield
    }) : () -> ()
    %mul3A_7 = arith.constant 5 : i32
    %mul3A_8 = arith.muli %arg1, %mul3A_7 : i32
    %add3A_9 = arith.constant 1 : i32
    %add3A_10 = arith.addi %mul3A_8, %add3A_9 : i32
    %mul3A_11 = arith.constant 128 : i32
    %mul3A_12 = arith.muli %add3A_10, %mul3A_11 : i32
    "tpu.region"() ({
      %run_scoped3A_74 = tpu.sem_alloc : memref<!tpu.dma_semaphore, #tpu.memory_space<semaphore_mem>>
      %dma_start3A_75 = arith.constant 0 : i32
      %dma_start3A_76 = tpu.memref_slice %arg16[%mul3A_12, %dma_start3A_75] : memref<10240x128xf32, #tpu.memory_space<vmem_shared>> -> memref<128x128xf32, #tpu.memory_space<vmem_shared>>
      %dma_start3A_77 = arith.constant 0 : i32
      %dma_start3A_78 = tpu.memref_slice %arg16[%mul3A_12, %dma_start3A_77] : memref<10240x128xf32, #tpu.memory_space<vmem_shared>> -> memref<128x128xf32, #tpu.memory_space<vmem_shared>>
      tpu.enqueue_dma source(%arg10 : memref<128x128xf32, #tpu.memory_space<vmem>>) target(%dma_start3A_78 : memref<128x128xf32, #tpu.memory_space<vmem_shared>>) target_semaphore(%run_scoped3A_74 : memref<!tpu.dma_semaphore, #tpu.memory_space<semaphore_mem>>)
      %dma_wait3A_79 = arith.constant 0 : i32
      %dma_wait3A_80 = tpu.memref_slice %arg16[%mul3A_12, %dma_wait3A_79] : memref<10240x128xf32, #tpu.memory_space<vmem_shared>> -> memref<128x128xf32, #tpu.memory_space<vmem_shared>>
      %dma_wait3A_81 = arith.constant 0 : i32
      %dma_wait3A_82 = tpu.memref_slice %arg16[%mul3A_12, %dma_wait3A_81] : memref<10240x128xf32, #tpu.memory_space<vmem_shared>> -> memref<128x128xf32, #tpu.memory_space<vmem_shared>>
      tpu.wait_dma2 semaphore(%run_scoped3A_74 : memref<!tpu.dma_semaphore, #tpu.memory_space<semaphore_mem>>) src(%arg10 : memref<128x128xf32, #tpu.memory_space<vmem>>) dst(%dma_wait3A_82 : memref<128x128xf32, #tpu.memory_space<vmem_shared>>)
      tpu.yield
    }) : () -> ()
    %mul3A_13 = arith.constant 5 : i32
    %mul3A_14 = arith.muli %arg1, %mul3A_13 : i32
    %add3A_15 = arith.constant 2 : i32
    %add3A_16 = arith.addi %mul3A_14, %add3A_15 : i32
    %mul3A_17 = arith.constant 128 : i32
    %mul3A_18 = arith.muli %add3A_16, %mul3A_17 : i32
    "tpu.region"() ({
      %run_scoped3A_74 = tpu.sem_alloc : memref<!tpu.dma_semaphore, #tpu.memory_space<semaphore_mem>>
      %dma_start3A_75 = arith.constant 0 : i32
      %dma_start3A_76 = tpu.memref_slice %arg16[%mul3A_18, %dma_start3A_75] : memref<10240x128xf32, #tpu.memory_space<vmem_shared>> -> memref<128x128xf32, #tpu.memory_space<vmem_shared>>
      %dma_start3A_77 = arith.constant 0 : i32
      %dma_start3A_78 = tpu.memref_slice %arg16[%mul3A_18, %dma_start3A_77] : memref<10240x128xf32, #tpu.memory_space<vmem_shared>> -> memref<128x128xf32, #tpu.memory_space<vmem_shared>>
      tpu.enqueue_dma source(%arg10 : memref<128x128xf32, #tpu.memory_space<vmem>>) target(%dma_start3A_78 : memref<128x128xf32, #tpu.memory_space<vmem_shared>>) target_semaphore(%run_scoped3A_74 : memref<!tpu.dma_semaphore, #tpu.memory_space<semaphore_mem>>)
      %dma_wait3A_79 = arith.constant 0 : i32
      %dma_wait3A_80 = tpu.memref_slice %arg16[%mul3A_18, %dma_wait3A_79] : memref<10240x128xf32, #tpu.memory_space<vmem_shared>> -> memref<128x128xf32, #tpu.memory_space<vmem_shared>>
      %dma_wait3A_81 = arith.constant 0 : i32
      %dma_wait3A_82 = tpu.memref_slice %arg16[%mul3A_18, %dma_wait3A_81] : memref<10240x128xf32, #tpu.memory_space<vmem_shared>> -> memref<128x128xf32, #tpu.memory_space<vmem_shared>>
      tpu.wait_dma2 semaphore(%run_scoped3A_74 : memref<!tpu.dma_semaphore, #tpu.memory_space<semaphore_mem>>) src(%arg10 : memref<128x128xf32, #tpu.memory_space<vmem>>) dst(%dma_wait3A_82 : memref<128x128xf32, #tpu.memory_space<vmem_shared>>)
      tpu.yield
    }) : () -> ()
    %mul3A_19 = arith.constant 5 : i32
    %mul3A_20 = arith.muli %arg1, %mul3A_19 : i32
    %add3A_21 = arith.constant 3 : i32
    %add3A_22 = arith.addi %mul3A_20, %add3A_21 : i32
    %mul3A_23 = arith.constant 128 : i32
    %mul3A_24 = arith.muli %add3A_22, %mul3A_23 : i32
    "tpu.region"() ({
      %run_scoped3A_74 = tpu.sem_alloc : memref<!tpu.dma_semaphore, #tpu.memory_space<semaphore_mem>>
      %dma_start3A_75 = arith.constant 0 : i32
      %dma_start3A_76 = tpu.memref_slice %arg16[%mul3A_24, %dma_start3A_75] : memref<10240x128xf32, #tpu.memory_space<vmem_shared>> -> memref<128x128xf32, #tpu.memory_space<vmem_shared>>
      %dma_start3A_77 = arith.constant 0 : i32
      %dma_start3A_78 = tpu.memref_slice %arg16[%mul3A_24, %dma_start3A_77] : memref<10240x128xf32, #tpu.memory_space<vmem_shared>> -> memref<128x128xf32, #tpu.memory_space<vmem_shared>>
      tpu.enqueue_dma source(%arg10 : memref<128x128xf32, #tpu.memory_space<vmem>>) target(%dma_start3A_78 : memref<128x128xf32, #tpu.memory_space<vmem_shared>>) target_semaphore(%run_scoped3A_74 : memref<!tpu.dma_semaphore, #tpu.memory_space<semaphore_mem>>)
      %dma_wait3A_79 = arith.constant 0 : i32
      %dma_wait3A_80 = tpu.memref_slice %arg16[%mul3A_24, %dma_wait3A_79] : memref<10240x128xf32, #tpu.memory_space<vmem_shared>> -> memref<128x128xf32, #tpu.memory_space<vmem_shared>>
      %dma_wait3A_81 = arith.constant 0 : i32
      %dma_wait3A_82 = tpu.memref_slice %arg16[%mul3A_24, %dma_wait3A_81] : memref<10240x128xf32, #tpu.memory_space<vmem_shared>> -> memref<128x128xf32, #tpu.memory_space<vmem_shared>>
      tpu.wait_dma2 semaphore(%run_scoped3A_74 : memref<!tpu.dma_semaphore, #tpu.memory_space<semaphore_mem>>) src(%arg10 : memref<128x128xf32, #tpu.memory_space<vmem>>) dst(%dma_wait3A_82 : memref<128x128xf32, #tpu.memory_space<vmem_shared>>)
      tpu.yield
    }) : () -> ()
    %mul3A_25 = arith.constant 5 : i32
    %mul3A_26 = arith.muli %arg1, %mul3A_25 : i32
    %add3A_27 = arith.constant 4 : i32
    %add3A_28 = arith.addi %mul3A_26, %add3A_27 : i32
    %mul3A_29 = arith.constant 128 : i32
    %mul3A_30 = arith.muli %add3A_28, %mul3A_29 : i32
    "tpu.region"() ({
      %run_scoped3A_74 = tpu.sem_alloc : memref<!tpu.dma_semaphore, #tpu.memory_space<semaphore_mem>>
      %dma_start3A_75 = arith.constant 0 : i32
      %dma_start3A_76 = tpu.memref_slice %arg16[%mul3A_30, %dma_start3A_75] : memref<10240x128xf32, #tpu.memory_space<vmem_shared>> -> memref<128x128xf32, #tpu.memory_space<vmem_shared>>
      %dma_start3A_77 = arith.constant 0 : i32
      %dma_start3A_78 = tpu.memref_slice %arg16[%mul3A_30, %dma_start3A_77] : memref<10240x128xf32, #tpu.memory_space<vmem_shared>> -> memref<128x128xf32, #tpu.memory_space<vmem_shared>>
      tpu.enqueue_dma source(%arg10 : memref<128x128xf32, #tpu.memory_space<vmem>>) target(%dma_start3A_78 : memref<128x128xf32, #tpu.memory_space<vmem_shared>>) target_semaphore(%run_scoped3A_74 : memref<!tpu.dma_semaphore, #tpu.memory_space<semaphore_mem>>)
      %dma_wait3A_79 = arith.constant 0 : i32
      %dma_wait3A_80 = tpu.memref_slice %arg16[%mul3A_30, %dma_wait3A_79] : memref<10240x128xf32, #tpu.memory_space<vmem_shared>> -> memref<128x128xf32, #tpu.memory_space<vmem_shared>>
      %dma_wait3A_81 = arith.constant 0 : i32
      %dma_wait3A_82 = tpu.memref_slice %arg16[%mul3A_30, %dma_wait3A_81] : memref<10240x128xf32, #tpu.memory_space<vmem_shared>> -> memref<128x128xf32, #tpu.memory_space<vmem_shared>>
      tpu.wait_dma2 semaphore(%run_scoped3A_74 : memref<!tpu.dma_semaphore, #tpu.memory_space<semaphore_mem>>) src(%arg10 : memref<128x128xf32, #tpu.memory_space<vmem>>) dst(%dma_wait3A_82 : memref<128x128xf32, #tpu.memory_space<vmem_shared>>)
      tpu.yield
    }) : () -> ()
    %barrier3A = arith.constant 0 : index
    tpu.barrier barrier_id(%barrier3A)
    %dma_start3A = arith.constant 0 : i32
    %dma_start3A_31 = arith.constant 0 : i32
    %dma_start3A_32 = tpu.memref_slice %arg3[%add3A, %dma_start3A, %dma_start3A_31] : memref<32x88x128xi32, #tpu.memory_space<hbm>> -> memref<1x1x128xi32, #tpu.memory_space<hbm>>
    %dma_start3A_33 = tpu.memref_squeeze %dma_start3A_32 : memref<1x1x128xi32, #tpu.memory_space<hbm>> -> memref<128xi32, #tpu.memory_space<hbm>>
    %dma_start3A_34 = arith.constant 0 : i32
    %dma_start3A_35 = tpu.memref_slice %arg3[%add3A, %dma_start3A, %dma_start3A_34] : memref<32x88x128xi32, #tpu.memory_space<hbm>> -> memref<1x1x128xi32, #tpu.memory_space<hbm>>
    %dma_start3A_36 = tpu.memref_squeeze %dma_start3A_35 : memref<1x1x128xi32, #tpu.memory_space<hbm>> -> memref<128xi32, #tpu.memory_space<hbm>>
    tpu.enqueue_dma source(%dma_start3A_36 : memref<128xi32, #tpu.memory_space<hbm>>) target(%arg7 : memref<128xi32, #tpu.memory_space<vmem>>) target_semaphore(%arg12 : memref<!tpu.dma_semaphore, #tpu.memory_space<semaphore_mem>>)
    %dma_start3A_37 = arith.constant 1 : i32
    %dma_start3A_38 = arith.constant 0 : i32
    %dma_start3A_39 = tpu.memref_slice %arg3[%add3A, %dma_start3A_37, %dma_start3A_38] : memref<32x88x128xi32, #tpu.memory_space<hbm>> -> memref<1x1x128xi32, #tpu.memory_space<hbm>>
    %dma_start3A_40 = tpu.memref_squeeze %dma_start3A_39 : memref<1x1x128xi32, #tpu.memory_space<hbm>> -> memref<128xi32, #tpu.memory_space<hbm>>
    %dma_start3A_41 = arith.constant 0 : i32
    %dma_start3A_42 = tpu.memref_slice %arg3[%add3A, %dma_start3A_37, %dma_start3A_41] : memref<32x88x128xi32, #tpu.memory_space<hbm>> -> memref<1x1x128xi32, #tpu.memory_space<hbm>>
    %dma_start3A_43 = tpu.memref_squeeze %dma_start3A_42 : memref<1x1x128xi32, #tpu.memory_space<hbm>> -> memref<128xi32, #tpu.memory_space<hbm>>
    tpu.enqueue_dma source(%dma_start3A_43 : memref<128xi32, #tpu.memory_space<hbm>>) target(%arg8 : memref<128xi32, #tpu.memory_space<vmem>>) target_semaphore(%arg13 : memref<!tpu.dma_semaphore, #tpu.memory_space<semaphore_mem>>)
    %dma_wait3A = arith.constant 0 : i32
    %dma_wait3A_44 = arith.constant 0 : i32
    %dma_wait3A_45 = tpu.memref_slice %arg3[%add3A, %dma_wait3A, %dma_wait3A_44] : memref<32x88x128xi32, #tpu.memory_space<hbm>> -> memref<1x1x128xi32, #tpu.memory_space<hbm>>
    %dma_wait3A_46 = tpu.memref_squeeze %dma_wait3A_45 : memref<1x1x128xi32, #tpu.memory_space<hbm>> -> memref<128xi32, #tpu.memory_space<hbm>>
    %dma_wait3A_47 = arith.constant 0 : i32
    %dma_wait3A_48 = tpu.memref_slice %arg3[%add3A, %dma_wait3A, %dma_wait3A_47] : memref<32x88x128xi32, #tpu.memory_space<hbm>> -> memref<1x1x128xi32, #tpu.memory_space<hbm>>
    %dma_wait3A_49 = tpu.memref_squeeze %dma_wait3A_48 : memref<1x1x128xi32, #tpu.memory_space<hbm>> -> memref<128xi32, #tpu.memory_space<hbm>>
    tpu.wait_dma2 semaphore(%arg12 : memref<!tpu.dma_semaphore, #tpu.memory_space<semaphore_mem>>) src(%dma_wait3A_49 : memref<128xi32, #tpu.memory_space<hbm>>) dst(%arg7 : memref<128xi32, #tpu.memory_space<vmem>>)
    %dma_start3A_50 = arith.constant 0 : i32
    %dma_start3A_51 = arith.constant 0 : i32
    %dma_start3A_52 = tpu.memref_slice %arg2[%dma_start3A_50, %dma_start3A_51] : memref<10240x128xf32, #tpu.memory_space<hbm>> -> memref<10240x128xf32, #tpu.memory_space<hbm>>
    tpu.enqueue_indirect_dma source(%dma_start3A_52 : memref<10240x128xf32, #tpu.memory_space<hbm>>) target(%arg10 : memref<128x128xf32, #tpu.memory_space<vmem>>) offsets(%arg7 : memref<128xi32, #tpu.memory_space<vmem>>) semaphore(%arg14 : memref<!tpu.dma_semaphore, #tpu.memory_space<semaphore_mem>>)
    %scan3A = arith.constant 0 : i32
    %scan3A_53 = arith.constant 0 : i32
    %scan3A_54 = arith.constant 40 : i32
    %scan3A_55 = arith.addi %scan3A_53, %scan3A_54 : i32
    %scan3A_56 = arith.constant 1 : i32
    %scan3A_57 = scf.for %scan3A_74 = %scan3A_53 to %scan3A_55 step %scan3A_56 iter_args(%scan3A_75 = %scan3A) -> (i32)  : i32 {
      %mul3A_76 = arith.constant 2 : i32
      %mul3A_77 = arith.muli %scan3A_74, %mul3A_76 : i32
      %dma_wait3A_78 = arith.constant 0 : i32
      %dma_wait3A_79 = arith.constant 0 : i32
      %dma_wait3A_80 = tpu.memref_slice %arg3[%add3A, %dma_wait3A_78, %dma_wait3A_79] : memref<32x88x128xi32, #tpu.memory_space<hbm>> -> memref<1x1x128xi32, #tpu.memory_space<hbm>>
      %dma_wait3A_81 = tpu.memref_squeeze %dma_wait3A_80 : memref<1x1x128xi32, #tpu.memory_space<hbm>> -> memref<128xi32, #tpu.memory_space<hbm>>
      %dma_wait3A_82 = arith.constant 0 : i32
      %dma_wait3A_83 = tpu.memref_slice %arg3[%add3A, %dma_wait3A_78, %dma_wait3A_82] : memref<32x88x128xi32, #tpu.memory_space<hbm>> -> memref<1x1x128xi32, #tpu.memory_space<hbm>>
      %dma_wait3A_84 = tpu.memref_squeeze %dma_wait3A_83 : memref<1x1x128xi32, #tpu.memory_space<hbm>> -> memref<128xi32, #tpu.memory_space<hbm>>
      tpu.wait_dma2 semaphore(%arg13 : memref<!tpu.dma_semaphore, #tpu.memory_space<semaphore_mem>>) src(%dma_wait3A_84 : memref<128xi32, #tpu.memory_space<hbm>>) dst(%arg8 : memref<128xi32, #tpu.memory_space<vmem>>)
      %dma_start3A_85 = arith.constant 0 : i32
      %dma_start3A_86 = arith.constant 0 : i32
      %dma_start3A_87 = tpu.memref_slice %arg2[%dma_start3A_85, %dma_start3A_86] : memref<10240x128xf32, #tpu.memory_space<hbm>> -> memref<10240x128xf32, #tpu.memory_space<hbm>>
      tpu.enqueue_indirect_dma source(%dma_start3A_87 : memref<10240x128xf32, #tpu.memory_space<hbm>>) target(%arg11 : memref<128x128xf32, #tpu.memory_space<vmem>>) offsets(%arg8 : memref<128xi32, #tpu.memory_space<vmem>>) semaphore(%arg15 : memref<!tpu.dma_semaphore, #tpu.memory_space<semaphore_mem>>)
      %dma_wait3A_88 = arith.constant 0 : i32
      %dma_wait3A_89 = arith.constant 0 : i32
      %dma_wait3A_90 = tpu.memref_slice %arg2[%dma_wait3A_88, %dma_wait3A_89] : memref<10240x128xf32, #tpu.memory_space<hbm>> -> memref<10240x128xf32, #tpu.memory_space<hbm>>
      tpu.wait_indirect_dma semaphore(%arg14 : memref<!tpu.dma_semaphore, #tpu.memory_space<semaphore_mem>>) src(%dma_wait3A_90 : memref<10240x128xf32, #tpu.memory_space<hbm>>) dst(%arg10 : memref<128x128xf32, #tpu.memory_space<vmem>>)
      %add3A_91 = arith.constant 2 : i32
      %add3A_92 = arith.addi %mul3A_77, %add3A_91 : i32
      %dma_start3A_93 = arith.constant 0 : i32
      %dma_start3A_94 = tpu.memref_slice %arg3[%add3A, %add3A_92, %dma_start3A_93] : memref<32x88x128xi32, #tpu.memory_space<hbm>> -> memref<1x1x128xi32, #tpu.memory_space<hbm>>
      %dma_start3A_95 = tpu.memref_squeeze %dma_start3A_94 : memref<1x1x128xi32, #tpu.memory_space<hbm>> -> memref<128xi32, #tpu.memory_space<hbm>>
      %dma_start3A_96 = arith.constant 0 : i32
      %dma_start3A_97 = tpu.memref_slice %arg3[%add3A, %add3A_92, %dma_start3A_96] : memref<32x88x128xi32, #tpu.memory_space<hbm>> -> memref<1x1x128xi32, #tpu.memory_space<hbm>>
      %dma_start3A_98 = tpu.memref_squeeze %dma_start3A_97 : memref<1x1x128xi32, #tpu.memory_space<hbm>> -> memref<128xi32, #tpu.memory_space<hbm>>
      tpu.enqueue_dma source(%dma_start3A_98 : memref<128xi32, #tpu.memory_space<hbm>>) target(%arg7 : memref<128xi32, #tpu.memory_space<vmem>>) target_semaphore(%arg12 : memref<!tpu.dma_semaphore, #tpu.memory_space<semaphore_mem>>)
      "tpu.region"() ({
        %run_scoped3A_123 = tpu.sem_alloc : memref<!tpu.dma_semaphore, #tpu.memory_space<semaphore_mem>>
        %dma_start3A_124 = arith.constant 0 : i32
        %dma_start3A_125 = tpu.memref_slice %arg9[%mul3A_77, %dma_start3A_124] : memref<88x128xi32, #tpu.memory_space<vmem>> -> memref<1x128xi32, #tpu.memory_space<vmem>>
        %dma_start3A_126 = tpu.memref_squeeze %dma_start3A_125 : memref<1x128xi32, #tpu.memory_space<vmem>> -> memref<128xi32, #tpu.memory_space<vmem>>
        %dma_start3A_127 = arith.constant 0 : i32
        %dma_start3A_128 = arith.constant 0 : i32
        %dma_start3A_129 = tpu.memref_slice %arg16[%dma_start3A_127, %dma_start3A_128] : memref<10240x128xf32, #tpu.memory_space<vmem_shared>> -> memref<10240x128xf32, #tpu.memory_space<vmem_shared>>
        tpu.enqueue_indirect_dma source(%arg10 : memref<128x128xf32, #tpu.memory_space<vmem>>) target(%dma_start3A_129 : memref<10240x128xf32, #tpu.memory_space<vmem_shared>>) offsets(%dma_start3A_126 : memref<128xi32, #tpu.memory_space<vmem>>) semaphore(%run_scoped3A_123 : memref<!tpu.dma_semaphore, #tpu.memory_space<semaphore_mem>>) {add = true}
        %dma_wait3A_130 = arith.constant 0 : i32
        %dma_wait3A_131 = tpu.memref_slice %arg9[%mul3A_77, %dma_wait3A_130] : memref<88x128xi32, #tpu.memory_space<vmem>> -> memref<1x128xi32, #tpu.memory_space<vmem>>
        %dma_wait3A_132 = tpu.memref_squeeze %dma_wait3A_131 : memref<1x128xi32, #tpu.memory_space<vmem>> -> memref<128xi32, #tpu.memory_space<vmem>>
        %dma_wait3A_133 = arith.constant 0 : i32
        %dma_wait3A_134 = arith.constant 0 : i32
        %dma_wait3A_135 = tpu.memref_slice %arg16[%dma_wait3A_133, %dma_wait3A_134] : memref<10240x128xf32, #tpu.memory_space<vmem_shared>> -> memref<10240x128xf32, #tpu.memory_space<vmem_shared>>
        tpu.wait_indirect_dma semaphore(%run_scoped3A_123 : memref<!tpu.dma_semaphore, #tpu.memory_space<semaphore_mem>>) src(%arg10 : memref<128x128xf32, #tpu.memory_space<vmem>>) dst(%dma_wait3A_135 : memref<10240x128xf32, #tpu.memory_space<vmem_shared>>)
        tpu.yield
      }) : () -> ()
      %dma_wait3A_99 = arith.constant 0 : i32
      %dma_wait3A_100 = arith.constant 0 : i32
      %dma_wait3A_101 = tpu.memref_slice %arg3[%add3A, %dma_wait3A_99, %dma_wait3A_100] : memref<32x88x128xi32, #tpu.memory_space<hbm>> -> memref<1x1x128xi32, #tpu.memory_space<hbm>>
      %dma_wait3A_102 = tpu.memref_squeeze %dma_wait3A_101 : memref<1x1x128xi32, #tpu.memory_space<hbm>> -> memref<128xi32, #tpu.memory_space<hbm>>
      %dma_wait3A_103 = arith.constant 0 : i32
      %dma_wait3A_104 = tpu.memref_slice %arg3[%add3A, %dma_wait3A_99, %dma_wait3A_103] : memref<32x88x128xi32, #tpu.memory_space<hbm>> -> memref<1x1x128xi32, #tpu.memory_space<hbm>>
      %dma_wait3A_105 = tpu.memref_squeeze %dma_wait3A_104 : memref<1x1x128xi32, #tpu.memory_space<hbm>> -> memref<128xi32, #tpu.memory_space<hbm>>
      tpu.wait_dma2 semaphore(%arg12 : memref<!tpu.dma_semaphore, #tpu.memory_space<semaphore_mem>>) src(%dma_wait3A_105 : memref<128xi32, #tpu.memory_space<hbm>>) dst(%arg7 : memref<128xi32, #tpu.memory_space<vmem>>)
      %dma_start3A_106 = arith.constant 0 : i32
      %dma_start3A_107 = arith.constant 0 : i32
      %dma_start3A_108 = tpu.memref_slice %arg2[%dma_start3A_106, %dma_start3A_107] : memref<10240x128xf32, #tpu.memory_space<hbm>> -> memref<10240x128xf32, #tpu.memory_space<hbm>>
      tpu.enqueue_indirect_dma source(%dma_start3A_108 : memref<10240x128xf32, #tpu.memory_space<hbm>>) target(%arg10 : memref<128x128xf32, #tpu.memory_space<vmem>>) offsets(%arg7 : memref<128xi32, #tpu.memory_space<vmem>>) semaphore(%arg14 : memref<!tpu.dma_semaphore, #tpu.memory_space<semaphore_mem>>)
      %dma_wait3A_109 = arith.constant 0 : i32
      %dma_wait3A_110 = arith.constant 0 : i32
      %dma_wait3A_111 = tpu.memref_slice %arg2[%dma_wait3A_109, %dma_wait3A_110] : memref<10240x128xf32, #tpu.memory_space<hbm>> -> memref<10240x128xf32, #tpu.memory_space<hbm>>
      tpu.wait_indirect_dma semaphore(%arg15 : memref<!tpu.dma_semaphore, #tpu.memory_space<semaphore_mem>>) src(%dma_wait3A_111 : memref<10240x128xf32, #tpu.memory_space<hbm>>) dst(%arg11 : memref<128x128xf32, #tpu.memory_space<vmem>>)
      %add3A_112 = arith.constant 3 : i32
      %add3A_113 = arith.addi %mul3A_77, %add3A_112 : i32
      %dma_start3A_114 = arith.constant 0 : i32
      %dma_start3A_115 = tpu.memref_slice %arg3[%add3A, %add3A_113, %dma_start3A_114] : memref<32x88x128xi32, #tpu.memory_space<hbm>> -> memref<1x1x128xi32, #tpu.memory_space<hbm>>
      %dma_start3A_116 = tpu.memref_squeeze %dma_start3A_115 : memref<1x1x128xi32, #tpu.memory_space<hbm>> -> memref<128xi32, #tpu.memory_space<hbm>>
      %dma_start3A_117 = arith.constant 0 : i32
      %dma_start3A_118 = tpu.memref_slice %arg3[%add3A, %add3A_113, %dma_start3A_117] : memref<32x88x128xi32, #tpu.memory_space<hbm>> -> memref<1x1x128xi32, #tpu.memory_space<hbm>>
      %dma_start3A_119 = tpu.memref_squeeze %dma_start3A_118 : memref<1x1x128xi32, #tpu.memory_space<hbm>> -> memref<128xi32, #tpu.memory_space<hbm>>
      tpu.enqueue_dma source(%dma_start3A_119 : memref<128xi32, #tpu.memory_space<hbm>>) target(%arg8 : memref<128xi32, #tpu.memory_space<vmem>>) target_semaphore(%arg13 : memref<!tpu.dma_semaphore, #tpu.memory_space<semaphore_mem>>)
      %add3A_120 = arith.constant 1 : i32
      %add3A_121 = arith.addi %mul3A_77, %add3A_120 : i32
      "tpu.region"() ({
        %run_scoped3A_123 = tpu.sem_alloc : memref<!tpu.dma_semaphore, #tpu.memory_space<semaphore_mem>>
        %dma_start3A_124 = arith.constant 0 : i32
        %dma_start3A_125 = tpu.memref_slice %arg9[%add3A_121, %dma_start3A_124] : memref<88x128xi32, #tpu.memory_space<vmem>> -> memref<1x128xi32, #tpu.memory_space<vmem>>
        %dma_start3A_126 = tpu.memref_squeeze %dma_start3A_125 : memref<1x128xi32, #tpu.memory_space<vmem>> -> memref<128xi32, #tpu.memory_space<vmem>>
        %dma_start3A_127 = arith.constant 0 : i32
        %dma_start3A_128 = arith.constant 0 : i32
        %dma_start3A_129 = tpu.memref_slice %arg16[%dma_start3A_127, %dma_start3A_128] : memref<10240x128xf32, #tpu.memory_space<vmem_shared>> -> memref<10240x128xf32, #tpu.memory_space<vmem_shared>>
        tpu.enqueue_indirect_dma source(%arg11 : memref<128x128xf32, #tpu.memory_space<vmem>>) target(%dma_start3A_129 : memref<10240x128xf32, #tpu.memory_space<vmem_shared>>) offsets(%dma_start3A_126 : memref<128xi32, #tpu.memory_space<vmem>>) semaphore(%run_scoped3A_123 : memref<!tpu.dma_semaphore, #tpu.memory_space<semaphore_mem>>) {add = true}
        %dma_wait3A_130 = arith.constant 0 : i32
        %dma_wait3A_131 = tpu.memref_slice %arg9[%add3A_121, %dma_wait3A_130] : memref<88x128xi32, #tpu.memory_space<vmem>> -> memref<1x128xi32, #tpu.memory_space<vmem>>
        %dma_wait3A_132 = tpu.memref_squeeze %dma_wait3A_131 : memref<1x128xi32, #tpu.memory_space<vmem>> -> memref<128xi32, #tpu.memory_space<vmem>>
        %dma_wait3A_133 = arith.constant 0 : i32
        %dma_wait3A_134 = arith.constant 0 : i32
        %dma_wait3A_135 = tpu.memref_slice %arg16[%dma_wait3A_133, %dma_wait3A_134] : memref<10240x128xf32, #tpu.memory_space<vmem_shared>> -> memref<10240x128xf32, #tpu.memory_space<vmem_shared>>
        tpu.wait_indirect_dma semaphore(%run_scoped3A_123 : memref<!tpu.dma_semaphore, #tpu.memory_space<semaphore_mem>>) src(%arg11 : memref<128x128xf32, #tpu.memory_space<vmem>>) dst(%dma_wait3A_135 : memref<10240x128xf32, #tpu.memory_space<vmem_shared>>)
        tpu.yield
      }) : () -> ()
      %scan3A_122 = arith.constant 0 : i32
      scf.yield %scan3A_122 : i32
    }
    %scan3A_58 = arith.constant 40 : i32
    %dma_wait3A_59 = arith.constant 0 : i32
    %dma_wait3A_60 = arith.constant 0 : i32
    %dma_wait3A_61 = tpu.memref_slice %arg2[%dma_wait3A_59, %dma_wait3A_60] : memref<10240x128xf32, #tpu.memory_space<hbm>> -> memref<10240x128xf32, #tpu.memory_space<hbm>>
    tpu.wait_indirect_dma semaphore(%arg14 : memref<!tpu.dma_semaphore, #tpu.memory_space<semaphore_mem>>) src(%dma_wait3A_61 : memref<10240x128xf32, #tpu.memory_space<hbm>>) dst(%arg10 : memref<128x128xf32, #tpu.memory_space<vmem>>)
    %dma_wait3A_62 = arith.constant 0 : i32
    %dma_wait3A_63 = arith.constant 0 : i32
    %dma_wait3A_64 = tpu.memref_slice %arg3[%add3A, %dma_wait3A_62, %dma_wait3A_63] : memref<32x88x128xi32, #tpu.memory_space<hbm>> -> memref<1x1x128xi32, #tpu.memory_space<hbm>>
    %dma_wait3A_65 = tpu.memref_squeeze %dma_wait3A_64 : memref<1x1x128xi32, #tpu.memory_space<hbm>> -> memref<128xi32, #tpu.memory_space<hbm>>
    %dma_wait3A_66 = arith.constant 0 : i32
    %dma_wait3A_67 = tpu.memref_slice %arg3[%add3A, %dma_wait3A_62, %dma_wait3A_66] : memref<32x88x128xi32, #tpu.memory_space<hbm>> -> memref<1x1x128xi32, #tpu.memory_space<hbm>>
    %dma_wait3A_68 = tpu.memref_squeeze %dma_wait3A_67 : memref<1x1x128xi32, #tpu.memory_space<hbm>> -> memref<128xi32, #tpu.memory_space<hbm>>
    tpu.wait_dma2 semaphore(%arg13 : memref<!tpu.dma_semaphore, #tpu.memory_space<semaphore_mem>>) src(%dma_wait3A_68 : memref<128xi32, #tpu.memory_space<hbm>>) dst(%arg8 : memref<128xi32, #tpu.memory_space<vmem>>)
    %barrier3A_69 = arith.constant 0 : index
    tpu.barrier barrier_id(%barrier3A_69)
    %mul3A_70 = arith.constant 640 : i32
    %mul3A_71 = arith.muli %arg1, %mul3A_70 : i32
    %mul3A_72 = arith.constant 640 : i32
    %mul3A_73 = arith.muli %arg1, %mul3A_72 : i32
    "tpu.region"() ({
      %run_scoped3A_74 = tpu.sem_alloc : memref<!tpu.dma_semaphore, #tpu.memory_space<semaphore_mem>>
      %dma_start3A_75 = arith.constant 0 : i32
      %dma_start3A_76 = tpu.memref_slice %arg6[%arg0, %mul3A_73, %dma_start3A_75] : memref<2x10240x128xf32, #tpu.memory_space<hbm>> -> memref<1x640x128xf32, #tpu.memory_space<hbm>>
      %dma_start3A_77 = tpu.memref_squeeze %dma_start3A_76 : memref<1x640x128xf32, #tpu.memory_space<hbm>> -> memref<640x128xf32, #tpu.memory_space<hbm>>
      %dma_start3A_78 = arith.constant 0 : i32
      %dma_start3A_79 = tpu.memref_slice %arg16[%mul3A_71, %dma_start3A_78] : memref<10240x128xf32, #tpu.memory_space<vmem_shared>> -> memref<640x128xf32, #tpu.memory_space<vmem_shared>>
      tpu.enqueue_dma source(%dma_start3A_79 : memref<640x128xf32, #tpu.memory_space<vmem_shared>>) target(%dma_start3A_77 : memref<640x128xf32, #tpu.memory_space<hbm>>) target_semaphore(%run_scoped3A_74 : memref<!tpu.dma_semaphore, #tpu.memory_space<semaphore_mem>>)
      %dma_wait3A_80 = arith.constant 0 : i32
      %dma_wait3A_81 = tpu.memref_slice %arg6[%arg0, %mul3A_73, %dma_wait3A_80] : memref<2x10240x128xf32, #tpu.memory_space<hbm>> -> memref<1x640x128xf32, #tpu.memory_space<hbm>>
      %dma_wait3A_82 = tpu.memref_squeeze %dma_wait3A_81 : memref<1x640x128xf32, #tpu.memory_space<hbm>> -> memref<640x128xf32, #tpu.memory_space<hbm>>
      %dma_wait3A_83 = arith.constant 0 : i32
      %dma_wait3A_84 = tpu.memref_slice %arg16[%mul3A_71, %dma_wait3A_83] : memref<10240x128xf32, #tpu.memory_space<vmem_shared>> -> memref<640x128xf32, #tpu.memory_space<vmem_shared>>
      tpu.wait_dma2 semaphore(%run_scoped3A_74 : memref<!tpu.dma_semaphore, #tpu.memory_space<semaphore_mem>>) src(%dma_wait3A_84 : memref<640x128xf32, #tpu.memory_space<vmem_shared>>) dst(%dma_wait3A_82 : memref<640x128xf32, #tpu.memory_space<hbm>>)
      tpu.yield
    }) : () -> ()
    return
  }
}

#map = affine_map<(d0, d1) -> (0, 0)>
#map1 = affine_map<(d0, d1) -> (0, 0, 0)>
module attributes {stable_mosaic.version = 14 : i64} {
  func.func @_prop_body_sized(%arg0: i32, %arg1: i32, %arg2: memref<10240x128xf32, #tpu.memory_space<hbm>>, %arg3: memref<32x88x128xi32, #tpu.memory_space<hbm>>, %arg4: memref<32x88x128xi32, #tpu.memory_space<hbm>>, %arg5: memref<2x128x128xf32, #tpu.memory_space<hbm>>, %arg6: memref<2x10240x128xf32, #tpu.memory_space<hbm>>, %arg7: memref<128xi32, #tpu.memory_space<vmem>>, %arg8: memref<128xi32, #tpu.memory_space<vmem>>, %arg9: memref<88x128xi32, #tpu.memory_space<vmem>>, %arg10: memref<128x128xf32, #tpu.memory_space<vmem>>, %arg11: memref<128x128xf32, #tpu.memory_space<vmem>>, %arg12: memref<!tpu.dma_semaphore, #tpu.memory_space<semaphore_mem>>, %arg13: memref<!tpu.dma_semaphore, #tpu.memory_space<semaphore_mem>>, %arg14: memref<!tpu.dma_semaphore, #tpu.memory_space<semaphore_mem>>, %arg15: memref<!tpu.dma_semaphore, #tpu.memory_space<semaphore_mem>>, %arg16: memref<10240x128xf32, #tpu.memory_space<vmem_shared>>) attributes {dimension_semantics = [#tpu.dimension_semantics<core_parallel>, #tpu.dimension_semantics<subcore_parallel>], iteration_bounds = array<i64: 2, 16>, scalar_prefetch = 0 : i64, scratch_operands = 10 : i64, tpu.core_type = #tpu.core_type<sc_vector_subcore>, window_params = [{transform_indices = #map}, {transform_indices = #map1}, {transform_indices = #map1}, {transform_indices = #map1}, {transform_indices = #map1}]} {
    %mul3A = arith.constant 16 : i32
    %mul3A_0 = arith.muli %arg0, %mul3A : i32
    %add3A = arith.addi %mul3A_0, %arg1 : i32
    "tpu.region"() ({
      %run_scoped3A_74 = tpu.sem_alloc : memref<!tpu.dma_semaphore, #tpu.memory_space<semaphore_mem>>
      %dma_start3A_75 = arith.constant 0 : i32
      %dma_start3A_76 = arith.constant 0 : i32
      %dma_start3A_77 = tpu.memref_slice %arg4[%add3A, %dma_start3A_75, %dma_start3A_76] : memref<32x88x128xi32, #tpu.memory_space<hbm>> -> memref<1x88x128xi32, #tpu.memory_space<hbm>>
      %dma_start3A_78 = tpu.memref_squeeze %dma_start3A_77 : memref<1x88x128xi32, #tpu.memory_space<hbm>> -> memref<88x128xi32, #tpu.memory_space<hbm>>
      %dma_start3A_79 = arith.constant 0 : i32
      %dma_start3A_80 = arith.constant 0 : i32
      %dma_start3A_81 = tpu.memref_slice %arg4[%add3A, %dma_start3A_79, %dma_start3A_80] : memref<32x88x128xi32, #tpu.memory_space<hbm>> -> memref<1x88x128xi32, #tpu.memory_space<hbm>>
      %dma_start3A_82 = tpu.memref_squeeze %dma_start3A_81 : memref<1x88x128xi32, #tpu.memory_space<hbm>> -> memref<88x128xi32, #tpu.memory_space<hbm>>
      tpu.enqueue_dma source(%dma_start3A_82 : memref<88x128xi32, #tpu.memory_space<hbm>>) target(%arg9 : memref<88x128xi32, #tpu.memory_space<vmem>>) target_semaphore(%run_scoped3A_74 : memref<!tpu.dma_semaphore, #tpu.memory_space<semaphore_mem>>)
      %dma_wait3A_83 = arith.constant 0 : i32
      %dma_wait3A_84 = arith.constant 0 : i32
      %dma_wait3A_85 = tpu.memref_slice %arg4[%add3A, %dma_wait3A_83, %dma_wait3A_84] : memref<32x88x128xi32, #tpu.memory_space<hbm>> -> memref<1x88x128xi32, #tpu.memory_space<hbm>>
      %dma_wait3A_86 = tpu.memref_squeeze %dma_wait3A_85 : memref<1x88x128xi32, #tpu.memory_space<hbm>> -> memref<88x128xi32, #tpu.memory_space<hbm>>
      %dma_wait3A_87 = arith.constant 0 : i32
      %dma_wait3A_88 = arith.constant 0 : i32
      %dma_wait3A_89 = tpu.memref_slice %arg4[%add3A, %dma_wait3A_87, %dma_wait3A_88] : memref<32x88x128xi32, #tpu.memory_space<hbm>> -> memref<1x88x128xi32, #tpu.memory_space<hbm>>
      %dma_wait3A_90 = tpu.memref_squeeze %dma_wait3A_89 : memref<1x88x128xi32, #tpu.memory_space<hbm>> -> memref<88x128xi32, #tpu.memory_space<hbm>>
      tpu.wait_dma2 semaphore(%run_scoped3A_74 : memref<!tpu.dma_semaphore, #tpu.memory_space<semaphore_mem>>) src(%dma_wait3A_90 : memref<88x128xi32, #tpu.memory_space<hbm>>) dst(%arg9 : memref<88x128xi32, #tpu.memory_space<vmem>>)
      tpu.yield
    }) : () -> ()
    %run_scoped3A = arith.constant 0 : i32
    "tpu.region"() ({
      %run_scoped3A_74 = tpu.sem_alloc : memref<!tpu.dma_semaphore, #tpu.memory_space<semaphore_mem>>
      %dma_start3A_75 = arith.constant 0 : i32
      %dma_start3A_76 = arith.constant 0 : i32
      %dma_start3A_77 = tpu.memref_slice %arg5[%run_scoped3A, %dma_start3A_75, %dma_start3A_76] : memref<2x128x128xf32, #tpu.memory_space<hbm>> -> memref<1x128x128xf32, #tpu.memory_space<hbm>>
      %dma_start3A_78 = tpu.memref_squeeze %dma_start3A_77 : memref<1x128x128xf32, #tpu.memory_space<hbm>> -> memref<128x128xf32, #tpu.memory_space<hbm>>
      %dma_start3A_79 = arith.constant 0 : i32
      %dma_start3A_80 = arith.constant 0 : i32
      %dma_start3A_81 = tpu.memref_slice %arg5[%run_scoped3A, %dma_start3A_79, %dma_start3A_80] : memref<2x128x128xf32, #tpu.memory_space<hbm>> -> memref<1x128x128xf32, #tpu.memory_space<hbm>>
      %dma_start3A_82 = tpu.memref_squeeze %dma_start3A_81 : memref<1x128x128xf32, #tpu.memory_space<hbm>> -> memref<128x128xf32, #tpu.memory_space<hbm>>
      tpu.enqueue_dma source(%dma_start3A_82 : memref<128x128xf32, #tpu.memory_space<hbm>>) target(%arg10 : memref<128x128xf32, #tpu.memory_space<vmem>>) target_semaphore(%run_scoped3A_74 : memref<!tpu.dma_semaphore, #tpu.memory_space<semaphore_mem>>)
      %dma_wait3A_83 = arith.constant 0 : i32
      %dma_wait3A_84 = arith.constant 0 : i32
      %dma_wait3A_85 = tpu.memref_slice %arg5[%run_scoped3A, %dma_wait3A_83, %dma_wait3A_84] : memref<2x128x128xf32, #tpu.memory_space<hbm>> -> memref<1x128x128xf32, #tpu.memory_space<hbm>>
      %dma_wait3A_86 = tpu.memref_squeeze %dma_wait3A_85 : memref<1x128x128xf32, #tpu.memory_space<hbm>> -> memref<128x128xf32, #tpu.memory_space<hbm>>
      %dma_wait3A_87 = arith.constant 0 : i32
      %dma_wait3A_88 = arith.constant 0 : i32
      %dma_wait3A_89 = tpu.memref_slice %arg5[%run_scoped3A, %dma_wait3A_87, %dma_wait3A_88] : memref<2x128x128xf32, #tpu.memory_space<hbm>> -> memref<1x128x128xf32, #tpu.memory_space<hbm>>
      %dma_wait3A_90 = tpu.memref_squeeze %dma_wait3A_89 : memref<1x128x128xf32, #tpu.memory_space<hbm>> -> memref<128x128xf32, #tpu.memory_space<hbm>>
      tpu.wait_dma2 semaphore(%run_scoped3A_74 : memref<!tpu.dma_semaphore, #tpu.memory_space<semaphore_mem>>) src(%dma_wait3A_90 : memref<128x128xf32, #tpu.memory_space<hbm>>) dst(%arg10 : memref<128x128xf32, #tpu.memory_space<vmem>>)
      tpu.yield
    }) : () -> ()
    %mul3A_1 = arith.constant 5 : i32
    %mul3A_2 = arith.muli %arg1, %mul3A_1 : i32
    %add3A_3 = arith.constant 0 : i32
    %add3A_4 = arith.addi %mul3A_2, %add3A_3 : i32
    %mul3A_5 = arith.constant 128 : i32
    %mul3A_6 = arith.muli %add3A_4, %mul3A_5 : i32
    "tpu.region"() ({
      %run_scoped3A_74 = tpu.sem_alloc : memref<!tpu.dma_semaphore, #tpu.memory_space<semaphore_mem>>
      %dma_start3A_75 = arith.constant 0 : i32
      %dma_start3A_76 = tpu.memref_slice %arg16[%mul3A_6, %dma_start3A_75] : memref<10240x128xf32, #tpu.memory_space<vmem_shared>> -> memref<128x128xf32, #tpu.memory_space<vmem_shared>>
      %dma_start3A_77 = arith.constant 0 : i32
      %dma_start3A_78 = tpu.memref_slice %arg16[%mul3A_6, %dma_start3A_77] : memref<10240x128xf32, #tpu.memory_space<vmem_shared>> -> memref<128x128xf32, #tpu.memory_space<vmem_shared>>
      tpu.enqueue_dma source(%arg10 : memref<128x128xf32, #tpu.memory_space<vmem>>) target(%dma_start3A_78 : memref<128x128xf32, #tpu.memory_space<vmem_shared>>) target_semaphore(%run_scoped3A_74 : memref<!tpu.dma_semaphore, #tpu.memory_space<semaphore_mem>>)
      %dma_wait3A_79 = arith.constant 0 : i32
      %dma_wait3A_80 = tpu.memref_slice %arg16[%mul3A_6, %dma_wait3A_79] : memref<10240x128xf32, #tpu.memory_space<vmem_shared>> -> memref<128x128xf32, #tpu.memory_space<vmem_shared>>
      %dma_wait3A_81 = arith.constant 0 : i32
      %dma_wait3A_82 = tpu.memref_slice %arg16[%mul3A_6, %dma_wait3A_81] : memref<10240x128xf32, #tpu.memory_space<vmem_shared>> -> memref<128x128xf32, #tpu.memory_space<vmem_shared>>
      tpu.wait_dma2 semaphore(%run_scoped3A_74 : memref<!tpu.dma_semaphore, #tpu.memory_space<semaphore_mem>>) src(%arg10 : memref<128x128xf32, #tpu.memory_space<vmem>>) dst(%dma_wait3A_82 : memref<128x128xf32, #tpu.memory_space<vmem_shared>>)
      tpu.yield
    }) : () -> ()
    %mul3A_7 = arith.constant 5 : i32
    %mul3A_8 = arith.muli %arg1, %mul3A_7 : i32
    %add3A_9 = arith.constant 1 : i32
    %add3A_10 = arith.addi %mul3A_8, %add3A_9 : i32
    %mul3A_11 = arith.constant 128 : i32
    %mul3A_12 = arith.muli %add3A_10, %mul3A_11 : i32
    "tpu.region"() ({
      %run_scoped3A_74 = tpu.sem_alloc : memref<!tpu.dma_semaphore, #tpu.memory_space<semaphore_mem>>
      %dma_start3A_75 = arith.constant 0 : i32
      %dma_start3A_76 = tpu.memref_slice %arg16[%mul3A_12, %dma_start3A_75] : memref<10240x128xf32, #tpu.memory_space<vmem_shared>> -> memref<128x128xf32, #tpu.memory_space<vmem_shared>>
      %dma_start3A_77 = arith.constant 0 : i32
      %dma_start3A_78 = tpu.memref_slice %arg16[%mul3A_12, %dma_start3A_77] : memref<10240x128xf32, #tpu.memory_space<vmem_shared>> -> memref<128x128xf32, #tpu.memory_space<vmem_shared>>
      tpu.enqueue_dma source(%arg10 : memref<128x128xf32, #tpu.memory_space<vmem>>) target(%dma_start3A_78 : memref<128x128xf32, #tpu.memory_space<vmem_shared>>) target_semaphore(%run_scoped3A_74 : memref<!tpu.dma_semaphore, #tpu.memory_space<semaphore_mem>>)
      %dma_wait3A_79 = arith.constant 0 : i32
      %dma_wait3A_80 = tpu.memref_slice %arg16[%mul3A_12, %dma_wait3A_79] : memref<10240x128xf32, #tpu.memory_space<vmem_shared>> -> memref<128x128xf32, #tpu.memory_space<vmem_shared>>
      %dma_wait3A_81 = arith.constant 0 : i32
      %dma_wait3A_82 = tpu.memref_slice %arg16[%mul3A_12, %dma_wait3A_81] : memref<10240x128xf32, #tpu.memory_space<vmem_shared>> -> memref<128x128xf32, #tpu.memory_space<vmem_shared>>
      tpu.wait_dma2 semaphore(%run_scoped3A_74 : memref<!tpu.dma_semaphore, #tpu.memory_space<semaphore_mem>>) src(%arg10 : memref<128x128xf32, #tpu.memory_space<vmem>>) dst(%dma_wait3A_82 : memref<128x128xf32, #tpu.memory_space<vmem_shared>>)
      tpu.yield
    }) : () -> ()
    %mul3A_13 = arith.constant 5 : i32
    %mul3A_14 = arith.muli %arg1, %mul3A_13 : i32
    %add3A_15 = arith.constant 2 : i32
    %add3A_16 = arith.addi %mul3A_14, %add3A_15 : i32
    %mul3A_17 = arith.constant 128 : i32
    %mul3A_18 = arith.muli %add3A_16, %mul3A_17 : i32
    "tpu.region"() ({
      %run_scoped3A_74 = tpu.sem_alloc : memref<!tpu.dma_semaphore, #tpu.memory_space<semaphore_mem>>
      %dma_start3A_75 = arith.constant 0 : i32
      %dma_start3A_76 = tpu.memref_slice %arg16[%mul3A_18, %dma_start3A_75] : memref<10240x128xf32, #tpu.memory_space<vmem_shared>> -> memref<128x128xf32, #tpu.memory_space<vmem_shared>>
      %dma_start3A_77 = arith.constant 0 : i32
      %dma_start3A_78 = tpu.memref_slice %arg16[%mul3A_18, %dma_start3A_77] : memref<10240x128xf32, #tpu.memory_space<vmem_shared>> -> memref<128x128xf32, #tpu.memory_space<vmem_shared>>
      tpu.enqueue_dma source(%arg10 : memref<128x128xf32, #tpu.memory_space<vmem>>) target(%dma_start3A_78 : memref<128x128xf32, #tpu.memory_space<vmem_shared>>) target_semaphore(%run_scoped3A_74 : memref<!tpu.dma_semaphore, #tpu.memory_space<semaphore_mem>>)
      %dma_wait3A_79 = arith.constant 0 : i32
      %dma_wait3A_80 = tpu.memref_slice %arg16[%mul3A_18, %dma_wait3A_79] : memref<10240x128xf32, #tpu.memory_space<vmem_shared>> -> memref<128x128xf32, #tpu.memory_space<vmem_shared>>
      %dma_wait3A_81 = arith.constant 0 : i32
      %dma_wait3A_82 = tpu.memref_slice %arg16[%mul3A_18, %dma_wait3A_81] : memref<10240x128xf32, #tpu.memory_space<vmem_shared>> -> memref<128x128xf32, #tpu.memory_space<vmem_shared>>
      tpu.wait_dma2 semaphore(%run_scoped3A_74 : memref<!tpu.dma_semaphore, #tpu.memory_space<semaphore_mem>>) src(%arg10 : memref<128x128xf32, #tpu.memory_space<vmem>>) dst(%dma_wait3A_82 : memref<128x128xf32, #tpu.memory_space<vmem_shared>>)
      tpu.yield
    }) : () -> ()
    %mul3A_19 = arith.constant 5 : i32
    %mul3A_20 = arith.muli %arg1, %mul3A_19 : i32
    %add3A_21 = arith.constant 3 : i32
    %add3A_22 = arith.addi %mul3A_20, %add3A_21 : i32
    %mul3A_23 = arith.constant 128 : i32
    %mul3A_24 = arith.muli %add3A_22, %mul3A_23 : i32
    "tpu.region"() ({
      %run_scoped3A_74 = tpu.sem_alloc : memref<!tpu.dma_semaphore, #tpu.memory_space<semaphore_mem>>
      %dma_start3A_75 = arith.constant 0 : i32
      %dma_start3A_76 = tpu.memref_slice %arg16[%mul3A_24, %dma_start3A_75] : memref<10240x128xf32, #tpu.memory_space<vmem_shared>> -> memref<128x128xf32, #tpu.memory_space<vmem_shared>>
      %dma_start3A_77 = arith.constant 0 : i32
      %dma_start3A_78 = tpu.memref_slice %arg16[%mul3A_24, %dma_start3A_77] : memref<10240x128xf32, #tpu.memory_space<vmem_shared>> -> memref<128x128xf32, #tpu.memory_space<vmem_shared>>
      tpu.enqueue_dma source(%arg10 : memref<128x128xf32, #tpu.memory_space<vmem>>) target(%dma_start3A_78 : memref<128x128xf32, #tpu.memory_space<vmem_shared>>) target_semaphore(%run_scoped3A_74 : memref<!tpu.dma_semaphore, #tpu.memory_space<semaphore_mem>>)
      %dma_wait3A_79 = arith.constant 0 : i32
      %dma_wait3A_80 = tpu.memref_slice %arg16[%mul3A_24, %dma_wait3A_79] : memref<10240x128xf32, #tpu.memory_space<vmem_shared>> -> memref<128x128xf32, #tpu.memory_space<vmem_shared>>
      %dma_wait3A_81 = arith.constant 0 : i32
      %dma_wait3A_82 = tpu.memref_slice %arg16[%mul3A_24, %dma_wait3A_81] : memref<10240x128xf32, #tpu.memory_space<vmem_shared>> -> memref<128x128xf32, #tpu.memory_space<vmem_shared>>
      tpu.wait_dma2 semaphore(%run_scoped3A_74 : memref<!tpu.dma_semaphore, #tpu.memory_space<semaphore_mem>>) src(%arg10 : memref<128x128xf32, #tpu.memory_space<vmem>>) dst(%dma_wait3A_82 : memref<128x128xf32, #tpu.memory_space<vmem_shared>>)
      tpu.yield
    }) : () -> ()
    %mul3A_25 = arith.constant 5 : i32
    %mul3A_26 = arith.muli %arg1, %mul3A_25 : i32
    %add3A_27 = arith.constant 4 : i32
    %add3A_28 = arith.addi %mul3A_26, %add3A_27 : i32
    %mul3A_29 = arith.constant 128 : i32
    %mul3A_30 = arith.muli %add3A_28, %mul3A_29 : i32
    "tpu.region"() ({
      %run_scoped3A_74 = tpu.sem_alloc : memref<!tpu.dma_semaphore, #tpu.memory_space<semaphore_mem>>
      %dma_start3A_75 = arith.constant 0 : i32
      %dma_start3A_76 = tpu.memref_slice %arg16[%mul3A_30, %dma_start3A_75] : memref<10240x128xf32, #tpu.memory_space<vmem_shared>> -> memref<128x128xf32, #tpu.memory_space<vmem_shared>>
      %dma_start3A_77 = arith.constant 0 : i32
      %dma_start3A_78 = tpu.memref_slice %arg16[%mul3A_30, %dma_start3A_77] : memref<10240x128xf32, #tpu.memory_space<vmem_shared>> -> memref<128x128xf32, #tpu.memory_space<vmem_shared>>
      tpu.enqueue_dma source(%arg10 : memref<128x128xf32, #tpu.memory_space<vmem>>) target(%dma_start3A_78 : memref<128x128xf32, #tpu.memory_space<vmem_shared>>) target_semaphore(%run_scoped3A_74 : memref<!tpu.dma_semaphore, #tpu.memory_space<semaphore_mem>>)
      %dma_wait3A_79 = arith.constant 0 : i32
      %dma_wait3A_80 = tpu.memref_slice %arg16[%mul3A_30, %dma_wait3A_79] : memref<10240x128xf32, #tpu.memory_space<vmem_shared>> -> memref<128x128xf32, #tpu.memory_space<vmem_shared>>
      %dma_wait3A_81 = arith.constant 0 : i32
      %dma_wait3A_82 = tpu.memref_slice %arg16[%mul3A_30, %dma_wait3A_81] : memref<10240x128xf32, #tpu.memory_space<vmem_shared>> -> memref<128x128xf32, #tpu.memory_space<vmem_shared>>
      tpu.wait_dma2 semaphore(%run_scoped3A_74 : memref<!tpu.dma_semaphore, #tpu.memory_space<semaphore_mem>>) src(%arg10 : memref<128x128xf32, #tpu.memory_space<vmem>>) dst(%dma_wait3A_82 : memref<128x128xf32, #tpu.memory_space<vmem_shared>>)
      tpu.yield
    }) : () -> ()
    %barrier3A = arith.constant 0 : index
    tpu.barrier barrier_id(%barrier3A)
    %dma_start3A = arith.constant 0 : i32
    %dma_start3A_31 = arith.constant 0 : i32
    %dma_start3A_32 = tpu.memref_slice %arg3[%add3A, %dma_start3A, %dma_start3A_31] : memref<32x88x128xi32, #tpu.memory_space<hbm>> -> memref<1x1x128xi32, #tpu.memory_space<hbm>>
    %dma_start3A_33 = tpu.memref_squeeze %dma_start3A_32 : memref<1x1x128xi32, #tpu.memory_space<hbm>> -> memref<128xi32, #tpu.memory_space<hbm>>
    %dma_start3A_34 = arith.constant 0 : i32
    %dma_start3A_35 = tpu.memref_slice %arg3[%add3A, %dma_start3A, %dma_start3A_34] : memref<32x88x128xi32, #tpu.memory_space<hbm>> -> memref<1x1x128xi32, #tpu.memory_space<hbm>>
    %dma_start3A_36 = tpu.memref_squeeze %dma_start3A_35 : memref<1x1x128xi32, #tpu.memory_space<hbm>> -> memref<128xi32, #tpu.memory_space<hbm>>
    tpu.enqueue_dma source(%dma_start3A_36 : memref<128xi32, #tpu.memory_space<hbm>>) target(%arg7 : memref<128xi32, #tpu.memory_space<vmem>>) target_semaphore(%arg12 : memref<!tpu.dma_semaphore, #tpu.memory_space<semaphore_mem>>)
    %dma_start3A_37 = arith.constant 1 : i32
    %dma_start3A_38 = arith.constant 0 : i32
    %dma_start3A_39 = tpu.memref_slice %arg3[%add3A, %dma_start3A_37, %dma_start3A_38] : memref<32x88x128xi32, #tpu.memory_space<hbm>> -> memref<1x1x128xi32, #tpu.memory_space<hbm>>
    %dma_start3A_40 = tpu.memref_squeeze %dma_start3A_39 : memref<1x1x128xi32, #tpu.memory_space<hbm>> -> memref<128xi32, #tpu.memory_space<hbm>>
    %dma_start3A_41 = arith.constant 0 : i32
    %dma_start3A_42 = tpu.memref_slice %arg3[%add3A, %dma_start3A_37, %dma_start3A_41] : memref<32x88x128xi32, #tpu.memory_space<hbm>> -> memref<1x1x128xi32, #tpu.memory_space<hbm>>
    %dma_start3A_43 = tpu.memref_squeeze %dma_start3A_42 : memref<1x1x128xi32, #tpu.memory_space<hbm>> -> memref<128xi32, #tpu.memory_space<hbm>>
    tpu.enqueue_dma source(%dma_start3A_43 : memref<128xi32, #tpu.memory_space<hbm>>) target(%arg8 : memref<128xi32, #tpu.memory_space<vmem>>) target_semaphore(%arg13 : memref<!tpu.dma_semaphore, #tpu.memory_space<semaphore_mem>>)
    %dma_wait3A = arith.constant 0 : i32
    %dma_wait3A_44 = arith.constant 0 : i32
    %dma_wait3A_45 = tpu.memref_slice %arg3[%add3A, %dma_wait3A, %dma_wait3A_44] : memref<32x88x128xi32, #tpu.memory_space<hbm>> -> memref<1x1x128xi32, #tpu.memory_space<hbm>>
    %dma_wait3A_46 = tpu.memref_squeeze %dma_wait3A_45 : memref<1x1x128xi32, #tpu.memory_space<hbm>> -> memref<128xi32, #tpu.memory_space<hbm>>
    %dma_wait3A_47 = arith.constant 0 : i32
    %dma_wait3A_48 = tpu.memref_slice %arg3[%add3A, %dma_wait3A, %dma_wait3A_47] : memref<32x88x128xi32, #tpu.memory_space<hbm>> -> memref<1x1x128xi32, #tpu.memory_space<hbm>>
    %dma_wait3A_49 = tpu.memref_squeeze %dma_wait3A_48 : memref<1x1x128xi32, #tpu.memory_space<hbm>> -> memref<128xi32, #tpu.memory_space<hbm>>
    tpu.wait_dma2 semaphore(%arg12 : memref<!tpu.dma_semaphore, #tpu.memory_space<semaphore_mem>>) src(%dma_wait3A_49 : memref<128xi32, #tpu.memory_space<hbm>>) dst(%arg7 : memref<128xi32, #tpu.memory_space<vmem>>)
    %dma_start3A_50 = arith.constant 0 : i32
    %dma_start3A_51 = arith.constant 0 : i32
    %dma_start3A_52 = tpu.memref_slice %arg2[%dma_start3A_50, %dma_start3A_51] : memref<10240x128xf32, #tpu.memory_space<hbm>> -> memref<10240x128xf32, #tpu.memory_space<hbm>>
    tpu.enqueue_indirect_dma source(%dma_start3A_52 : memref<10240x128xf32, #tpu.memory_space<hbm>>) target(%arg10 : memref<128x128xf32, #tpu.memory_space<vmem>>) offsets(%arg7 : memref<128xi32, #tpu.memory_space<vmem>>) semaphore(%arg14 : memref<!tpu.dma_semaphore, #tpu.memory_space<semaphore_mem>>)
    %scan3A = arith.constant 0 : i32
    %scan3A_53 = arith.constant 0 : i32
    %scan3A_54 = arith.constant 40 : i32
    %scan3A_55 = arith.addi %scan3A_53, %scan3A_54 : i32
    %scan3A_56 = arith.constant 1 : i32
    %scan3A_57 = scf.for %scan3A_74 = %scan3A_53 to %scan3A_55 step %scan3A_56 iter_args(%scan3A_75 = %scan3A) -> (i32)  : i32 {
      %mul3A_76 = arith.constant 2 : i32
      %mul3A_77 = arith.muli %scan3A_74, %mul3A_76 : i32
      %dma_wait3A_78 = arith.constant 0 : i32
      %dma_wait3A_79 = arith.constant 0 : i32
      %dma_wait3A_80 = tpu.memref_slice %arg3[%add3A, %dma_wait3A_78, %dma_wait3A_79] : memref<32x88x128xi32, #tpu.memory_space<hbm>> -> memref<1x1x128xi32, #tpu.memory_space<hbm>>
      %dma_wait3A_81 = tpu.memref_squeeze %dma_wait3A_80 : memref<1x1x128xi32, #tpu.memory_space<hbm>> -> memref<128xi32, #tpu.memory_space<hbm>>
      %dma_wait3A_82 = arith.constant 0 : i32
      %dma_wait3A_83 = tpu.memref_slice %arg3[%add3A, %dma_wait3A_78, %dma_wait3A_82] : memref<32x88x128xi32, #tpu.memory_space<hbm>> -> memref<1x1x128xi32, #tpu.memory_space<hbm>>
      %dma_wait3A_84 = tpu.memref_squeeze %dma_wait3A_83 : memref<1x1x128xi32, #tpu.memory_space<hbm>> -> memref<128xi32, #tpu.memory_space<hbm>>
      tpu.wait_dma2 semaphore(%arg13 : memref<!tpu.dma_semaphore, #tpu.memory_space<semaphore_mem>>) src(%dma_wait3A_84 : memref<128xi32, #tpu.memory_space<hbm>>) dst(%arg8 : memref<128xi32, #tpu.memory_space<vmem>>)
      %dma_start3A_85 = arith.constant 0 : i32
      %dma_start3A_86 = arith.constant 0 : i32
      %dma_start3A_87 = tpu.memref_slice %arg2[%dma_start3A_85, %dma_start3A_86] : memref<10240x128xf32, #tpu.memory_space<hbm>> -> memref<10240x128xf32, #tpu.memory_space<hbm>>
      tpu.enqueue_indirect_dma source(%dma_start3A_87 : memref<10240x128xf32, #tpu.memory_space<hbm>>) target(%arg11 : memref<128x128xf32, #tpu.memory_space<vmem>>) offsets(%arg8 : memref<128xi32, #tpu.memory_space<vmem>>) semaphore(%arg15 : memref<!tpu.dma_semaphore, #tpu.memory_space<semaphore_mem>>)
      %dma_wait3A_88 = arith.constant 0 : i32
      %dma_wait3A_89 = arith.constant 0 : i32
      %dma_wait3A_90 = tpu.memref_slice %arg2[%dma_wait3A_88, %dma_wait3A_89] : memref<10240x128xf32, #tpu.memory_space<hbm>> -> memref<10240x128xf32, #tpu.memory_space<hbm>>
      tpu.wait_indirect_dma semaphore(%arg14 : memref<!tpu.dma_semaphore, #tpu.memory_space<semaphore_mem>>) src(%dma_wait3A_90 : memref<10240x128xf32, #tpu.memory_space<hbm>>) dst(%arg10 : memref<128x128xf32, #tpu.memory_space<vmem>>)
      %add3A_91 = arith.constant 2 : i32
      %add3A_92 = arith.addi %mul3A_77, %add3A_91 : i32
      %dma_start3A_93 = arith.constant 0 : i32
      %dma_start3A_94 = tpu.memref_slice %arg3[%add3A, %add3A_92, %dma_start3A_93] : memref<32x88x128xi32, #tpu.memory_space<hbm>> -> memref<1x1x128xi32, #tpu.memory_space<hbm>>
      %dma_start3A_95 = tpu.memref_squeeze %dma_start3A_94 : memref<1x1x128xi32, #tpu.memory_space<hbm>> -> memref<128xi32, #tpu.memory_space<hbm>>
      %dma_start3A_96 = arith.constant 0 : i32
      %dma_start3A_97 = tpu.memref_slice %arg3[%add3A, %add3A_92, %dma_start3A_96] : memref<32x88x128xi32, #tpu.memory_space<hbm>> -> memref<1x1x128xi32, #tpu.memory_space<hbm>>
      %dma_start3A_98 = tpu.memref_squeeze %dma_start3A_97 : memref<1x1x128xi32, #tpu.memory_space<hbm>> -> memref<128xi32, #tpu.memory_space<hbm>>
      tpu.enqueue_dma source(%dma_start3A_98 : memref<128xi32, #tpu.memory_space<hbm>>) target(%arg7 : memref<128xi32, #tpu.memory_space<vmem>>) target_semaphore(%arg12 : memref<!tpu.dma_semaphore, #tpu.memory_space<semaphore_mem>>)
      "tpu.region"() ({
        %run_scoped3A_123 = tpu.sem_alloc : memref<!tpu.dma_semaphore, #tpu.memory_space<semaphore_mem>>
        %dma_start3A_124 = arith.constant 0 : i32
        %dma_start3A_125 = tpu.memref_slice %arg9[%mul3A_77, %dma_start3A_124] : memref<88x128xi32, #tpu.memory_space<vmem>> -> memref<1x128xi32, #tpu.memory_space<vmem>>
        %dma_start3A_126 = tpu.memref_squeeze %dma_start3A_125 : memref<1x128xi32, #tpu.memory_space<vmem>> -> memref<128xi32, #tpu.memory_space<vmem>>
        %dma_start3A_127 = arith.constant 0 : i32
        %dma_start3A_128 = arith.constant 0 : i32
        %dma_start3A_129 = tpu.memref_slice %arg16[%dma_start3A_127, %dma_start3A_128] : memref<10240x128xf32, #tpu.memory_space<vmem_shared>> -> memref<10240x128xf32, #tpu.memory_space<vmem_shared>>
        tpu.enqueue_indirect_dma source(%arg10 : memref<128x128xf32, #tpu.memory_space<vmem>>) target(%dma_start3A_129 : memref<10240x128xf32, #tpu.memory_space<vmem_shared>>) offsets(%dma_start3A_126 : memref<128xi32, #tpu.memory_space<vmem>>) semaphore(%run_scoped3A_123 : memref<!tpu.dma_semaphore, #tpu.memory_space<semaphore_mem>>) {add = true}
        %dma_wait3A_130 = arith.constant 0 : i32
        %dma_wait3A_131 = tpu.memref_slice %arg9[%mul3A_77, %dma_wait3A_130] : memref<88x128xi32, #tpu.memory_space<vmem>> -> memref<1x128xi32, #tpu.memory_space<vmem>>
        %dma_wait3A_132 = tpu.memref_squeeze %dma_wait3A_131 : memref<1x128xi32, #tpu.memory_space<vmem>> -> memref<128xi32, #tpu.memory_space<vmem>>
        %dma_wait3A_133 = arith.constant 0 : i32
        %dma_wait3A_134 = arith.constant 0 : i32
        %dma_wait3A_135 = tpu.memref_slice %arg16[%dma_wait3A_133, %dma_wait3A_134] : memref<10240x128xf32, #tpu.memory_space<vmem_shared>> -> memref<10240x128xf32, #tpu.memory_space<vmem_shared>>
        tpu.wait_indirect_dma semaphore(%run_scoped3A_123 : memref<!tpu.dma_semaphore, #tpu.memory_space<semaphore_mem>>) src(%arg10 : memref<128x128xf32, #tpu.memory_space<vmem>>) dst(%dma_wait3A_135 : memref<10240x128xf32, #tpu.memory_space<vmem_shared>>)
        tpu.yield
      }) : () -> ()
      %dma_wait3A_99 = arith.constant 0 : i32
      %dma_wait3A_100 = arith.constant 0 : i32
      %dma_wait3A_101 = tpu.memref_slice %arg3[%add3A, %dma_wait3A_99, %dma_wait3A_100] : memref<32x88x128xi32, #tpu.memory_space<hbm>> -> memref<1x1x128xi32, #tpu.memory_space<hbm>>
      %dma_wait3A_102 = tpu.memref_squeeze %dma_wait3A_101 : memref<1x1x128xi32, #tpu.memory_space<hbm>> -> memref<128xi32, #tpu.memory_space<hbm>>
      %dma_wait3A_103 = arith.constant 0 : i32
      %dma_wait3A_104 = tpu.memref_slice %arg3[%add3A, %dma_wait3A_99, %dma_wait3A_103] : memref<32x88x128xi32, #tpu.memory_space<hbm>> -> memref<1x1x128xi32, #tpu.memory_space<hbm>>
      %dma_wait3A_105 = tpu.memref_squeeze %dma_wait3A_104 : memref<1x1x128xi32, #tpu.memory_space<hbm>> -> memref<128xi32, #tpu.memory_space<hbm>>
      tpu.wait_dma2 semaphore(%arg12 : memref<!tpu.dma_semaphore, #tpu.memory_space<semaphore_mem>>) src(%dma_wait3A_105 : memref<128xi32, #tpu.memory_space<hbm>>) dst(%arg7 : memref<128xi32, #tpu.memory_space<vmem>>)
      %dma_start3A_106 = arith.constant 0 : i32
      %dma_start3A_107 = arith.constant 0 : i32
      %dma_start3A_108 = tpu.memref_slice %arg2[%dma_start3A_106, %dma_start3A_107] : memref<10240x128xf32, #tpu.memory_space<hbm>> -> memref<10240x128xf32, #tpu.memory_space<hbm>>
      tpu.enqueue_indirect_dma source(%dma_start3A_108 : memref<10240x128xf32, #tpu.memory_space<hbm>>) target(%arg10 : memref<128x128xf32, #tpu.memory_space<vmem>>) offsets(%arg7 : memref<128xi32, #tpu.memory_space<vmem>>) semaphore(%arg14 : memref<!tpu.dma_semaphore, #tpu.memory_space<semaphore_mem>>)
      %dma_wait3A_109 = arith.constant 0 : i32
      %dma_wait3A_110 = arith.constant 0 : i32
      %dma_wait3A_111 = tpu.memref_slice %arg2[%dma_wait3A_109, %dma_wait3A_110] : memref<10240x128xf32, #tpu.memory_space<hbm>> -> memref<10240x128xf32, #tpu.memory_space<hbm>>
      tpu.wait_indirect_dma semaphore(%arg15 : memref<!tpu.dma_semaphore, #tpu.memory_space<semaphore_mem>>) src(%dma_wait3A_111 : memref<10240x128xf32, #tpu.memory_space<hbm>>) dst(%arg11 : memref<128x128xf32, #tpu.memory_space<vmem>>)
      %add3A_112 = arith.constant 3 : i32
      %add3A_113 = arith.addi %mul3A_77, %add3A_112 : i32
      %dma_start3A_114 = arith.constant 0 : i32
      %dma_start3A_115 = tpu.memref_slice %arg3[%add3A, %add3A_113, %dma_start3A_114] : memref<32x88x128xi32, #tpu.memory_space<hbm>> -> memref<1x1x128xi32, #tpu.memory_space<hbm>>
      %dma_start3A_116 = tpu.memref_squeeze %dma_start3A_115 : memref<1x1x128xi32, #tpu.memory_space<hbm>> -> memref<128xi32, #tpu.memory_space<hbm>>
      %dma_start3A_117 = arith.constant 0 : i32
      %dma_start3A_118 = tpu.memref_slice %arg3[%add3A, %add3A_113, %dma_start3A_117] : memref<32x88x128xi32, #tpu.memory_space<hbm>> -> memref<1x1x128xi32, #tpu.memory_space<hbm>>
      %dma_start3A_119 = tpu.memref_squeeze %dma_start3A_118 : memref<1x1x128xi32, #tpu.memory_space<hbm>> -> memref<128xi32, #tpu.memory_space<hbm>>
      tpu.enqueue_dma source(%dma_start3A_119 : memref<128xi32, #tpu.memory_space<hbm>>) target(%arg8 : memref<128xi32, #tpu.memory_space<vmem>>) target_semaphore(%arg13 : memref<!tpu.dma_semaphore, #tpu.memory_space<semaphore_mem>>)
      %add3A_120 = arith.constant 1 : i32
      %add3A_121 = arith.addi %mul3A_77, %add3A_120 : i32
      "tpu.region"() ({
        %run_scoped3A_123 = tpu.sem_alloc : memref<!tpu.dma_semaphore, #tpu.memory_space<semaphore_mem>>
        %dma_start3A_124 = arith.constant 0 : i32
        %dma_start3A_125 = tpu.memref_slice %arg9[%add3A_121, %dma_start3A_124] : memref<88x128xi32, #tpu.memory_space<vmem>> -> memref<1x128xi32, #tpu.memory_space<vmem>>
        %dma_start3A_126 = tpu.memref_squeeze %dma_start3A_125 : memref<1x128xi32, #tpu.memory_space<vmem>> -> memref<128xi32, #tpu.memory_space<vmem>>
        %dma_start3A_127 = arith.constant 0 : i32
        %dma_start3A_128 = arith.constant 0 : i32
        %dma_start3A_129 = tpu.memref_slice %arg16[%dma_start3A_127, %dma_start3A_128] : memref<10240x128xf32, #tpu.memory_space<vmem_shared>> -> memref<10240x128xf32, #tpu.memory_space<vmem_shared>>
        tpu.enqueue_indirect_dma source(%arg11 : memref<128x128xf32, #tpu.memory_space<vmem>>) target(%dma_start3A_129 : memref<10240x128xf32, #tpu.memory_space<vmem_shared>>) offsets(%dma_start3A_126 : memref<128xi32, #tpu.memory_space<vmem>>) semaphore(%run_scoped3A_123 : memref<!tpu.dma_semaphore, #tpu.memory_space<semaphore_mem>>) {add = true}
        %dma_wait3A_130 = arith.constant 0 : i32
        %dma_wait3A_131 = tpu.memref_slice %arg9[%add3A_121, %dma_wait3A_130] : memref<88x128xi32, #tpu.memory_space<vmem>> -> memref<1x128xi32, #tpu.memory_space<vmem>>
        %dma_wait3A_132 = tpu.memref_squeeze %dma_wait3A_131 : memref<1x128xi32, #tpu.memory_space<vmem>> -> memref<128xi32, #tpu.memory_space<vmem>>
        %dma_wait3A_133 = arith.constant 0 : i32
        %dma_wait3A_134 = arith.constant 0 : i32
        %dma_wait3A_135 = tpu.memref_slice %arg16[%dma_wait3A_133, %dma_wait3A_134] : memref<10240x128xf32, #tpu.memory_space<vmem_shared>> -> memref<10240x128xf32, #tpu.memory_space<vmem_shared>>
        tpu.wait_indirect_dma semaphore(%run_scoped3A_123 : memref<!tpu.dma_semaphore, #tpu.memory_space<semaphore_mem>>) src(%arg11 : memref<128x128xf32, #tpu.memory_space<vmem>>) dst(%dma_wait3A_135 : memref<10240x128xf32, #tpu.memory_space<vmem_shared>>)
        tpu.yield
      }) : () -> ()
      %scan3A_122 = arith.constant 0 : i32
      scf.yield %scan3A_122 : i32
    }
    %scan3A_58 = arith.constant 40 : i32
    %dma_wait3A_59 = arith.constant 0 : i32
    %dma_wait3A_60 = arith.constant 0 : i32
    %dma_wait3A_61 = tpu.memref_slice %arg2[%dma_wait3A_59, %dma_wait3A_60] : memref<10240x128xf32, #tpu.memory_space<hbm>> -> memref<10240x128xf32, #tpu.memory_space<hbm>>
    tpu.wait_indirect_dma semaphore(%arg14 : memref<!tpu.dma_semaphore, #tpu.memory_space<semaphore_mem>>) src(%dma_wait3A_61 : memref<10240x128xf32, #tpu.memory_space<hbm>>) dst(%arg10 : memref<128x128xf32, #tpu.memory_space<vmem>>)
    %dma_wait3A_62 = arith.constant 0 : i32
    %dma_wait3A_63 = arith.constant 0 : i32
    %dma_wait3A_64 = tpu.memref_slice %arg3[%add3A, %dma_wait3A_62, %dma_wait3A_63] : memref<32x88x128xi32, #tpu.memory_space<hbm>> -> memref<1x1x128xi32, #tpu.memory_space<hbm>>
    %dma_wait3A_65 = tpu.memref_squeeze %dma_wait3A_64 : memref<1x1x128xi32, #tpu.memory_space<hbm>> -> memref<128xi32, #tpu.memory_space<hbm>>
    %dma_wait3A_66 = arith.constant 0 : i32
    %dma_wait3A_67 = tpu.memref_slice %arg3[%add3A, %dma_wait3A_62, %dma_wait3A_66] : memref<32x88x128xi32, #tpu.memory_space<hbm>> -> memref<1x1x128xi32, #tpu.memory_space<hbm>>
    %dma_wait3A_68 = tpu.memref_squeeze %dma_wait3A_67 : memref<1x1x128xi32, #tpu.memory_space<hbm>> -> memref<128xi32, #tpu.memory_space<hbm>>
    tpu.wait_dma2 semaphore(%arg13 : memref<!tpu.dma_semaphore, #tpu.memory_space<semaphore_mem>>) src(%dma_wait3A_68 : memref<128xi32, #tpu.memory_space<hbm>>) dst(%arg8 : memref<128xi32, #tpu.memory_space<vmem>>)
    %barrier3A_69 = arith.constant 0 : index
    tpu.barrier barrier_id(%barrier3A_69)
    %mul3A_70 = arith.constant 640 : i32
    %mul3A_71 = arith.muli %arg1, %mul3A_70 : i32
    %mul3A_72 = arith.constant 640 : i32
    %mul3A_73 = arith.muli %arg1, %mul3A_72 : i32
    "tpu.region"() ({
      %run_scoped3A_74 = tpu.sem_alloc : memref<!tpu.dma_semaphore, #tpu.memory_space<semaphore_mem>>
      %dma_start3A_75 = arith.constant 0 : i32
      %dma_start3A_76 = tpu.memref_slice %arg6[%arg0, %mul3A_73, %dma_start3A_75] : memref<2x10240x128xf32, #tpu.memory_space<hbm>> -> memref<1x640x128xf32, #tpu.memory_space<hbm>>
      %dma_start3A_77 = tpu.memref_squeeze %dma_start3A_76 : memref<1x640x128xf32, #tpu.memory_space<hbm>> -> memref<640x128xf32, #tpu.memory_space<hbm>>
      %dma_start3A_78 = arith.constant 0 : i32
      %dma_start3A_79 = tpu.memref_slice %arg16[%mul3A_71, %dma_start3A_78] : memref<10240x128xf32, #tpu.memory_space<vmem_shared>> -> memref<640x128xf32, #tpu.memory_space<vmem_shared>>
      tpu.enqueue_dma source(%dma_start3A_79 : memref<640x128xf32, #tpu.memory_space<vmem_shared>>) target(%dma_start3A_77 : memref<640x128xf32, #tpu.memory_space<hbm>>) target_semaphore(%run_scoped3A_74 : memref<!tpu.dma_semaphore, #tpu.memory_space<semaphore_mem>>)
      %dma_wait3A_80 = arith.constant 0 : i32
      %dma_wait3A_81 = tpu.memref_slice %arg6[%arg0, %mul3A_73, %dma_wait3A_80] : memref<2x10240x128xf32, #tpu.memory_space<hbm>> -> memref<1x640x128xf32, #tpu.memory_space<hbm>>
      %dma_wait3A_82 = tpu.memref_squeeze %dma_wait3A_81 : memref<1x640x128xf32, #tpu.memory_space<hbm>> -> memref<640x128xf32, #tpu.memory_space<hbm>>
      %dma_wait3A_83 = arith.constant 0 : i32
      %dma_wait3A_84 = tpu.memref_slice %arg16[%mul3A_71, %dma_wait3A_83] : memref<10240x128xf32, #tpu.memory_space<vmem_shared>> -> memref<640x128xf32, #tpu.memory_space<vmem_shared>>
      tpu.wait_dma2 semaphore(%run_scoped3A_74 : memref<!tpu.dma_semaphore, #tpu.memory_space<semaphore_mem>>) src(%dma_wait3A_84 : memref<640x128xf32, #tpu.memory_space<vmem_shared>>) dst(%dma_wait3A_82 : memref<640x128xf32, #tpu.memory_space<hbm>>)
      tpu.yield
    }) : () -> ()
    return
  }
}

module attributes {stable_mosaic.version = 14 : i64} {
  func.func @_tmid_body(%arg0: i32, %arg1: memref<2x1280x128xf32, #tpu.memory_space<vmem>>, %arg2: memref<1280x128xf32, #tpu.memory_space<vmem>>, %arg3: memref<1280x1xf32, #tpu.memory_space<vmem>>, %arg4: memref<128xf32, #tpu.memory_space<vmem>>, %arg5: memref<128x128xf32, #tpu.memory_space<vmem>>, %arg6: memref<1280x128xf32, #tpu.memory_space<vmem>>, %arg7: memref<1280x128xf32, #tpu.memory_space<vmem>>, %arg8: memref<1280x128xf32, #tpu.memory_space<vmem>>) attributes {dimension_semantics = [#tpu.dimension_semantics<arbitrary>], iteration_bounds = array<i64: 8>, scalar_prefetch = 0 : i64, scratch_operands = 0 : i64, tpu.core_type = #tpu.core_type<tc>, window_params = [{transform_indices = @transform_0, window_bounds = array<i64: 2, 1280, 128>}, {transform_indices = @transform_1, window_bounds = array<i64: 1280, 128>}, {transform_indices = @transform_2, window_bounds = array<i64: 1280, 1>}, {pipeline_mode = #tpu.pipeline_mode<synchronous>, transform_indices = @transform_3, window_bounds = array<i64: 128>}, {pipeline_mode = #tpu.pipeline_mode<synchronous>, transform_indices = @transform_4, window_bounds = array<i64: 128, 128>}, {transform_indices = @transform_5, window_bounds = array<i64: 1280, 128>}, {transform_indices = @transform_6, window_bounds = array<i64: 1280, 128>}, {transform_indices = @transform_7, window_bounds = array<i64: 1280, 128>}]} {
    %get3A = arith.constant 0 : index
    %get3A_0 = arith.constant 0 : index
    %get3A_1 = arith.constant 0 : index
    %get3A_2 = vector.load %arg1[%get3A, %get3A_0, %get3A_1] : memref<2x1280x128xf32, #tpu.memory_space<vmem>>, vector<1x1280x128xf32>
    %get3A_3 = vector.shape_cast %get3A_2 : vector<1x1280x128xf32> to vector<1280x128xf32>
    %get3A_4 = arith.constant 1 : index
    %get3A_5 = arith.constant 0 : index
    %get3A_6 = arith.constant 0 : index
    %get3A_7 = vector.load %arg1[%get3A_4, %get3A_5, %get3A_6] : memref<2x1280x128xf32, #tpu.memory_space<vmem>>, vector<1x1280x128xf32>
    %get3A_8 = vector.shape_cast %get3A_7 : vector<1x1280x128xf32> to vector<1280x128xf32>
    %add3A = arith.addf %get3A_3, %get3A_8 : vector<1280x128xf32>
    %get3A_9 = arith.constant 0 : index
    %get3A_10 = arith.constant 0 : index
    %get3A_11 = vector.load %arg2[%get3A_9, %get3A_10] : memref<1280x128xf32, #tpu.memory_space<vmem>>, vector<1280x128xf32>
    %add3A_12 = arith.addf %add3A, %get3A_11 : vector<1280x128xf32>
    %get3A_13 = arith.constant 0 : index
    %get3A_14 = arith.constant 0 : index
    %get3A_15 = vector.load %arg3[%get3A_13, %get3A_14] : memref<1280x1xf32, #tpu.memory_space<vmem>>, vector<1280x1xf32>
    %mul3A = vector.broadcast %get3A_15 : vector<1280x1xf32> to vector<1280x128xf32>
    %mul3A_16 = arith.mulf %add3A_12, %mul3A : vector<1280x128xf32>
    %get3A_17 = arith.constant 0 : index
    %get3A_18 = vector.load %arg4[%get3A_17] : memref<128xf32, #tpu.memory_space<vmem>>, vector<128xf32>
    %broadcast_in_dim3A = vector.shape_cast %get3A_18 : vector<128xf32> to vector<1x128xf32>
    %add3A_19 = vector.broadcast %broadcast_in_dim3A : vector<1x128xf32> to vector<1280x128xf32>
    %add3A_20 = arith.addf %mul3A_16, %add3A_19 : vector<1280x128xf32>
    %max3A = arith.constant 0.000000e+00 : f32
    %max3A_21 = vector.broadcast %max3A : f32 to vector<1280x128xf32>
    %max3A_22 = arith.maximumf %add3A_20, %max3A_21 : vector<1280x128xf32>
    %get3A_23 = arith.constant 0 : index
    %get3A_24 = arith.constant 0 : index
    %get3A_25 = vector.load %arg6[%get3A_23, %get3A_24] : memref<1280x128xf32, #tpu.memory_space<vmem>>, vector<1280x128xf32>
    %add3A_26 = arith.addf %max3A_22, %get3A_25 : vector<1280x128xf32>
    %swap3A = arith.constant 0 : index
    %swap3A_27 = arith.constant 0 : index
    %swap3A_28 = vector.load %arg7[%swap3A, %swap3A_27] : memref<1280x128xf32, #tpu.memory_space<vmem>>, vector<1280x128xf32>
    tpu.vector_store %arg7[%swap3A, %swap3A_27], %add3A_26 {strides = array<i32>} : memref<1280x128xf32, #tpu.memory_space<vmem>>, vector<1280x128xf32>,
    %get3A_29 = arith.constant 0 : index
    %get3A_30 = arith.constant 0 : index
    %get3A_31 = vector.load %arg5[%get3A_29, %get3A_30] : memref<128x128xf32, #tpu.memory_space<vmem>>, vector<128x128xf32>
    %dot_general3A = arith.constant dense<0.000000e+00> : vector<1280x128xf32>
    %dot_general3A_32 = tpu.matmul %add3A_26, %get3A_31, %dot_general3A {dimension_numbers = #tpu.dot_dimension_numbers<[1], [0], [0], [1], [0, 0, 1, 1], [], []>, transpose_lhs_hint = false} : vector<1280x128xf32>, vector<128x128xf32>, vector<1280x128xf32> -> vector<1280x128xf32>
    %mul3A_33 = vector.broadcast %get3A_15 : vector<1280x1xf32> to vector<1280x128xf32>
    %mul3A_34 = arith.mulf %dot_general3A_32, %mul3A_33 : vector<1280x128xf32>
    %swap3A_35 = arith.constant 0 : index
    %swap3A_36 = arith.constant 0 : index
    %swap3A_37 = vector.load %arg8[%swap3A_35, %swap3A_36] : memref<1280x128xf32, #tpu.memory_space<vmem>>, vector<1280x128xf32>
    tpu.vector_store %arg8[%swap3A_35, %swap3A_36], %mul3A_34 {strides = array<i32>} : memref<1280x128xf32, #tpu.memory_space<vmem>>, vector<1280x128xf32>,
    return
  }
  func.func @transform_0(%arg0: i32) -> (i32, i32, i32) {
    %c0_i32 = arith.constant 0 : i32
    %c0_i32_0 = arith.constant 0 : i32
    %c0_i32_1 = arith.constant 0 : i32
    return %c0_i32, %arg0, %c0_i32_0 : i32, i32, i32
  }
  func.func @transform_1(%arg0: i32) -> (i32, i32) {
    %c0_i32 = arith.constant 0 : i32
    %c0_i32_0 = arith.constant 0 : i32
    return %arg0, %c0_i32 : i32, i32
  }
  func.func @transform_2(%arg0: i32) -> (i32, i32) {
    %c0_i32 = arith.constant 0 : i32
    %c0_i32_0 = arith.constant 0 : i32
    return %arg0, %c0_i32 : i32, i32
  }
  func.func @transform_3(%arg0: i32) -> i32 {
    %c0_i32 = arith.constant 0 : i32
    %c0_i32_0 = arith.constant 0 : i32
    return %c0_i32 : i32
  }
  func.func @transform_4(%arg0: i32) -> (i32, i32) {
    %c0_i32 = arith.constant 0 : i32
    %c0_i32_0 = arith.constant 0 : i32
    %c0_i32_1 = arith.constant 0 : i32
    return %c0_i32, %c0_i32_0 : i32, i32
  }
  func.func @transform_5(%arg0: i32) -> (i32, i32) {
    %c0_i32 = arith.constant 0 : i32
    %c0_i32_0 = arith.constant 0 : i32
    return %arg0, %c0_i32 : i32, i32
  }
  func.func @transform_6(%arg0: i32) -> (i32, i32) {
    %c0_i32 = arith.constant 0 : i32
    %c0_i32_0 = arith.constant 0 : i32
    return %arg0, %c0_i32 : i32, i32
  }
  func.func @transform_7(%arg0: i32) -> (i32, i32) {
    %c0_i32 = arith.constant 0 : i32
    %c0_i32_0 = arith.constant 0 : i32
    return %arg0, %c0_i32 : i32, i32
  }
}

module attributes {stable_mosaic.version = 14 : i64} {
  func.func @_t0_body(%arg0: i32, %arg1: memref<1280x128xf32, #tpu.memory_space<vmem>>, %arg2: memref<2x1280x128xf32, #tpu.memory_space<vmem>>, %arg3: memref<128x128xf32, #tpu.memory_space<vmem>>, %arg4: memref<1280x128xf32, #tpu.memory_space<vmem>>, %arg5: memref<1280x1xf32, #tpu.memory_space<vmem>>) attributes {dimension_semantics = [#tpu.dimension_semantics<arbitrary>], iteration_bounds = array<i64: 8>, scalar_prefetch = 0 : i64, scratch_operands = 0 : i64, tpu.core_type = #tpu.core_type<tc>, window_params = [{transform_indices = @transform_0, window_bounds = array<i64: 1280, 128>}, {transform_indices = @transform_1, window_bounds = array<i64: 2, 1280, 128>}, {pipeline_mode = #tpu.pipeline_mode<synchronous>, transform_indices = @transform_2, window_bounds = array<i64: 128, 128>}, {transform_indices = @transform_3, window_bounds = array<i64: 1280, 128>}, {transform_indices = @transform_4, window_bounds = array<i64: 1280, 1>}]} {
    %get3A = arith.constant 0 : index
    %get3A_0 = arith.constant 0 : index
    %get3A_1 = arith.constant 0 : index
    %get3A_2 = vector.load %arg2[%get3A, %get3A_0, %get3A_1] : memref<2x1280x128xf32, #tpu.memory_space<vmem>>, vector<1x1280x1xf32>
    %get3A_3 = vector.shape_cast %get3A_2 : vector<1x1280x1xf32> to vector<1280x1xf32>
    %get3A_4 = arith.constant 1 : index
    %get3A_5 = arith.constant 0 : index
    %get3A_6 = arith.constant 0 : index
    %get3A_7 = vector.load %arg2[%get3A_4, %get3A_5, %get3A_6] : memref<2x1280x128xf32, #tpu.memory_space<vmem>>, vector<1x1280x1xf32>
    %get3A_8 = vector.shape_cast %get3A_7 : vector<1x1280x1xf32> to vector<1280x1xf32>
    %add3A = arith.addf %get3A_3, %get3A_8 : vector<1280x1xf32>
    %add3A_9 = arith.constant 1.000000e+00 : f32
    %add3A_10 = vector.broadcast %add3A_9 : f32 to vector<1280x1xf32>
    %add3A_11 = arith.addf %add3A, %add3A_10 : vector<1280x1xf32>
    %iota3A = tpu.iota {dimensions = array<i32: 0>} : vector<1280x1xi32>
    %mul3A = arith.constant 1280 : i32
    %mul3A_12 = arith.muli %arg0, %mul3A : i32
    %add3A_13 = vector.broadcast %mul3A_12 : i32 to vector<1280x1xi32>
    %add3A_14 = arith.addi %iota3A, %add3A_13 : vector<1280x1xi32>
    %lt3A = arith.constant 10000 : i32
    %lt3A_15 = vector.broadcast %lt3A : i32 to vector<1280x1xi32>
    %lt3A_16 = arith.cmpi slt, %add3A_14, %lt3A_15 : vector<1280x1xi32>
    %rsqrt3A = math.rsqrt %add3A_11 : vector<1280x1xf32>
    %jit3A = arith.constant 0.000000e+00 : f32
    %broadcast_in_dim3A = vector.broadcast %jit3A : f32 to vector<1280x1xf32>
    %select_n3A = arith.select %lt3A_16, %rsqrt3A, %broadcast_in_dim3A : vector<1280x1xi1>, vector<1280x1xf32>
    %swap3A = arith.constant 0 : index
    %swap3A_17 = arith.constant 0 : index
    %swap3A_18 = vector.load %arg5[%swap3A, %swap3A_17] : memref<1280x1xf32, #tpu.memory_space<vmem>>, vector<1280x1xf32>
    tpu.vector_store %arg5[%swap3A, %swap3A_17], %select_n3A {strides = array<i32>} : memref<1280x1xf32, #tpu.memory_space<vmem>>, vector<1280x1xf32>,
    %get3A_19 = arith.constant 0 : index
    %get3A_20 = arith.constant 0 : index
    %get3A_21 = vector.load %arg1[%get3A_19, %get3A_20] : memref<1280x128xf32, #tpu.memory_space<vmem>>, vector<1280x128xf32>
    %get3A_22 = arith.constant 0 : index
    %get3A_23 = arith.constant 0 : index
    %get3A_24 = vector.load %arg3[%get3A_22, %get3A_23] : memref<128x128xf32, #tpu.memory_space<vmem>>, vector<128x128xf32>
    %dot_general3A = arith.constant dense<0.000000e+00> : vector<1280x128xf32>
    %dot_general3A_25 = tpu.matmul %get3A_21, %get3A_24, %dot_general3A {dimension_numbers = #tpu.dot_dimension_numbers<[1], [0], [0], [1], [0, 0, 1, 1], [], []>, transpose_lhs_hint = false} : vector<1280x128xf32>, vector<128x128xf32>, vector<1280x128xf32> -> vector<1280x128xf32>
    %mul3A_26 = vector.broadcast %select_n3A : vector<1280x1xf32> to vector<1280x128xf32>
    %mul3A_27 = arith.mulf %dot_general3A_25, %mul3A_26 : vector<1280x128xf32>
    %swap3A_28 = arith.constant 0 : index
    %swap3A_29 = arith.constant 0 : index
    %swap3A_30 = vector.load %arg4[%swap3A_28, %swap3A_29] : memref<1280x128xf32, #tpu.memory_space<vmem>>, vector<1280x128xf32>
    tpu.vector_store %arg4[%swap3A_28, %swap3A_29], %mul3A_27 {strides = array<i32>} : memref<1280x128xf32, #tpu.memory_space<vmem>>, vector<1280x128xf32>,
    return
  }
  func.func @transform_0(%arg0: i32) -> (i32, i32) {
    %c0_i32 = arith.constant 0 : i32
    %c0_i32_0 = arith.constant 0 : i32
    return %arg0, %c0_i32 : i32, i32
  }
  func.func @transform_1(%arg0: i32) -> (i32, i32, i32) {
    %c0_i32 = arith.constant 0 : i32
    %c0_i32_0 = arith.constant 0 : i32
    %c0_i32_1 = arith.constant 0 : i32
    return %c0_i32, %arg0, %c0_i32_0 : i32, i32, i32
  }
  func.func @transform_2(%arg0: i32) -> (i32, i32) {
    %c0_i32 = arith.constant 0 : i32
    %c0_i32_0 = arith.constant 0 : i32
    %c0_i32_1 = arith.constant 0 : i32
    return %c0_i32, %c0_i32_0 : i32, i32
  }
  func.func @transform_3(%arg0: i32) -> (i32, i32) {
    %c0_i32 = arith.constant 0 : i32
    %c0_i32_0 = arith.constant 0 : i32
    return %arg0, %c0_i32 : i32, i32
  }
  func.func @transform_4(%arg0: i32) -> (i32, i32) {
    %c0_i32 = arith.constant 0 : i32
    %c0_i32_0 = arith.constant 0 : i32
    return %arg0, %c0_i32 : i32, i32
  }
}

module attributes {stable_mosaic.version = 14 : i64} {
  func.func @_tmid_body(%arg0: i32, %arg1: memref<2x1280x128xf32, #tpu.memory_space<vmem>>, %arg2: memref<1280x128xf32, #tpu.memory_space<vmem>>, %arg3: memref<1280x1xf32, #tpu.memory_space<vmem>>, %arg4: memref<128xf32, #tpu.memory_space<vmem>>, %arg5: memref<128x128xf32, #tpu.memory_space<vmem>>, %arg6: memref<1280x128xf32, #tpu.memory_space<vmem>>, %arg7: memref<1280x128xf32, #tpu.memory_space<vmem>>, %arg8: memref<1280x128xf32, #tpu.memory_space<vmem>>) attributes {dimension_semantics = [#tpu.dimension_semantics<arbitrary>], iteration_bounds = array<i64: 8>, scalar_prefetch = 0 : i64, scratch_operands = 0 : i64, tpu.core_type = #tpu.core_type<tc>, window_params = [{transform_indices = @transform_0, window_bounds = array<i64: 2, 1280, 128>}, {transform_indices = @transform_1, window_bounds = array<i64: 1280, 128>}, {transform_indices = @transform_2, window_bounds = array<i64: 1280, 1>}, {pipeline_mode = #tpu.pipeline_mode<synchronous>, transform_indices = @transform_3, window_bounds = array<i64: 128>}, {pipeline_mode = #tpu.pipeline_mode<synchronous>, transform_indices = @transform_4, window_bounds = array<i64: 128, 128>}, {transform_indices = @transform_5, window_bounds = array<i64: 1280, 128>}, {transform_indices = @transform_6, window_bounds = array<i64: 1280, 128>}, {transform_indices = @transform_7, window_bounds = array<i64: 1280, 128>}]} {
    %get3A = arith.constant 0 : index
    %get3A_0 = arith.constant 0 : index
    %get3A_1 = arith.constant 0 : index
    %get3A_2 = vector.load %arg1[%get3A, %get3A_0, %get3A_1] : memref<2x1280x128xf32, #tpu.memory_space<vmem>>, vector<1x1280x128xf32>
    %get3A_3 = vector.shape_cast %get3A_2 : vector<1x1280x128xf32> to vector<1280x128xf32>
    %get3A_4 = arith.constant 1 : index
    %get3A_5 = arith.constant 0 : index
    %get3A_6 = arith.constant 0 : index
    %get3A_7 = vector.load %arg1[%get3A_4, %get3A_5, %get3A_6] : memref<2x1280x128xf32, #tpu.memory_space<vmem>>, vector<1x1280x128xf32>
    %get3A_8 = vector.shape_cast %get3A_7 : vector<1x1280x128xf32> to vector<1280x128xf32>
    %add3A = arith.addf %get3A_3, %get3A_8 : vector<1280x128xf32>
    %get3A_9 = arith.constant 0 : index
    %get3A_10 = arith.constant 0 : index
    %get3A_11 = vector.load %arg2[%get3A_9, %get3A_10] : memref<1280x128xf32, #tpu.memory_space<vmem>>, vector<1280x128xf32>
    %add3A_12 = arith.addf %add3A, %get3A_11 : vector<1280x128xf32>
    %get3A_13 = arith.constant 0 : index
    %get3A_14 = arith.constant 0 : index
    %get3A_15 = vector.load %arg3[%get3A_13, %get3A_14] : memref<1280x1xf32, #tpu.memory_space<vmem>>, vector<1280x1xf32>
    %mul3A = vector.broadcast %get3A_15 : vector<1280x1xf32> to vector<1280x128xf32>
    %mul3A_16 = arith.mulf %add3A_12, %mul3A : vector<1280x128xf32>
    %get3A_17 = arith.constant 0 : index
    %get3A_18 = vector.load %arg4[%get3A_17] : memref<128xf32, #tpu.memory_space<vmem>>, vector<128xf32>
    %broadcast_in_dim3A = vector.shape_cast %get3A_18 : vector<128xf32> to vector<1x128xf32>
    %add3A_19 = vector.broadcast %broadcast_in_dim3A : vector<1x128xf32> to vector<1280x128xf32>
    %add3A_20 = arith.addf %mul3A_16, %add3A_19 : vector<1280x128xf32>
    %max3A = arith.constant 0.000000e+00 : f32
    %max3A_21 = vector.broadcast %max3A : f32 to vector<1280x128xf32>
    %max3A_22 = arith.maximumf %add3A_20, %max3A_21 : vector<1280x128xf32>
    %swap3A = arith.constant 0 : index
    %swap3A_23 = arith.constant 0 : index
    %swap3A_24 = vector.load %arg7[%swap3A, %swap3A_23] : memref<1280x128xf32, #tpu.memory_space<vmem>>, vector<1280x128xf32>
    tpu.vector_store %arg7[%swap3A, %swap3A_23], %max3A_22 {strides = array<i32>} : memref<1280x128xf32, #tpu.memory_space<vmem>>, vector<1280x128xf32>,
    %get3A_25 = arith.constant 0 : index
    %get3A_26 = arith.constant 0 : index
    %get3A_27 = vector.load %arg5[%get3A_25, %get3A_26] : memref<128x128xf32, #tpu.memory_space<vmem>>, vector<128x128xf32>
    %dot_general3A = arith.constant dense<0.000000e+00> : vector<1280x128xf32>
    %dot_general3A_28 = tpu.matmul %max3A_22, %get3A_27, %dot_general3A {dimension_numbers = #tpu.dot_dimension_numbers<[1], [0], [0], [1], [0, 0, 1, 1], [], []>, transpose_lhs_hint = false} : vector<1280x128xf32>, vector<128x128xf32>, vector<1280x128xf32> -> vector<1280x128xf32>
    %mul3A_29 = vector.broadcast %get3A_15 : vector<1280x1xf32> to vector<1280x128xf32>
    %mul3A_30 = arith.mulf %dot_general3A_28, %mul3A_29 : vector<1280x128xf32>
    %swap3A_31 = arith.constant 0 : index
    %swap3A_32 = arith.constant 0 : index
    %swap3A_33 = vector.load %arg8[%swap3A_31, %swap3A_32] : memref<1280x128xf32, #tpu.memory_space<vmem>>, vector<1280x128xf32>
    tpu.vector_store %arg8[%swap3A_31, %swap3A_32], %mul3A_30 {strides = array<i32>} : memref<1280x128xf32, #tpu.memory_space<vmem>>, vector<1280x128xf32>,
    return
  }
  func.func @transform_0(%arg0: i32) -> (i32, i32, i32) {
    %c0_i32 = arith.constant 0 : i32
    %c0_i32_0 = arith.constant 0 : i32
    %c0_i32_1 = arith.constant 0 : i32
    return %c0_i32, %arg0, %c0_i32_0 : i32, i32, i32
  }
  func.func @transform_1(%arg0: i32) -> (i32, i32) {
    %c0_i32 = arith.constant 0 : i32
    %c0_i32_0 = arith.constant 0 : i32
    return %arg0, %c0_i32 : i32, i32
  }
  func.func @transform_2(%arg0: i32) -> (i32, i32) {
    %c0_i32 = arith.constant 0 : i32
    %c0_i32_0 = arith.constant 0 : i32
    return %arg0, %c0_i32 : i32, i32
  }
  func.func @transform_3(%arg0: i32) -> i32 {
    %c0_i32 = arith.constant 0 : i32
    %c0_i32_0 = arith.constant 0 : i32
    return %c0_i32 : i32
  }
  func.func @transform_4(%arg0: i32) -> (i32, i32) {
    %c0_i32 = arith.constant 0 : i32
    %c0_i32_0 = arith.constant 0 : i32
    %c0_i32_1 = arith.constant 0 : i32
    return %c0_i32, %c0_i32_0 : i32, i32
  }
  func.func @transform_5(%arg0: i32) -> (i32, i32) {
    %c0_i32 = arith.constant 0 : i32
    %c0_i32_0 = arith.constant 0 : i32
    return %arg0, %c0_i32 : i32, i32
  }
  func.func @transform_6(%arg0: i32) -> (i32, i32) {
    %c0_i32 = arith.constant 0 : i32
    %c0_i32_0 = arith.constant 0 : i32
    return %arg0, %c0_i32 : i32, i32
  }
  func.func @transform_7(%arg0: i32) -> (i32, i32) {
    %c0_i32 = arith.constant 0 : i32
    %c0_i32_0 = arith.constant 0 : i32
    return %arg0, %c0_i32 : i32, i32
  }
}

module attributes {stable_mosaic.version = 14 : i64} {
  func.func @_tfin_body(%arg0: i32, %arg1: memref<2x1280x128xf32, #tpu.memory_space<vmem>>, %arg2: memref<1280x128xf32, #tpu.memory_space<vmem>>, %arg3: memref<1280x1xf32, #tpu.memory_space<vmem>>, %arg4: memref<128xf32, #tpu.memory_space<vmem>>, %arg5: memref<1280x128xf32, #tpu.memory_space<vmem>>, %arg6: memref<1280x128xf32, #tpu.memory_space<vmem>>, %arg7: memref<1280x128xf32, #tpu.memory_space<vmem>>, %arg8: memref<512x256xf32, #tpu.memory_space<vmem>>, %arg9: memref<256xf32, #tpu.memory_space<vmem>>, %arg10: memref<256x128xf32, #tpu.memory_space<vmem>>, %arg11: memref<128xf32, #tpu.memory_space<vmem>>, %arg12: memref<1280x1xi32, #tpu.memory_space<vmem>>, %arg13: memref<128x64xf32, #tpu.memory_space<vmem>>, %arg14: memref<64xf32, #tpu.memory_space<vmem>>, %arg15: memref<64x10xf32, #tpu.memory_space<vmem>>, %arg16: memref<10xf32, #tpu.memory_space<vmem>>, %arg17: memref<16x10xf32, #tpu.memory_space<vmem>>, %arg18: memref<16x128xf32, #tpu.memory_space<vmem>>, %arg19: memref<16x128xf32, #tpu.memory_space<vmem>>) attributes {dimension_semantics = [#tpu.dimension_semantics<arbitrary>], iteration_bounds = array<i64: 8>, scalar_prefetch = 0 : i64, scratch_operands = 2 : i64, tpu.core_type = #tpu.core_type<tc>, window_params = [{transform_indices = @transform_0, window_bounds = array<i64: 2, 1280, 128>}, {transform_indices = @transform_1, window_bounds = array<i64: 1280, 128>}, {transform_indices = @transform_2, window_bounds = array<i64: 1280, 1>}, {pipeline_mode = #tpu.pipeline_mode<synchronous>, transform_indices = @transform_3, window_bounds = array<i64: 128>}, {transform_indices = @transform_4, window_bounds = array<i64: 1280, 128>}, {transform_indices = @transform_5, window_bounds = array<i64: 1280, 128>}, {transform_indices = @transform_6, window_bounds = array<i64: 1280, 128>}, {pipeline_mode = #tpu.pipeline_mode<synchronous>, transform_indices = @transform_7, window_bounds = array<i64: 512, 256>}, {pipeline_mode = #tpu.pipeline_mode<synchronous>, transform_indices = @transform_8, window_bounds = array<i64: 256>}, {pipeline_mode = #tpu.pipeline_mode<synchronous>, transform_indices = @transform_9, window_bounds = array<i64: 256, 128>}, {pipeline_mode = #tpu.pipeline_mode<synchronous>, transform_indices = @transform_10, window_bounds = array<i64: 128>}, {transform_indices = @transform_11, window_bounds = array<i64: 1280, 1>}, {pipeline_mode = #tpu.pipeline_mode<synchronous>, transform_indices = @transform_12, window_bounds = array<i64: 128, 64>}, {pipeline_mode = #tpu.pipeline_mode<synchronous>, transform_indices = @transform_13, window_bounds = array<i64: 64>}, {pipeline_mode = #tpu.pipeline_mode<synchronous>, transform_indices = @transform_14, window_bounds = array<i64: 64, 10>}, {pipeline_mode = #tpu.pipeline_mode<synchronous>, transform_indices = @transform_15, window_bounds = array<i64: 10>}, {pipeline_mode = #tpu.pipeline_mode<synchronous>, transform_indices = @transform_16, window_bounds = array<i64: 16, 10>}]} {
    %get3A = arith.constant 0 : index
    %get3A_0 = arith.constant 0 : index
    %get3A_1 = arith.constant 0 : index
    %get3A_2 = vector.load %arg1[%get3A, %get3A_0, %get3A_1] : memref<2x1280x128xf32, #tpu.memory_space<vmem>>, vector<1x1280x128xf32>
    %get3A_3 = vector.shape_cast %get3A_2 : vector<1x1280x128xf32> to vector<1280x128xf32>
    %get3A_4 = arith.constant 1 : index
    %get3A_5 = arith.constant 0 : index
    %get3A_6 = arith.constant 0 : index
    %get3A_7 = vector.load %arg1[%get3A_4, %get3A_5, %get3A_6] : memref<2x1280x128xf32, #tpu.memory_space<vmem>>, vector<1x1280x128xf32>
    %get3A_8 = vector.shape_cast %get3A_7 : vector<1x1280x128xf32> to vector<1280x128xf32>
    %add3A = arith.addf %get3A_3, %get3A_8 : vector<1280x128xf32>
    %get3A_9 = arith.constant 0 : index
    %get3A_10 = arith.constant 0 : index
    %get3A_11 = vector.load %arg2[%get3A_9, %get3A_10] : memref<1280x128xf32, #tpu.memory_space<vmem>>, vector<1280x128xf32>
    %add3A_12 = arith.addf %add3A, %get3A_11 : vector<1280x128xf32>
    %get3A_13 = arith.constant 0 : index
    %get3A_14 = arith.constant 0 : index
    %get3A_15 = vector.load %arg3[%get3A_13, %get3A_14] : memref<1280x1xf32, #tpu.memory_space<vmem>>, vector<1280x1xf32>
    %mul3A = vector.broadcast %get3A_15 : vector<1280x1xf32> to vector<1280x128xf32>
    %mul3A_16 = arith.mulf %add3A_12, %mul3A : vector<1280x128xf32>
    %get3A_17 = arith.constant 0 : index
    %get3A_18 = vector.load %arg4[%get3A_17] : memref<128xf32, #tpu.memory_space<vmem>>, vector<128xf32>
    %broadcast_in_dim3A = vector.shape_cast %get3A_18 : vector<128xf32> to vector<1x128xf32>
    %add3A_19 = vector.broadcast %broadcast_in_dim3A : vector<1x128xf32> to vector<1280x128xf32>
    %add3A_20 = arith.addf %mul3A_16, %add3A_19 : vector<1280x128xf32>
    %max3A = arith.constant 0.000000e+00 : f32
    %max3A_21 = vector.broadcast %max3A : f32 to vector<1280x128xf32>
    %max3A_22 = arith.maximumf %add3A_20, %max3A_21 : vector<1280x128xf32>
    %get3A_23 = arith.constant 0 : index
    %get3A_24 = arith.constant 0 : index
    %get3A_25 = vector.load %arg8[%get3A_23, %get3A_24] : memref<512x256xf32, #tpu.memory_space<vmem>>, vector<512x256xf32>
    %get3A_26 = arith.constant 0 : index
    %get3A_27 = arith.constant 0 : index
    %get3A_28 = vector.load %arg5[%get3A_26, %get3A_27] : memref<1280x128xf32, #tpu.memory_space<vmem>>, vector<1280x128xf32>
    %slice3A = vector.extract_strided_slice %get3A_25 {offsets = [0, 0], sizes = [128, 256], strides = [1, 1]} : vector<512x256xf32> to vector<128x256xf32>
    %dot_general3A = arith.constant dense<0.000000e+00> : vector<1280x256xf32>
    %dot_general3A_29 = tpu.matmul %get3A_28, %slice3A, %dot_general3A {dimension_numbers = #tpu.dot_dimension_numbers<[1], [0], [0], [1], [0, 0, 1, 1], [], []>, transpose_lhs_hint = false} : vector<1280x128xf32>, vector<128x256xf32>, vector<1280x256xf32> -> vector<1280x256xf32>
    %get3A_30 = arith.constant 0 : index
    %get3A_31 = arith.constant 0 : index
    %get3A_32 = vector.load %arg6[%get3A_30, %get3A_31] : memref<1280x128xf32, #tpu.memory_space<vmem>>, vector<1280x128xf32>
    %slice3A_33 = vector.extract_strided_slice %get3A_25 {offsets = [128, 0], sizes = [128, 256], strides = [1, 1]} : vector<512x256xf32> to vector<128x256xf32>
    %dot_general3A_34 = arith.constant dense<0.000000e+00> : vector<1280x256xf32>
    %dot_general3A_35 = tpu.matmul %get3A_32, %slice3A_33, %dot_general3A_34 {dimension_numbers = #tpu.dot_dimension_numbers<[1], [0], [0], [1], [0, 0, 1, 1], [], []>, transpose_lhs_hint = false} : vector<1280x128xf32>, vector<128x256xf32>, vector<1280x256xf32> -> vector<1280x256xf32>
    %add3A_36 = arith.addf %dot_general3A_29, %dot_general3A_35 : vector<1280x256xf32>
    %get3A_37 = arith.constant 0 : index
    %get3A_38 = arith.constant 0 : index
    %get3A_39 = vector.load %arg7[%get3A_37, %get3A_38] : memref<1280x128xf32, #tpu.memory_space<vmem>>, vector<1280x128xf32>
    %slice3A_40 = vector.extract_strided_slice %get3A_25 {offsets = [256, 0], sizes = [128, 256], strides = [1, 1]} : vector<512x256xf32> to vector<128x256xf32>
    %dot_general3A_41 = arith.constant dense<0.000000e+00> : vector<1280x256xf32>
    %dot_general3A_42 = tpu.matmul %get3A_39, %slice3A_40, %dot_general3A_41 {dimension_numbers = #tpu.dot_dimension_numbers<[1], [0], [0], [1], [0, 0, 1, 1], [], []>, transpose_lhs_hint = false} : vector<1280x128xf32>, vector<128x256xf32>, vector<1280x256xf32> -> vector<1280x256xf32>
    %add3A_43 = arith.addf %add3A_36, %dot_general3A_42 : vector<1280x256xf32>
    %slice3A_44 = vector.extract_strided_slice %get3A_25 {offsets = [384, 0], sizes = [128, 256], strides = [1, 1]} : vector<512x256xf32> to vector<128x256xf32>
    %dot_general3A_45 = arith.constant dense<0.000000e+00> : vector<1280x256xf32>
    %dot_general3A_46 = tpu.matmul %max3A_22, %slice3A_44, %dot_general3A_45 {dimension_numbers = #tpu.dot_dimension_numbers<[1], [0], [0], [1], [0, 0, 1, 1], [], []>, transpose_lhs_hint = false} : vector<1280x128xf32>, vector<128x256xf32>, vector<1280x256xf32> -> vector<1280x256xf32>
    %add3A_47 = arith.addf %add3A_43, %dot_general3A_46 : vector<1280x256xf32>
    %get3A_48 = arith.constant 0 : index
    %get3A_49 = vector.load %arg9[%get3A_48] : memref<256xf32, #tpu.memory_space<vmem>>, vector<256xf32>
    %broadcast_in_dim3A_50 = vector.shape_cast %get3A_49 : vector<256xf32> to vector<1x256xf32>
    %add3A_51 = vector.broadcast %broadcast_in_dim3A_50 : vector<1x256xf32> to vector<1280x256xf32>
    %add3A_52 = arith.addf %add3A_47, %add3A_51 : vector<1280x256xf32>
    %max3A_53 = arith.constant 0.000000e+00 : f32
    %max3A_54 = vector.broadcast %max3A_53 : f32 to vector<1280x256xf32>
    %max3A_55 = arith.maximumf %add3A_52, %max3A_54 : vector<1280x256xf32>
    %get3A_56 = arith.constant 0 : index
    %get3A_57 = arith.constant 0 : index
    %get3A_58 = vector.load %arg10[%get3A_56, %get3A_57] : memref<256x128xf32, #tpu.memory_space<vmem>>, vector<256x128xf32>
    %dot_general3A_59 = arith.constant dense<0.000000e+00> : vector<1280x128xf32>
    %dot_general3A_60 = tpu.matmul %max3A_55, %get3A_58, %dot_general3A_59 {dimension_numbers = #tpu.dot_dimension_numbers<[1], [0], [0], [1], [0, 0, 1, 1], [], []>, transpose_lhs_hint = false} : vector<1280x256xf32>, vector<256x128xf32>, vector<1280x128xf32> -> vector<1280x128xf32>
    %get3A_61 = arith.constant 0 : index
    %get3A_62 = vector.load %arg11[%get3A_61] : memref<128xf32, #tpu.memory_space<vmem>>, vector<128xf32>
    %broadcast_in_dim3A_63 = vector.shape_cast %get3A_62 : vector<128xf32> to vector<1x128xf32>
    %add3A_64 = vector.broadcast %broadcast_in_dim3A_63 : vector<1x128xf32> to vector<1280x128xf32>
    %add3A_65 = arith.addf %dot_general3A_60, %add3A_64 : vector<1280x128xf32>
    %max3A_66 = arith.constant 0.000000e+00 : f32
    %max3A_67 = vector.broadcast %max3A_66 : f32 to vector<1280x128xf32>
    %max3A_68 = arith.maximumf %add3A_65, %max3A_67 : vector<1280x128xf32>
    %get3A_69 = arith.constant 0 : index
    %get3A_70 = arith.constant 0 : index
    %get3A_71 = vector.load %arg12[%get3A_69, %get3A_70] : memref<1280x1xi32, #tpu.memory_space<vmem>>, vector<1280x1xi32>
    %iota3A = tpu.iota {dimensions = array<i32: 1>} : vector<1x16xi32>
    %eq3A = vector.broadcast %get3A_71 : vector<1280x1xi32> to vector<1280x16xi32>
    %eq3A_72 = vector.broadcast %iota3A : vector<1x16xi32> to vector<1280x16xi32>
    %eq3A_73 = arith.cmpi eq, %eq3A, %eq3A_72 : vector<1280x16xi32>
    %convert_element_type3A = arith.extui %eq3A_73 : vector<1280x16xi1> to vector<1280x16xi32>
    %convert_element_type3A_74 = arith.sitofp %convert_element_type3A : vector<1280x16xi32> to vector<1280x16xf32>
    %dot_general3A_75 = arith.constant dense<0.000000e+00> : vector<16x128xf32>
    %dot_general3A_76 = tpu.matmul %convert_element_type3A_74, %max3A_68, %dot_general3A_75 {dimension_numbers = #tpu.dot_dimension_numbers<[0], [0], [1], [1], [0, 1, 1, 1], [], []>, transpose_lhs_hint = false} : vector<1280x16xf32>, vector<1280x128xf32>, vector<16x128xf32> -> vector<16x128xf32>
    %broadcast_in_dim3A_77 = arith.constant 1.000000e+00 : f32
    %broadcast_in_dim3A_78 = vector.broadcast %broadcast_in_dim3A_77 : f32 to vector<1280x128xf32>
    %dot_general3A_79 = arith.constant dense<0.000000e+00> : vector<16x128xf32>
    %dot_general3A_80 = tpu.matmul %convert_element_type3A_74, %broadcast_in_dim3A_78, %dot_general3A_79 {dimension_numbers = #tpu.dot_dimension_numbers<[0], [0], [1], [1], [0, 1, 1, 1], [], []>, transpose_lhs_hint = false} : vector<1280x16xf32>, vector<1280x128xf32>, vector<16x128xf32> -> vector<16x128xf32>
    %eq3A_81 = arith.constant 0 : i32
    %eq3A_82 = arith.cmpi eq, %arg0, %eq3A_81 : i32
    %convert_element_type3A_83 = arith.extui %eq3A_82 : i1 to i32
    %cond3A = arith.constant 0 : i32
    %cond3A_84 = arith.cmpi ne, %convert_element_type3A_83, %cond3A : i32
    scf.if %cond3A_84 {
      %broadcast_in_dim3A_103 = arith.constant 0.000000e+00 : f32
      %broadcast_in_dim3A_104 = vector.broadcast %broadcast_in_dim3A_103 : f32 to vector<16x128xf32>
      %swap3A_105 = arith.constant 0 : index
      %swap3A_106 = arith.constant 0 : index
      %swap3A_107 = vector.load %arg18[%swap3A_105, %swap3A_106] : memref<16x128xf32, #tpu.memory_space<vmem>>, vector<16x128xf32>
      tpu.vector_store %arg18[%swap3A_105, %swap3A_106], %broadcast_in_dim3A_104 {strides = array<i32>} : memref<16x128xf32, #tpu.memory_space<vmem>>, vector<16x128xf32>,
      %broadcast_in_dim3A_108 = arith.constant 0.000000e+00 : f32
      %broadcast_in_dim3A_109 = vector.broadcast %broadcast_in_dim3A_108 : f32 to vector<16x128xf32>
      %swap3A_110 = arith.constant 0 : index
      %swap3A_111 = arith.constant 0 : index
      %swap3A_112 = vector.load %arg19[%swap3A_110, %swap3A_111] : memref<16x128xf32, #tpu.memory_space<vmem>>, vector<16x128xf32>
      tpu.vector_store %arg19[%swap3A_110, %swap3A_111], %broadcast_in_dim3A_109 {strides = array<i32>} : memref<16x128xf32, #tpu.memory_space<vmem>>, vector<16x128xf32>,
    } else {
    }
    %get3A_85 = arith.constant 0 : index
    %get3A_86 = arith.constant 0 : index
    %get3A_87 = vector.load %arg18[%get3A_85, %get3A_86] : memref<16x128xf32, #tpu.memory_space<vmem>>, vector<16x128xf32>
    %add3A_88 = arith.addf %get3A_87, %dot_general3A_76 : vector<16x128xf32>
    %swap3A = arith.constant 0 : index
    %swap3A_89 = arith.constant 0 : index
    %swap3A_90 = vector.load %arg18[%swap3A, %swap3A_89] : memref<16x128xf32, #tpu.memory_space<vmem>>, vector<16x128xf32>
    tpu.vector_store %arg18[%swap3A, %swap3A_89], %add3A_88 {strides = array<i32>} : memref<16x128xf32, #tpu.memory_space<vmem>>, vector<16x128xf32>,
    %get3A_91 = arith.constant 0 : index
    %get3A_92 = arith.constant 0 : index
    %get3A_93 = vector.load %arg19[%get3A_91, %get3A_92] : memref<16x128xf32, #tpu.memory_space<vmem>>, vector<16x128xf32>
    %add3A_94 = arith.addf %get3A_93, %dot_general3A_80 : vector<16x128xf32>
    %swap3A_95 = arith.constant 0 : index
    %swap3A_96 = arith.constant 0 : index
    %swap3A_97 = vector.load %arg19[%swap3A_95, %swap3A_96] : memref<16x128xf32, #tpu.memory_space<vmem>>, vector<16x128xf32>
    tpu.vector_store %arg19[%swap3A_95, %swap3A_96], %add3A_94 {strides = array<i32>} : memref<16x128xf32, #tpu.memory_space<vmem>>, vector<16x128xf32>,
    %eq3A_98 = arith.constant 7 : i32
    %eq3A_99 = arith.cmpi eq, %arg0, %eq3A_98 : i32
    %convert_element_type3A_100 = arith.extui %eq3A_99 : i1 to i32
    %cond3A_101 = arith.constant 0 : i32
    %cond3A_102 = arith.cmpi ne, %convert_element_type3A_100, %cond3A_101 : i32
    scf.if %cond3A_102 {
      %get3A_103 = arith.constant 0 : index
      %get3A_104 = arith.constant 0 : index
      %get3A_105 = vector.load %arg18[%get3A_103, %get3A_104] : memref<16x128xf32, #tpu.memory_space<vmem>>, vector<16x128xf32>
      %get3A_106 = arith.constant 0 : index
      %get3A_107 = arith.constant 0 : index
      %get3A_108 = vector.load %arg19[%get3A_106, %get3A_107] : memref<16x128xf32, #tpu.memory_space<vmem>>, vector<16x128xf32>
      %max3A_109 = arith.constant 1.000000e+00 : f32
      %max3A_110 = vector.broadcast %max3A_109 : f32 to vector<16x128xf32>
      %max3A_111 = arith.maximumf %get3A_108, %max3A_110 : vector<16x128xf32>
      %div3A = arith.divf %get3A_105, %max3A_111 : vector<16x128xf32>
      %get3A_112 = arith.constant 0 : index
      %get3A_113 = arith.constant 0 : index
      %get3A_114 = vector.load %arg13[%get3A_112, %get3A_113] : memref<128x64xf32, #tpu.memory_space<vmem>>, vector<128x64xf32>
      %dot_general3A_115 = arith.constant dense<0.000000e+00> : vector<16x64xf32>
      %dot_general3A_116 = tpu.matmul %div3A, %get3A_114, %dot_general3A_115 {dimension_numbers = #tpu.dot_dimension_numbers<[1], [0], [0], [1], [0, 0, 1, 1], [], []>, transpose_lhs_hint = false} : vector<16x128xf32>, vector<128x64xf32>, vector<16x64xf32> -> vector<16x64xf32>
      %get3A_117 = arith.constant 0 : index
      %get3A_118 = vector.load %arg14[%get3A_117] : memref<64xf32, #tpu.memory_space<vmem>>, vector<64xf32>
      %broadcast_in_dim3A_119 = vector.shape_cast %get3A_118 : vector<64xf32> to vector<1x64xf32>
      %add3A_120 = vector.broadcast %broadcast_in_dim3A_119 : vector<1x64xf32> to vector<16x64xf32>
      %add3A_121 = arith.addf %dot_general3A_116, %add3A_120 : vector<16x64xf32>
      %max3A_122 = arith.constant 0.000000e+00 : f32
      %max3A_123 = vector.broadcast %max3A_122 : f32 to vector<16x64xf32>
      %max3A_124 = arith.maximumf %add3A_121, %max3A_123 : vector<16x64xf32>
      %get3A_125 = arith.constant 0 : index
      %get3A_126 = arith.constant 0 : index
      %get3A_127 = vector.load %arg15[%get3A_125, %get3A_126] : memref<64x10xf32, #tpu.memory_space<vmem>>, vector<64x10xf32>
      %dot_general3A_128 = arith.constant dense<0.000000e+00> : vector<16x10xf32>
      %dot_general3A_129 = tpu.matmul %max3A_124, %get3A_127, %dot_general3A_128 {dimension_numbers = #tpu.dot_dimension_numbers<[1], [0], [0], [1], [0, 0, 1, 1], [], []>, transpose_lhs_hint = false} : vector<16x64xf32>, vector<64x10xf32>, vector<16x10xf32> -> vector<16x10xf32>
      %get3A_130 = arith.constant 0 : index
      %get3A_131 = vector.load %arg16[%get3A_130] : memref<10xf32, #tpu.memory_space<vmem>>, vector<10xf32>
      %broadcast_in_dim3A_132 = vector.shape_cast %get3A_131 : vector<10xf32> to vector<1x10xf32>
      %add3A_133 = vector.broadcast %broadcast_in_dim3A_132 : vector<1x10xf32> to vector<16x10xf32>
      %add3A_134 = arith.addf %dot_general3A_129, %add3A_133 : vector<16x10xf32>
      %swap3A_135 = arith.constant 0 : index
      %swap3A_136 = arith.constant 0 : index
      %swap3A_137 = vector.load %arg17[%swap3A_135, %swap3A_136] : memref<16x10xf32, #tpu.memory_space<vmem>>, vector<16x10xf32>
      tpu.vector_store %arg17[%swap3A_135, %swap3A_136], %add3A_134 {strides = array<i32>} : memref<16x10xf32, #tpu.memory_space<vmem>>, vector<16x10xf32>,
    } else {
    }
    return
  }
  func.func @transform_0(%arg0: i32) -> (i32, i32, i32) {
    %c0_i32 = arith.constant 0 : i32
    %c0_i32_0 = arith.constant 0 : i32
    %c0_i32_1 = arith.constant 0 : i32
    return %c0_i32, %arg0, %c0_i32_0 : i32, i32, i32
  }
  func.func @transform_1(%arg0: i32) -> (i32, i32) {
    %c0_i32 = arith.constant 0 : i32
    %c0_i32_0 = arith.constant 0 : i32
    return %arg0, %c0_i32 : i32, i32
  }
  func.func @transform_2(%arg0: i32) -> (i32, i32) {
    %c0_i32 = arith.constant 0 : i32
    %c0_i32_0 = arith.constant 0 : i32
    return %arg0, %c0_i32 : i32, i32
  }
  func.func @transform_3(%arg0: i32) -> i32 {
    %c0_i32 = arith.constant 0 : i32
    %c0_i32_0 = arith.constant 0 : i32
    return %c0_i32 : i32
  }
  func.func @transform_4(%arg0: i32) -> (i32, i32) {
    %c0_i32 = arith.constant 0 : i32
    %c0_i32_0 = arith.constant 0 : i32
    return %arg0, %c0_i32 : i32, i32
  }
  func.func @transform_5(%arg0: i32) -> (i32, i32) {
    %c0_i32 = arith.constant 0 : i32
    %c0_i32_0 = arith.constant 0 : i32
    return %arg0, %c0_i32 : i32, i32
  }
  func.func @transform_6(%arg0: i32) -> (i32, i32) {
    %c0_i32 = arith.constant 0 : i32
    %c0_i32_0 = arith.constant 0 : i32
    return %arg0, %c0_i32 : i32, i32
  }
  func.func @transform_7(%arg0: i32) -> (i32, i32) {
    %c0_i32 = arith.constant 0 : i32
    %c0_i32_0 = arith.constant 0 : i32
    %c0_i32_1 = arith.constant 0 : i32
    return %c0_i32, %c0_i32_0 : i32, i32
  }
  func.func @transform_8(%arg0: i32) -> i32 {
    %c0_i32 = arith.constant 0 : i32
    %c0_i32_0 = arith.constant 0 : i32
    return %c0_i32 : i32
  }
  func.func @transform_9(%arg0: i32) -> (i32, i32) {
    %c0_i32 = arith.constant 0 : i32
    %c0_i32_0 = arith.constant 0 : i32
    %c0_i32_1 = arith.constant 0 : i32
    return %c0_i32, %c0_i32_0 : i32, i32
  }
  func.func @transform_10(%arg0: i32) -> i32 {
    %c0_i32 = arith.constant 0 : i32
    %c0_i32_0 = arith.constant 0 : i32
    return %c0_i32 : i32
  }
  func.func @transform_11(%arg0: i32) -> (i32, i32) {
    %c0_i32 = arith.constant 0 : i32
    %c0_i32_0 = arith.constant 0 : i32
    return %arg0, %c0_i32 : i32, i32
  }
  func.func @transform_12(%arg0: i32) -> (i32, i32) {
    %c0_i32 = arith.constant 0 : i32
    %c0_i32_0 = arith.constant 0 : i32
    %c0_i32_1 = arith.constant 0 : i32
    return %c0_i32, %c0_i32_0 : i32, i32
  }
  func.func @transform_13(%arg0: i32) -> i32 {
    %c0_i32 = arith.constant 0 : i32
    %c0_i32_0 = arith.constant 0 : i32
    return %c0_i32 : i32
  }
  func.func @transform_14(%arg0: i32) -> (i32, i32) {
    %c0_i32 = arith.constant 0 : i32
    %c0_i32_0 = arith.constant 0 : i32
    %c0_i32_1 = arith.constant 0 : i32
    return %c0_i32, %c0_i32_0 : i32, i32
  }
  func.func @transform_15(%arg0: i32) -> i32 {
    %c0_i32 = arith.constant 0 : i32
    %c0_i32_0 = arith.constant 0 : i32
    return %c0_i32 : i32
  }
  func.func @transform_16(%arg0: i32) -> (i32, i32) {
    %c0_i32 = arith.constant 0 : i32
    %c0_i32_0 = arith.constant 0 : i32
    %c0_i32_1 = arith.constant 0 : i32
    return %c0_i32, %c0_i32_0 : i32, i32
  }
}

</mosaic_0001>

<sc_bundles>
// kernel: kernel.12.cloned.1.call-start
scs
__scs_entry_jumppad:
0x0: {  	(pc) =	sbr.rel $0x88, $3  }
0x1: {  	(tag) =	ssettag $0x0;
	lr =	simm.s32 $0x1  }
0x2: {  	[smem:$0x3F8E] =	sst lr;
	_ =	strace $0xD0000000  }
0x3: {  	_ = 	snop  }
0x4: {  	_ = 	snop  }
0x5: {  	_ = 	snop  }
0x6: {  	_ = 	snop  }
0x7: {  	_ = 	snop  }
__scs_overlays_trampoline_lowered:
0x8: {  	[smem:$0x3F9D] =	sst s0  }
0x9: {  	[smem:$0x3F9E] =	sst s1  }
0xa: {  	[smem:$0x3F9F] =	sst s2  }
0xb: {  	[smem:$0x3FA0] =	sst s3  }
0xc: {  	[smem:$0x3FA1] =	sst s4  }
0xd: {  	[smem:$0x3FA2] =	sst s5  }
0xe: {  	[smem:$0x3FA3] =	sst s6  }
0xf: {  	[smem:$0x3FA4] =	sst s7  }
0x10: {  	[smem:$0x3FA5] =	sst s8  }
0x11: {  	[smem:$0x3FA6] =	sst s9;
	s0 =	simm.s32 @!p0 $0x0  }
0x12: {  	s1 =	sld [smem:$0x3F8C];
	s0 =	simm.s32 @p0 $0x1  }
0x13: {  	[smem:$0x3FA7] =	sst s0;
	s0 =	simm.s32 @!p1 $0x0  }
0x14: {  	s2 =	sld [smem:$0x3F8B];
	s0 =	simm.s32 @p1 $0x1  }
0x15: {  	[smem:$0x3FA8] =	sst s0;
	s0 =	simm.s32 @!p2 $0x0  }
0x16: {  	s3 =	sld [smem:$0x3FDB];
	s0 =	simm.s32 @p2 $0x1  }
0x17: {  	s4 =	simm.s32 $0x1BF5;
	[smem:$0x3FAA] =	sst s0  }
0x18: {  	s0 =	sld [smem:$0x3F8D];
	_ =	swait.ge [sflag:s4], $0x0  }
0x19: {  	s7 =	sld [smem:$0x3F8E]  }
0x1a: {  	s8 =	sadd.s32 $0xFFFFE003, lr  }
0x1b: {  	s9 =	sadd.s32 $0xFFFFFEF7, lr;
	s5 =	simm.s32 $0xFFFFFFFF;
	p2 =	slt.u32 s8, $0xFFFFF086  }
0x1c: {  	p1 =	slt.u32 s9, $0xF7A;
	s5 =	simm.s32 @!p2 $0x0  }
0x1d: {  	s5 =	simm.s32 @p1 $0x1;
	p0 =	seq.s32 s7, s2  }
0x1e: {  	s7 =	smul.u32 @!p0 $0xF7A, s2;
	p2 =	seq.s32 @!p0 s5, $0x0  }
0x1f: {  	s9 =	smul.u32 $0xF7A, s1;
	s8 =	simm.s32 @!p0 $0x1BF5;
	p2 =	por !p2, p0  }
0x20: {  	[sflag:s8] =	ssyncset.s32 @!p0 $0xFFFFF086;
	s6 =	sadd.s32 @!p0 s3, s7;
	s7 =	simm.s32 @!p0 $0x108  }
0x21: {  	s3 =	sadd.s32 s3, s9;
	s6 =	sadd.s32 @!p0 $0x88, s6;
	s7 =	simm.s32 @p2 $0x1082  }
0x22: {  	[simem:s7], [sflag:s8] =	dma.local @!p0 [hbm:s6], $0xF7A  }
0x23: {  	s9 =	sor.u32 $0xD0000000, s2;
	s6 =	simm.s32 $0x108;
	_ =	swait.ge @!p0 [sflag:s8], $0x0  }
0x24: {  	s3 =	sadd.s32 $0x88, s3;
	s6 =	simm.s32 @!p1 $0x1082;
	[sflag:s4] =	ssyncset.s32 $0xFFFFF086  }
0x25: {  	[simem:s6], [sflag:s4] =	dma.local [hbm:s3], $0xF7A  }
0x26: {  	[smem:$0x3F8E] =	sst s1;
	(tag) =	ssettag s2;
	_ =	strace s9  }
0x27: {  	s1 =	sld [smem:$0x3F9E]  }
0x28: {  	s2 =	sld [smem:$0x3F9F]  }
0x29: {  	s4 =	sld [smem:$0x3FA1]  }
0x2a: {  	p0 =	seq.s32 s5, $0x0;
	s5 =	sld [smem:$0x3FA2]  }
0x2b: {  	s6 =	sld [smem:$0x3FA3]  }
0x2c: {  	s7 =	sld [smem:$0x3FA4]  }
0x2d: {  	s3 =	simm.s32 $0x108;
	s8 =	sld [smem:$0x3FA5]  }
0x2e: {  	s3 =	simm.s32 @!p0 $0x1082;
	s9 =	sld [smem:$0x3FA6]  }
0x2f: {  	lr =	sadd.s32 s0, s3;
	s0 =	sld [smem:$0x3F9D]  }
0x30: {  	s3 =	sld [smem:$0x3FA0]  }
0x31: {  	[smem:$0x3FA9] =	sst s10  }
0x32: {  	s10 =	sld [smem:$0x3FA7];
	_ =	sdelay $0x3  }
0x33: {  	p0 =	seq.s32 s10, $0x1;
	s10 =	sld [smem:$0x3FA9];
	_ =	sdelay $0x3  }
0x34: {  	[smem:$0x3FA9] =	sst s10  }
0x35: {  	s10 =	sld [smem:$0x3FA8];
	_ =	sdelay $0x3  }
0x36: {  	p1 =	seq.s32 s10, $0x1;
	s10 =	sld [smem:$0x3FA9];
	_ =	sdelay $0x3  }
0x37: {  	[smem:$0x3FA9] =	sst s10  }
0x38: {  	s10 =	sld [smem:$0x3FAA]  }
0x39: {  	_ = 	snop;
	(pc) =	sbr.ind lr, $3  }
0x3a: {  	_ = 	snop  }
0x3b: {  	_ = 	snop  }
0x3c: {  	p2 =	seq.s32 s10, $0x1;
	s10 =	sld [smem:$0x3FA9]  }
0x3d: {  	_ =	shalt  }
0x3e: {  	_ =	shalt  }
0x3f: {  	_ =	shalt  }
0x40: {  	_ =	shalt  }
0x41: {  	_ =	shalt  }
0x42: {  	_ =	shalt  }
0x43: {  	_ =	shalt  }
0x44: {  	_ =	shalt  }
0x45: {  	_ =	shalt  }
0x46: {  	_ =	shalt  }
0x47: {  	_ =	shalt  }
0x48: {  	_ =	shalt  }
0x49: {  	_ =	shalt  }
0x4a: {  	_ =	shalt  }
0x4b: {  	_ =	shalt  }
0x4c: {  	_ =	shalt  }
0x4d: {  	_ =	shalt  }
0x4e: {  	_ =	shalt  }
0x4f: {  	_ =	shalt  }
0x50: {  	_ =	shalt  }
0x51: {  	_ =	shalt  }
0x52: {  	_ =	shalt  }
0x53: {  	_ =	shalt  }
0x54: {  	_ =	shalt  }
0x55: {  	_ =	shalt  }
0x56: {  	_ =	shalt  }
0x57: {  	_ =	shalt  }
0x58: {  	_ =	shalt  }
0x59: {  	_ =	shalt  }
0x5a: {  	_ =	shalt  }
0x5b: {  	_ =	shalt  }
0x5c: {  	_ =	shalt  }
0x5d: {  	_ =	shalt  }
0x5e: {  	_ =	shalt  }
0x5f: {  	_ =	shalt  }
0x60: {  	_ =	shalt  }
0x61: {  	_ =	shalt  }
0x62: {  	_ =	shalt  }
0x63: {  	_ =	shalt  }
0x64: {  	_ =	shalt  }
0x65: {  	_ =	shalt  }
0x66: {  	_ =	shalt  }
0x67: {  	_ =	shalt  }
0x68: {  	_ =	shalt  }
0x69: {  	_ =	shalt  }
0x6a: {  	_ =	shalt  }
0x6b: {  	_ =	shalt  }
0x6c: {  	_ =	shalt  }
0x6d: {  	_ =	shalt  }
0x6e: {  	_ =	shalt  }
0x6f: {  	_ =	shalt  }
0x70: {  	_ =	shalt  }
0x71: {  	_ =	shalt  }
0x72: {  	_ =	shalt  }
0x73: {  	_ =	shalt  }
0x74: {  	_ =	shalt  }
0x75: {  	_ =	shalt  }
0x76: {  	_ =	shalt  }
0x77: {  	_ =	shalt  }
0x78: {  	_ =	shalt  }
0x79: {  	_ =	shalt  }
0x7a: {  	_ =	shalt  }
0x7b: {  	_ =	shalt  }
0x7c: {  	_ =	shalt  }
0x7d: {  	_ =	shalt  }
0x7e: {  	_ =	shalt  }
0x7f: {  	_ =	shalt  }
0x80: {  	_ =	shalt  }
0x81: {  	_ =	shalt  }
0x82: {  	_ =	shalt  }
0x83: {  	_ =	shalt  }
0x84: {  	_ =	shalt  }
0x85: {  	_ =	shalt  }
0x86: {  	_ =	shalt  }
0x87: {  	_ =	shalt  }
.Lfunc_end0:
.L_simem_size_0:
called_computation_lowered:
.L_overlay_start_0:
0x88: {  	s2 =	sld [smem:$0x3FD9]  }
0x89: {  	s3 =	sld [smem:$0x3FFE];
	_ =	sdelay $0x1  }
0x8a: {  	s1 =	srdreg.scid  }
0x8b: {  	s0 =	sand.u32 $0x1, s1  }
0x8c: {  	s16 =	sshll.u32 s0, $0xA;
	s2 =	sadd.s32 s3, s2  }
0x8d: {  	s2 =	sadd.s32 s2, s16  }
0x8e: {  	[smem:$0x3FB5] =	sst s2  }
0x8f: {  	_ = 	snop  }
0x90: {  	(tm) =	ssettm $0x1  }
0x91: {  	s17 =	sld [smem:$0x3FFB];
	_ =	sdelay $0x3  }
0x92: {  	_ =	strace s17  }
0x93: {  	s2 =	sld [smem:$0x3FFC];
	_ =	sdelay $0x3  }
0x94: {  	_ =	strace s2  }
0x95: {  	s2 =	sld [smem:$0x3FFD];
	_ =	sdelay $0x3  }
0x96: {  	_ =	strace s2  }
0x97: {  	_ =	strace $0x8FFFFFFF  }
0x98: {  	s18 =	sld [smem:$0x3FDB];
	_ =	sdelay $0x1  }
0x99: {  	s19 =	simm.s32 $_scs_section_size  }
0x9a: {  	s4 =	simm.s32 $_size__tile_overlayer_lowered;
	s5 =	simm.s32 $_tile_overlayer_lowered  }
0x9b: {  	s22 =	simm.s32 $0x1BFF;
	s21 =	sshll.u32 s5, $0x1;
	s2 =	sadd.s32 s19, s18  }
0x9c: {  	s6 =	simm.s32 $0x0;
	s20 =	sshll.u32 s4, $0x1;
	s4 =	sadd.s32 s21, s2  }
0x9d: {  	[timem:s6], [sflag:s22] =	dma.local [hbm:s4], s20  }
0x9e: {  	_ =	swait.ge [sflag:s22], s20  }
0x9f: {  	s3 =	ssub.s32 $0x0, s20;
	[sflag:s22] =	ssyncset.done $0x0  }
0xa0: {  	[sflag:s22] =	ssyncadd.s32 s3;
	_ =	sdelay $0x1  }
0xa1: {  	s23 =	simm.s32 $0x1B8B  }
0xa2: {  	_ =	swait.ge [sflag:s23], $0x1  }
0xa3: {  	[sflag:s23] =	ssyncset.done $0x0  }
0xa4: {  	s25 =	simm.s32 $0x1B8E;
	s24 =	sld [smem:$0x3FFE];
	[sflag:s23] =	ssyncadd.s32 $0xFFFFFFFF  }
0xa5: {  	s26 =	simm.s32 $execute0_lowered;
	[smem:$0x3FD2] =	sst s25  }
0xa6: {  	s4 =	sshll.u32 s26, $0x1;
	_ =	strace $0x80000046;
	[dreg:$0x1] =	wrdreg $0xFFFFFFFF  }
0xa7: {  	s28 =	simm.s32 $_size_execute0_lowered;
	s2 =	sadd.s32 s2, s4;
	[dreg:$0x0] =	wrdreg $0x0  }
0xa8: {  	s4 =	sshll.u32 s28, $0x1;
	[dreg:$0x2] =	wrdreg s2  }
0xa9: {  	[dreg:$0x3] =	wrdreg s4  }
0xaa: {  	[dreg:$0x4] =	wrdreg $0xC0  }
0xab: {  	_ =	task [dreg:s6], $0x5FFFF  }
0xac: {  	[dreg:$0x1] =	wrdreg $0xFFFFFFFF  }
0xad: {  	[dreg:$0x0] =	wrdreg $0x60  }
0xae: {  	[dreg:$0x2] =	wrdreg s24  }
0xaf: {  	[dreg:$0x3] =	wrdreg $0xAC000  }
0xb0: {  	[dreg:$0x4] =	wrdreg $0x9  }
0xb1: {  	_ =	task.clear_ibuf [dreg:s6], $0x5FFFF;
	_ =	strace $0x90000046  }
0xb2: {  	s29 =	simm.s32 $0x9;
	_ =	strace $0x80000048  }
0xb3: {  	_ =	swait.ge [sflag:s29], $0x1  }
0xb4: {  	[sflag:s29] =	ssyncadd.s32 $0xFFFFFFFF  }
0xb5: {  	_ =	strace $0x90000048  }
0xb6: {  	_ =	sfence  }
0xb7: {  	s30 =	sld [smem:$0x0];
	_ =	sdelay $0x2  }
0xb8: {  	s31 =	sshll.u32 s1, $0xD;
	s1 =	sshrl.u32 s1, $0x2  }
0xb9: {  	s3 =	sand.u32 $0x4000, s31;
	s1 =	sadd.s32 s1, s30  }
0xba: {  	s0 =	sor.u32 s3, s0;
	s1 =	sshll.u32 s1, $0x11  }
0xbb: {  	s0 =	sor.u32 s1, s0  }
0xbc: {  	s0 =	sadd.s32 $0x8F2B, s0  }
0xbd: {  	[sflag:s0] =	ssyncadd.remote.s32 $0x1  }
0xbe: {  	_ =	sfence.sel $0xFFFF  }
0xbf: {  	[dreg:$0x0] =	wrdreg $0xFFFFFFFF;
	(pc) =	sbr.abs _section_cstart, $3  }
0xc0: {  	[dreg:$0x1] =	wrdreg $0xFFFFFFFF  }
0xc1: {  	_ =	task.clear_ibuf [dreg:s6], $0x2FFFF;
	_ =	strace $0x9FFFFFFF  }
0xc2: {  	(tm) =	ssettm $0x7FFFFFFF  }
0xc3: {  	_ =	shalt  }
tec
execute0_lowered:
.L_overlay_start_1:
0x0: {  	(tag) =	ssettag $0x1  }
0x1: {  	s0 =	srdreg.scid;
	s7 =	rddreg [dreg:$0x0]  }
0x2: {  	s2 =	rddreg [dreg:$0x1];
	s3 =	simm.s32 $0x0;
	s14 =	simm.s32 $0x1  }
0x3: {  	s15 =	simm.s32 $0x2C00;
	s16 =	simm.s32 $0x6C00;
	s5 =	sand.u32 $0x1, s0  }
0x4: {  	s17 =	simm.s32 $0x80;
	s0 =	stileid.u32;
	s6 =	smul.u32 $0x140000, s5  }
0x5: {  	s20 =	simm.s32 $0x0;
	[smem:$0x7FF] =	sst s3;
	s8 =	smul.u32 $0x14000, s0  }
0x6: {  	s1 =	sshll.u32 s5, $0x4;
	s30 =	smul.u32 $0x50000, s0;
	s5 =	ssub.s32 $0x2, s5  }
0x7: {  	s18 =	sshll.u32 s0, $0x6;
	s1 =	sor.u32 s0, s1;
	s31 =	sshrl.u32 s5, $0x1  }
0x8: {  	s18 =	sor.u32 $0x1C01, s18;
	s4 =	smul.u32 $0x580, s1;
	s1 =	rddreg [dreg:$0x2]  }
0x9: {  	_ =	strace $0x80000047;
	s6 =	sadd.s32 s8, s6;
	s13 =	ssub.s32 s5, s31  }
0xa: {  	s8 =	sshrl.u32 s30, $0x2;
	s6 =	sshrl.u32 s6, $0x3;
	s13 =	smax.u32 s13, $0x1  }
0xb: {  	s9 =	sadd.s32 s4, s7;
	s4 =	sadd.s32 $0x44A00, s7;
	s12 =	sadd.s32 s6, s7  }
0xc: {  	s6 =	sadd.s32 s8, s2;
	s7 =	sadd.s32 $0x45200, s7;
	s5 =	sadd.s32 $0x11A00, s9  }
0xd: {  	s8 =	sadd.s32 $0x4000, s6;
	s9 =	sadd.s32 $0x8000, s6;
	s10 =	sadd.s32 $0xC000, s6  }
0xe: {  	s11 =	sadd.s32 $0x10000, s6;
	s12 =	sadd.s32 $0x49A00, s12;
	s19 =	sshrl.u32 s6, $0x3  }
.LBB2_1:
0xf: {  	[tilespmem:s3], [sflag:$0x1] =	stream.linear.gather [hbm4b:s5+s3], $0x2C00, $0x38;
	[tilespmem:$0x1EC00] =	vst v63  }
0x10: {  	_ =	swait.ge [sflag:s14], $0x2C00  }
0x11: {  	[sflag:s14] =	ssyncset.done $0x0  }
0x12: {  	[sflag:s14] =	ssyncadd.s32 $0xFFFFD400  }
0x13: {  	[tilespmem:s15], [sflag:$0x1] =	stream.linear.gather [hbm4b:s7+s3], $0x4000, $0x38;
	[tilespmem:$0x1EC00] =	vst v63  }
0x14: {  	_ =	swait.ge [sflag:s14], $0x4000  }
0x15: {  	[sflag:s14] =	ssyncset.done $0x0  }
0x16: {  	[sflag:s14] =	ssyncadd.s32 $0xFFFFC000  }
0x17: {  	[tilespmem:s16], [sflag:$0x1] =	stream.linear.gather [hbm4b:s4+s3], $0x4000, $0x38;
	[tilespmem:$0x1EC00] =	vst v63  }
0x18: {  	_ =	swait.ge [sflag:s14], $0x4000  }
0x19: {  	[sflag:s14] =	ssyncset.done $0x0  }
0x1a: {  	[sflag:s14] =	ssyncadd.s32 $0xFFFFC000  }
0x1b: {  	[spmem:s6] =	stream.linear.scatter [tilespmem:s16], [sflag:$0x1], $0x4000, $0x38;
	[tilespmem:$0x1EC00] =	vst v63  }
0x1c: {  	_ =	swait.ge [sflag:s14], $0x4000  }
0x1d: {  	[sflag:s14] =	ssyncset.done $0x0  }
0x1e: {  	[sflag:s14] =	ssyncadd.s32 $0xFFFFC000  }
0x1f: {  	[spmem:s8] =	stream.linear.scatter [tilespmem:s16], [sflag:$0x1], $0x4000, $0x38;
	[tilespmem:$0x1EC00] =	vst v63  }
0x20: {  	_ =	swait.ge [sflag:s14], $0x4000  }
0x21: {  	[sflag:s14] =	ssyncset.done $0x0  }
0x22: {  	[sflag:s14] =	ssyncadd.s32 $0xFFFFC000  }
0x23: {  	[spmem:s9] =	stream.linear.scatter [tilespmem:s16], [sflag:$0x1], $0x4000, $0x38;
	[tilespmem:$0x1EC00] =	vst v63  }
0x24: {  	_ =	swait.ge [sflag:s14], $0x4000  }
0x25: {  	[sflag:s14] =	ssyncset.done $0x0  }
0x26: {  	[sflag:s14] =	ssyncadd.s32 $0xFFFFC000  }
0x27: {  	[spmem:s10] =	stream.linear.scatter [tilespmem:s16], [sflag:$0x1], $0x4000, $0x38;
	[tilespmem:$0x1EC00] =	vst v63  }
0x28: {  	_ =	swait.ge [sflag:s14], $0x4000  }
0x29: {  	[sflag:s14] =	ssyncset.done $0x0  }
0x2a: {  	[sflag:s14] =	ssyncadd.s32 $0xFFFFC000  }
0x2b: {  	[spmem:s11] =	stream.linear.scatter [tilespmem:s16], [sflag:$0x1], $0x4000, $0x38;
	[tilespmem:$0x1EC00] =	vst v63  }
0x2c: {  	_ =	swait.ge [sflag:s14], $0x4000  }
0x2d: {  	[sflag:s14] =	ssyncset.done $0x0  }
0x2e: {  	[sflag:s14] =	ssyncadd.s32 $0xFFFFC000  }
0x2f: {  	s21 =	simm.s32 $0x0;
	[bflag:$0x0] =	sbarrier.arrive $0xFFFF  }
0x30: {  	[spmem:s2] =	stream.indirect.scatter.add.f32 [tilespmem:s15], [sflag:$0x1], $0x80, s21, s17, $0xb8;
	[tilespmem:$0x1EC00] =	vst v63  }
0x31: {  	_ =	swait.ge [sflag:s14], $0x4000  }
0x32: {  	[sflag:s14] =	ssyncset.done $0x0  }
0x33: {  	s31 =	simm.s32 $0x80;
	[sflag:s14] =	ssyncadd.s32 $0xFFFFC000  }
0x34: {  	[spmem:s2] =	stream.indirect.scatter.add.f32 [tilespmem:s15], [sflag:$0x1], $0x80, s31, s17, $0xb8;
	[tilespmem:$0x1EC00] =	vst v63  }
0x35: {  	_ =	swait.ge [sflag:s14], $0x4000  }
0x36: {  	s22 =	simm.s32 $0x800;
	s21 =	simm.s32 $0x400;
	[sflag:s14] =	ssyncset.done $0x0  }
.LBB2_2:
0x37: {  	s23 =	sshra.s32 s21, $0x2  }
0x38: {  	[sflag:s14] =	ssyncadd.s32 $0xFFFFC000;
	s21 =	smov.u32 s22;
	s24 =	sadd.s32 $0x400, s22  }
0x39: {  	[spmem:s2] =	stream.indirect.scatter.add.f32 [tilespmem:s15], [sflag:$0x1], $0x80, s23, s17, $0xb8;
	[tilespmem:$0x1EC00] =	vst v63  }
0x3a: {  	p0 =	sne.s32 s22, $0x9C00;
	_ =	swait.ge [sflag:s14], $0x4000  }
.Ltmp0:
0x3b: {  	[sflag:s14] =	ssyncset.done $0x0;
	(pc) =	sbr.rel @p0 .LBB2_2-.Ltmp0, $4  }
0x3c: {  	s22 =	sadd.s32 $0x80, s23;
	[sflag:s14] =	ssyncadd.s32 $0xFFFFC000  }
0x3d: {  	[spmem:s2] =	stream.indirect.scatter.add.f32 [tilespmem:s15], [sflag:$0x1], $0x80, s22, s17, $0xb8;
	[tilespmem:$0x1EC00] =	vst v63  }
0x3e: {  	_ =	swait.ge [sflag:s14], $0x4000  }
0x3f: {  	s22 =	smov.u32 s24;
	[sflag:s14] =	ssyncset.done $0x0  }
0x40: {  	s21 =	sshra.s32 s21, $0x2;
	[sflag:s14] =	ssyncadd.s32 $0xFFFFC000  }
0x41: {  	[spmem:s2] =	stream.indirect.scatter.add.f32 [tilespmem:s15], [sflag:$0x1], $0x80, s21, s17, $0xb8;
	[tilespmem:$0x1EC00] =	vst v63  }
0x42: {  	_ =	swait.ge [sflag:s14], $0x4000  }
0x43: {  	[sflag:s14] =	ssyncset.done $0x0  }
0x44: {  	s21 =	sadd.s32 $0x80, s21;
	[sflag:s14] =	ssyncadd.s32 $0xFFFFC000  }
0x45: {  	[spmem:s2] =	stream.indirect.scatter.add.f32 [tilespmem:s15], [sflag:$0x1], $0x80, s21, s17, $0xb8;
	[tilespmem:$0x1EC00] =	vst v63  }
0x46: {  	_ =	swait.ge [sflag:s14], $0x4000  }
0x47: {  	s20 =	sadd.s32 $0x1, s20;
	[sflag:s14] =	ssyncset.done $0x0  }
0x48: {  	p0 =	sne.s32 s20, s13;
	[sflag:s14] =	ssyncadd.s32 $0xFFFFC000  }
.Ltmp1:
0x49: {  	[bflag:$0x0] =	sbarrier.arrive $0xFFFF;
	(pc) =	sbr.rel @p0 .LBB2_1-.Ltmp1, $4  }
0x4a: {  	[hbm:s12], [sflag:s18] =	dma.local [spmem:s19], $0x2800  }
0x4b: {  	_ =	swait.ge [sflag:s14], $0x2800  }
0x4c: {  	[sflag:s14] =	ssyncset.done $0x0  }
0x4d: {  	[sflag:s14] =	ssyncadd.s32 $0xFFFFD800  }
0x4e: {  	_ =	sfence.sel $0x180000  }
0x4f: {  	[bflag:$0x0] =	sbarrier.arrive $0xFFFF  }
0x50: {  	p0 =	sne.s32 s0, $0x0;
	_ =	strace $0x90000047  }
0x51: {  	s0 =	sadd.s32 @!p0 $0x100000, s1;
	[bflag:$0x2] =	sbarrier.arrive $0xFFFF  }
0x52: {  	[sflag:s0] =	ssyncadd.tile.s32 @!p0 $0x1;
	_ =	shalt  }
.Lfunc_end2:
_tile_overlayer_lowered:
.L_overlay_start_2:
0x53: {  	(tag) =	ssettag $0x2  }
0x54: {  	s0 =	rddreg [dreg:$0x0];
	s2 =	stileid.u32  }
0x55: {  	s1 =	rddreg [dreg:$0x1];
	p0 =	sne.s32 s2, $0x0  }
0x56: {  	s3 =	rddreg [dreg:$0x2];
	[bflag:$0x3] =	sbarrier.arrive $0xFFFF;
	s2 =	simm.s32 @!p0 $0x1C01  }
0x57: {  	[timem:s3], [sflag:s2] =	dma.local @!p0 [hbm:s0], s1  }
0x58: {  	s0 =	simm.s32 @!p0 $0x1  }
0x59: {  	_ =	swait.ge @!p0 [sflag:s0], s1  }
0x5a: {  	s1 =	ssub.s32 @!p0 $0x0, s1;
	[sflag:s0] =	ssyncset.done @!p0 $0x0  }
0x5b: {  	[sflag:s0] =	ssyncadd.s32 @!p0 s1  }
0x5c: {  	[bflag:$0x3] =	sbarrier.arrive $0xFFFF  }
0x5d: {  	_ =	shalt  }

// kernel: kernel.15.cloned.1.call-start
scs
__scs_entry_jumppad:
0x0: {  	(pc) =	sbr.rel $0x88, $3  }
0x1: {  	(tag) =	ssettag $0x0;
	lr =	simm.s32 $0x1  }
0x2: {  	[smem:$0x3F8E] =	sst lr;
	_ =	strace $0xD0000000  }
0x3: {  	_ = 	snop  }
0x4: {  	_ = 	snop  }
0x5: {  	_ = 	snop  }
0x6: {  	_ = 	snop  }
0x7: {  	_ = 	snop  }
__scs_overlays_trampoline_lowered:
0x8: {  	[smem:$0x3F9D] =	sst s0  }
0x9: {  	[smem:$0x3F9E] =	sst s1  }
0xa: {  	[smem:$0x3F9F] =	sst s2  }
0xb: {  	[smem:$0x3FA0] =	sst s3  }
0xc: {  	[smem:$0x3FA1] =	sst s4  }
0xd: {  	[smem:$0x3FA2] =	sst s5  }
0xe: {  	[smem:$0x3FA3] =	sst s6  }
0xf: {  	[smem:$0x3FA4] =	sst s7  }
0x10: {  	[smem:$0x3FA5] =	sst s8  }
0x11: {  	[smem:$0x3FA6] =	sst s9;
	s0 =	simm.s32 @!p0 $0x0  }
0x12: {  	s1 =	sld [smem:$0x3F8C];
	s0 =	simm.s32 @p0 $0x1  }
0x13: {  	[smem:$0x3FA7] =	sst s0;
	s0 =	simm.s32 @!p1 $0x0  }
0x14: {  	s2 =	sld [smem:$0x3F8B];
	s0 =	simm.s32 @p1 $0x1  }
0x15: {  	[smem:$0x3FA8] =	sst s0;
	s0 =	simm.s32 @!p2 $0x0  }
0x16: {  	s3 =	sld [smem:$0x3FDB];
	s0 =	simm.s32 @p2 $0x1  }
0x17: {  	s4 =	simm.s32 $0x1BF5;
	[smem:$0x3FAA] =	sst s0  }
0x18: {  	s0 =	sld [smem:$0x3F8D];
	_ =	swait.ge [sflag:s4], $0x0  }
0x19: {  	s7 =	sld [smem:$0x3F8E]  }
0x1a: {  	s8 =	sadd.s32 $0xFFFFE003, lr  }
0x1b: {  	s9 =	sadd.s32 $0xFFFFFEF7, lr;
	s5 =	simm.s32 $0xFFFFFFFF;
	p2 =	slt.u32 s8, $0xFFFFF086  }
0x1c: {  	p1 =	slt.u32 s9, $0xF7A;
	s5 =	simm.s32 @!p2 $0x0  }
0x1d: {  	s5 =	simm.s32 @p1 $0x1;
	p0 =	seq.s32 s7, s2  }
0x1e: {  	s7 =	smul.u32 @!p0 $0xF7A, s2;
	p2 =	seq.s32 @!p0 s5, $0x0  }
0x1f: {  	s9 =	smul.u32 $0xF7A, s1;
	s8 =	simm.s32 @!p0 $0x1BF5;
	p2 =	por !p2, p0  }
0x20: {  	[sflag:s8] =	ssyncset.s32 @!p0 $0xFFFFF086;
	s6 =	sadd.s32 @!p0 s3, s7;
	s7 =	simm.s32 @!p0 $0x108  }
0x21: {  	s3 =	sadd.s32 s3, s9;
	s6 =	sadd.s32 @!p0 $0x88, s6;
	s7 =	simm.s32 @p2 $0x1082  }
0x22: {  	[simem:s7], [sflag:s8] =	dma.local @!p0 [hbm:s6], $0xF7A  }
0x23: {  	s9 =	sor.u32 $0xD0000000, s2;
	s6 =	simm.s32 $0x108;
	_ =	swait.ge @!p0 [sflag:s8], $0x0  }
0x24: {  	s3 =	sadd.s32 $0x88, s3;
	s6 =	simm.s32 @!p1 $0x1082;
	[sflag:s4] =	ssyncset.s32 $0xFFFFF086  }
0x25: {  	[simem:s6], [sflag:s4] =	dma.local [hbm:s3], $0xF7A  }
0x26: {  	[smem:$0x3F8E] =	sst s1;
	(tag) =	ssettag s2;
	_ =	strace s9  }
0x27: {  	s1 =	sld [smem:$0x3F9E]  }
0x28: {  	s2 =	sld [smem:$0x3F9F]  }
0x29: {  	s4 =	sld [smem:$0x3FA1]  }
0x2a: {  	p0 =	seq.s32 s5, $0x0;
	s5 =	sld [smem:$0x3FA2]  }
0x2b: {  	s6 =	sld [smem:$0x3FA3]  }
0x2c: {  	s7 =	sld [smem:$0x3FA4]  }
0x2d: {  	s3 =	simm.s32 $0x108;
	s8 =	sld [smem:$0x3FA5]  }
0x2e: {  	s3 =	simm.s32 @!p0 $0x1082;
	s9 =	sld [smem:$0x3FA6]  }
0x2f: {  	lr =	sadd.s32 s0, s3;
	s0 =	sld [smem:$0x3F9D]  }
0x30: {  	s3 =	sld [smem:$0x3FA0]  }
0x31: {  	[smem:$0x3FA9] =	sst s10  }
0x32: {  	s10 =	sld [smem:$0x3FA7];
	_ =	sdelay $0x3  }
0x33: {  	p0 =	seq.s32 s10, $0x1;
	s10 =	sld [smem:$0x3FA9];
	_ =	sdelay $0x3  }
0x34: {  	[smem:$0x3FA9] =	sst s10  }
0x35: {  	s10 =	sld [smem:$0x3FA8];
	_ =	sdelay $0x3  }
0x36: {  	p1 =	seq.s32 s10, $0x1;
	s10 =	sld [smem:$0x3FA9];
	_ =	sdelay $0x3  }
0x37: {  	[smem:$0x3FA9] =	sst s10  }
0x38: {  	s10 =	sld [smem:$0x3FAA]  }
0x39: {  	_ = 	snop;
	(pc) =	sbr.ind lr, $3  }
0x3a: {  	_ = 	snop  }
0x3b: {  	_ = 	snop  }
0x3c: {  	p2 =	seq.s32 s10, $0x1;
	s10 =	sld [smem:$0x3FA9]  }
0x3d: {  	_ =	shalt  }
0x3e: {  	_ =	shalt  }
0x3f: {  	_ =	shalt  }
0x40: {  	_ =	shalt  }
0x41: {  	_ =	shalt  }
0x42: {  	_ =	shalt  }
0x43: {  	_ =	shalt  }
0x44: {  	_ =	shalt  }
0x45: {  	_ =	shalt  }
0x46: {  	_ =	shalt  }
0x47: {  	_ =	shalt  }
0x48: {  	_ =	shalt  }
0x49: {  	_ =	shalt  }
0x4a: {  	_ =	shalt  }
0x4b: {  	_ =	shalt  }
0x4c: {  	_ =	shalt  }
0x4d: {  	_ =	shalt  }
0x4e: {  	_ =	shalt  }
0x4f: {  	_ =	shalt  }
0x50: {  	_ =	shalt  }
0x51: {  	_ =	shalt  }
0x52: {  	_ =	shalt  }
0x53: {  	_ =	shalt  }
0x54: {  	_ =	shalt  }
0x55: {  	_ =	shalt  }
0x56: {  	_ =	shalt  }
0x57: {  	_ =	shalt  }
0x58: {  	_ =	shalt  }
0x59: {  	_ =	shalt  }
0x5a: {  	_ =	shalt  }
0x5b: {  	_ =	shalt  }
0x5c: {  	_ =	shalt  }
0x5d: {  	_ =	shalt  }
0x5e: {  	_ =	shalt  }
0x5f: {  	_ =	shalt  }
0x60: {  	_ =	shalt  }
0x61: {  	_ =	shalt  }
0x62: {  	_ =	shalt  }
0x63: {  	_ =	shalt  }
0x64: {  	_ =	shalt  }
0x65: {  	_ =	shalt  }
0x66: {  	_ =	shalt  }
0x67: {  	_ =	shalt  }
0x68: {  	_ =	shalt  }
0x69: {  	_ =	shalt  }
0x6a: {  	_ =	shalt  }
0x6b: {  	_ =	shalt  }
0x6c: {  	_ =	shalt  }
0x6d: {  	_ =	shalt  }
0x6e: {  	_ =	shalt  }
0x6f: {  	_ =	shalt  }
0x70: {  	_ =	shalt  }
0x71: {  	_ =	shalt  }
0x72: {  	_ =	shalt  }
0x73: {  	_ =	shalt  }
0x74: {  	_ =	shalt  }
0x75: {  	_ =	shalt  }
0x76: {  	_ =	shalt  }
0x77: {  	_ =	shalt  }
0x78: {  	_ =	shalt  }
0x79: {  	_ =	shalt  }
0x7a: {  	_ =	shalt  }
0x7b: {  	_ =	shalt  }
0x7c: {  	_ =	shalt  }
0x7d: {  	_ =	shalt  }
0x7e: {  	_ =	shalt  }
0x7f: {  	_ =	shalt  }
0x80: {  	_ =	shalt  }
0x81: {  	_ =	shalt  }
0x82: {  	_ =	shalt  }
0x83: {  	_ =	shalt  }
0x84: {  	_ =	shalt  }
0x85: {  	_ =	shalt  }
0x86: {  	_ =	shalt  }
0x87: {  	_ =	shalt  }
.Lfunc_end0:
.L_simem_size_0:
called_computation.1_lowered:
.L_overlay_start_0:
0x88: {  	s2 =	sld [smem:$0x3FD9]  }
0x89: {  	s3 =	sld [smem:$0x3FFE];
	_ =	sdelay $0x1  }
0x8a: {  	s1 =	srdreg.scid  }
0x8b: {  	s0 =	sand.u32 $0x1, s1  }
0x8c: {  	s16 =	sshll.u32 s0, $0xA;
	s2 =	sadd.s32 s3, s2  }
0x8d: {  	s2 =	sadd.s32 s2, s16  }
0x8e: {  	[smem:$0x3FB5] =	sst s2  }
0x8f: {  	_ = 	snop  }
0x90: {  	(tm) =	ssettm $0x1  }
0x91: {  	s17 =	sld [smem:$0x3FFB];
	_ =	sdelay $0x3  }
0x92: {  	_ =	strace s17  }
0x93: {  	s2 =	sld [smem:$0x3FFC];
	_ =	sdelay $0x3  }
0x94: {  	_ =	strace s2  }
0x95: {  	s2 =	sld [smem:$0x3FFD];
	_ =	sdelay $0x3  }
0x96: {  	_ =	strace s2  }
0x97: {  	_ =	strace $0x8FFFFFFF  }
0x98: {  	s18 =	sld [smem:$0x3FDB];
	_ =	sdelay $0x1  }
0x99: {  	s19 =	simm.s32 $_scs_section_size  }
0x9a: {  	s4 =	simm.s32 $_size__tile_overlayer_lowered;
	s5 =	simm.s32 $_tile_overlayer_lowered  }
0x9b: {  	s22 =	simm.s32 $0x1BFF;
	s21 =	sshll.u32 s5, $0x1;
	s2 =	sadd.s32 s19, s18  }
0x9c: {  	s6 =	simm.s32 $0x0;
	s20 =	sshll.u32 s4, $0x1;
	s4 =	sadd.s32 s21, s2  }
0x9d: {  	[timem:s6], [sflag:s22] =	dma.local [hbm:s4], s20  }
0x9e: {  	_ =	swait.ge [sflag:s22], s20  }
0x9f: {  	s3 =	ssub.s32 $0x0, s20;
	[sflag:s22] =	ssyncset.done $0x0  }
0xa0: {  	[sflag:s22] =	ssyncadd.s32 s3;
	_ =	sdelay $0x1  }
0xa1: {  	s23 =	simm.s32 $0x1B8B  }
0xa2: {  	_ =	swait.ge [sflag:s23], $0x1  }
0xa3: {  	[sflag:s23] =	ssyncset.done $0x0  }
0xa4: {  	s25 =	simm.s32 $0x1B8E;
	s24 =	sld [smem:$0x3FFE];
	[sflag:s23] =	ssyncadd.s32 $0xFFFFFFFF  }
0xa5: {  	s26 =	simm.s32 $execute0_lowered;
	[smem:$0x3FD2] =	sst s25  }
0xa6: {  	s4 =	sshll.u32 s26, $0x1;
	_ =	strace $0x80000049;
	[dreg:$0x1] =	wrdreg $0xFFFFFFFF  }
0xa7: {  	s28 =	simm.s32 $_size_execute0_lowered;
	s2 =	sadd.s32 s2, s4;
	[dreg:$0x0] =	wrdreg $0x0  }
0xa8: {  	s4 =	sshll.u32 s28, $0x1;
	[dreg:$0x2] =	wrdreg s2  }
0xa9: {  	[dreg:$0x3] =	wrdreg s4  }
0xaa: {  	[dreg:$0x4] =	wrdreg $0xC0  }
0xab: {  	_ =	task [dreg:s6], $0x5FFFF  }
0xac: {  	[dreg:$0x1] =	wrdreg $0xFFFFFFFF  }
0xad: {  	[dreg:$0x0] =	wrdreg $0x60  }
0xae: {  	[dreg:$0x2] =	wrdreg s24  }
0xaf: {  	[dreg:$0x3] =	wrdreg $0xAD000  }
0xb0: {  	[dreg:$0x4] =	wrdreg $0x9  }
0xb1: {  	_ =	task.clear_ibuf [dreg:s6], $0x5FFFF;
	_ =	strace $0x90000049  }
0xb2: {  	s29 =	simm.s32 $0x9;
	_ =	strace $0x8000004B  }
0xb3: {  	_ =	swait.ge [sflag:s29], $0x1  }
0xb4: {  	[sflag:s29] =	ssyncadd.s32 $0xFFFFFFFF  }
0xb5: {  	_ =	strace $0x9000004B  }
0xb6: {  	_ =	sfence  }
0xb7: {  	s30 =	sld [smem:$0x0];
	_ =	sdelay $0x2  }
0xb8: {  	s31 =	sshll.u32 s1, $0xD;
	s1 =	sshrl.u32 s1, $0x2  }
0xb9: {  	s3 =	sand.u32 $0x4000, s31;
	s1 =	sadd.s32 s1, s30  }
0xba: {  	s0 =	sor.u32 s3, s0;
	s1 =	sshll.u32 s1, $0x11  }
0xbb: {  	s0 =	sor.u32 s1, s0  }
0xbc: {  	s0 =	sadd.s32 $0x8F2B, s0  }
0xbd: {  	[sflag:s0] =	ssyncadd.remote.s32 $0x1  }
0xbe: {  	_ =	sfence.sel $0xFFFF  }
0xbf: {  	[dreg:$0x0] =	wrdreg $0xFFFFFFFF;
	(pc) =	sbr.abs _section_cstart, $3  }
0xc0: {  	[dreg:$0x1] =	wrdreg $0xFFFFFFFF  }
0xc1: {  	_ =	task.clear_ibuf [dreg:s6], $0x2FFFF;
	_ =	strace $0x9FFFFFFF  }
0xc2: {  	(tm) =	ssettm $0x7FFFFFFF  }
0xc3: {  	_ =	shalt  }
tec
execute0_lowered:
.L_overlay_start_1:
0x0: {  	(tag) =	ssettag $0x1  }
0x1: {  	s0 =	srdreg.scid;
	s9 =	rddreg [dreg:$0x0]  }
0x2: {  	s29 =	stileid.u32;
	s2 =	rddreg [dreg:$0x1]  }
0x3: {  	s3 =	simm.s32 $0x0;
	s18 =	simm.s32 $0x100;
	s19 =	simm.s32 $0x5  }
0x4: {  	s20 =	simm.s32 $0x2D00;
	s21 =	simm.s32 $0x80;
	s22 =	simm.s32 $0x1  }
0x5: {  	s23 =	simm.s32 $0x2;
	s24 =	simm.s32 $0x6D00;
	s25 =	simm.s32 $0x3  }
0x6: {  	s26 =	simm.s32 $0x4;
	s28 =	simm.s32 $0x0;
	s8 =	sand.u32 $0x1, s0  }
0x7: {  	[smem:$0x7FF] =	sst s3;
	s10 =	smul.u32 $0x14000, s29;
	s5 =	sadd.s32 $0x49A00, s9  }
0x8: {  	s6 =	sadd.s32 $0x6A00, s9;
	s13 =	smul.u32 $0x50000, s29;
	s1 =	sshll.u32 s8, $0x4  }
0x9: {  	s7 =	smul.u32 $0x140000, s8;
	s8 =	ssub.s32 $0x2, s8;
	s4 =	sor.u32 s29, s1  }
0xa: {  	_ =	strace $0x8000004A;
	s30 =	sshrl.u32 s8, $0x1;
	s4 =	smul.u32 $0x2C00, s4  }
0xb: {  	s31 =	sshrl.u32 s13, $0x2;
	s10 =	sadd.s32 s10, s7;
	s7 =	sadd.s32 $0x45A00, s9  }
0xc: {  	s17 =	ssub.s32 s8, s30;
	s10 =	sshrl.u32 s10, $0x3;
	s12 =	sshrl.u32 s4, $0x3  }
0xd: {  	s17 =	smax.u32 s17, $0x1;
	s16 =	sadd.s32 s10, s9;
	s11 =	sadd.s32 s12, s9  }
0xe: {  	s9 =	sadd.s32 s31, s2;
	s12 =	sadd.s32 s6, s12;
	s16 =	sadd.s32 $0x71A00, s16  }
0xf: {  	s8 =	sadd.s32 $0x11A00, s11;
	s10 =	sadd.s32 $0x4000, s9;
	s11 =	sadd.s32 $0x8000, s9  }
0x10: {  	s13 =	sadd.s32 $0xC000, s9;
	s14 =	sadd.s32 $0x10000, s9;
	s15 =	sadd.s32 $0x10, s12  }
.LBB2_1:
0x11: {  	[tilespmem:s18], [sflag:$0x5] =	stream.linear.gather [hbm4b:s8+s3], $0x2C00, $0x38;
	[tilespmem:$0x1ED00] =	vst v63  }
0x12: {  	_ =	swait.ge [sflag:s19], $0x2C00  }
0x13: {  	[sflag:s19] =	ssyncset.done $0x0  }
0x14: {  	[sflag:s19] =	ssyncadd.s32 $0xFFFFD400  }
0x15: {  	[tilespmem:s20], [sflag:$0x5] =	stream.linear.gather [hbm4b:s7+s3], $0x4000, $0x38;
	[tilespmem:$0x1ED00] =	vst v63  }
0x16: {  	_ =	swait.ge [sflag:s19], $0x4000  }
0x17: {  	[sflag:s19] =	ssyncset.done $0x0  }
0x18: {  	[sflag:s19] =	ssyncadd.s32 $0xFFFFC000  }
0x19: {  	[spmem:s9] =	stream.linear.scatter [tilespmem:s20], [sflag:$0x5], $0x4000, $0x38;
	[tilespmem:$0x1ED00] =	vst v63  }
0x1a: {  	_ =	swait.ge [sflag:s19], $0x4000  }
0x1b: {  	[sflag:s19] =	ssyncset.done $0x0  }
0x1c: {  	[sflag:s19] =	ssyncadd.s32 $0xFFFFC000  }
0x1d: {  	[spmem:s10] =	stream.linear.scatter [tilespmem:s20], [sflag:$0x5], $0x4000, $0x38;
	[tilespmem:$0x1ED00] =	vst v63  }
0x1e: {  	_ =	swait.ge [sflag:s19], $0x4000  }
0x1f: {  	[sflag:s19] =	ssyncset.done $0x0  }
0x20: {  	[sflag:s19] =	ssyncadd.s32 $0xFFFFC000  }
0x21: {  	[spmem:s11] =	stream.linear.scatter [tilespmem:s20], [sflag:$0x5], $0x4000, $0x38;
	[tilespmem:$0x1ED00] =	vst v63  }
0x22: {  	_ =	swait.ge [sflag:s19], $0x4000  }
0x23: {  	[sflag:s19] =	ssyncset.done $0x0  }
0x24: {  	[sflag:s19] =	ssyncadd.s32 $0xFFFFC000  }
0x25: {  	[spmem:s13] =	stream.linear.scatter [tilespmem:s20], [sflag:$0x5], $0x4000, $0x38;
	[tilespmem:$0x1ED00] =	vst v63  }
0x26: {  	_ =	swait.ge [sflag:s19], $0x4000  }
0x27: {  	[sflag:s19] =	ssyncset.done $0x0  }
0x28: {  	[sflag:s19] =	ssyncadd.s32 $0xFFFFC000  }
0x29: {  	[spmem:s14] =	stream.linear.scatter [tilespmem:s20], [sflag:$0x5], $0x4000, $0x38;
	[tilespmem:$0x1ED00] =	vst v63  }
0x2a: {  	_ =	swait.ge [sflag:s19], $0x4000  }
0x2b: {  	[sflag:s19] =	ssyncset.done $0x0  }
0x2c: {  	[sflag:s19] =	ssyncadd.s32 $0xFFFFC000  }
0x2d: {  	[bflag:$0x0] =	sbarrier.arrive $0xFFFF  }
0x2e: {  	[tilespmem:s3], [sflag:$0x1] =	stream.linear.gather [hbm4b:s12+s3], $0x80, $0x38;
	[tilespmem:$0x1ED00] =	vst v63  }
0x2f: {  	_ = 	snop  }
0x30: {  	[tilespmem:s21], [sflag:$0x2] =	stream.linear.gather [hbm4b:s15+s3], $0x80, $0x38;
	[tilespmem:$0x1ED00] =	vst v63  }
0x31: {  	_ =	swait.ge [sflag:s22], $0x80  }
0x32: {  	[sflag:s22] =	ssyncset.done $0x0  }
0x33: {  	[sflag:s22] =	ssyncadd.s32 $0xFFFFFF80  }
0x34: {  	[tilespmem:s20], [sflag:$0x3] =	stream.indirect.gather [hbm4b:s5+s21], $0x80, s3, s21, $0xb8;
	[tilespmem:$0x1ED00] =	vst v63  }
0x35: {  	s29 =	simm.s32 $0x100;
	_ =	swait.ge [sflag:s23], $0x80  }
0x36: {  	s30 =	sand.u32 $0x7C00, s29;
	[sflag:s23] =	ssyncset.done $0x0  }
0x37: {  	s29 =	sand.u32 $0x300, s29;
	s30 =	sadd.s32 s4, s30;
	[sflag:s23] =	ssyncadd.s32 $0xFFFFFF80  }
0x38: {  	[tilespmem:s24], [sflag:$0x4] =	stream.indirect.gather [hbm4b:s5+s21], $0x80, s21, s21, $0xb8;
	[tilespmem:$0x1ED00] =	vst v63  }
0x39: {  	s29 =	sor.u32 s29, s30;
	_ =	swait.ge [sflag:s25], $0x4000  }
0x3a: {  	s29 =	sshrl.u32 s29, $0x3;
	[sflag:s25] =	ssyncset.done $0x0  }
0x3b: {  	s29 =	sadd.s32 s6, s29;
	[sflag:s25] =	ssyncadd.s32 $0xFFFFC000  }
0x3c: {  	[tilespmem:s3], [sflag:$0x1] =	stream.linear.gather [hbm4b:s29+s3], $0x80, $0x38;
	[tilespmem:$0x1ED00] =	vst v63  }
0x3d: {  	s29 =	simm.s32 $0x100  }
0x3e: {  	[spmem:s2] =	stream.indirect.scatter.add.f32 [tilespmem:s20], [sflag:$0x5], $0x80, s29, s21, $0xb8;
	[tilespmem:$0x1ED00] =	vst v63  }
0x3f: {  	_ =	swait.ge [sflag:s19], $0x4000  }
0x40: {  	[sflag:s19] =	ssyncset.done $0x0  }
0x41: {  	[sflag:s19] =	ssyncadd.s32 $0xFFFFC000  }
0x42: {  	s29 =	simm.s32 $0x180;
	_ =	swait.ge [sflag:s22], $0x80  }
0x43: {  	s30 =	sand.u32 $0x7C00, s29;
	[sflag:s22] =	ssyncset.done $0x0  }
0x44: {  	s31 =	sand.u32 $0x380, s29;
	s30 =	sadd.s32 s4, s30;
	[sflag:s22] =	ssyncadd.s32 $0xFFFFFF80  }
0x45: {  	[tilespmem:s20], [sflag:$0x3] =	stream.indirect.gather [hbm4b:s5+s21], $0x80, s3, s21, $0xb8;
	[tilespmem:$0x1ED00] =	vst v63  }
0x46: {  	s30 =	sor.u32 s31, s30;
	_ =	swait.ge [sflag:s26], $0x4000  }
0x47: {  	s30 =	sshrl.u32 s30, $0x3;
	[sflag:s26] =	ssyncset.done $0x0  }
0x48: {  	s30 =	sadd.s32 s6, s30;
	[sflag:s26] =	ssyncadd.s32 $0xFFFFC000  }
0x49: {  	[tilespmem:s21], [sflag:$0x2] =	stream.linear.gather [hbm4b:s30+s3], $0x80, $0x38;
	[tilespmem:$0x1ED00] =	vst v63  }
0x4a: {  	_ = 	snop  }
0x4b: {  	[spmem:s2] =	stream.indirect.scatter.add.f32 [tilespmem:s24], [sflag:$0x5], $0x80, s29, s21, $0xb8;
	[tilespmem:$0x1ED00] =	vst v63  }
0x4c: {  	s30 =	simm.s32 $0x280;
	_ =	swait.ge [sflag:s19], $0x4000  }
.LBB2_2:
0x4d: {  	p0 =	sne.s32 s30, $0x2880;
	[sflag:s19] =	ssyncset.done $0x0;
	s29 =	sadd.s32 $0x100, s29  }
0x4e: {  	s31 =	smov.u32 s30;
	s30 =	sadd.s32 $0x100, s30;
	[sflag:s19] =	ssyncadd.s32 $0xFFFFC000  }
0x4f: {  	_ =	swait.ge [sflag:s23], $0x80  }
0x50: {  	s1 =	sadd.s32 $0xFFFFFF80, s31;
	[sflag:s23] =	ssyncset.done $0x0  }
0x51: {  	s0 =	sand.u32 $0x7C00, s1;
	s1 =	sand.u32 $0x300, s1;
	[sflag:s23] =	ssyncadd.s32 $0xFFFFFF80  }
0x52: {  	[tilespmem:s24], [sflag:$0x4] =	stream.indirect.gather [hbm4b:s5+s21], $0x80, s21, s21, $0xb8;
	[tilespmem:$0x1ED00] =	vst v63  }
0x53: {  	s0 =	sadd.s32 s4, s0;
	_ =	swait.ge [sflag:s25], $0x4000  }
0x54: {  	s0 =	sor.u32 s1, s0;
	[sflag:s25] =	ssyncset.done $0x0  }
0x55: {  	s0 =	sshrl.u32 s0, $0x3;
	[sflag:s25] =	ssyncadd.s32 $0xFFFFC000  }
0x56: {  	s1 =	sadd.s32 $0xFFFFFF80, s29;
	s0 =	sadd.s32 s6, s0  }
0x57: {  	[tilespmem:s3], [sflag:$0x1] =	stream.linear.gather [hbm4b:s0+s3], $0x80, $0x38;
	[tilespmem:$0x1ED00] =	vst v63  }
0x58: {  	_ = 	snop  }
0x59: {  	[spmem:s2] =	stream.indirect.scatter.add.f32 [tilespmem:s20], [sflag:$0x5], $0x80, s1, s21, $0xb8;
	[tilespmem:$0x1ED00] =	vst v63  }
0x5a: {  	_ =	swait.ge [sflag:s19], $0x4000  }
0x5b: {  	[sflag:s19] =	ssyncset.done $0x0  }
0x5c: {  	[sflag:s19] =	ssyncadd.s32 $0xFFFFC000  }
0x5d: {  	_ =	swait.ge [sflag:s22], $0x80  }
0x5e: {  	s0 =	sand.u32 $0x7C00, s31;
	[sflag:s22] =	ssyncset.done $0x0  }
0x5f: {  	s0 =	sadd.s32 s4, s0;
	s1 =	sand.u32 $0x380, s31;
	[sflag:s22] =	ssyncadd.s32 $0xFFFFFF80  }
0x60: {  	[tilespmem:s20], [sflag:$0x3] =	stream.indirect.gather [hbm4b:s5+s21], $0x80, s3, s21, $0xb8;
	[tilespmem:$0x1ED00] =	vst v63  }
0x61: {  	s0 =	sor.u32 s1, s0;
	_ =	swait.ge [sflag:s26], $0x4000  }
0x62: {  	s0 =	sshrl.u32 s0, $0x3;
	[sflag:s26] =	ssyncset.done $0x0  }
.Ltmp0:
0x63: {  	s0 =	sadd.s32 s6, s0;
	[sflag:s26] =	ssyncadd.s32 $0xFFFFC000;
	(pc) =	sbr.rel @p0 .LBB2_2-.Ltmp0, $4  }
0x64: {  	[tilespmem:s21], [sflag:$0x2] =	stream.linear.gather [hbm4b:s0+s3], $0x80, $0x38;
	[tilespmem:$0x1ED00] =	vst v63  }
0x65: {  	_ = 	snop  }
0x66: {  	[spmem:s2] =	stream.indirect.scatter.add.f32 [tilespmem:s24], [sflag:$0x5], $0x80, s29, s21, $0xb8;
	[tilespmem:$0x1ED00] =	vst v63  }
0x67: {  	_ =	swait.ge [sflag:s19], $0x4000  }
0x68: {  	[sflag:s19] =	ssyncset.done $0x0  }
0x69: {  	[sflag:s19] =	ssyncadd.s32 $0xFFFFC000  }
0x6a: {  	_ =	swait.ge [sflag:s25], $0x4000  }
0x6b: {  	[sflag:s25] =	ssyncset.done $0x0  }
0x6c: {  	[sflag:s25] =	ssyncadd.s32 $0xFFFFC000  }
0x6d: {  	s0 =	stileid.u32;
	_ =	swait.ge [sflag:s23], $0x80  }
0x6e: {  	s1 =	sshrl.u32 s9, $0x3;
	s28 =	sadd.s32 $0x1, s28;
	[sflag:s23] =	ssyncset.done $0x0  }
0x6f: {  	s0 =	sshll.u32 s0, $0x6;
	p0 =	sne.s32 s28, s17;
	[sflag:s23] =	ssyncadd.s32 $0xFFFFFF80  }
.Ltmp1:
0x70: {  	s0 =	sor.u32 $0x1C05, s0;
	[bflag:$0x0] =	sbarrier.arrive $0xFFFF;
	(pc) =	sbr.rel @p0 .LBB2_1-.Ltmp1, $4  }
0x71: {  	[hbm:s16], [sflag:s0] =	dma.local [spmem:s1], $0x2800  }
0x72: {  	_ =	swait.ge [sflag:s19], $0x2800  }
0x73: {  	[sflag:s19] =	ssyncset.done $0x0  }
0x74: {  	[sflag:s19] =	ssyncadd.s32 $0xFFFFD800  }
0x75: {  	_ =	sfence.sel $0x180000  }
0x76: {  	[bflag:$0x0] =	sbarrier.arrive $0xFFFF  }
0x77: {  	_ =	strace $0x9000004A  }
0x78: {  	s0 =	stileid.u32;
	[bflag:$0x2] =	sbarrier.arrive $0xFFFF  }
0x79: {  	p0 =	sne.s32 s0, $0x0;
	s0 =	rddreg [dreg:$0x2]  }
0x7a: {  	s0 =	sadd.s32 @!p0 $0x100000, s0  }
0x7b: {  	[sflag:s0] =	ssyncadd.tile.s32 @!p0 $0x1;
	_ =	shalt  }
.Lfunc_end2:
_tile_overlayer_lowered:
.L_overlay_start_2:
0x7c: {  	(tag) =	ssettag $0x2  }
0x7d: {  	s0 =	rddreg [dreg:$0x0];
	s2 =	stileid.u32  }
0x7e: {  	s1 =	rddreg [dreg:$0x1];
	p0 =	sne.s32 s2, $0x0  }
0x7f: {  	s3 =	rddreg [dreg:$0x2];
	[bflag:$0x3] =	sbarrier.arrive $0xFFFF;
	s2 =	simm.s32 @!p0 $0x1C05  }
0x80: {  	[timem:s3], [sflag:s2] =	dma.local @!p0 [hbm:s0], s1  }
0x81: {  	s0 =	simm.s32 @!p0 $0x5  }
0x82: {  	_ =	swait.ge @!p0 [sflag:s0], s1  }
0x83: {  	s1 =	ssub.s32 @!p0 $0x0, s1;
	[sflag:s0] =	ssyncset.done @!p0 $0x0  }
0x84: {  	[sflag:s0] =	ssyncadd.s32 @!p0 s1  }
0x85: {  	[bflag:$0x3] =	sbarrier.arrive $0xFFFF  }
0x86: {  	_ =	shalt  }

// kernel: kernel.18.cloned.1.call-start
scs
__scs_entry_jumppad:
0x0: {  	(pc) =	sbr.rel $0x88, $3  }
0x1: {  	(tag) =	ssettag $0x0;
	lr =	simm.s32 $0x1  }
0x2: {  	[smem:$0x3F8E] =	sst lr;
	_ =	strace $0xD0000000  }
0x3: {  	_ = 	snop  }
0x4: {  	_ = 	snop  }
0x5: {  	_ = 	snop  }
0x6: {  	_ = 	snop  }
0x7: {  	_ = 	snop  }
__scs_overlays_trampoline_lowered:
0x8: {  	[smem:$0x3F9D] =	sst s0  }
0x9: {  	[smem:$0x3F9E] =	sst s1  }
0xa: {  	[smem:$0x3F9F] =	sst s2  }
0xb: {  	[smem:$0x3FA0] =	sst s3  }
0xc: {  	[smem:$0x3FA1] =	sst s4  }
0xd: {  	[smem:$0x3FA2] =	sst s5  }
0xe: {  	[smem:$0x3FA3] =	sst s6  }
0xf: {  	[smem:$0x3FA4] =	sst s7  }
0x10: {  	[smem:$0x3FA5] =	sst s8  }
0x11: {  	[smem:$0x3FA6] =	sst s9;
	s0 =	simm.s32 @!p0 $0x0  }
0x12: {  	s1 =	sld [smem:$0x3F8C];
	s0 =	simm.s32 @p0 $0x1  }
0x13: {  	[smem:$0x3FA7] =	sst s0;
	s0 =	simm.s32 @!p1 $0x0  }
0x14: {  	s2 =	sld [smem:$0x3F8B];
	s0 =	simm.s32 @p1 $0x1  }
0x15: {  	[smem:$0x3FA8] =	sst s0;
	s0 =	simm.s32 @!p2 $0x0  }
0x16: {  	s3 =	sld [smem:$0x3FDB];
	s0 =	simm.s32 @p2 $0x1  }
0x17: {  	s4 =	simm.s32 $0x1BF5;
	[smem:$0x3FAA] =	sst s0  }
0x18: {  	s0 =	sld [smem:$0x3F8D];
	_ =	swait.ge [sflag:s4], $0x0  }
0x19: {  	s7 =	sld [smem:$0x3F8E]  }
0x1a: {  	s8 =	sadd.s32 $0xFFFFE003, lr  }
0x1b: {  	s9 =	sadd.s32 $0xFFFFFEF7, lr;
	s5 =	simm.s32 $0xFFFFFFFF;
	p2 =	slt.u32 s8, $0xFFFFF086  }
0x1c: {  	p1 =	slt.u32 s9, $0xF7A;
	s5 =	simm.s32 @!p2 $0x0  }
0x1d: {  	s5 =	simm.s32 @p1 $0x1;
	p0 =	seq.s32 s7, s2  }
0x1e: {  	s7 =	smul.u32 @!p0 $0xF7A, s2;
	p2 =	seq.s32 @!p0 s5, $0x0  }
0x1f: {  	s9 =	smul.u32 $0xF7A, s1;
	s8 =	simm.s32 @!p0 $0x1BF5;
	p2 =	por !p2, p0  }
0x20: {  	[sflag:s8] =	ssyncset.s32 @!p0 $0xFFFFF086;
	s6 =	sadd.s32 @!p0 s3, s7;
	s7 =	simm.s32 @!p0 $0x108  }
0x21: {  	s3 =	sadd.s32 s3, s9;
	s6 =	sadd.s32 @!p0 $0x88, s6;
	s7 =	simm.s32 @p2 $0x1082  }
0x22: {  	[simem:s7], [sflag:s8] =	dma.local @!p0 [hbm:s6], $0xF7A  }
0x23: {  	s9 =	sor.u32 $0xD0000000, s2;
	s6 =	simm.s32 $0x108;
	_ =	swait.ge @!p0 [sflag:s8], $0x0  }
0x24: {  	s3 =	sadd.s32 $0x88, s3;
	s6 =	simm.s32 @!p1 $0x1082;
	[sflag:s4] =	ssyncset.s32 $0xFFFFF086  }
0x25: {  	[simem:s6], [sflag:s4] =	dma.local [hbm:s3], $0xF7A  }
0x26: {  	[smem:$0x3F8E] =	sst s1;
	(tag) =	ssettag s2;
	_ =	strace s9  }
0x27: {  	s1 =	sld [smem:$0x3F9E]  }
0x28: {  	s2 =	sld [smem:$0x3F9F]  }
0x29: {  	s4 =	sld [smem:$0x3FA1]  }
0x2a: {  	p0 =	seq.s32 s5, $0x0;
	s5 =	sld [smem:$0x3FA2]  }
0x2b: {  	s6 =	sld [smem:$0x3FA3]  }
0x2c: {  	s7 =	sld [smem:$0x3FA4]  }
0x2d: {  	s3 =	simm.s32 $0x108;
	s8 =	sld [smem:$0x3FA5]  }
0x2e: {  	s3 =	simm.s32 @!p0 $0x1082;
	s9 =	sld [smem:$0x3FA6]  }
0x2f: {  	lr =	sadd.s32 s0, s3;
	s0 =	sld [smem:$0x3F9D]  }
0x30: {  	s3 =	sld [smem:$0x3FA0]  }
0x31: {  	[smem:$0x3FA9] =	sst s10  }
0x32: {  	s10 =	sld [smem:$0x3FA7];
	_ =	sdelay $0x3  }
0x33: {  	p0 =	seq.s32 s10, $0x1;
	s10 =	sld [smem:$0x3FA9];
	_ =	sdelay $0x3  }
0x34: {  	[smem:$0x3FA9] =	sst s10  }
0x35: {  	s10 =	sld [smem:$0x3FA8];
	_ =	sdelay $0x3  }
0x36: {  	p1 =	seq.s32 s10, $0x1;
	s10 =	sld [smem:$0x3FA9];
	_ =	sdelay $0x3  }
0x37: {  	[smem:$0x3FA9] =	sst s10  }
0x38: {  	s10 =	sld [smem:$0x3FAA]  }
0x39: {  	_ = 	snop;
	(pc) =	sbr.ind lr, $3  }
0x3a: {  	_ = 	snop  }
0x3b: {  	_ = 	snop  }
0x3c: {  	p2 =	seq.s32 s10, $0x1;
	s10 =	sld [smem:$0x3FA9]  }
0x3d: {  	_ =	shalt  }
0x3e: {  	_ =	shalt  }
0x3f: {  	_ =	shalt  }
0x40: {  	_ =	shalt  }
0x41: {  	_ =	shalt  }
0x42: {  	_ =	shalt  }
0x43: {  	_ =	shalt  }
0x44: {  	_ =	shalt  }
0x45: {  	_ =	shalt  }
0x46: {  	_ =	shalt  }
0x47: {  	_ =	shalt  }
0x48: {  	_ =	shalt  }
0x49: {  	_ =	shalt  }
0x4a: {  	_ =	shalt  }
0x4b: {  	_ =	shalt  }
0x4c: {  	_ =	shalt  }
0x4d: {  	_ =	shalt  }
0x4e: {  	_ =	shalt  }
0x4f: {  	_ =	shalt  }
0x50: {  	_ =	shalt  }
0x51: {  	_ =	shalt  }
0x52: {  	_ =	shalt  }
0x53: {  	_ =	shalt  }
0x54: {  	_ =	shalt  }
0x55: {  	_ =	shalt  }
0x56: {  	_ =	shalt  }
0x57: {  	_ =	shalt  }
0x58: {  	_ =	shalt  }
0x59: {  	_ =	shalt  }
0x5a: {  	_ =	shalt  }
0x5b: {  	_ =	shalt  }
0x5c: {  	_ =	shalt  }
0x5d: {  	_ =	shalt  }
0x5e: {  	_ =	shalt  }
0x5f: {  	_ =	shalt  }
0x60: {  	_ =	shalt  }
0x61: {  	_ =	shalt  }
0x62: {  	_ =	shalt  }
0x63: {  	_ =	shalt  }
0x64: {  	_ =	shalt  }
0x65: {  	_ =	shalt  }
0x66: {  	_ =	shalt  }
0x67: {  	_ =	shalt  }
0x68: {  	_ =	shalt  }
0x69: {  	_ =	shalt  }
0x6a: {  	_ =	shalt  }
0x6b: {  	_ =	shalt  }
0x6c: {  	_ =	shalt  }
0x6d: {  	_ =	shalt  }
0x6e: {  	_ =	shalt  }
0x6f: {  	_ =	shalt  }
0x70: {  	_ =	shalt  }
0x71: {  	_ =	shalt  }
0x72: {  	_ =	shalt  }
0x73: {  	_ =	shalt  }
0x74: {  	_ =	shalt  }
0x75: {  	_ =	shalt  }
0x76: {  	_ =	shalt  }
0x77: {  	_ =	shalt  }
0x78: {  	_ =	shalt  }
0x79: {  	_ =	shalt  }
0x7a: {  	_ =	shalt  }
0x7b: {  	_ =	shalt  }
0x7c: {  	_ =	shalt  }
0x7d: {  	_ =	shalt  }
0x7e: {  	_ =	shalt  }
0x7f: {  	_ =	shalt  }
0x80: {  	_ =	shalt  }
0x81: {  	_ =	shalt  }
0x82: {  	_ =	shalt  }
0x83: {  	_ =	shalt  }
0x84: {  	_ =	shalt  }
0x85: {  	_ =	shalt  }
0x86: {  	_ =	shalt  }
0x87: {  	_ =	shalt  }
.Lfunc_end0:
.L_simem_size_0:
called_computation.2_lowered:
.L_overlay_start_0:
0x88: {  	s2 =	sld [smem:$0x3FD9]  }
0x89: {  	s3 =	sld [smem:$0x3FFE];
	_ =	sdelay $0x1  }
0x8a: {  	s1 =	srdreg.scid  }
0x8b: {  	s0 =	sand.u32 $0x1, s1  }
0x8c: {  	s16 =	sshll.u32 s0, $0xA;
	s2 =	sadd.s32 s3, s2  }
0x8d: {  	s2 =	sadd.s32 s2, s16  }
0x8e: {  	[smem:$0x3FB5] =	sst s2  }
0x8f: {  	_ = 	snop  }
0x90: {  	(tm) =	ssettm $0x1  }
0x91: {  	s17 =	sld [smem:$0x3FFB];
	_ =	sdelay $0x3  }
0x92: {  	_ =	strace s17  }
0x93: {  	s2 =	sld [smem:$0x3FFC];
	_ =	sdelay $0x3  }
0x94: {  	_ =	strace s2  }
0x95: {  	s2 =	sld [smem:$0x3FFD];
	_ =	sdelay $0x3  }
0x96: {  	_ =	strace s2  }
0x97: {  	_ =	strace $0x8FFFFFFF  }
0x98: {  	s18 =	sld [smem:$0x3FDB];
	_ =	sdelay $0x1  }
0x99: {  	s19 =	simm.s32 $_scs_section_size  }
0x9a: {  	s4 =	simm.s32 $_size__tile_overlayer_lowered;
	s5 =	simm.s32 $_tile_overlayer_lowered  }
0x9b: {  	s22 =	simm.s32 $0x1BFF;
	s21 =	sshll.u32 s5, $0x1;
	s2 =	sadd.s32 s19, s18  }
0x9c: {  	s6 =	simm.s32 $0x0;
	s20 =	sshll.u32 s4, $0x1;
	s4 =	sadd.s32 s21, s2  }
0x9d: {  	[timem:s6], [sflag:s22] =	dma.local [hbm:s4], s20  }
0x9e: {  	_ =	swait.ge [sflag:s22], s20  }
0x9f: {  	s3 =	ssub.s32 $0x0, s20;
	[sflag:s22] =	ssyncset.done $0x0  }
0xa0: {  	[sflag:s22] =	ssyncadd.s32 s3;
	_ =	sdelay $0x1  }
0xa1: {  	s23 =	simm.s32 $0x1B8B  }
0xa2: {  	_ =	swait.ge [sflag:s23], $0x1  }
0xa3: {  	[sflag:s23] =	ssyncset.done $0x0  }
0xa4: {  	s25 =	simm.s32 $0x1B8E;
	s24 =	sld [smem:$0x3FFE];
	[sflag:s23] =	ssyncadd.s32 $0xFFFFFFFF  }
0xa5: {  	s26 =	simm.s32 $execute0_lowered;
	[smem:$0x3FD2] =	sst s25  }
0xa6: {  	s4 =	sshll.u32 s26, $0x1;
	_ =	strace $0x8000004C;
	[dreg:$0x1] =	wrdreg $0xFFFFFFFF  }
0xa7: {  	s28 =	simm.s32 $_size_execute0_lowered;
	s2 =	sadd.s32 s2, s4;
	[dreg:$0x0] =	wrdreg $0x0  }
0xa8: {  	s4 =	sshll.u32 s28, $0x1;
	[dreg:$0x2] =	wrdreg s2  }
0xa9: {  	[dreg:$0x3] =	wrdreg s4  }
0xaa: {  	[dreg:$0x4] =	wrdreg $0xC0  }
0xab: {  	_ =	task [dreg:s6], $0x5FFFF  }
0xac: {  	[dreg:$0x1] =	wrdreg $0xFFFFFFFF  }
0xad: {  	[dreg:$0x0] =	wrdreg $0x60  }
0xae: {  	[dreg:$0x2] =	wrdreg s24  }
0xaf: {  	[dreg:$0x3] =	wrdreg $0xAD000  }
0xb0: {  	[dreg:$0x4] =	wrdreg $0x9  }
0xb1: {  	_ =	task.clear_ibuf [dreg:s6], $0x5FFFF;
	_ =	strace $0x9000004C  }
0xb2: {  	s29 =	simm.s32 $0x9;
	_ =	strace $0x8000004E  }
0xb3: {  	_ =	swait.ge [sflag:s29], $0x1  }
0xb4: {  	[sflag:s29] =	ssyncadd.s32 $0xFFFFFFFF  }
0xb5: {  	_ =	strace $0x9000004E  }
0xb6: {  	_ =	sfence  }
0xb7: {  	s30 =	sld [smem:$0x0];
	_ =	sdelay $0x2  }
0xb8: {  	s31 =	sshll.u32 s1, $0xD;
	s1 =	sshrl.u32 s1, $0x2  }
0xb9: {  	s3 =	sand.u32 $0x4000, s31;
	s1 =	sadd.s32 s1, s30  }
0xba: {  	s0 =	sor.u32 s3, s0;
	s1 =	sshll.u32 s1, $0x11  }
0xbb: {  	s0 =	sor.u32 s1, s0  }
0xbc: {  	s0 =	sadd.s32 $0x8F2B, s0  }
0xbd: {  	[sflag:s0] =	ssyncadd.remote.s32 $0x1  }
0xbe: {  	_ =	sfence.sel $0xFFFF  }
0xbf: {  	[dreg:$0x0] =	wrdreg $0xFFFFFFFF;
	(pc) =	sbr.abs _section_cstart, $3  }
0xc0: {  	[dreg:$0x1] =	wrdreg $0xFFFFFFFF  }
0xc1: {  	_ =	task.clear_ibuf [dreg:s6], $0x2FFFF;
	_ =	strace $0x9FFFFFFF  }
0xc2: {  	(tm) =	ssettm $0x7FFFFFFF  }
0xc3: {  	_ =	shalt  }
tec
execute0_lowered:
.L_overlay_start_1:
0x0: {  	(tag) =	ssettag $0x1  }
0x1: {  	s0 =	srdreg.scid;
	s9 =	rddreg [dreg:$0x0]  }
0x2: {  	s29 =	stileid.u32;
	s2 =	rddreg [dreg:$0x1]  }
0x3: {  	s3 =	simm.s32 $0x0;
	s18 =	simm.s32 $0x100;
	s19 =	simm.s32 $0x5  }
0x4: {  	s20 =	simm.s32 $0x2D00;
	s21 =	simm.s32 $0x80;
	s22 =	simm.s32 $0x1  }
0x5: {  	s23 =	simm.s32 $0x2;
	s24 =	simm.s32 $0x6D00;
	s25 =	simm.s32 $0x3  }
0x6: {  	s26 =	simm.s32 $0x4;
	s28 =	simm.s32 $0x0;
	s8 =	sand.u32 $0x1, s0  }
0x7: {  	[smem:$0x7FF] =	sst s3;
	s10 =	smul.u32 $0x14000, s29;
	s5 =	sadd.s32 $0x49A00, s9  }
0x8: {  	s6 =	sadd.s32 $0x6A00, s9;
	s13 =	smul.u32 $0x50000, s29;
	s1 =	sshll.u32 s8, $0x4  }
0x9: {  	s7 =	smul.u32 $0x140000, s8;
	s8 =	ssub.s32 $0x2, s8;
	s4 =	sor.u32 s29, s1  }
0xa: {  	_ =	strace $0x8000004D;
	s30 =	sshrl.u32 s8, $0x1;
	s4 =	smul.u32 $0x2C00, s4  }
0xb: {  	s31 =	sshrl.u32 s13, $0x2;
	s10 =	sadd.s32 s10, s7;
	s7 =	sadd.s32 $0x46A00, s9  }
0xc: {  	s17 =	ssub.s32 s8, s30;
	s10 =	sshrl.u32 s10, $0x3;
	s12 =	sshrl.u32 s4, $0x3  }
0xd: {  	s17 =	smax.u32 s17, $0x1;
	s16 =	sadd.s32 s10, s9;
	s11 =	sadd.s32 s12, s9  }
0xe: {  	s9 =	sadd.s32 s31, s2;
	s12 =	sadd.s32 s6, s12;
	s16 =	sadd.s32 $0x99A00, s16  }
0xf: {  	s8 =	sadd.s32 $0x11A00, s11;
	s10 =	sadd.s32 $0x4000, s9;
	s11 =	sadd.s32 $0x8000, s9  }
0x10: {  	s13 =	sadd.s32 $0xC000, s9;
	s14 =	sadd.s32 $0x10000, s9;
	s15 =	sadd.s32 $0x10, s12  }
.LBB2_1:
0x11: {  	[tilespmem:s18], [sflag:$0x5] =	stream.linear.gather [hbm4b:s8+s3], $0x2C00, $0x38;
	[tilespmem:$0x1ED00] =	vst v63  }
0x12: {  	_ =	swait.ge [sflag:s19], $0x2C00  }
0x13: {  	[sflag:s19] =	ssyncset.done $0x0  }
0x14: {  	[sflag:s19] =	ssyncadd.s32 $0xFFFFD400  }
0x15: {  	[tilespmem:s20], [sflag:$0x5] =	stream.linear.gather [hbm4b:s7+s3], $0x4000, $0x38;
	[tilespmem:$0x1ED00] =	vst v63  }
0x16: {  	_ =	swait.ge [sflag:s19], $0x4000  }
0x17: {  	[sflag:s19] =	ssyncset.done $0x0  }
0x18: {  	[sflag:s19] =	ssyncadd.s32 $0xFFFFC000  }
0x19: {  	[spmem:s9] =	stream.linear.scatter [tilespmem:s20], [sflag:$0x5], $0x4000, $0x38;
	[tilespmem:$0x1ED00] =	vst v63  }
0x1a: {  	_ =	swait.ge [sflag:s19], $0x4000  }
0x1b: {  	[sflag:s19] =	ssyncset.done $0x0  }
0x1c: {  	[sflag:s19] =	ssyncadd.s32 $0xFFFFC000  }
0x1d: {  	[spmem:s10] =	stream.linear.scatter [tilespmem:s20], [sflag:$0x5], $0x4000, $0x38;
	[tilespmem:$0x1ED00] =	vst v63  }
0x1e: {  	_ =	swait.ge [sflag:s19], $0x4000  }
0x1f: {  	[sflag:s19] =	ssyncset.done $0x0  }
0x20: {  	[sflag:s19] =	ssyncadd.s32 $0xFFFFC000  }
0x21: {  	[spmem:s11] =	stream.linear.scatter [tilespmem:s20], [sflag:$0x5], $0x4000, $0x38;
	[tilespmem:$0x1ED00] =	vst v63  }
0x22: {  	_ =	swait.ge [sflag:s19], $0x4000  }
0x23: {  	[sflag:s19] =	ssyncset.done $0x0  }
0x24: {  	[sflag:s19] =	ssyncadd.s32 $0xFFFFC000  }
0x25: {  	[spmem:s13] =	stream.linear.scatter [tilespmem:s20], [sflag:$0x5], $0x4000, $0x38;
	[tilespmem:$0x1ED00] =	vst v63  }
0x26: {  	_ =	swait.ge [sflag:s19], $0x4000  }
0x27: {  	[sflag:s19] =	ssyncset.done $0x0  }
0x28: {  	[sflag:s19] =	ssyncadd.s32 $0xFFFFC000  }
0x29: {  	[spmem:s14] =	stream.linear.scatter [tilespmem:s20], [sflag:$0x5], $0x4000, $0x38;
	[tilespmem:$0x1ED00] =	vst v63  }
0x2a: {  	_ =	swait.ge [sflag:s19], $0x4000  }
0x2b: {  	[sflag:s19] =	ssyncset.done $0x0  }
0x2c: {  	[sflag:s19] =	ssyncadd.s32 $0xFFFFC000  }
0x2d: {  	[bflag:$0x0] =	sbarrier.arrive $0xFFFF  }
0x2e: {  	[tilespmem:s3], [sflag:$0x1] =	stream.linear.gather [hbm4b:s12+s3], $0x80, $0x38;
	[tilespmem:$0x1ED00] =	vst v63  }
0x2f: {  	_ = 	snop  }
0x30: {  	[tilespmem:s21], [sflag:$0x2] =	stream.linear.gather [hbm4b:s15+s3], $0x80, $0x38;
	[tilespmem:$0x1ED00] =	vst v63  }
0x31: {  	_ =	swait.ge [sflag:s22], $0x80  }
0x32: {  	[sflag:s22] =	ssyncset.done $0x0  }
0x33: {  	[sflag:s22] =	ssyncadd.s32 $0xFFFFFF80  }
0x34: {  	[tilespmem:s20], [sflag:$0x3] =	stream.indirect.gather [hbm4b:s5+s21], $0x80, s3, s21, $0xb8;
	[tilespmem:$0x1ED00] =	vst v63  }
0x35: {  	s29 =	simm.s32 $0x100;
	_ =	swait.ge [sflag:s23], $0x80  }
0x36: {  	s30 =	sand.u32 $0x7C00, s29;
	[sflag:s23] =	ssyncset.done $0x0  }
0x37: {  	s29 =	sand.u32 $0x300, s29;
	s30 =	sadd.s32 s4, s30;
	[sflag:s23] =	ssyncadd.s32 $0xFFFFFF80  }
0x38: {  	[tilespmem:s24], [sflag:$0x4] =	stream.indirect.gather [hbm4b:s5+s21], $0x80, s21, s21, $0xb8;
	[tilespmem:$0x1ED00] =	vst v63  }
0x39: {  	s29 =	sor.u32 s29, s30;
	_ =	swait.ge [sflag:s25], $0x4000  }
0x3a: {  	s29 =	sshrl.u32 s29, $0x3;
	[sflag:s25] =	ssyncset.done $0x0  }
0x3b: {  	s29 =	sadd.s32 s6, s29;
	[sflag:s25] =	ssyncadd.s32 $0xFFFFC000  }
0x3c: {  	[tilespmem:s3], [sflag:$0x1] =	stream.linear.gather [hbm4b:s29+s3], $0x80, $0x38;
	[tilespmem:$0x1ED00] =	vst v63  }
0x3d: {  	s29 =	simm.s32 $0x100  }
0x3e: {  	[spmem:s2] =	stream.indirect.scatter.add.f32 [tilespmem:s20], [sflag:$0x5], $0x80, s29, s21, $0xb8;
	[tilespmem:$0x1ED00] =	vst v63  }
0x3f: {  	_ =	swait.ge [sflag:s19], $0x4000  }
0x40: {  	[sflag:s19] =	ssyncset.done $0x0  }
0x41: {  	[sflag:s19] =	ssyncadd.s32 $0xFFFFC000  }
0x42: {  	s29 =	simm.s32 $0x180;
	_ =	swait.ge [sflag:s22], $0x80  }
0x43: {  	s30 =	sand.u32 $0x7C00, s29;
	[sflag:s22] =	ssyncset.done $0x0  }
0x44: {  	s31 =	sand.u32 $0x380, s29;
	s30 =	sadd.s32 s4, s30;
	[sflag:s22] =	ssyncadd.s32 $0xFFFFFF80  }
0x45: {  	[tilespmem:s20], [sflag:$0x3] =	stream.indirect.gather [hbm4b:s5+s21], $0x80, s3, s21, $0xb8;
	[tilespmem:$0x1ED00] =	vst v63  }
0x46: {  	s30 =	sor.u32 s31, s30;
	_ =	swait.ge [sflag:s26], $0x4000  }
0x47: {  	s30 =	sshrl.u32 s30, $0x3;
	[sflag:s26] =	ssyncset.done $0x0  }
0x48: {  	s30 =	sadd.s32 s6, s30;
	[sflag:s26] =	ssyncadd.s32 $0xFFFFC000  }
0x49: {  	[tilespmem:s21], [sflag:$0x2] =	stream.linear.gather [hbm4b:s30+s3], $0x80, $0x38;
	[tilespmem:$0x1ED00] =	vst v63  }
0x4a: {  	_ = 	snop  }
0x4b: {  	[spmem:s2] =	stream.indirect.scatter.add.f32 [tilespmem:s24], [sflag:$0x5], $0x80, s29, s21, $0xb8;
	[tilespmem:$0x1ED00] =	vst v63  }
0x4c: {  	s30 =	simm.s32 $0x280;
	_ =	swait.ge [sflag:s19], $0x4000  }
.LBB2_2:
0x4d: {  	p0 =	sne.s32 s30, $0x2880;
	[sflag:s19] =	ssyncset.done $0x0;
	s29 =	sadd.s32 $0x100, s29  }
0x4e: {  	s31 =	smov.u32 s30;
	s30 =	sadd.s32 $0x100, s30;
	[sflag:s19] =	ssyncadd.s32 $0xFFFFC000  }
0x4f: {  	_ =	swait.ge [sflag:s23], $0x80  }
0x50: {  	s1 =	sadd.s32 $0xFFFFFF80, s31;
	[sflag:s23] =	ssyncset.done $0x0  }
0x51: {  	s0 =	sand.u32 $0x7C00, s1;
	s1 =	sand.u32 $0x300, s1;
	[sflag:s23] =	ssyncadd.s32 $0xFFFFFF80  }
0x52: {  	[tilespmem:s24], [sflag:$0x4] =	stream.indirect.gather [hbm4b:s5+s21], $0x80, s21, s21, $0xb8;
	[tilespmem:$0x1ED00] =	vst v63  }
0x53: {  	s0 =	sadd.s32 s4, s0;
	_ =	swait.ge [sflag:s25], $0x4000  }
0x54: {  	s0 =	sor.u32 s1, s0;
	[sflag:s25] =	ssyncset.done $0x0  }
0x55: {  	s0 =	sshrl.u32 s0, $0x3;
	[sflag:s25] =	ssyncadd.s32 $0xFFFFC000  }
0x56: {  	s1 =	sadd.s32 $0xFFFFFF80, s29;
	s0 =	sadd.s32 s6, s0  }
0x57: {  	[tilespmem:s3], [sflag:$0x1] =	stream.linear.gather [hbm4b:s0+s3], $0x80, $0x38;
	[tilespmem:$0x1ED00] =	vst v63  }
0x58: {  	_ = 	snop  }
0x59: {  	[spmem:s2] =	stream.indirect.scatter.add.f32 [tilespmem:s20], [sflag:$0x5], $0x80, s1, s21, $0xb8;
	[tilespmem:$0x1ED00] =	vst v63  }
0x5a: {  	_ =	swait.ge [sflag:s19], $0x4000  }
0x5b: {  	[sflag:s19] =	ssyncset.done $0x0  }
0x5c: {  	[sflag:s19] =	ssyncadd.s32 $0xFFFFC000  }
0x5d: {  	_ =	swait.ge [sflag:s22], $0x80  }
0x5e: {  	s0 =	sand.u32 $0x7C00, s31;
	[sflag:s22] =	ssyncset.done $0x0  }
0x5f: {  	s0 =	sadd.s32 s4, s0;
	s1 =	sand.u32 $0x380, s31;
	[sflag:s22] =	ssyncadd.s32 $0xFFFFFF80  }
0x60: {  	[tilespmem:s20], [sflag:$0x3] =	stream.indirect.gather [hbm4b:s5+s21], $0x80, s3, s21, $0xb8;
	[tilespmem:$0x1ED00] =	vst v63  }
0x61: {  	s0 =	sor.u32 s1, s0;
	_ =	swait.ge [sflag:s26], $0x4000  }
0x62: {  	s0 =	sshrl.u32 s0, $0x3;
	[sflag:s26] =	ssyncset.done $0x0  }
.Ltmp0:
0x63: {  	s0 =	sadd.s32 s6, s0;
	[sflag:s26] =	ssyncadd.s32 $0xFFFFC000;
	(pc) =	sbr.rel @p0 .LBB2_2-.Ltmp0, $4  }
0x64: {  	[tilespmem:s21], [sflag:$0x2] =	stream.linear.gather [hbm4b:s0+s3], $0x80, $0x38;
	[tilespmem:$0x1ED00] =	vst v63  }
0x65: {  	_ = 	snop  }
0x66: {  	[spmem:s2] =	stream.indirect.scatter.add.f32 [tilespmem:s24], [sflag:$0x5], $0x80, s29, s21, $0xb8;
	[tilespmem:$0x1ED00] =	vst v63  }
0x67: {  	_ =	swait.ge [sflag:s19], $0x4000  }
0x68: {  	[sflag:s19] =	ssyncset.done $0x0  }
0x69: {  	[sflag:s19] =	ssyncadd.s32 $0xFFFFC000  }
0x6a: {  	_ =	swait.ge [sflag:s25], $0x4000  }
0x6b: {  	[sflag:s25] =	ssyncset.done $0x0  }
0x6c: {  	[sflag:s25] =	ssyncadd.s32 $0xFFFFC000  }
0x6d: {  	s0 =	stileid.u32;
	_ =	swait.ge [sflag:s23], $0x80  }
0x6e: {  	s1 =	sshrl.u32 s9, $0x3;
	s28 =	sadd.s32 $0x1, s28;
	[sflag:s23] =	ssyncset.done $0x0  }
0x6f: {  	s0 =	sshll.u32 s0, $0x6;
	p0 =	sne.s32 s28, s17;
	[sflag:s23] =	ssyncadd.s32 $0xFFFFFF80  }
.Ltmp1:
0x70: {  	s0 =	sor.u32 $0x1C05, s0;
	[bflag:$0x0] =	sbarrier.arrive $0xFFFF;
	(pc) =	sbr.rel @p0 .LBB2_1-.Ltmp1, $4  }
0x71: {  	[hbm:s16], [sflag:s0] =	dma.local [spmem:s1], $0x2800  }
0x72: {  	_ =	swait.ge [sflag:s19], $0x2800  }
0x73: {  	[sflag:s19] =	ssyncset.done $0x0  }
0x74: {  	[sflag:s19] =	ssyncadd.s32 $0xFFFFD800  }
0x75: {  	_ =	sfence.sel $0x180000  }
0x76: {  	[bflag:$0x0] =	sbarrier.arrive $0xFFFF  }
0x77: {  	_ =	strace $0x9000004D  }
0x78: {  	s0 =	stileid.u32;
	[bflag:$0x2] =	sbarrier.arrive $0xFFFF  }
0x79: {  	p0 =	sne.s32 s0, $0x0;
	s0 =	rddreg [dreg:$0x2]  }
0x7a: {  	s0 =	sadd.s32 @!p0 $0x100000, s0  }
0x7b: {  	[sflag:s0] =	ssyncadd.tile.s32 @!p0 $0x1;
	_ =	shalt  }
.Lfunc_end2:
_tile_overlayer_lowered:
.L_overlay_start_2:
0x7c: {  	(tag) =	ssettag $0x2  }
0x7d: {  	s0 =	rddreg [dreg:$0x0];
	s2 =	stileid.u32  }
0x7e: {  	s1 =	rddreg [dreg:$0x1];
	p0 =	sne.s32 s2, $0x0  }
0x7f: {  	s3 =	rddreg [dreg:$0x2];
	[bflag:$0x3] =	sbarrier.arrive $0xFFFF;
	s2 =	simm.s32 @!p0 $0x1C05  }
0x80: {  	[timem:s3], [sflag:s2] =	dma.local @!p0 [hbm:s0], s1  }
0x81: {  	s0 =	simm.s32 @!p0 $0x5  }
0x82: {  	_ =	swait.ge @!p0 [sflag:s0], s1  }
0x83: {  	s1 =	ssub.s32 @!p0 $0x0, s1;
	[sflag:s0] =	ssyncset.done @!p0 $0x0  }
0x84: {  	[sflag:s0] =	ssyncadd.s32 @!p0 s1  }
0x85: {  	[bflag:$0x3] =	sbarrier.arrive $0xFFFF  }
0x86: {  	_ =	shalt  }

// kernel: kernel.21.cloned.1.call-start
scs
__scs_entry_jumppad:
0x0: {  	(pc) =	sbr.rel $0x88, $3  }
0x1: {  	(tag) =	ssettag $0x0;
	lr =	simm.s32 $0x1  }
0x2: {  	[smem:$0x3F8E] =	sst lr;
	_ =	strace $0xD0000000  }
0x3: {  	_ = 	snop  }
0x4: {  	_ = 	snop  }
0x5: {  	_ = 	snop  }
0x6: {  	_ = 	snop  }
0x7: {  	_ = 	snop  }
__scs_overlays_trampoline_lowered:
0x8: {  	[smem:$0x3F9D] =	sst s0  }
0x9: {  	[smem:$0x3F9E] =	sst s1  }
0xa: {  	[smem:$0x3F9F] =	sst s2  }
0xb: {  	[smem:$0x3FA0] =	sst s3  }
0xc: {  	[smem:$0x3FA1] =	sst s4  }
0xd: {  	[smem:$0x3FA2] =	sst s5  }
0xe: {  	[smem:$0x3FA3] =	sst s6  }
0xf: {  	[smem:$0x3FA4] =	sst s7  }
0x10: {  	[smem:$0x3FA5] =	sst s8  }
0x11: {  	[smem:$0x3FA6] =	sst s9;
	s0 =	simm.s32 @!p0 $0x0  }
0x12: {  	s1 =	sld [smem:$0x3F8C];
	s0 =	simm.s32 @p0 $0x1  }
0x13: {  	[smem:$0x3FA7] =	sst s0;
	s0 =	simm.s32 @!p1 $0x0  }
0x14: {  	s2 =	sld [smem:$0x3F8B];
	s0 =	simm.s32 @p1 $0x1  }
0x15: {  	[smem:$0x3FA8] =	sst s0;
	s0 =	simm.s32 @!p2 $0x0  }
0x16: {  	s3 =	sld [smem:$0x3FDB];
	s0 =	simm.s32 @p2 $0x1  }
0x17: {  	s4 =	simm.s32 $0x1BF5;
	[smem:$0x3FAA] =	sst s0  }
0x18: {  	s0 =	sld [smem:$0x3F8D];
	_ =	swait.ge [sflag:s4], $0x0  }
0x19: {  	s7 =	sld [smem:$0x3F8E]  }
0x1a: {  	s8 =	sadd.s32 $0xFFFFE003, lr  }
0x1b: {  	s9 =	sadd.s32 $0xFFFFFEF7, lr;
	s5 =	simm.s32 $0xFFFFFFFF;
	p2 =	slt.u32 s8, $0xFFFFF086  }
0x1c: {  	p1 =	slt.u32 s9, $0xF7A;
	s5 =	simm.s32 @!p2 $0x0  }
0x1d: {  	s5 =	simm.s32 @p1 $0x1;
	p0 =	seq.s32 s7, s2  }
0x1e: {  	s7 =	smul.u32 @!p0 $0xF7A, s2;
	p2 =	seq.s32 @!p0 s5, $0x0  }
0x1f: {  	s9 =	smul.u32 $0xF7A, s1;
	s8 =	simm.s32 @!p0 $0x1BF5;
	p2 =	por !p2, p0  }
0x20: {  	[sflag:s8] =	ssyncset.s32 @!p0 $0xFFFFF086;
	s6 =	sadd.s32 @!p0 s3, s7;
	s7 =	simm.s32 @!p0 $0x108  }
0x21: {  	s3 =	sadd.s32 s3, s9;
	s6 =	sadd.s32 @!p0 $0x88, s6;
	s7 =	simm.s32 @p2 $0x1082  }
0x22: {  	[simem:s7], [sflag:s8] =	dma.local @!p0 [hbm:s6], $0xF7A  }
0x23: {  	s9 =	sor.u32 $0xD0000000, s2;
	s6 =	simm.s32 $0x108;
	_ =	swait.ge @!p0 [sflag:s8], $0x0  }
0x24: {  	s3 =	sadd.s32 $0x88, s3;
	s6 =	simm.s32 @!p1 $0x1082;
	[sflag:s4] =	ssyncset.s32 $0xFFFFF086  }
0x25: {  	[simem:s6], [sflag:s4] =	dma.local [hbm:s3], $0xF7A  }
0x26: {  	[smem:$0x3F8E] =	sst s1;
	(tag) =	ssettag s2;
	_ =	strace s9  }
0x27: {  	s1 =	sld [smem:$0x3F9E]  }
0x28: {  	s2 =	sld [smem:$0x3F9F]  }
0x29: {  	s4 =	sld [smem:$0x3FA1]  }
0x2a: {  	p0 =	seq.s32 s5, $0x0;
	s5 =	sld [smem:$0x3FA2]  }
0x2b: {  	s6 =	sld [smem:$0x3FA3]  }
0x2c: {  	s7 =	sld [smem:$0x3FA4]  }
0x2d: {  	s3 =	simm.s32 $0x108;
	s8 =	sld [smem:$0x3FA5]  }
0x2e: {  	s3 =	simm.s32 @!p0 $0x1082;
	s9 =	sld [smem:$0x3FA6]  }
0x2f: {  	lr =	sadd.s32 s0, s3;
	s0 =	sld [smem:$0x3F9D]  }
0x30: {  	s3 =	sld [smem:$0x3FA0]  }
0x31: {  	[smem:$0x3FA9] =	sst s10  }
0x32: {  	s10 =	sld [smem:$0x3FA7];
	_ =	sdelay $0x3  }
0x33: {  	p0 =	seq.s32 s10, $0x1;
	s10 =	sld [smem:$0x3FA9];
	_ =	sdelay $0x3  }
0x34: {  	[smem:$0x3FA9] =	sst s10  }
0x35: {  	s10 =	sld [smem:$0x3FA8];
	_ =	sdelay $0x3  }
0x36: {  	p1 =	seq.s32 s10, $0x1;
	s10 =	sld [smem:$0x3FA9];
	_ =	sdelay $0x3  }
0x37: {  	[smem:$0x3FA9] =	sst s10  }
0x38: {  	s10 =	sld [smem:$0x3FAA]  }
0x39: {  	_ = 	snop;
	(pc) =	sbr.ind lr, $3  }
0x3a: {  	_ = 	snop  }
0x3b: {  	_ = 	snop  }
0x3c: {  	p2 =	seq.s32 s10, $0x1;
	s10 =	sld [smem:$0x3FA9]  }
0x3d: {  	_ =	shalt  }
0x3e: {  	_ =	shalt  }
0x3f: {  	_ =	shalt  }
0x40: {  	_ =	shalt  }
0x41: {  	_ =	shalt  }
0x42: {  	_ =	shalt  }
0x43: {  	_ =	shalt  }
0x44: {  	_ =	shalt  }
0x45: {  	_ =	shalt  }
0x46: {  	_ =	shalt  }
0x47: {  	_ =	shalt  }
0x48: {  	_ =	shalt  }
0x49: {  	_ =	shalt  }
0x4a: {  	_ =	shalt  }
0x4b: {  	_ =	shalt  }
0x4c: {  	_ =	shalt  }
0x4d: {  	_ =	shalt  }
0x4e: {  	_ =	shalt  }
0x4f: {  	_ =	shalt  }
0x50: {  	_ =	shalt  }
0x51: {  	_ =	shalt  }
0x52: {  	_ =	shalt  }
0x53: {  	_ =	shalt  }
0x54: {  	_ =	shalt  }
0x55: {  	_ =	shalt  }
0x56: {  	_ =	shalt  }
0x57: {  	_ =	shalt  }
0x58: {  	_ =	shalt  }
0x59: {  	_ =	shalt  }
0x5a: {  	_ =	shalt  }
0x5b: {  	_ =	shalt  }
0x5c: {  	_ =	shalt  }
0x5d: {  	_ =	shalt  }
0x5e: {  	_ =	shalt  }
0x5f: {  	_ =	shalt  }
0x60: {  	_ =	shalt  }
0x61: {  	_ =	shalt  }
0x62: {  	_ =	shalt  }
0x63: {  	_ =	shalt  }
0x64: {  	_ =	shalt  }
0x65: {  	_ =	shalt  }
0x66: {  	_ =	shalt  }
0x67: {  	_ =	shalt  }
0x68: {  	_ =	shalt  }
0x69: {  	_ =	shalt  }
0x6a: {  	_ =	shalt  }
0x6b: {  	_ =	shalt  }
0x6c: {  	_ =	shalt  }
0x6d: {  	_ =	shalt  }
0x6e: {  	_ =	shalt  }
0x6f: {  	_ =	shalt  }
0x70: {  	_ =	shalt  }
0x71: {  	_ =	shalt  }
0x72: {  	_ =	shalt  }
0x73: {  	_ =	shalt  }
0x74: {  	_ =	shalt  }
0x75: {  	_ =	shalt  }
0x76: {  	_ =	shalt  }
0x77: {  	_ =	shalt  }
0x78: {  	_ =	shalt  }
0x79: {  	_ =	shalt  }
0x7a: {  	_ =	shalt  }
0x7b: {  	_ =	shalt  }
0x7c: {  	_ =	shalt  }
0x7d: {  	_ =	shalt  }
0x7e: {  	_ =	shalt  }
0x7f: {  	_ =	shalt  }
0x80: {  	_ =	shalt  }
0x81: {  	_ =	shalt  }
0x82: {  	_ =	shalt  }
0x83: {  	_ =	shalt  }
0x84: {  	_ =	shalt  }
0x85: {  	_ =	shalt  }
0x86: {  	_ =	shalt  }
0x87: {  	_ =	shalt  }
.Lfunc_end0:
.L_simem_size_0:
called_computation.3_lowered:
.L_overlay_start_0:
0x88: {  	s2 =	sld [smem:$0x3FD9]  }
0x89: {  	s3 =	sld [smem:$0x3FFE];
	_ =	sdelay $0x1  }
0x8a: {  	s1 =	srdreg.scid  }
0x8b: {  	s0 =	sand.u32 $0x1, s1  }
0x8c: {  	s16 =	sshll.u32 s0, $0xA;
	s2 =	sadd.s32 s3, s2  }
0x8d: {  	s2 =	sadd.s32 s2, s16  }
0x8e: {  	[smem:$0x3FB5] =	sst s2  }
0x8f: {  	_ = 	snop  }
0x90: {  	(tm) =	ssettm $0x1  }
0x91: {  	s17 =	sld [smem:$0x3FFB];
	_ =	sdelay $0x3  }
0x92: {  	_ =	strace s17  }
0x93: {  	s2 =	sld [smem:$0x3FFC];
	_ =	sdelay $0x3  }
0x94: {  	_ =	strace s2  }
0x95: {  	s2 =	sld [smem:$0x3FFD];
	_ =	sdelay $0x3  }
0x96: {  	_ =	strace s2  }
0x97: {  	_ =	strace $0x8FFFFFFF  }
0x98: {  	s18 =	sld [smem:$0x3FDB];
	_ =	sdelay $0x1  }
0x99: {  	s19 =	simm.s32 $_scs_section_size  }
0x9a: {  	s4 =	simm.s32 $_size__tile_overlayer_lowered;
	s5 =	simm.s32 $_tile_overlayer_lowered  }
0x9b: {  	s22 =	simm.s32 $0x1BFF;
	s21 =	sshll.u32 s5, $0x1;
	s2 =	sadd.s32 s19, s18  }
0x9c: {  	s6 =	simm.s32 $0x0;
	s20 =	sshll.u32 s4, $0x1;
	s4 =	sadd.s32 s21, s2  }
0x9d: {  	[timem:s6], [sflag:s22] =	dma.local [hbm:s4], s20  }
0x9e: {  	_ =	swait.ge [sflag:s22], s20  }
0x9f: {  	s3 =	ssub.s32 $0x0, s20;
	[sflag:s22] =	ssyncset.done $0x0  }
0xa0: {  	[sflag:s22] =	ssyncadd.s32 s3;
	_ =	sdelay $0x1  }
0xa1: {  	s23 =	simm.s32 $0x1B8B  }
0xa2: {  	_ =	swait.ge [sflag:s23], $0x1  }
0xa3: {  	[sflag:s23] =	ssyncset.done $0x0  }
0xa4: {  	s25 =	simm.s32 $0x1B8E;
	s24 =	sld [smem:$0x3FFE];
	[sflag:s23] =	ssyncadd.s32 $0xFFFFFFFF  }
0xa5: {  	s26 =	simm.s32 $execute0_lowered;
	[smem:$0x3FD2] =	sst s25  }
0xa6: {  	s4 =	sshll.u32 s26, $0x1;
	_ =	strace $0x8000004F;
	[dreg:$0x1] =	wrdreg $0xFFFFFFFF  }
0xa7: {  	s28 =	simm.s32 $_size_execute0_lowered;
	s2 =	sadd.s32 s2, s4;
	[dreg:$0x0] =	wrdreg $0x0  }
0xa8: {  	s4 =	sshll.u32 s28, $0x1;
	[dreg:$0x2] =	wrdreg s2  }
0xa9: {  	[dreg:$0x3] =	wrdreg s4  }
0xaa: {  	[dreg:$0x4] =	wrdreg $0xC0  }
0xab: {  	_ =	task [dreg:s6], $0x5FFFF  }
0xac: {  	[dreg:$0x1] =	wrdreg $0xFFFFFFFF  }
0xad: {  	[dreg:$0x0] =	wrdreg $0x60  }
0xae: {  	[dreg:$0x2] =	wrdreg s24  }
0xaf: {  	[dreg:$0x3] =	wrdreg $0xAD000  }
0xb0: {  	[dreg:$0x4] =	wrdreg $0x9  }
0xb1: {  	_ =	task.clear_ibuf [dreg:s6], $0x5FFFF;
	_ =	strace $0x9000004F  }
0xb2: {  	s29 =	simm.s32 $0x9;
	_ =	strace $0x80000051  }
0xb3: {  	_ =	swait.ge [sflag:s29], $0x1  }
0xb4: {  	[sflag:s29] =	ssyncadd.s32 $0xFFFFFFFF  }
0xb5: {  	_ =	strace $0x90000051  }
0xb6: {  	_ =	sfence  }
0xb7: {  	s30 =	sld [smem:$0x0];
	_ =	sdelay $0x2  }
0xb8: {  	s31 =	sshll.u32 s1, $0xD;
	s1 =	sshrl.u32 s1, $0x2  }
0xb9: {  	s3 =	sand.u32 $0x4000, s31;
	s1 =	sadd.s32 s1, s30  }
0xba: {  	s0 =	sor.u32 s3, s0;
	s1 =	sshll.u32 s1, $0x11  }
0xbb: {  	s0 =	sor.u32 s1, s0  }
0xbc: {  	s0 =	sadd.s32 $0x8F2B, s0  }
0xbd: {  	[sflag:s0] =	ssyncadd.remote.s32 $0x1  }
0xbe: {  	_ =	sfence.sel $0xFFFF  }
0xbf: {  	[dreg:$0x0] =	wrdreg $0xFFFFFFFF;
	(pc) =	sbr.abs _section_cstart, $3  }
0xc0: {  	[dreg:$0x1] =	wrdreg $0xFFFFFFFF  }
0xc1: {  	_ =	task.clear_ibuf [dreg:s6], $0x2FFFF;
	_ =	strace $0x9FFFFFFF  }
0xc2: {  	(tm) =	ssettm $0x7FFFFFFF  }
0xc3: {  	_ =	shalt  }
tec
execute0_lowered:
.L_overlay_start_1:
0x0: {  	(tag) =	ssettag $0x1  }
0x1: {  	s0 =	srdreg.scid;
	s9 =	rddreg [dreg:$0x0]  }
0x2: {  	s29 =	stileid.u32;
	s2 =	rddreg [dreg:$0x1]  }
0x3: {  	s3 =	simm.s32 $0x0;
	s18 =	simm.s32 $0x100;
	s19 =	simm.s32 $0x5  }
0x4: {  	s20 =	simm.s32 $0x2D00;
	s21 =	simm.s32 $0x80;
	s22 =	simm.s32 $0x1  }
0x5: {  	s23 =	simm.s32 $0x2;
	s24 =	simm.s32 $0x6D00;
	s25 =	simm.s32 $0x3  }
0x6: {  	s26 =	simm.s32 $0x4;
	s28 =	simm.s32 $0x0;
	s8 =	sand.u32 $0x1, s0  }
0x7: {  	[smem:$0x7FF] =	sst s3;
	s10 =	smul.u32 $0x14000, s29;
	s5 =	sadd.s32 $0x49A00, s9  }
0x8: {  	s6 =	sadd.s32 $0x6A00, s9;
	s13 =	smul.u32 $0x50000, s29;
	s1 =	sshll.u32 s8, $0x4  }
0x9: {  	s7 =	smul.u32 $0x140000, s8;
	s8 =	ssub.s32 $0x2, s8;
	s4 =	sor.u32 s29, s1  }
0xa: {  	_ =	strace $0x80000050;
	s30 =	sshrl.u32 s8, $0x1;
	s4 =	smul.u32 $0x2C00, s4  }
0xb: {  	s31 =	sshrl.u32 s13, $0x2;
	s10 =	sadd.s32 s10, s7;
	s7 =	sadd.s32 $0x47A00, s9  }
0xc: {  	s17 =	ssub.s32 s8, s30;
	s10 =	sshrl.u32 s10, $0x3;
	s12 =	sshrl.u32 s4, $0x3  }
0xd: {  	s17 =	smax.u32 s17, $0x1;
	s16 =	sadd.s32 s10, s9;
	s11 =	sadd.s32 s12, s9  }
0xe: {  	s9 =	sadd.s32 s31, s2;
	s12 =	sadd.s32 s6, s12;
	s16 =	sadd.s32 $0x99A00, s16  }
0xf: {  	s8 =	sadd.s32 $0x11A00, s11;
	s10 =	sadd.s32 $0x4000, s9;
	s11 =	sadd.s32 $0x8000, s9  }
0x10: {  	s13 =	sadd.s32 $0xC000, s9;
	s14 =	sadd.s32 $0x10000, s9;
	s15 =	sadd.s32 $0x10, s12  }
.LBB2_1:
0x11: {  	[tilespmem:s18], [sflag:$0x5] =	stream.linear.gather [hbm4b:s8+s3], $0x2C00, $0x38;
	[tilespmem:$0x1ED00] =	vst v63  }
0x12: {  	_ =	swait.ge [sflag:s19], $0x2C00  }
0x13: {  	[sflag:s19] =	ssyncset.done $0x0  }
0x14: {  	[sflag:s19] =	ssyncadd.s32 $0xFFFFD400  }
0x15: {  	[tilespmem:s20], [sflag:$0x5] =	stream.linear.gather [hbm4b:s7+s3], $0x4000, $0x38;
	[tilespmem:$0x1ED00] =	vst v63  }
0x16: {  	_ =	swait.ge [sflag:s19], $0x4000  }
0x17: {  	[sflag:s19] =	ssyncset.done $0x0  }
0x18: {  	[sflag:s19] =	ssyncadd.s32 $0xFFFFC000  }
0x19: {  	[spmem:s9] =	stream.linear.scatter [tilespmem:s20], [sflag:$0x5], $0x4000, $0x38;
	[tilespmem:$0x1ED00] =	vst v63  }
0x1a: {  	_ =	swait.ge [sflag:s19], $0x4000  }
0x1b: {  	[sflag:s19] =	ssyncset.done $0x0  }
0x1c: {  	[sflag:s19] =	ssyncadd.s32 $0xFFFFC000  }
0x1d: {  	[spmem:s10] =	stream.linear.scatter [tilespmem:s20], [sflag:$0x5], $0x4000, $0x38;
	[tilespmem:$0x1ED00] =	vst v63  }
0x1e: {  	_ =	swait.ge [sflag:s19], $0x4000  }
0x1f: {  	[sflag:s19] =	ssyncset.done $0x0  }
0x20: {  	[sflag:s19] =	ssyncadd.s32 $0xFFFFC000  }
0x21: {  	[spmem:s11] =	stream.linear.scatter [tilespmem:s20], [sflag:$0x5], $0x4000, $0x38;
	[tilespmem:$0x1ED00] =	vst v63  }
0x22: {  	_ =	swait.ge [sflag:s19], $0x4000  }
0x23: {  	[sflag:s19] =	ssyncset.done $0x0  }
0x24: {  	[sflag:s19] =	ssyncadd.s32 $0xFFFFC000  }
0x25: {  	[spmem:s13] =	stream.linear.scatter [tilespmem:s20], [sflag:$0x5], $0x4000, $0x38;
	[tilespmem:$0x1ED00] =	vst v63  }
0x26: {  	_ =	swait.ge [sflag:s19], $0x4000  }
0x27: {  	[sflag:s19] =	ssyncset.done $0x0  }
0x28: {  	[sflag:s19] =	ssyncadd.s32 $0xFFFFC000  }
0x29: {  	[spmem:s14] =	stream.linear.scatter [tilespmem:s20], [sflag:$0x5], $0x4000, $0x38;
	[tilespmem:$0x1ED00] =	vst v63  }
0x2a: {  	_ =	swait.ge [sflag:s19], $0x4000  }
0x2b: {  	[sflag:s19] =	ssyncset.done $0x0  }
0x2c: {  	[sflag:s19] =	ssyncadd.s32 $0xFFFFC000  }
0x2d: {  	[bflag:$0x0] =	sbarrier.arrive $0xFFFF  }
0x2e: {  	[tilespmem:s3], [sflag:$0x1] =	stream.linear.gather [hbm4b:s12+s3], $0x80, $0x38;
	[tilespmem:$0x1ED00] =	vst v63  }
0x2f: {  	_ = 	snop  }
0x30: {  	[tilespmem:s21], [sflag:$0x2] =	stream.linear.gather [hbm4b:s15+s3], $0x80, $0x38;
	[tilespmem:$0x1ED00] =	vst v63  }
0x31: {  	_ =	swait.ge [sflag:s22], $0x80  }
0x32: {  	[sflag:s22] =	ssyncset.done $0x0  }
0x33: {  	[sflag:s22] =	ssyncadd.s32 $0xFFFFFF80  }
0x34: {  	[tilespmem:s20], [sflag:$0x3] =	stream.indirect.gather [hbm4b:s5+s21], $0x80, s3, s21, $0xb8;
	[tilespmem:$0x1ED00] =	vst v63  }
0x35: {  	s29 =	simm.s32 $0x100;
	_ =	swait.ge [sflag:s23], $0x80  }
0x36: {  	s30 =	sand.u32 $0x7C00, s29;
	[sflag:s23] =	ssyncset.done $0x0  }
0x37: {  	s29 =	sand.u32 $0x300, s29;
	s30 =	sadd.s32 s4, s30;
	[sflag:s23] =	ssyncadd.s32 $0xFFFFFF80  }
0x38: {  	[tilespmem:s24], [sflag:$0x4] =	stream.indirect.gather [hbm4b:s5+s21], $0x80, s21, s21, $0xb8;
	[tilespmem:$0x1ED00] =	vst v63  }
0x39: {  	s29 =	sor.u32 s29, s30;
	_ =	swait.ge [sflag:s25], $0x4000  }
0x3a: {  	s29 =	sshrl.u32 s29, $0x3;
	[sflag:s25] =	ssyncset.done $0x0  }
0x3b: {  	s29 =	sadd.s32 s6, s29;
	[sflag:s25] =	ssyncadd.s32 $0xFFFFC000  }
0x3c: {  	[tilespmem:s3], [sflag:$0x1] =	stream.linear.gather [hbm4b:s29+s3], $0x80, $0x38;
	[tilespmem:$0x1ED00] =	vst v63  }
0x3d: {  	s29 =	simm.s32 $0x100  }
0x3e: {  	[spmem:s2] =	stream.indirect.scatter.add.f32 [tilespmem:s20], [sflag:$0x5], $0x80, s29, s21, $0xb8;
	[tilespmem:$0x1ED00] =	vst v63  }
0x3f: {  	_ =	swait.ge [sflag:s19], $0x4000  }
0x40: {  	[sflag:s19] =	ssyncset.done $0x0  }
0x41: {  	[sflag:s19] =	ssyncadd.s32 $0xFFFFC000  }
0x42: {  	s29 =	simm.s32 $0x180;
	_ =	swait.ge [sflag:s22], $0x80  }
0x43: {  	s30 =	sand.u32 $0x7C00, s29;
	[sflag:s22] =	ssyncset.done $0x0  }
0x44: {  	s31 =	sand.u32 $0x380, s29;
	s30 =	sadd.s32 s4, s30;
	[sflag:s22] =	ssyncadd.s32 $0xFFFFFF80  }
0x45: {  	[tilespmem:s20], [sflag:$0x3] =	stream.indirect.gather [hbm4b:s5+s21], $0x80, s3, s21, $0xb8;
	[tilespmem:$0x1ED00] =	vst v63  }
0x46: {  	s30 =	sor.u32 s31, s30;
	_ =	swait.ge [sflag:s26], $0x4000  }
0x47: {  	s30 =	sshrl.u32 s30, $0x3;
	[sflag:s26] =	ssyncset.done $0x0  }
0x48: {  	s30 =	sadd.s32 s6, s30;
	[sflag:s26] =	ssyncadd.s32 $0xFFFFC000  }
0x49: {  	[tilespmem:s21], [sflag:$0x2] =	stream.linear.gather [hbm4b:s30+s3], $0x80, $0x38;
	[tilespmem:$0x1ED00] =	vst v63  }
0x4a: {  	_ = 	snop  }
0x4b: {  	[spmem:s2] =	stream.indirect.scatter.add.f32 [tilespmem:s24], [sflag:$0x5], $0x80, s29, s21, $0xb8;
	[tilespmem:$0x1ED00] =	vst v63  }
0x4c: {  	s30 =	simm.s32 $0x280;
	_ =	swait.ge [sflag:s19], $0x4000  }
.LBB2_2:
0x4d: {  	p0 =	sne.s32 s30, $0x2880;
	[sflag:s19] =	ssyncset.done $0x0;
	s29 =	sadd.s32 $0x100, s29  }
0x4e: {  	s31 =	smov.u32 s30;
	s30 =	sadd.s32 $0x100, s30;
	[sflag:s19] =	ssyncadd.s32 $0xFFFFC000  }
0x4f: {  	_ =	swait.ge [sflag:s23], $0x80  }
0x50: {  	s1 =	sadd.s32 $0xFFFFFF80, s31;
	[sflag:s23] =	ssyncset.done $0x0  }
0x51: {  	s0 =	sand.u32 $0x7C00, s1;
	s1 =	sand.u32 $0x300, s1;
	[sflag:s23] =	ssyncadd.s32 $0xFFFFFF80  }
0x52: {  	[tilespmem:s24], [sflag:$0x4] =	stream.indirect.gather [hbm4b:s5+s21], $0x80, s21, s21, $0xb8;
	[tilespmem:$0x1ED00] =	vst v63  }
0x53: {  	s0 =	sadd.s32 s4, s0;
	_ =	swait.ge [sflag:s25], $0x4000  }
0x54: {  	s0 =	sor.u32 s1, s0;
	[sflag:s25] =	ssyncset.done $0x0  }
0x55: {  	s0 =	sshrl.u32 s0, $0x3;
	[sflag:s25] =	ssyncadd.s32 $0xFFFFC000  }
0x56: {  	s1 =	sadd.s32 $0xFFFFFF80, s29;
	s0 =	sadd.s32 s6, s0  }
0x57: {  	[tilespmem:s3], [sflag:$0x1] =	stream.linear.gather [hbm4b:s0+s3], $0x80, $0x38;
	[tilespmem:$0x1ED00] =	vst v63  }
0x58: {  	_ = 	snop  }
0x59: {  	[spmem:s2] =	stream.indirect.scatter.add.f32 [tilespmem:s20], [sflag:$0x5], $0x80, s1, s21, $0xb8;
	[tilespmem:$0x1ED00] =	vst v63  }
0x5a: {  	_ =	swait.ge [sflag:s19], $0x4000  }
0x5b: {  	[sflag:s19] =	ssyncset.done $0x0  }
0x5c: {  	[sflag:s19] =	ssyncadd.s32 $0xFFFFC000  }
0x5d: {  	_ =	swait.ge [sflag:s22], $0x80  }
0x5e: {  	s0 =	sand.u32 $0x7C00, s31;
	[sflag:s22] =	ssyncset.done $0x0  }
0x5f: {  	s0 =	sadd.s32 s4, s0;
	s1 =	sand.u32 $0x380, s31;
	[sflag:s22] =	ssyncadd.s32 $0xFFFFFF80  }
0x60: {  	[tilespmem:s20], [sflag:$0x3] =	stream.indirect.gather [hbm4b:s5+s21], $0x80, s3, s21, $0xb8;
	[tilespmem:$0x1ED00] =	vst v63  }
0x61: {  	s0 =	sor.u32 s1, s0;
	_ =	swait.ge [sflag:s26], $0x4000  }
0x62: {  	s0 =	sshrl.u32 s0, $0x3;
	[sflag:s26] =	ssyncset.done $0x0  }
.Ltmp0:
0x63: {  	s0 =	sadd.s32 s6, s0;
	[sflag:s26] =	ssyncadd.s32 $0xFFFFC000;
	(pc) =	sbr.rel @p0 .LBB2_2-.Ltmp0, $4  }
0x64: {  	[tilespmem:s21], [sflag:$0x2] =	stream.linear.gather [hbm4b:s0+s3], $0x80, $0x38;
	[tilespmem:$0x1ED00] =	vst v63  }
0x65: {  	_ = 	snop  }
0x66: {  	[spmem:s2] =	stream.indirect.scatter.add.f32 [tilespmem:s24], [sflag:$0x5], $0x80, s29, s21, $0xb8;
	[tilespmem:$0x1ED00] =	vst v63  }
0x67: {  	_ =	swait.ge [sflag:s19], $0x4000  }
0x68: {  	[sflag:s19] =	ssyncset.done $0x0  }
0x69: {  	[sflag:s19] =	ssyncadd.s32 $0xFFFFC000  }
0x6a: {  	_ =	swait.ge [sflag:s25], $0x4000  }
0x6b: {  	[sflag:s25] =	ssyncset.done $0x0  }
0x6c: {  	[sflag:s25] =	ssyncadd.s32 $0xFFFFC000  }
0x6d: {  	s0 =	stileid.u32;
	_ =	swait.ge [sflag:s23], $0x80  }
0x6e: {  	s1 =	sshrl.u32 s9, $0x3;
	s28 =	sadd.s32 $0x1, s28;
	[sflag:s23] =	ssyncset.done $0x0  }
0x6f: {  	s0 =	sshll.u32 s0, $0x6;
	p0 =	sne.s32 s28, s17;
	[sflag:s23] =	ssyncadd.s32 $0xFFFFFF80  }
.Ltmp1:
0x70: {  	s0 =	sor.u32 $0x1C05, s0;
	[bflag:$0x0] =	sbarrier.arrive $0xFFFF;
	(pc) =	sbr.rel @p0 .LBB2_1-.Ltmp1, $4  }
0x71: {  	[hbm:s16], [sflag:s0] =	dma.local [spmem:s1], $0x2800  }
0x72: {  	_ =	swait.ge [sflag:s19], $0x2800  }
0x73: {  	[sflag:s19] =	ssyncset.done $0x0  }
0x74: {  	[sflag:s19] =	ssyncadd.s32 $0xFFFFD800  }
0x75: {  	_ =	sfence.sel $0x180000  }
0x76: {  	[bflag:$0x0] =	sbarrier.arrive $0xFFFF  }
0x77: {  	_ =	strace $0x90000050  }
0x78: {  	s0 =	stileid.u32;
	[bflag:$0x2] =	sbarrier.arrive $0xFFFF  }
0x79: {  	p0 =	sne.s32 s0, $0x0;
	s0 =	rddreg [dreg:$0x2]  }
0x7a: {  	s0 =	sadd.s32 @!p0 $0x100000, s0  }
0x7b: {  	[sflag:s0] =	ssyncadd.tile.s32 @!p0 $0x1;
	_ =	shalt  }
.Lfunc_end2:
_tile_overlayer_lowered:
.L_overlay_start_2:
0x7c: {  	(tag) =	ssettag $0x2  }
0x7d: {  	s0 =	rddreg [dreg:$0x0];
	s2 =	stileid.u32  }
0x7e: {  	s1 =	rddreg [dreg:$0x1];
	p0 =	sne.s32 s2, $0x0  }
0x7f: {  	s3 =	rddreg [dreg:$0x2];
	[bflag:$0x3] =	sbarrier.arrive $0xFFFF;
	s2 =	simm.s32 @!p0 $0x1C05  }
0x80: {  	[timem:s3], [sflag:s2] =	dma.local @!p0 [hbm:s0], s1  }
0x81: {  	s0 =	simm.s32 @!p0 $0x5  }
0x82: {  	_ =	swait.ge @!p0 [sflag:s0], s1  }
0x83: {  	s1 =	ssub.s32 @!p0 $0x0, s1;
	[sflag:s0] =	ssyncset.done @!p0 $0x0  }
0x84: {  	[sflag:s0] =	ssyncadd.s32 @!p0 s1  }
0x85: {  	[bflag:$0x3] =	sbarrier.arrive $0xFFFF  }
0x86: {  	_ =	shalt  }

// kernel: kernel.24.cloned.1.call-start
scs
__scs_entry_jumppad:
0x0: {  	(pc) =	sbr.rel $0x88, $3  }
0x1: {  	(tag) =	ssettag $0x0;
	lr =	simm.s32 $0x1  }
0x2: {  	[smem:$0x3F8E] =	sst lr;
	_ =	strace $0xD0000000  }
0x3: {  	_ = 	snop  }
0x4: {  	_ = 	snop  }
0x5: {  	_ = 	snop  }
0x6: {  	_ = 	snop  }
0x7: {  	_ = 	snop  }
__scs_overlays_trampoline_lowered:
0x8: {  	[smem:$0x3F9D] =	sst s0  }
0x9: {  	[smem:$0x3F9E] =	sst s1  }
0xa: {  	[smem:$0x3F9F] =	sst s2  }
0xb: {  	[smem:$0x3FA0] =	sst s3  }
0xc: {  	[smem:$0x3FA1] =	sst s4  }
0xd: {  	[smem:$0x3FA2] =	sst s5  }
0xe: {  	[smem:$0x3FA3] =	sst s6  }
0xf: {  	[smem:$0x3FA4] =	sst s7  }
0x10: {  	[smem:$0x3FA5] =	sst s8  }
0x11: {  	[smem:$0x3FA6] =	sst s9;
	s0 =	simm.s32 @!p0 $0x0  }
0x12: {  	s1 =	sld [smem:$0x3F8C];
	s0 =	simm.s32 @p0 $0x1  }
0x13: {  	[smem:$0x3FA7] =	sst s0;
	s0 =	simm.s32 @!p1 $0x0  }
0x14: {  	s2 =	sld [smem:$0x3F8B];
	s0 =	simm.s32 @p1 $0x1  }
0x15: {  	[smem:$0x3FA8] =	sst s0;
	s0 =	simm.s32 @!p2 $0x0  }
0x16: {  	s3 =	sld [smem:$0x3FDB];
	s0 =	simm.s32 @p2 $0x1  }
0x17: {  	s4 =	simm.s32 $0x1BF5;
	[smem:$0x3FAA] =	sst s0  }
0x18: {  	s0 =	sld [smem:$0x3F8D];
	_ =	swait.ge [sflag:s4], $0x0  }
0x19: {  	s7 =	sld [smem:$0x3F8E]  }
0x1a: {  	s8 =	sadd.s32 $0xFFFFE003, lr  }
0x1b: {  	s9 =	sadd.s32 $0xFFFFFEF7, lr;
	s5 =	simm.s32 $0xFFFFFFFF;
	p2 =	slt.u32 s8, $0xFFFFF086  }
0x1c: {  	p1 =	slt.u32 s9, $0xF7A;
	s5 =	simm.s32 @!p2 $0x0  }
0x1d: {  	s5 =	simm.s32 @p1 $0x1;
	p0 =	seq.s32 s7, s2  }
0x1e: {  	s7 =	smul.u32 @!p0 $0xF7A, s2;
	p2 =	seq.s32 @!p0 s5, $0x0  }
0x1f: {  	s9 =	smul.u32 $0xF7A, s1;
	s8 =	simm.s32 @!p0 $0x1BF5;
	p2 =	por !p2, p0  }
0x20: {  	[sflag:s8] =	ssyncset.s32 @!p0 $0xFFFFF086;
	s6 =	sadd.s32 @!p0 s3, s7;
	s7 =	simm.s32 @!p0 $0x108  }
0x21: {  	s3 =	sadd.s32 s3, s9;
	s6 =	sadd.s32 @!p0 $0x88, s6;
	s7 =	simm.s32 @p2 $0x1082  }
0x22: {  	[simem:s7], [sflag:s8] =	dma.local @!p0 [hbm:s6], $0xF7A  }
0x23: {  	s9 =	sor.u32 $0xD0000000, s2;
	s6 =	simm.s32 $0x108;
	_ =	swait.ge @!p0 [sflag:s8], $0x0  }
0x24: {  	s3 =	sadd.s32 $0x88, s3;
	s6 =	simm.s32 @!p1 $0x1082;
	[sflag:s4] =	ssyncset.s32 $0xFFFFF086  }
0x25: {  	[simem:s6], [sflag:s4] =	dma.local [hbm:s3], $0xF7A  }
0x26: {  	[smem:$0x3F8E] =	sst s1;
	(tag) =	ssettag s2;
	_ =	strace s9  }
0x27: {  	s1 =	sld [smem:$0x3F9E]  }
0x28: {  	s2 =	sld [smem:$0x3F9F]  }
0x29: {  	s4 =	sld [smem:$0x3FA1]  }
0x2a: {  	p0 =	seq.s32 s5, $0x0;
	s5 =	sld [smem:$0x3FA2]  }
0x2b: {  	s6 =	sld [smem:$0x3FA3]  }
0x2c: {  	s7 =	sld [smem:$0x3FA4]  }
0x2d: {  	s3 =	simm.s32 $0x108;
	s8 =	sld [smem:$0x3FA5]  }
0x2e: {  	s3 =	simm.s32 @!p0 $0x1082;
	s9 =	sld [smem:$0x3FA6]  }
0x2f: {  	lr =	sadd.s32 s0, s3;
	s0 =	sld [smem:$0x3F9D]  }
0x30: {  	s3 =	sld [smem:$0x3FA0]  }
0x31: {  	[smem:$0x3FA9] =	sst s10  }
0x32: {  	s10 =	sld [smem:$0x3FA7];
	_ =	sdelay $0x3  }
0x33: {  	p0 =	seq.s32 s10, $0x1;
	s10 =	sld [smem:$0x3FA9];
	_ =	sdelay $0x3  }
0x34: {  	[smem:$0x3FA9] =	sst s10  }
0x35: {  	s10 =	sld [smem:$0x3FA8];
	_ =	sdelay $0x3  }
0x36: {  	p1 =	seq.s32 s10, $0x1;
	s10 =	sld [smem:$0x3FA9];
	_ =	sdelay $0x3  }
0x37: {  	[smem:$0x3FA9] =	sst s10  }
0x38: {  	s10 =	sld [smem:$0x3FAA]  }
0x39: {  	_ = 	snop;
	(pc) =	sbr.ind lr, $3  }
0x3a: {  	_ = 	snop  }
0x3b: {  	_ = 	snop  }
0x3c: {  	p2 =	seq.s32 s10, $0x1;
	s10 =	sld [smem:$0x3FA9]  }
0x3d: {  	_ =	shalt  }
0x3e: {  	_ =	shalt  }
0x3f: {  	_ =	shalt  }
0x40: {  	_ =	shalt  }
0x41: {  	_ =	shalt  }
0x42: {  	_ =	shalt  }
0x43: {  	_ =	shalt  }
0x44: {  	_ =	shalt  }
0x45: {  	_ =	shalt  }
0x46: {  	_ =	shalt  }
0x47: {  	_ =	shalt  }
0x48: {  	_ =	shalt  }
0x49: {  	_ =	shalt  }
0x4a: {  	_ =	shalt  }
0x4b: {  	_ =	shalt  }
0x4c: {  	_ =	shalt  }
0x4d: {  	_ =	shalt  }
0x4e: {  	_ =	shalt  }
0x4f: {  	_ =	shalt  }
0x50: {  	_ =	shalt  }
0x51: {  	_ =	shalt  }
0x52: {  	_ =	shalt  }
0x53: {  	_ =	shalt  }
0x54: {  	_ =	shalt  }
0x55: {  	_ =	shalt  }
0x56: {  	_ =	shalt  }
0x57: {  	_ =	shalt  }
0x58: {  	_ =	shalt  }
0x59: {  	_ =	shalt  }
0x5a: {  	_ =	shalt  }
0x5b: {  	_ =	shalt  }
0x5c: {  	_ =	shalt  }
0x5d: {  	_ =	shalt  }
0x5e: {  	_ =	shalt  }
0x5f: {  	_ =	shalt  }
0x60: {  	_ =	shalt  }
0x61: {  	_ =	shalt  }
0x62: {  	_ =	shalt  }
0x63: {  	_ =	shalt  }
0x64: {  	_ =	shalt  }
0x65: {  	_ =	shalt  }
0x66: {  	_ =	shalt  }
0x67: {  	_ =	shalt  }
0x68: {  	_ =	shalt  }
0x69: {  	_ =	shalt  }
0x6a: {  	_ =	shalt  }
0x6b: {  	_ =	shalt  }
0x6c: {  	_ =	shalt  }
0x6d: {  	_ =	shalt  }
0x6e: {  	_ =	shalt  }
0x6f: {  	_ =	shalt  }
0x70: {  	_ =	shalt  }
0x71: {  	_ =	shalt  }
0x72: {  	_ =	shalt  }
0x73: {  	_ =	shalt  }
0x74: {  	_ =	shalt  }
0x75: {  	_ =	shalt  }
0x76: {  	_ =	shalt  }
0x77: {  	_ =	shalt  }
0x78: {  	_ =	shalt  }
0x79: {  	_ =	shalt  }
0x7a: {  	_ =	shalt  }
0x7b: {  	_ =	shalt  }
0x7c: {  	_ =	shalt  }
0x7d: {  	_ =	shalt  }
0x7e: {  	_ =	shalt  }
0x7f: {  	_ =	shalt  }
0x80: {  	_ =	shalt  }
0x81: {  	_ =	shalt  }
0x82: {  	_ =	shalt  }
0x83: {  	_ =	shalt  }
0x84: {  	_ =	shalt  }
0x85: {  	_ =	shalt  }
0x86: {  	_ =	shalt  }
0x87: {  	_ =	shalt  }
.Lfunc_end0:
.L_simem_size_0:
called_computation.4_lowered:
.L_overlay_start_0:
0x88: {  	s2 =	sld [smem:$0x3FD9]  }
0x89: {  	s3 =	sld [smem:$0x3FFE];
	_ =	sdelay $0x1  }
0x8a: {  	s1 =	srdreg.scid  }
0x8b: {  	s0 =	sand.u32 $0x1, s1  }
0x8c: {  	s16 =	sshll.u32 s0, $0xA;
	s2 =	sadd.s32 s3, s2  }
0x8d: {  	s2 =	sadd.s32 s2, s16  }
0x8e: {  	[smem:$0x3FB5] =	sst s2  }
0x8f: {  	_ = 	snop  }
0x90: {  	(tm) =	ssettm $0x1  }
0x91: {  	s17 =	sld [smem:$0x3FFB];
	_ =	sdelay $0x3  }
0x92: {  	_ =	strace s17  }
0x93: {  	s2 =	sld [smem:$0x3FFC];
	_ =	sdelay $0x3  }
0x94: {  	_ =	strace s2  }
0x95: {  	s2 =	sld [smem:$0x3FFD];
	_ =	sdelay $0x3  }
0x96: {  	_ =	strace s2  }
0x97: {  	_ =	strace $0x8FFFFFFF  }
0x98: {  	s18 =	sld [smem:$0x3FDB];
	_ =	sdelay $0x1  }
0x99: {  	s19 =	simm.s32 $_scs_section_size  }
0x9a: {  	s4 =	simm.s32 $_size__tile_overlayer_lowered;
	s5 =	simm.s32 $_tile_overlayer_lowered  }
0x9b: {  	s22 =	simm.s32 $0x1BFF;
	s21 =	sshll.u32 s5, $0x1;
	s2 =	sadd.s32 s19, s18  }
0x9c: {  	s6 =	simm.s32 $0x0;
	s20 =	sshll.u32 s4, $0x1;
	s4 =	sadd.s32 s21, s2  }
0x9d: {  	[timem:s6], [sflag:s22] =	dma.local [hbm:s4], s20  }
0x9e: {  	_ =	swait.ge [sflag:s22], s20  }
0x9f: {  	s3 =	ssub.s32 $0x0, s20;
	[sflag:s22] =	ssyncset.done $0x0  }
0xa0: {  	[sflag:s22] =	ssyncadd.s32 s3;
	_ =	sdelay $0x1  }
0xa1: {  	s23 =	simm.s32 $0x1B8B  }
0xa2: {  	_ =	swait.ge [sflag:s23], $0x1  }
0xa3: {  	[sflag:s23] =	ssyncset.done $0x0  }
0xa4: {  	s25 =	simm.s32 $0x1B8E;
	s24 =	sld [smem:$0x3FFE];
	[sflag:s23] =	ssyncadd.s32 $0xFFFFFFFF  }
0xa5: {  	s26 =	simm.s32 $execute0_lowered;
	[smem:$0x3FD2] =	sst s25  }
0xa6: {  	s4 =	sshll.u32 s26, $0x1;
	_ =	strace $0x80000052;
	[dreg:$0x1] =	wrdreg $0xFFFFFFFF  }
0xa7: {  	s28 =	simm.s32 $_size_execute0_lowered;
	s2 =	sadd.s32 s2, s4;
	[dreg:$0x0] =	wrdreg $0x0  }
0xa8: {  	s4 =	sshll.u32 s28, $0x1;
	[dreg:$0x2] =	wrdreg s2  }
0xa9: {  	[dreg:$0x3] =	wrdreg s4  }
0xaa: {  	[dreg:$0x4] =	wrdreg $0xC0  }
0xab: {  	_ =	task [dreg:s6], $0x5FFFF  }
0xac: {  	[dreg:$0x1] =	wrdreg $0xFFFFFFFF  }
0xad: {  	[dreg:$0x0] =	wrdreg $0x60  }
0xae: {  	[dreg:$0x2] =	wrdreg s24  }
0xaf: {  	[dreg:$0x3] =	wrdreg $0xAD000  }
0xb0: {  	[dreg:$0x4] =	wrdreg $0x9  }
0xb1: {  	_ =	task.clear_ibuf [dreg:s6], $0x5FFFF;
	_ =	strace $0x90000052  }
0xb2: {  	s29 =	simm.s32 $0x9;
	_ =	strace $0x80000054  }
0xb3: {  	_ =	swait.ge [sflag:s29], $0x1  }
0xb4: {  	[sflag:s29] =	ssyncadd.s32 $0xFFFFFFFF  }
0xb5: {  	_ =	strace $0x90000054  }
0xb6: {  	_ =	sfence  }
0xb7: {  	s30 =	sld [smem:$0x0];
	_ =	sdelay $0x2  }
0xb8: {  	s31 =	sshll.u32 s1, $0xD;
	s1 =	sshrl.u32 s1, $0x2  }
0xb9: {  	s3 =	sand.u32 $0x4000, s31;
	s1 =	sadd.s32 s1, s30  }
0xba: {  	s0 =	sor.u32 s3, s0;
	s1 =	sshll.u32 s1, $0x11  }
0xbb: {  	s0 =	sor.u32 s1, s0  }
0xbc: {  	s0 =	sadd.s32 $0x8F2B, s0  }
0xbd: {  	[sflag:s0] =	ssyncadd.remote.s32 $0x1  }
0xbe: {  	_ =	sfence.sel $0xFFFF  }
0xbf: {  	[dreg:$0x0] =	wrdreg $0xFFFFFFFF;
	(pc) =	sbr.abs _section_cstart, $3  }
0xc0: {  	[dreg:$0x1] =	wrdreg $0xFFFFFFFF  }
0xc1: {  	_ =	task.clear_ibuf [dreg:s6], $0x2FFFF;
	_ =	strace $0x9FFFFFFF  }
0xc2: {  	(tm) =	ssettm $0x7FFFFFFF  }
0xc3: {  	_ =	shalt  }
tec
execute0_lowered:
.L_overlay_start_1:
0x0: {  	(tag) =	ssettag $0x1  }
0x1: {  	s0 =	srdreg.scid;
	s9 =	rddreg [dreg:$0x0]  }
0x2: {  	s29 =	stileid.u32;
	s2 =	rddreg [dreg:$0x1]  }
0x3: {  	s3 =	simm.s32 $0x0;
	s18 =	simm.s32 $0x100;
	s19 =	simm.s32 $0x5  }
0x4: {  	s20 =	simm.s32 $0x2D00;
	s21 =	simm.s32 $0x80;
	s22 =	simm.s32 $0x1  }
0x5: {  	s23 =	simm.s32 $0x2;
	s24 =	simm.s32 $0x6D00;
	s25 =	simm.s32 $0x3  }
0x6: {  	s26 =	simm.s32 $0x4;
	s28 =	simm.s32 $0x0;
	s8 =	sand.u32 $0x1, s0  }
0x7: {  	[smem:$0x7FF] =	sst s3;
	s10 =	smul.u32 $0x14000, s29;
	s5 =	sadd.s32 $0x49A00, s9  }
0x8: {  	s6 =	sadd.s32 $0x6A00, s9;
	s13 =	smul.u32 $0x50000, s29;
	s1 =	sshll.u32 s8, $0x4  }
0x9: {  	s7 =	smul.u32 $0x140000, s8;
	s8 =	ssub.s32 $0x2, s8;
	s4 =	sor.u32 s29, s1  }
0xa: {  	_ =	strace $0x80000053;
	s30 =	sshrl.u32 s8, $0x1;
	s4 =	smul.u32 $0x2C00, s4  }
0xb: {  	s31 =	sshrl.u32 s13, $0x2;
	s10 =	sadd.s32 s10, s7;
	s7 =	sadd.s32 $0x48A00, s9  }
0xc: {  	s17 =	ssub.s32 s8, s30;
	s10 =	sshrl.u32 s10, $0x3;
	s12 =	sshrl.u32 s4, $0x3  }
0xd: {  	s17 =	smax.u32 s17, $0x1;
	s16 =	sadd.s32 s10, s9;
	s11 =	sadd.s32 s12, s9  }
0xe: {  	s9 =	sadd.s32 s31, s2;
	s12 =	sadd.s32 s6, s12;
	s16 =	sadd.s32 $0x99A00, s16  }
0xf: {  	s8 =	sadd.s32 $0x11A00, s11;
	s10 =	sadd.s32 $0x4000, s9;
	s11 =	sadd.s32 $0x8000, s9  }
0x10: {  	s13 =	sadd.s32 $0xC000, s9;
	s14 =	sadd.s32 $0x10000, s9;
	s15 =	sadd.s32 $0x10, s12  }
.LBB2_1:
0x11: {  	[tilespmem:s18], [sflag:$0x5] =	stream.linear.gather [hbm4b:s8+s3], $0x2C00, $0x38;
	[tilespmem:$0x1ED00] =	vst v63  }
0x12: {  	_ =	swait.ge [sflag:s19], $0x2C00  }
0x13: {  	[sflag:s19] =	ssyncset.done $0x0  }
0x14: {  	[sflag:s19] =	ssyncadd.s32 $0xFFFFD400  }
0x15: {  	[tilespmem:s20], [sflag:$0x5] =	stream.linear.gather [hbm4b:s7+s3], $0x4000, $0x38;
	[tilespmem:$0x1ED00] =	vst v63  }
0x16: {  	_ =	swait.ge [sflag:s19], $0x4000  }
0x17: {  	[sflag:s19] =	ssyncset.done $0x0  }
0x18: {  	[sflag:s19] =	ssyncadd.s32 $0xFFFFC000  }
0x19: {  	[spmem:s9] =	stream.linear.scatter [tilespmem:s20], [sflag:$0x5], $0x4000, $0x38;
	[tilespmem:$0x1ED00] =	vst v63  }
0x1a: {  	_ =	swait.ge [sflag:s19], $0x4000  }
0x1b: {  	[sflag:s19] =	ssyncset.done $0x0  }
0x1c: {  	[sflag:s19] =	ssyncadd.s32 $0xFFFFC000  }
0x1d: {  	[spmem:s10] =	stream.linear.scatter [tilespmem:s20], [sflag:$0x5], $0x4000, $0x38;
	[tilespmem:$0x1ED00] =	vst v63  }
0x1e: {  	_ =	swait.ge [sflag:s19], $0x4000  }
0x1f: {  	[sflag:s19] =	ssyncset.done $0x0  }
0x20: {  	[sflag:s19] =	ssyncadd.s32 $0xFFFFC000  }
0x21: {  	[spmem:s11] =	stream.linear.scatter [tilespmem:s20], [sflag:$0x5], $0x4000, $0x38;
	[tilespmem:$0x1ED00] =	vst v63  }
0x22: {  	_ =	swait.ge [sflag:s19], $0x4000  }
0x23: {  	[sflag:s19] =	ssyncset.done $0x0  }
0x24: {  	[sflag:s19] =	ssyncadd.s32 $0xFFFFC000  }
0x25: {  	[spmem:s13] =	stream.linear.scatter [tilespmem:s20], [sflag:$0x5], $0x4000, $0x38;
	[tilespmem:$0x1ED00] =	vst v63  }
0x26: {  	_ =	swait.ge [sflag:s19], $0x4000  }
0x27: {  	[sflag:s19] =	ssyncset.done $0x0  }
0x28: {  	[sflag:s19] =	ssyncadd.s32 $0xFFFFC000  }
0x29: {  	[spmem:s14] =	stream.linear.scatter [tilespmem:s20], [sflag:$0x5], $0x4000, $0x38;
	[tilespmem:$0x1ED00] =	vst v63  }
0x2a: {  	_ =	swait.ge [sflag:s19], $0x4000  }
0x2b: {  	[sflag:s19] =	ssyncset.done $0x0  }
0x2c: {  	[sflag:s19] =	ssyncadd.s32 $0xFFFFC000  }
0x2d: {  	[bflag:$0x0] =	sbarrier.arrive $0xFFFF  }
0x2e: {  	[tilespmem:s3], [sflag:$0x1] =	stream.linear.gather [hbm4b:s12+s3], $0x80, $0x38;
	[tilespmem:$0x1ED00] =	vst v63  }
0x2f: {  	_ = 	snop  }
0x30: {  	[tilespmem:s21], [sflag:$0x2] =	stream.linear.gather [hbm4b:s15+s3], $0x80, $0x38;
	[tilespmem:$0x1ED00] =	vst v63  }
0x31: {  	_ =	swait.ge [sflag:s22], $0x80  }
0x32: {  	[sflag:s22] =	ssyncset.done $0x0  }
0x33: {  	[sflag:s22] =	ssyncadd.s32 $0xFFFFFF80  }
0x34: {  	[tilespmem:s20], [sflag:$0x3] =	stream.indirect.gather [hbm4b:s5+s21], $0x80, s3, s21, $0xb8;
	[tilespmem:$0x1ED00] =	vst v63  }
0x35: {  	s29 =	simm.s32 $0x100;
	_ =	swait.ge [sflag:s23], $0x80  }
0x36: {  	s30 =	sand.u32 $0x7C00, s29;
	[sflag:s23] =	ssyncset.done $0x0  }
0x37: {  	s29 =	sand.u32 $0x300, s29;
	s30 =	sadd.s32 s4, s30;
	[sflag:s23] =	ssyncadd.s32 $0xFFFFFF80  }
0x38: {  	[tilespmem:s24], [sflag:$0x4] =	stream.indirect.gather [hbm4b:s5+s21], $0x80, s21, s21, $0xb8;
	[tilespmem:$0x1ED00] =	vst v63  }
0x39: {  	s29 =	sor.u32 s29, s30;
	_ =	swait.ge [sflag:s25], $0x4000  }
0x3a: {  	s29 =	sshrl.u32 s29, $0x3;
	[sflag:s25] =	ssyncset.done $0x0  }
0x3b: {  	s29 =	sadd.s32 s6, s29;
	[sflag:s25] =	ssyncadd.s32 $0xFFFFC000  }
0x3c: {  	[tilespmem:s3], [sflag:$0x1] =	stream.linear.gather [hbm4b:s29+s3], $0x80, $0x38;
	[tilespmem:$0x1ED00] =	vst v63  }
0x3d: {  	s29 =	simm.s32 $0x100  }
0x3e: {  	[spmem:s2] =	stream.indirect.scatter.add.f32 [tilespmem:s20], [sflag:$0x5], $0x80, s29, s21, $0xb8;
	[tilespmem:$0x1ED00] =	vst v63  }
0x3f: {  	_ =	swait.ge [sflag:s19], $0x4000  }
0x40: {  	[sflag:s19] =	ssyncset.done $0x0  }
0x41: {  	[sflag:s19] =	ssyncadd.s32 $0xFFFFC000  }
0x42: {  	s29 =	simm.s32 $0x180;
	_ =	swait.ge [sflag:s22], $0x80  }
0x43: {  	s30 =	sand.u32 $0x7C00, s29;
	[sflag:s22] =	ssyncset.done $0x0  }
0x44: {  	s31 =	sand.u32 $0x380, s29;
	s30 =	sadd.s32 s4, s30;
	[sflag:s22] =	ssyncadd.s32 $0xFFFFFF80  }
0x45: {  	[tilespmem:s20], [sflag:$0x3] =	stream.indirect.gather [hbm4b:s5+s21], $0x80, s3, s21, $0xb8;
	[tilespmem:$0x1ED00] =	vst v63  }
0x46: {  	s30 =	sor.u32 s31, s30;
	_ =	swait.ge [sflag:s26], $0x4000  }
0x47: {  	s30 =	sshrl.u32 s30, $0x3;
	[sflag:s26] =	ssyncset.done $0x0  }
0x48: {  	s30 =	sadd.s32 s6, s30;
	[sflag:s26] =	ssyncadd.s32 $0xFFFFC000  }
0x49: {  	[tilespmem:s21], [sflag:$0x2] =	stream.linear.gather [hbm4b:s30+s3], $0x80, $0x38;
	[tilespmem:$0x1ED00] =	vst v63  }
0x4a: {  	_ = 	snop  }
0x4b: {  	[spmem:s2] =	stream.indirect.scatter.add.f32 [tilespmem:s24], [sflag:$0x5], $0x80, s29, s21, $0xb8;
	[tilespmem:$0x1ED00] =	vst v63  }
0x4c: {  	s30 =	simm.s32 $0x280;
	_ =	swait.ge [sflag:s19], $0x4000  }
.LBB2_2:
0x4d: {  	p0 =	sne.s32 s30, $0x2880;
	[sflag:s19] =	ssyncset.done $0x0;
	s29 =	sadd.s32 $0x100, s29  }
0x4e: {  	s31 =	smov.u32 s30;
	s30 =	sadd.s32 $0x100, s30;
	[sflag:s19] =	ssyncadd.s32 $0xFFFFC000  }
0x4f: {  	_ =	swait.ge [sflag:s23], $0x80  }
0x50: {  	s1 =	sadd.s32 $0xFFFFFF80, s31;
	[sflag:s23] =	ssyncset.done $0x0  }
0x51: {  	s0 =	sand.u32 $0x7C00, s1;
	s1 =	sand.u32 $0x300, s1;
	[sflag:s23] =	ssyncadd.s32 $0xFFFFFF80  }
0x52: {  	[tilespmem:s24], [sflag:$0x4] =	stream.indirect.gather [hbm4b:s5+s21], $0x80, s21, s21, $0xb8;
	[tilespmem:$0x1ED00] =	vst v63  }
0x53: {  	s0 =	sadd.s32 s4, s0;
	_ =	swait.ge [sflag:s25], $0x4000  }
0x54: {  	s0 =	sor.u32 s1, s0;
	[sflag:s25] =	ssyncset.done $0x0  }
0x55: {  	s0 =	sshrl.u32 s0, $0x3;
	[sflag:s25] =	ssyncadd.s32 $0xFFFFC000  }
0x56: {  	s1 =	sadd.s32 $0xFFFFFF80, s29;
	s0 =	sadd.s32 s6, s0  }
0x57: {  	[tilespmem:s3], [sflag:$0x1] =	stream.linear.gather [hbm4b:s0+s3], $0x80, $0x38;
	[tilespmem:$0x1ED00] =	vst v63  }
0x58: {  	_ = 	snop  }
0x59: {  	[spmem:s2] =	stream.indirect.scatter.add.f32 [tilespmem:s20], [sflag:$0x5], $0x80, s1, s21, $0xb8;
	[tilespmem:$0x1ED00] =	vst v63  }
0x5a: {  	_ =	swait.ge [sflag:s19], $0x4000  }
0x5b: {  	[sflag:s19] =	ssyncset.done $0x0  }
0x5c: {  	[sflag:s19] =	ssyncadd.s32 $0xFFFFC000  }
0x5d: {  	_ =	swait.ge [sflag:s22], $0x80  }
0x5e: {  	s0 =	sand.u32 $0x7C00, s31;
	[sflag:s22] =	ssyncset.done $0x0  }
0x5f: {  	s0 =	sadd.s32 s4, s0;
	s1 =	sand.u32 $0x380, s31;
	[sflag:s22] =	ssyncadd.s32 $0xFFFFFF80  }
0x60: {  	[tilespmem:s20], [sflag:$0x3] =	stream.indirect.gather [hbm4b:s5+s21], $0x80, s3, s21, $0xb8;
	[tilespmem:$0x1ED00] =	vst v63  }
0x61: {  	s0 =	sor.u32 s1, s0;
	_ =	swait.ge [sflag:s26], $0x4000  }
0x62: {  	s0 =	sshrl.u32 s0, $0x3;
	[sflag:s26] =	ssyncset.done $0x0  }
.Ltmp0:
0x63: {  	s0 =	sadd.s32 s6, s0;
	[sflag:s26] =	ssyncadd.s32 $0xFFFFC000;
	(pc) =	sbr.rel @p0 .LBB2_2-.Ltmp0, $4  }
0x64: {  	[tilespmem:s21], [sflag:$0x2] =	stream.linear.gather [hbm4b:s0+s3], $0x80, $0x38;
	[tilespmem:$0x1ED00] =	vst v63  }
0x65: {  	_ = 	snop  }
0x66: {  	[spmem:s2] =	stream.indirect.scatter.add.f32 [tilespmem:s24], [sflag:$0x5], $0x80, s29, s21, $0xb8;
	[tilespmem:$0x1ED00] =	vst v63  }
0x67: {  	_ =	swait.ge [sflag:s19], $0x4000  }
0x68: {  	[sflag:s19] =	ssyncset.done $0x0  }
0x69: {  	[sflag:s19] =	ssyncadd.s32 $0xFFFFC000  }
0x6a: {  	_ =	swait.ge [sflag:s25], $0x4000  }
0x6b: {  	[sflag:s25] =	ssyncset.done $0x0  }
0x6c: {  	[sflag:s25] =	ssyncadd.s32 $0xFFFFC000  }
0x6d: {  	s0 =	stileid.u32;
	_ =	swait.ge [sflag:s23], $0x80  }
0x6e: {  	s1 =	sshrl.u32 s9, $0x3;
	s28 =	sadd.s32 $0x1, s28;
	[sflag:s23] =	ssyncset.done $0x0  }
0x6f: {  	s0 =	sshll.u32 s0, $0x6;
	p0 =	sne.s32 s28, s17;
	[sflag:s23] =	ssyncadd.s32 $0xFFFFFF80  }
.Ltmp1:
0x70: {  	s0 =	sor.u32 $0x1C05, s0;
	[bflag:$0x0] =	sbarrier.arrive $0xFFFF;
	(pc) =	sbr.rel @p0 .LBB2_1-.Ltmp1, $4  }
0x71: {  	[hbm:s16], [sflag:s0] =	dma.local [spmem:s1], $0x2800  }
0x72: {  	_ =	swait.ge [sflag:s19], $0x2800  }
0x73: {  	[sflag:s19] =	ssyncset.done $0x0  }
0x74: {  	[sflag:s19] =	ssyncadd.s32 $0xFFFFD800  }
0x75: {  	_ =	sfence.sel $0x180000  }
0x76: {  	[bflag:$0x0] =	sbarrier.arrive $0xFFFF  }
0x77: {  	_ =	strace $0x90000053  }
0x78: {  	s0 =	stileid.u32;
	[bflag:$0x2] =	sbarrier.arrive $0xFFFF  }
0x79: {  	p0 =	sne.s32 s0, $0x0;
	s0 =	rddreg [dreg:$0x2]  }
0x7a: {  	s0 =	sadd.s32 @!p0 $0x100000, s0  }
0x7b: {  	[sflag:s0] =	ssyncadd.tile.s32 @!p0 $0x1;
	_ =	shalt  }
.Lfunc_end2:
_tile_overlayer_lowered:
.L_overlay_start_2:
0x7c: {  	(tag) =	ssettag $0x2  }
0x7d: {  	s0 =	rddreg [dreg:$0x0];
	s2 =	stileid.u32  }
0x7e: {  	s1 =	rddreg [dreg:$0x1];
	p0 =	sne.s32 s2, $0x0  }
0x7f: {  	s3 =	rddreg [dreg:$0x2];
	[bflag:$0x3] =	sbarrier.arrive $0xFFFF;
	s2 =	simm.s32 @!p0 $0x1C05  }
0x80: {  	[timem:s3], [sflag:s2] =	dma.local @!p0 [hbm:s0], s1  }
0x81: {  	s0 =	simm.s32 @!p0 $0x5  }
0x82: {  	_ =	swait.ge @!p0 [sflag:s0], s1  }
0x83: {  	s1 =	ssub.s32 @!p0 $0x0, s1;
	[sflag:s0] =	ssyncset.done @!p0 $0x0  }
0x84: {  	[sflag:s0] =	ssyncadd.s32 @!p0 s1  }
0x85: {  	[bflag:$0x3] =	sbarrier.arrive $0xFFFF  }
0x86: {  	_ =	shalt  }

</sc_bundles>
